<compile_context>
chip_gen: v7x
topology: tpu7x:2x2x1
jax: 0.10.2.dev20260603
libtpu: 0.0.44.dev20260713+nightly
codegen_flags: <defaults>
</compile_context>

<pallas_src>
import functools

import jax
import jax.numpy as jnp
from jax import lax
from jax.experimental import pallas as pl
from jax.experimental.pallas import tpu as pltpu
from jax.experimental.pallas import tpu_sc as plsc

MAX_SPIKE_TIME = 100000.0
_INF = float("inf")


def _minmax(ak, av, bk, bv):
    m = ak <= bk
    return (jnp.where(m, ak, bk), jnp.where(m, av, bv),
            jnp.where(m, bk, ak), jnp.where(m, bv, av))


def _rev(x):
    return lax.rev(x, (0,))


def _merge16x2(ak, av, bk, bv):
    lok, lov, hik, hiv = _minmax(ak, av, _rev(bk), _rev(bv))
    return plsc.sort_key_val(lok, lov) + plsc.sort_key_val(hik, hiv)


def _merge32x2(a, b):
    ak0, av0, ak1, av1 = a
    bk0, bv0, bk1, bv1 = b
    l0k, l0v, h0k, h0v = _minmax(ak0, av0, _rev(bk1), _rev(bv1))
    l1k, l1v, h1k, h1v = _minmax(ak1, av1, _rev(bk0), _rev(bv0))
    a0k, a0v, a1k, a1v = _minmax(l0k, l0v, l1k, l1v)
    b0k, b0v, b1k, b1v = _minmax(h0k, h0v, h1k, h1v)
    return (plsc.sort_key_val(a0k, a0v) + plsc.sort_key_val(a1k, a1v),
            plsc.sort_key_val(b0k, b0v) + plsc.sort_key_val(b1k, b1v))


def _merge64x16(c, dk, dv):
    k0, v0, k1, v1, k2, v2, k3, v3 = c
    m3k, m3v, x3k, x3v = _minmax(k3, v3, _rev(dk), _rev(dv))
    l0k, l0v, h0k, h0v = _minmax(k0, v0, k2, v2)
    l1k, l1v, h1k, h1v = _minmax(k1, v1, m3k, m3v)
    a0k, a0v, a1k, a1v = _minmax(l0k, l0v, l1k, l1v)
    b0k, b0v, b1k, b1v = _minmax(h0k, h0v, h1k, h1v)
    return (plsc.sort_key_val(a0k, a0v) + plsc.sort_key_val(a1k, a1v) +
            plsc.sort_key_val(b0k, b0v) + plsc.sort_key_val(b1k, b1v) +
            plsc.sort_key_val(x3k, x3v))


def _sc_body(x_hbm, w_hbm, d_hbm, o_hbm, x_v, w_v, d_v, srt_k, srt_i, out_v,
             *, rows_per, nc):
    wid = lax.axis_index("s") * nc + lax.axis_index("c")
    base = wid * rows_per
    pltpu.sync_copy(x_hbm.at[pl.ds(base, rows_per)], x_v)
    pltpu.sync_copy(w_hbm, w_v)
    pltpu.sync_copy(d_hbm, d_v)

    iota = lax.iota(jnp.int32, 16)
    scale = [jnp.exp(jnp.maximum(d_v[pl.ds(16 * c, 16)], 0.0))
             for c in range(4)]
    ids = [iota + 16 * c for c in range(5)]
    k4 = jnp.where(iota == 0, jnp.float32(1.0), jnp.float32(_INF))

    def sort_row(r, koff):
        keys = [x_v[r, pl.ds(16 * c, 16)] * scale[c] for c in range(4)] + [k4]
        s = [plsc.sort_key_val(k, v) for k, v in zip(keys, ids)]
        a = _merge16x2(*s[0], *s[1])
        b = _merge16x2(*s[2], *s[3])
        c64a, c64b = _merge32x2(a, b)
        full = _merge64x16(c64a + c64b, *s[4])
        for g in range(5):
            srt_k[pl.ds(koff + 16 * g, 16)] = full[2 * g]
            srt_i[pl.ds(koff + 16 * g, 16)] = full[2 * g + 1]

    def row_body(r, _):
        sort_row(2 * r, 0)
        sort_row(2 * r + 1, 96)

        zero = jnp.zeros((16,), jnp.float32)
        big = jnp.full((16,), MAX_SPIKE_TIME, jnp.float32)
        one = jnp.ones((16,), jnp.float32)
        carry0 = (zero,) * 8 + (big,) * 8 + (one,) * 8 + (zero,) * 8

        def steps(carry, kg, kg1, ig, nsub):
            ws = list(carry[0:8])
            bnum = list(carry[8:16])
            bden = list(carry[16:24])
            wis = list(carry[24:32])
            for sub in range(nsub):
                tt = [kg[p][sub] for p in range(2)]
                nn = [kg1[p][sub] for p in range(2)]
                ii = [ig[p][sub] for p in range(2)]
                for c in range(8):
                    p, cc = divmod(c, 4)
                    t, nxt = tt[p], nn[p]
                    wv = w_v[ii[p], pl.ds(16 * cc, 16)]
                    ws[c] = ws[c] + wv
                    wis[c] = wis[c] + wv * t
                    den = ws[c] - 1.0
                    u = ((wis[c] >= t * den) & (wis[c] <= nxt * den)
                         & (wis[c] * bden[c] < bnum[c] * den))
                    bnum[c] = jnp.where(u, wis[c], bnum[c])
                    bden[c] = jnp.where(u, den, bden[c])
            return tuple(ws) + tuple(bnum) + tuple(bden) + tuple(wis)

        def group(g, carry):
            kg = [srt_k[pl.ds(96 * p + 16 * g, 16)] for p in range(2)]
            kg1 = [srt_k[pl.ds(96 * p + 16 * g + 1, 16)] for p in range(2)]
            ig = [srt_i[pl.ds(96 * p + 16 * g, 16)] for p in range(2)]
            return steps(carry, kg, kg1, ig, 16)

        res = lax.fori_loop(0, 4, group, carry0)
        res = steps(res,
                    [srt_k[pl.ds(96 * p + 64, 16)] for p in range(2)],
                    [srt_k[pl.ds(96 * p + 65, 16)] for p in range(2)],
                    [srt_i[pl.ds(96 * p + 64, 16)] for p in range(2)], 1)
        for c in range(8):
            p, cc = divmod(c, 4)
            out_v[2 * r + p, pl.ds(16 * cc, 16)] = res[8 + c] / res[16 + c]
        return 0

    lax.fori_loop(0, rows_per // 2, row_body, 0)
    pltpu.sync_copy(out_v, o_hbm.at[pl.ds(base, rows_per)])


def _sc_kernel_entry(layer_in, weight, delay):
    b, in_size = layer_in.shape
    n, out_size = weight.shape
    info = plsc.get_sparse_core_info()
    nc, ns = info.num_cores, info.num_subcores
    nw = nc * ns
    assert b % nw == 0
    rows_per = b // nw
    mesh = plsc.VectorSubcoreMesh(core_axis_name="c", subcore_axis_name="s")
    f = pl.kernel(
        functools.partial(_sc_body, rows_per=rows_per, nc=nc),
        mesh=mesh,
        compiler_params=pltpu.CompilerParams(needs_layout_passes=False),
        out_type=jax.ShapeDtypeStruct((b, out_size), jnp.float32),
        scratch_types=[
            pltpu.VMEM((rows_per, in_size), jnp.float32),
            pltpu.VMEM((n, out_size), jnp.float32),
            pltpu.VMEM((in_size,), jnp.float32),
            pltpu.VMEM((192,), jnp.float32),
            pltpu.VMEM((192,), jnp.int32),
            pltpu.VMEM((rows_per, out_size), jnp.float32),
        ],
    )
    return f(layer_in, weight, delay)





def _tc_body(x_ref, w_ref, d_ref, o_ref, *, n):
    x = x_ref[...]
    d = d_ref[...]
    bb = x.shape[0]
    x = x * jnp.exp(jnp.maximum(d, 0.0))
    xs = jnp.concatenate([x, jnp.ones((bb, 1), jnp.float32)], axis=1)
    w = w_ref[...]
    lane = jax.lax.broadcasted_iota(jnp.int32, (1, n), 1)

    def body(k, acc):
        t = jnp.max(jnp.where(lane == k, xs, -jnp.inf), axis=1, keepdims=True)
        le = (xs < t) | ((xs == t) & (lane <= k))
        m = le.astype(jnp.float32)
        dn = (((1,), (0,)), ((), ()))
        sw = jax.lax.dot_general(m, w, dn, precision=jax.lax.Precision.HIGHEST,
                                 preferred_element_type=jnp.float32)
        swx = jax.lax.dot_general(m * xs, w, dn,
                                  precision=jax.lax.Precision.HIGHEST,
                                  preferred_element_type=jnp.float32)
        nxt = jnp.min(jnp.where(le, MAX_SPIKE_TIME, xs), axis=1, keepdims=True)
        den = jnp.maximum(sw - 1.0, 1e-10)
        cand = swx / den
        cand = jnp.where(sw < 1.0, MAX_SPIKE_TIME, cand)
        cand = jnp.where(cand < t, MAX_SPIKE_TIME, cand)
        cand = jnp.where(cand > nxt, MAX_SPIKE_TIME, cand)
        return jnp.minimum(acc, cand)

    acc0 = jnp.full((bb, w.shape[1]), MAX_SPIKE_TIME, jnp.float32)
    o_ref[...] = jax.lax.fori_loop(0, n, body, acc0)


def _tc_kernel(layer_in, weight, delay, block_b):
    b, in_size = layer_in.shape
    out_size = weight.shape[1]
    n = in_size + 1
    bb = block_b if b % block_b == 0 else b
    d2 = delay.reshape(1, in_size)
    return pl.pallas_call(
        functools.partial(_tc_body, n=n),
        grid=(b // bb,),
        in_specs=[
            pl.BlockSpec((bb, in_size), lambda i: (i, 0)),
            pl.BlockSpec((n, out_size), lambda i: (0, 0)),
            pl.BlockSpec((1, in_size), lambda i: (0, 0)),
        ],
        out_specs=pl.BlockSpec((bb, out_size), lambda i: (i, 0)),
        out_shape=jax.ShapeDtypeStruct((b, out_size), jnp.float32),
    )(layer_in, weight, d2)


N_SC = 3072


def kernel(layer_in, weight, delay):
    out_sc = _sc_kernel_entry(layer_in[:N_SC], weight, delay)
    out_tc = _tc_kernel(layer_in[N_SC:], weight, delay, block_b=512)
    return jnp.concatenate([out_sc, out_tc], axis=0)

# --- scband reference (transcript-rebuilt; emitter-appended) ---
"""Pipeline reference for scband-snnlayer-30932354466180 (READ-ONLY COPY).

The authoritative reference and input builder live on the scoring server;
editing this copy changes nothing except your own understanding.
"""

import jax, jax.numpy as jnp
import numpy as np

MAX_SPIKE_TIME = 100000.0
IN_SIZE = 64
OUT_SIZE = 64
BATCH = 4096


def setup_inputs(seed: int = 0) -> dict:
    key = jax.random.key(seed)
    k1, k2, k3 = jax.random.split(key, 3)
    layer_in = jax.random.uniform(k1, (BATCH, IN_SIZE), dtype=jnp.float32)
    # xavier uniform for weight [in_size+1, out_size]
    fan_in, fan_out = IN_SIZE + 1, OUT_SIZE
    limit = float(np.sqrt(6.0 / (fan_in + fan_out)))
    weight = jax.random.uniform(k2, (IN_SIZE + 1, OUT_SIZE), dtype=jnp.float32, minval=-limit, maxval=limit)
    delay = jax.random.normal(k3, (IN_SIZE,), dtype=jnp.float32) / (IN_SIZE ** 0.5)
    return {"layer_in": layer_in, "weight": weight, "delay": delay}


def reference(layer_in, weight, delay):
    out_size = weight.shape[1]
    layer_in = layer_in * jnp.exp(jax.nn.relu(delay))
    batch_size = layer_in.shape[0]
    bias = jnp.ones((batch_size, 1), dtype=layer_in.dtype)
    layer_in = jnp.concatenate([layer_in, bias], axis=1)  # [B, in+1]
    n = layer_in.shape[1]
    input_sorted_indices = jnp.argsort(layer_in, axis=1)
    input_sorted = jnp.take_along_axis(layer_in, input_sorted_indices, axis=1)  # [B, n]
    input_sorted_outsize = jnp.broadcast_to(input_sorted[:, :, None], (batch_size, n, out_size))
    # gather rows of weight per sorted index: [B, n, out]
    weight_sorted = jnp.take(weight, input_sorted_indices, axis=0)
    weight_input_mul = weight_sorted * input_sorted_outsize
    weight_sumed = jnp.cumsum(weight_sorted, axis=1)
    weight_input_sumed = jnp.cumsum(weight_input_mul, axis=1)
    out_spike_all = weight_input_sumed / jnp.clip(weight_sumed - 1.0, 1e-10, None)
    big = jnp.full_like(out_spike_all, MAX_SPIKE_TIME)
    out_spike_ws = jnp.where(weight_sumed < 1.0, big, out_spike_all)
    out_spike_large = jnp.where(out_spike_ws < input_sorted_outsize, big, out_spike_ws)
    input_slice = jnp.broadcast_to(input_sorted[:, 1:, None], (batch_size, n - 1, out_size))
    input_left = jnp.concatenate(
        [input_slice, jnp.full((batch_size, 1, out_size), MAX_SPIKE_TIME, dtype=layer_in.dtype)], axis=1)
    out_spike_valid = jnp.where(out_spike_large > input_left, big, out_spike_large)
    out_spike = jnp.min(out_spike_valid, axis=1)
    return out_spike

if __name__ == "__main__":
    import jax
    _d = setup_inputs()
    print(jax.jit(kernel)(*tuple(_d.values())))

</pallas_src>

<mosaic_0001>
#map = affine_map<(d0, d1) -> (0, 0)>
#map1 = affine_map<(d0, d1) -> (0)>
module attributes {stable_mosaic.version = 14 : i64} {
  func.func @_sc_body(%arg0: i32, %arg1: i32, %arg2: memref<3072x64xf32, #tpu.memory_space<hbm>>, %arg3: memref<65x64xf32, #tpu.memory_space<hbm>>, %arg4: memref<64xf32, #tpu.memory_space<hbm>>, %arg5: memref<3072x64xf32, #tpu.memory_space<hbm>>, %arg6: memref<96x64xf32, #tpu.memory_space<vmem>>, %arg7: memref<65x64xf32, #tpu.memory_space<vmem>>, %arg8: memref<64xf32, #tpu.memory_space<vmem>>, %arg9: memref<192xf32, #tpu.memory_space<vmem>>, %arg10: memref<192xi32, #tpu.memory_space<vmem>>, %arg11: memref<96x64xf32, #tpu.memory_space<vmem>>) attributes {dimension_semantics = [#tpu.dimension_semantics<core_parallel>, #tpu.dimension_semantics<subcore_parallel>], iteration_bounds = array<i64: 2, 16>, scalar_prefetch = 0 : i64, scratch_operands = 6 : i64, tpu.core_type = #tpu.core_type<sc_vector_subcore>, window_params = [{transform_indices = #map}, {transform_indices = #map}, {transform_indices = #map1}, {transform_indices = #map}]} {
    %mul3A = arith.constant 2 : i32
    %mul3A_0 = arith.muli %arg1, %mul3A : i32
    %add3A = arith.addi %mul3A_0, %arg0 : i32
    %mul3A_1 = arith.constant 96 : i32
    %mul3A_2 = arith.muli %add3A, %mul3A_1 : i32
    "tpu.region"() ({
      %run_scoped3A = tpu.sem_alloc : memref<!tpu.dma_semaphore, #tpu.memory_space<semaphore_mem>>
      %dma_start3A = arith.constant 0 : i32
      %dma_start3A_49 = tpu.memref_slice %arg2[%mul3A_2, %dma_start3A] : memref<3072x64xf32, #tpu.memory_space<hbm>> -> memref<96x64xf32, #tpu.memory_space<hbm>>
      %dma_start3A_50 = arith.constant 0 : i32
      %dma_start3A_51 = tpu.memref_slice %arg2[%mul3A_2, %dma_start3A_50] : memref<3072x64xf32, #tpu.memory_space<hbm>> -> memref<96x64xf32, #tpu.memory_space<hbm>>
      tpu.enqueue_dma source(%dma_start3A_51 : memref<96x64xf32, #tpu.memory_space<hbm>>) target(%arg6 : memref<96x64xf32, #tpu.memory_space<vmem>>) target_semaphore(%run_scoped3A : memref<!tpu.dma_semaphore, #tpu.memory_space<semaphore_mem>>)
      %dma_wait3A = arith.constant 0 : i32
      %dma_wait3A_52 = tpu.memref_slice %arg2[%mul3A_2, %dma_wait3A] : memref<3072x64xf32, #tpu.memory_space<hbm>> -> memref<96x64xf32, #tpu.memory_space<hbm>>
      %dma_wait3A_53 = arith.constant 0 : i32
      %dma_wait3A_54 = tpu.memref_slice %arg2[%mul3A_2, %dma_wait3A_53] : memref<3072x64xf32, #tpu.memory_space<hbm>> -> memref<96x64xf32, #tpu.memory_space<hbm>>
      tpu.wait_dma2 semaphore(%run_scoped3A : memref<!tpu.dma_semaphore, #tpu.memory_space<semaphore_mem>>) src(%dma_wait3A_54 : memref<96x64xf32, #tpu.memory_space<hbm>>) dst(%arg6 : memref<96x64xf32, #tpu.memory_space<vmem>>)
      tpu.yield
    }) : () -> ()
    "tpu.region"() ({
      %run_scoped3A = tpu.sem_alloc : memref<!tpu.dma_semaphore, #tpu.memory_space<semaphore_mem>>
      tpu.enqueue_dma source(%arg3 : memref<65x64xf32, #tpu.memory_space<hbm>>) target(%arg7 : memref<65x64xf32, #tpu.memory_space<vmem>>) target_semaphore(%run_scoped3A : memref<!tpu.dma_semaphore, #tpu.memory_space<semaphore_mem>>)
      tpu.wait_dma2 semaphore(%run_scoped3A : memref<!tpu.dma_semaphore, #tpu.memory_space<semaphore_mem>>) src(%arg3 : memref<65x64xf32, #tpu.memory_space<hbm>>) dst(%arg7 : memref<65x64xf32, #tpu.memory_space<vmem>>)
      tpu.yield
    }) : () -> ()
    "tpu.region"() ({
      %run_scoped3A = tpu.sem_alloc : memref<!tpu.dma_semaphore, #tpu.memory_space<semaphore_mem>>
      tpu.enqueue_dma source(%arg4 : memref<64xf32, #tpu.memory_space<hbm>>) target(%arg8 : memref<64xf32, #tpu.memory_space<vmem>>) target_semaphore(%run_scoped3A : memref<!tpu.dma_semaphore, #tpu.memory_space<semaphore_mem>>)
      tpu.wait_dma2 semaphore(%run_scoped3A : memref<!tpu.dma_semaphore, #tpu.memory_space<semaphore_mem>>) src(%arg4 : memref<64xf32, #tpu.memory_space<hbm>>) dst(%arg8 : memref<64xf32, #tpu.memory_space<vmem>>)
      tpu.yield
    }) : () -> ()
    %iota3A = tpu.iota {dimensions = array<i32: 0>} : vector<16xi32>
    %get3A = arith.constant 0 : index
    %get3A_3 = tpu.vector_load %arg8[%get3A] {strides = array<i32>} : memref<64xf32, #tpu.memory_space<vmem>>, vector<16xf32>,
    %max3A = arith.constant 0.000000e+00 : f32
    %max3A_4 = vector.broadcast %max3A : f32 to vector<16xf32>
    %max3A_5 = arith.maximumf %get3A_3, %max3A_4 : vector<16xf32>
    %exp3A = math.exp %max3A_5 : vector<16xf32>
    %get3A_6 = arith.constant 16 : index
    %get3A_7 = tpu.vector_load %arg8[%get3A_6] {strides = array<i32>} : memref<64xf32, #tpu.memory_space<vmem>>, vector<16xf32>,
    %max3A_8 = arith.constant 0.000000e+00 : f32
    %max3A_9 = vector.broadcast %max3A_8 : f32 to vector<16xf32>
    %max3A_10 = arith.maximumf %get3A_7, %max3A_9 : vector<16xf32>
    %exp3A_11 = math.exp %max3A_10 : vector<16xf32>
    %get3A_12 = arith.constant 32 : index
    %get3A_13 = tpu.vector_load %arg8[%get3A_12] {strides = array<i32>} : memref<64xf32, #tpu.memory_space<vmem>>, vector<16xf32>,
    %max3A_14 = arith.constant 0.000000e+00 : f32
    %max3A_15 = vector.broadcast %max3A_14 : f32 to vector<16xf32>
    %max3A_16 = arith.maximumf %get3A_13, %max3A_15 : vector<16xf32>
    %exp3A_17 = math.exp %max3A_16 : vector<16xf32>
    %get3A_18 = arith.constant 48 : index
    %get3A_19 = tpu.vector_load %arg8[%get3A_18] {strides = array<i32>} : memref<64xf32, #tpu.memory_space<vmem>>, vector<16xf32>,
    %max3A_20 = arith.constant 0.000000e+00 : f32
    %max3A_21 = vector.broadcast %max3A_20 : f32 to vector<16xf32>
    %max3A_22 = arith.maximumf %get3A_19, %max3A_21 : vector<16xf32>
    %exp3A_23 = math.exp %max3A_22 : vector<16xf32>
    %add3A_24 = arith.constant 0 : i32
    %add3A_25 = vector.broadcast %add3A_24 : i32 to vector<16xi32>
    %add3A_26 = arith.addi %iota3A, %add3A_25 : vector<16xi32>
    %add3A_27 = arith.constant 16 : i32
    %add3A_28 = vector.broadcast %add3A_27 : i32 to vector<16xi32>
    %add3A_29 = arith.addi %iota3A, %add3A_28 : vector<16xi32>
    %add3A_30 = arith.constant 32 : i32
    %add3A_31 = vector.broadcast %add3A_30 : i32 to vector<16xi32>
    %add3A_32 = arith.addi %iota3A, %add3A_31 : vector<16xi32>
    %add3A_33 = arith.constant 48 : i32
    %add3A_34 = vector.broadcast %add3A_33 : i32 to vector<16xi32>
    %add3A_35 = arith.addi %iota3A, %add3A_34 : vector<16xi32>
    %add3A_36 = arith.constant 64 : i32
    %add3A_37 = vector.broadcast %add3A_36 : i32 to vector<16xi32>
    %add3A_38 = arith.addi %iota3A, %add3A_37 : vector<16xi32>
    %eq3A = arith.constant 0 : i32
    %eq3A_39 = vector.broadcast %eq3A : i32 to vector<16xi32>
    %eq3A_40 = arith.cmpi eq, %iota3A, %eq3A_39 : vector<16xi32>
    %jit3A = arith.constant 1.000000e+00 : f32
    %jit3A_41 = arith.constant 0x7F800000 : f32
    %broadcast_in_dim3A = vector.broadcast %jit3A : f32 to vector<16xf32>
    %broadcast_in_dim3A_42 = vector.broadcast %jit3A_41 : f32 to vector<16xf32>
    %select_n3A = arith.select %eq3A_40, %broadcast_in_dim3A, %broadcast_in_dim3A_42 : vector<16xi1>, vector<16xf32>
    %scan3A = arith.constant 0 : i32
    %scan3A_43 = arith.constant 0 : i32
    %scan3A_44 = arith.constant 48 : i32
    %scan3A_45 = arith.addi %scan3A_43, %scan3A_44 : i32
    %scan3A_46 = arith.constant 1 : i32
    %scan3A_47 = scf.for %scan3A_49 = %scan3A_43 to %scan3A_45 step %scan3A_46 iter_args(%scan3A_50 = %scan3A) -> (i32)  : i32 {
      %mul3A_51 = arith.constant 2 : i32
      %mul3A_52 = arith.muli %mul3A_51, %scan3A_49 : i32
      %get3A_53 = arith.index_cast %mul3A_52 : i32 to index
      %get3A_54 = arith.constant 0 : index
      %get3A_55 = tpu.vector_load %arg6[%get3A_53, %get3A_54] {strides = array<i32>} : memref<96x64xf32, #tpu.memory_space<vmem>>, vector<16xf32>,
      %mul3A_56 = arith.mulf %get3A_55, %exp3A : vector<16xf32>
      %get3A_57 = arith.index_cast %mul3A_52 : i32 to index
      %get3A_58 = arith.constant 16 : index
      %get3A_59 = tpu.vector_load %arg6[%get3A_57, %get3A_58] {strides = array<i32>} : memref<96x64xf32, #tpu.memory_space<vmem>>, vector<16xf32>,
      %mul3A_60 = arith.mulf %get3A_59, %exp3A_11 : vector<16xf32>
      %get3A_61 = arith.index_cast %mul3A_52 : i32 to index
      %get3A_62 = arith.constant 32 : index
      %get3A_63 = tpu.vector_load %arg6[%get3A_61, %get3A_62] {strides = array<i32>} : memref<96x64xf32, #tpu.memory_space<vmem>>, vector<16xf32>,
      %mul3A_64 = arith.mulf %get3A_63, %exp3A_17 : vector<16xf32>
      %get3A_65 = arith.index_cast %mul3A_52 : i32 to index
      %get3A_66 = arith.constant 48 : index
      %get3A_67 = tpu.vector_load %arg6[%get3A_65, %get3A_66] {strides = array<i32>} : memref<96x64xf32, #tpu.memory_space<vmem>>, vector<16xf32>,
      %mul3A_68 = arith.mulf %get3A_67, %exp3A_23 : vector<16xf32>
      %masked_sort3A = arith.constant dense<true> : vector<16xi1>
      %masked_sort3A_69, %masked_sort3A_70, %masked_sort3A_71 = tpu.sort %mul3A_56, %add3A_26 masked %masked_sort3A : (vector<16xf32>, vector<16xi32>, vector<16xi1>) -> (vector<16xi1>, vector<16xf32>, vector<16xi32>)
      %masked_sort3A_72 = arith.constant dense<true> : vector<16xi1>
      %masked_sort3A_73, %masked_sort3A_74, %masked_sort3A_75 = tpu.sort %mul3A_60, %add3A_29 masked %masked_sort3A_72 : (vector<16xf32>, vector<16xi32>, vector<16xi1>) -> (vector<16xi1>, vector<16xf32>, vector<16xi32>)
      %masked_sort3A_76 = arith.constant dense<true> : vector<16xi1>
      %masked_sort3A_77, %masked_sort3A_78, %masked_sort3A_79 = tpu.sort %mul3A_64, %add3A_32 masked %masked_sort3A_76 : (vector<16xf32>, vector<16xi32>, vector<16xi1>) -> (vector<16xi1>, vector<16xf32>, vector<16xi32>)
      %masked_sort3A_80 = arith.constant dense<true> : vector<16xi1>
      %masked_sort3A_81, %masked_sort3A_82, %masked_sort3A_83 = tpu.sort %mul3A_68, %add3A_35 masked %masked_sort3A_80 : (vector<16xf32>, vector<16xi32>, vector<16xi1>) -> (vector<16xi1>, vector<16xf32>, vector<16xi32>)
      %masked_sort3A_84 = arith.constant dense<true> : vector<16xi1>
      %masked_sort3A_85, %masked_sort3A_86, %masked_sort3A_87 = tpu.sort %select_n3A, %add3A_38 masked %masked_sort3A_84 : (vector<16xf32>, vector<16xi32>, vector<16xi1>) -> (vector<16xi1>, vector<16xf32>, vector<16xi32>)
      %rev3A = arith.constant 15 : i32
      %rev3A_88 = vector.broadcast %rev3A : i32 to vector<16xi32>
      %rev3A_89 = tpu.iota {dimensions = array<i32: 0>} : vector<16xi32>
      %rev3A_90 = arith.subi %rev3A_88, %rev3A_89 : vector<16xi32>
      %rev3A_91 = tpu.dynamic_gather %masked_sort3A_74[%rev3A_90] in [0] : vector<16xf32>, vector<16xi32> -> vector<16xf32>
      %rev3A_92 = arith.constant 15 : i32
      %rev3A_93 = vector.broadcast %rev3A_92 : i32 to vector<16xi32>
      %rev3A_94 = tpu.iota {dimensions = array<i32: 0>} : vector<16xi32>
      %rev3A_95 = arith.subi %rev3A_93, %rev3A_94 : vector<16xi32>
      %rev3A_96 = tpu.dynamic_gather %masked_sort3A_75[%rev3A_95] in [0] : vector<16xi32>, vector<16xi32> -> vector<16xi32>
      %le3A = arith.cmpf ole, %masked_sort3A_70, %rev3A_91 : vector<16xf32>
      %select_n3A_97 = arith.select %le3A, %masked_sort3A_70, %rev3A_91 : vector<16xi1>, vector<16xf32>
      %select_n3A_98 = arith.select %le3A, %masked_sort3A_71, %rev3A_96 : vector<16xi1>, vector<16xi32>
      %select_n3A_99 = arith.select %le3A, %rev3A_91, %masked_sort3A_70 : vector<16xi1>, vector<16xf32>
      %select_n3A_100 = arith.select %le3A, %rev3A_96, %masked_sort3A_71 : vector<16xi1>, vector<16xi32>
      %masked_sort3A_101 = arith.constant dense<true> : vector<16xi1>
      %masked_sort3A_102, %masked_sort3A_103, %masked_sort3A_104 = tpu.sort %select_n3A_97, %select_n3A_98 masked %masked_sort3A_101 : (vector<16xf32>, vector<16xi32>, vector<16xi1>) -> (vector<16xi1>, vector<16xf32>, vector<16xi32>)
      %masked_sort3A_105 = arith.constant dense<true> : vector<16xi1>
      %masked_sort3A_106, %masked_sort3A_107, %masked_sort3A_108 = tpu.sort %select_n3A_99, %select_n3A_100 masked %masked_sort3A_105 : (vector<16xf32>, vector<16xi32>, vector<16xi1>) -> (vector<16xi1>, vector<16xf32>, vector<16xi32>)
      %rev3A_109 = arith.constant 15 : i32
      %rev3A_110 = vector.broadcast %rev3A_109 : i32 to vector<16xi32>
      %rev3A_111 = tpu.iota {dimensions = array<i32: 0>} : vector<16xi32>
      %rev3A_112 = arith.subi %rev3A_110, %rev3A_111 : vector<16xi32>
      %rev3A_113 = tpu.dynamic_gather %masked_sort3A_82[%rev3A_112] in [0] : vector<16xf32>, vector<16xi32> -> vector<16xf32>
      %rev3A_114 = arith.constant 15 : i32
      %rev3A_115 = vector.broadcast %rev3A_114 : i32 to vector<16xi32>
      %rev3A_116 = tpu.iota {dimensions = array<i32: 0>} : vector<16xi32>
      %rev3A_117 = arith.subi %rev3A_115, %rev3A_116 : vector<16xi32>
      %rev3A_118 = tpu.dynamic_gather %masked_sort3A_83[%rev3A_117] in [0] : vector<16xi32>, vector<16xi32> -> vector<16xi32>
      %le3A_119 = arith.cmpf ole, %masked_sort3A_78, %rev3A_113 : vector<16xf32>
      %select_n3A_120 = arith.select %le3A_119, %masked_sort3A_78, %rev3A_113 : vector<16xi1>, vector<16xf32>
      %select_n3A_121 = arith.select %le3A_119, %masked_sort3A_79, %rev3A_118 : vector<16xi1>, vector<16xi32>
      %select_n3A_122 = arith.select %le3A_119, %rev3A_113, %masked_sort3A_78 : vector<16xi1>, vector<16xf32>
      %select_n3A_123 = arith.select %le3A_119, %rev3A_118, %masked_sort3A_79 : vector<16xi1>, vector<16xi32>
      %masked_sort3A_124 = arith.constant dense<true> : vector<16xi1>
      %masked_sort3A_125, %masked_sort3A_126, %masked_sort3A_127 = tpu.sort %select_n3A_120, %select_n3A_121 masked %masked_sort3A_124 : (vector<16xf32>, vector<16xi32>, vector<16xi1>) -> (vector<16xi1>, vector<16xf32>, vector<16xi32>)
      %masked_sort3A_128 = arith.constant dense<true> : vector<16xi1>
      %masked_sort3A_129, %masked_sort3A_130, %masked_sort3A_131 = tpu.sort %select_n3A_122, %select_n3A_123 masked %masked_sort3A_128 : (vector<16xf32>, vector<16xi32>, vector<16xi1>) -> (vector<16xi1>, vector<16xf32>, vector<16xi32>)
      %rev3A_132 = arith.constant 15 : i32
      %rev3A_133 = vector.broadcast %rev3A_132 : i32 to vector<16xi32>
      %rev3A_134 = tpu.iota {dimensions = array<i32: 0>} : vector<16xi32>
      %rev3A_135 = arith.subi %rev3A_133, %rev3A_134 : vector<16xi32>
      %rev3A_136 = tpu.dynamic_gather %masked_sort3A_130[%rev3A_135] in [0] : vector<16xf32>, vector<16xi32> -> vector<16xf32>
      %rev3A_137 = arith.constant 15 : i32
      %rev3A_138 = vector.broadcast %rev3A_137 : i32 to vector<16xi32>
      %rev3A_139 = tpu.iota {dimensions = array<i32: 0>} : vector<16xi32>
      %rev3A_140 = arith.subi %rev3A_138, %rev3A_139 : vector<16xi32>
      %rev3A_141 = tpu.dynamic_gather %masked_sort3A_131[%rev3A_140] in [0] : vector<16xi32>, vector<16xi32> -> vector<16xi32>
      %le3A_142 = arith.cmpf ole, %masked_sort3A_103, %rev3A_136 : vector<16xf32>
      %select_n3A_143 = arith.select %le3A_142, %masked_sort3A_103, %rev3A_136 : vector<16xi1>, vector<16xf32>
      %select_n3A_144 = arith.select %le3A_142, %masked_sort3A_104, %rev3A_141 : vector<16xi1>, vector<16xi32>
      %select_n3A_145 = arith.select %le3A_142, %rev3A_136, %masked_sort3A_103 : vector<16xi1>, vector<16xf32>
      %select_n3A_146 = arith.select %le3A_142, %rev3A_141, %masked_sort3A_104 : vector<16xi1>, vector<16xi32>
      %rev3A_147 = arith.constant 15 : i32
      %rev3A_148 = vector.broadcast %rev3A_147 : i32 to vector<16xi32>
      %rev3A_149 = tpu.iota {dimensions = array<i32: 0>} : vector<16xi32>
      %rev3A_150 = arith.subi %rev3A_148, %rev3A_149 : vector<16xi32>
      %rev3A_151 = tpu.dynamic_gather %masked_sort3A_126[%rev3A_150] in [0] : vector<16xf32>, vector<16xi32> -> vector<16xf32>
      %rev3A_152 = arith.constant 15 : i32
      %rev3A_153 = vector.broadcast %rev3A_152 : i32 to vector<16xi32>
      %rev3A_154 = tpu.iota {dimensions = array<i32: 0>} : vector<16xi32>
      %rev3A_155 = arith.subi %rev3A_153, %rev3A_154 : vector<16xi32>
      %rev3A_156 = tpu.dynamic_gather %masked_sort3A_127[%rev3A_155] in [0] : vector<16xi32>, vector<16xi32> -> vector<16xi32>
      %le3A_157 = arith.cmpf ole, %masked_sort3A_107, %rev3A_151 : vector<16xf32>
      %select_n3A_158 = arith.select %le3A_157, %masked_sort3A_107, %rev3A_151 : vector<16xi1>, vector<16xf32>
      %select_n3A_159 = arith.select %le3A_157, %masked_sort3A_108, %rev3A_156 : vector<16xi1>, vector<16xi32>
      %select_n3A_160 = arith.select %le3A_157, %rev3A_151, %masked_sort3A_107 : vector<16xi1>, vector<16xf32>
      %select_n3A_161 = arith.select %le3A_157, %rev3A_156, %masked_sort3A_108 : vector<16xi1>, vector<16xi32>
      %le3A_162 = arith.cmpf ole, %select_n3A_143, %select_n3A_158 : vector<16xf32>
      %select_n3A_163 = arith.select %le3A_162, %select_n3A_143, %select_n3A_158 : vector<16xi1>, vector<16xf32>
      %select_n3A_164 = arith.select %le3A_162, %select_n3A_144, %select_n3A_159 : vector<16xi1>, vector<16xi32>
      %select_n3A_165 = arith.select %le3A_162, %select_n3A_158, %select_n3A_143 : vector<16xi1>, vector<16xf32>
      %select_n3A_166 = arith.select %le3A_162, %select_n3A_159, %select_n3A_144 : vector<16xi1>, vector<16xi32>
      %le3A_167 = arith.cmpf ole, %select_n3A_145, %select_n3A_160 : vector<16xf32>
      %select_n3A_168 = arith.select %le3A_167, %select_n3A_145, %select_n3A_160 : vector<16xi1>, vector<16xf32>
      %select_n3A_169 = arith.select %le3A_167, %select_n3A_146, %select_n3A_161 : vector<16xi1>, vector<16xi32>
      %select_n3A_170 = arith.select %le3A_167, %select_n3A_160, %select_n3A_145 : vector<16xi1>, vector<16xf32>
      %select_n3A_171 = arith.select %le3A_167, %select_n3A_161, %select_n3A_146 : vector<16xi1>, vector<16xi32>
      %masked_sort3A_172 = arith.constant dense<true> : vector<16xi1>
      %masked_sort3A_173, %masked_sort3A_174, %masked_sort3A_175 = tpu.sort %select_n3A_163, %select_n3A_164 masked %masked_sort3A_172 : (vector<16xf32>, vector<16xi32>, vector<16xi1>) -> (vector<16xi1>, vector<16xf32>, vector<16xi32>)
      %masked_sort3A_176 = arith.constant dense<true> : vector<16xi1>
      %masked_sort3A_177, %masked_sort3A_178, %masked_sort3A_179 = tpu.sort %select_n3A_165, %select_n3A_166 masked %masked_sort3A_176 : (vector<16xf32>, vector<16xi32>, vector<16xi1>) -> (vector<16xi1>, vector<16xf32>, vector<16xi32>)
      %masked_sort3A_180 = arith.constant dense<true> : vector<16xi1>
      %masked_sort3A_181, %masked_sort3A_182, %masked_sort3A_183 = tpu.sort %select_n3A_168, %select_n3A_169 masked %masked_sort3A_180 : (vector<16xf32>, vector<16xi32>, vector<16xi1>) -> (vector<16xi1>, vector<16xf32>, vector<16xi32>)
      %masked_sort3A_184 = arith.constant dense<true> : vector<16xi1>
      %masked_sort3A_185, %masked_sort3A_186, %masked_sort3A_187 = tpu.sort %select_n3A_170, %select_n3A_171 masked %masked_sort3A_184 : (vector<16xf32>, vector<16xi32>, vector<16xi1>) -> (vector<16xi1>, vector<16xf32>, vector<16xi32>)
      %rev3A_188 = arith.constant 15 : i32
      %rev3A_189 = vector.broadcast %rev3A_188 : i32 to vector<16xi32>
      %rev3A_190 = tpu.iota {dimensions = array<i32: 0>} : vector<16xi32>
      %rev3A_191 = arith.subi %rev3A_189, %rev3A_190 : vector<16xi32>
      %rev3A_192 = tpu.dynamic_gather %masked_sort3A_86[%rev3A_191] in [0] : vector<16xf32>, vector<16xi32> -> vector<16xf32>
      %rev3A_193 = arith.constant 15 : i32
      %rev3A_194 = vector.broadcast %rev3A_193 : i32 to vector<16xi32>
      %rev3A_195 = tpu.iota {dimensions = array<i32: 0>} : vector<16xi32>
      %rev3A_196 = arith.subi %rev3A_194, %rev3A_195 : vector<16xi32>
      %rev3A_197 = tpu.dynamic_gather %masked_sort3A_87[%rev3A_196] in [0] : vector<16xi32>, vector<16xi32> -> vector<16xi32>
      %le3A_198 = arith.cmpf ole, %masked_sort3A_186, %rev3A_192 : vector<16xf32>
      %select_n3A_199 = arith.select %le3A_198, %masked_sort3A_186, %rev3A_192 : vector<16xi1>, vector<16xf32>
      %select_n3A_200 = arith.select %le3A_198, %masked_sort3A_187, %rev3A_197 : vector<16xi1>, vector<16xi32>
      %select_n3A_201 = arith.select %le3A_198, %rev3A_192, %masked_sort3A_186 : vector<16xi1>, vector<16xf32>
      %select_n3A_202 = arith.select %le3A_198, %rev3A_197, %masked_sort3A_187 : vector<16xi1>, vector<16xi32>
      %le3A_203 = arith.cmpf ole, %masked_sort3A_174, %masked_sort3A_182 : vector<16xf32>
      %select_n3A_204 = arith.select %le3A_203, %masked_sort3A_174, %masked_sort3A_182 : vector<16xi1>, vector<16xf32>
      %select_n3A_205 = arith.select %le3A_203, %masked_sort3A_175, %masked_sort3A_183 : vector<16xi1>, vector<16xi32>
      %select_n3A_206 = arith.select %le3A_203, %masked_sort3A_182, %masked_sort3A_174 : vector<16xi1>, vector<16xf32>
      %select_n3A_207 = arith.select %le3A_203, %masked_sort3A_183, %masked_sort3A_175 : vector<16xi1>, vector<16xi32>
      %le3A_208 = arith.cmpf ole, %masked_sort3A_178, %select_n3A_199 : vector<16xf32>
      %select_n3A_209 = arith.select %le3A_208, %masked_sort3A_178, %select_n3A_199 : vector<16xi1>, vector<16xf32>
      %select_n3A_210 = arith.select %le3A_208, %masked_sort3A_179, %select_n3A_200 : vector<16xi1>, vector<16xi32>
      %select_n3A_211 = arith.select %le3A_208, %select_n3A_199, %masked_sort3A_178 : vector<16xi1>, vector<16xf32>
      %select_n3A_212 = arith.select %le3A_208, %select_n3A_200, %masked_sort3A_179 : vector<16xi1>, vector<16xi32>
      %le3A_213 = arith.cmpf ole, %select_n3A_204, %select_n3A_209 : vector<16xf32>
      %select_n3A_214 = arith.select %le3A_213, %select_n3A_204, %select_n3A_209 : vector<16xi1>, vector<16xf32>
      %select_n3A_215 = arith.select %le3A_213, %select_n3A_205, %select_n3A_210 : vector<16xi1>, vector<16xi32>
      %select_n3A_216 = arith.select %le3A_213, %select_n3A_209, %select_n3A_204 : vector<16xi1>, vector<16xf32>
      %select_n3A_217 = arith.select %le3A_213, %select_n3A_210, %select_n3A_205 : vector<16xi1>, vector<16xi32>
      %le3A_218 = arith.cmpf ole, %select_n3A_206, %select_n3A_211 : vector<16xf32>
      %select_n3A_219 = arith.select %le3A_218, %select_n3A_206, %select_n3A_211 : vector<16xi1>, vector<16xf32>
      %select_n3A_220 = arith.select %le3A_218, %select_n3A_207, %select_n3A_212 : vector<16xi1>, vector<16xi32>
      %select_n3A_221 = arith.select %le3A_218, %select_n3A_211, %select_n3A_206 : vector<16xi1>, vector<16xf32>
      %select_n3A_222 = arith.select %le3A_218, %select_n3A_212, %select_n3A_207 : vector<16xi1>, vector<16xi32>
      %masked_sort3A_223 = arith.constant dense<true> : vector<16xi1>
      %masked_sort3A_224, %masked_sort3A_225, %masked_sort3A_226 = tpu.sort %select_n3A_214, %select_n3A_215 masked %masked_sort3A_223 : (vector<16xf32>, vector<16xi32>, vector<16xi1>) -> (vector<16xi1>, vector<16xf32>, vector<16xi32>)
      %masked_sort3A_227 = arith.constant dense<true> : vector<16xi1>
      %masked_sort3A_228, %masked_sort3A_229, %masked_sort3A_230 = tpu.sort %select_n3A_216, %select_n3A_217 masked %masked_sort3A_227 : (vector<16xf32>, vector<16xi32>, vector<16xi1>) -> (vector<16xi1>, vector<16xf32>, vector<16xi32>)
      %masked_sort3A_231 = arith.constant dense<true> : vector<16xi1>
      %masked_sort3A_232, %masked_sort3A_233, %masked_sort3A_234 = tpu.sort %select_n3A_219, %select_n3A_220 masked %masked_sort3A_231 : (vector<16xf32>, vector<16xi32>, vector<16xi1>) -> (vector<16xi1>, vector<16xf32>, vector<16xi32>)
      %masked_sort3A_235 = arith.constant dense<true> : vector<16xi1>
      %masked_sort3A_236, %masked_sort3A_237, %masked_sort3A_238 = tpu.sort %select_n3A_221, %select_n3A_222 masked %masked_sort3A_235 : (vector<16xf32>, vector<16xi32>, vector<16xi1>) -> (vector<16xi1>, vector<16xf32>, vector<16xi32>)
      %masked_sort3A_239 = arith.constant dense<true> : vector<16xi1>
      %masked_sort3A_240, %masked_sort3A_241, %masked_sort3A_242 = tpu.sort %select_n3A_201, %select_n3A_202 masked %masked_sort3A_239 : (vector<16xf32>, vector<16xi32>, vector<16xi1>) -> (vector<16xi1>, vector<16xf32>, vector<16xi32>)
      %swap3A = arith.constant 0 : index
      %swap3A_243 = tpu.vector_load %arg9[%swap3A] {strides = array<i32>} : memref<192xf32, #tpu.memory_space<vmem>>, vector<16xf32>,
      tpu.vector_store %arg9[%swap3A], %masked_sort3A_225 {strides = array<i32>} : memref<192xf32, #tpu.memory_space<vmem>>, vector<16xf32>,
      %swap3A_244 = arith.constant 0 : index
      %swap3A_245 = tpu.vector_load %arg10[%swap3A_244] {strides = array<i32>} : memref<192xi32, #tpu.memory_space<vmem>>, vector<16xi32>,
      tpu.vector_store %arg10[%swap3A_244], %masked_sort3A_226 {strides = array<i32>} : memref<192xi32, #tpu.memory_space<vmem>>, vector<16xi32>,
      %swap3A_246 = arith.constant 16 : index
      %swap3A_247 = tpu.vector_load %arg9[%swap3A_246] {strides = array<i32>} : memref<192xf32, #tpu.memory_space<vmem>>, vector<16xf32>,
      tpu.vector_store %arg9[%swap3A_246], %masked_sort3A_229 {strides = array<i32>} : memref<192xf32, #tpu.memory_space<vmem>>, vector<16xf32>,
      %swap3A_248 = arith.constant 16 : index
      %swap3A_249 = tpu.vector_load %arg10[%swap3A_248] {strides = array<i32>} : memref<192xi32, #tpu.memory_space<vmem>>, vector<16xi32>,
      tpu.vector_store %arg10[%swap3A_248], %masked_sort3A_230 {strides = array<i32>} : memref<192xi32, #tpu.memory_space<vmem>>, vector<16xi32>,
      %swap3A_250 = arith.constant 32 : index
      %swap3A_251 = tpu.vector_load %arg9[%swap3A_250] {strides = array<i32>} : memref<192xf32, #tpu.memory_space<vmem>>, vector<16xf32>,
      tpu.vector_store %arg9[%swap3A_250], %masked_sort3A_233 {strides = array<i32>} : memref<192xf32, #tpu.memory_space<vmem>>, vector<16xf32>,
      %swap3A_252 = arith.constant 32 : index
      %swap3A_253 = tpu.vector_load %arg10[%swap3A_252] {strides = array<i32>} : memref<192xi32, #tpu.memory_space<vmem>>, vector<16xi32>,
      tpu.vector_store %arg10[%swap3A_252], %masked_sort3A_234 {strides = array<i32>} : memref<192xi32, #tpu.memory_space<vmem>>, vector<16xi32>,
      %swap3A_254 = arith.constant 48 : index
      %swap3A_255 = tpu.vector_load %arg9[%swap3A_254] {strides = array<i32>} : memref<192xf32, #tpu.memory_space<vmem>>, vector<16xf32>,
      tpu.vector_store %arg9[%swap3A_254], %masked_sort3A_237 {strides = array<i32>} : memref<192xf32, #tpu.memory_space<vmem>>, vector<16xf32>,
      %swap3A_256 = arith.constant 48 : index
      %swap3A_257 = tpu.vector_load %arg10[%swap3A_256] {strides = array<i32>} : memref<192xi32, #tpu.memory_space<vmem>>, vector<16xi32>,
      tpu.vector_store %arg10[%swap3A_256], %masked_sort3A_238 {strides = array<i32>} : memref<192xi32, #tpu.memory_space<vmem>>, vector<16xi32>,
      %swap3A_258 = arith.constant 64 : index
      %swap3A_259 = tpu.vector_load %arg9[%swap3A_258] {strides = array<i32>} : memref<192xf32, #tpu.memory_space<vmem>>, vector<16xf32>,
      tpu.vector_store %arg9[%swap3A_258], %masked_sort3A_241 {strides = array<i32>} : memref<192xf32, #tpu.memory_space<vmem>>, vector<16xf32>,
      %swap3A_260 = arith.constant 64 : index
      %swap3A_261 = tpu.vector_load %arg10[%swap3A_260] {strides = array<i32>} : memref<192xi32, #tpu.memory_space<vmem>>, vector<16xi32>,
      tpu.vector_store %arg10[%swap3A_260], %masked_sort3A_242 {strides = array<i32>} : memref<192xi32, #tpu.memory_space<vmem>>, vector<16xi32>,
      %mul3A_262 = arith.constant 2 : i32
      %mul3A_263 = arith.muli %mul3A_262, %scan3A_49 : i32
      %add3A_264 = arith.constant 1 : i32
      %add3A_265 = arith.addi %mul3A_263, %add3A_264 : i32
      %get3A_266 = arith.index_cast %add3A_265 : i32 to index
      %get3A_267 = arith.constant 0 : index
      %get3A_268 = tpu.vector_load %arg6[%get3A_266, %get3A_267] {strides = array<i32>} : memref<96x64xf32, #tpu.memory_space<vmem>>, vector<16xf32>,
      %mul3A_269 = arith.mulf %get3A_268, %exp3A : vector<16xf32>
      %get3A_270 = arith.index_cast %add3A_265 : i32 to index
      %get3A_271 = arith.constant 16 : index
      %get3A_272 = tpu.vector_load %arg6[%get3A_270, %get3A_271] {strides = array<i32>} : memref<96x64xf32, #tpu.memory_space<vmem>>, vector<16xf32>,
      %mul3A_273 = arith.mulf %get3A_272, %exp3A_11 : vector<16xf32>
      %get3A_274 = arith.index_cast %add3A_265 : i32 to index
      %get3A_275 = arith.constant 32 : index
      %get3A_276 = tpu.vector_load %arg6[%get3A_274, %get3A_275] {strides = array<i32>} : memref<96x64xf32, #tpu.memory_space<vmem>>, vector<16xf32>,
      %mul3A_277 = arith.mulf %get3A_276, %exp3A_17 : vector<16xf32>
      %get3A_278 = arith.index_cast %add3A_265 : i32 to index
      %get3A_279 = arith.constant 48 : index
      %get3A_280 = tpu.vector_load %arg6[%get3A_278, %get3A_279] {strides = array<i32>} : memref<96x64xf32, #tpu.memory_space<vmem>>, vector<16xf32>,
      %mul3A_281 = arith.mulf %get3A_280, %exp3A_23 : vector<16xf32>
      %masked_sort3A_282 = arith.constant dense<true> : vector<16xi1>
      %masked_sort3A_283, %masked_sort3A_284, %masked_sort3A_285 = tpu.sort %mul3A_269, %add3A_26 masked %masked_sort3A_282 : (vector<16xf32>, vector<16xi32>, vector<16xi1>) -> (vector<16xi1>, vector<16xf32>, vector<16xi32>)
      %masked_sort3A_286 = arith.constant dense<true> : vector<16xi1>
      %masked_sort3A_287, %masked_sort3A_288, %masked_sort3A_289 = tpu.sort %mul3A_273, %add3A_29 masked %masked_sort3A_286 : (vector<16xf32>, vector<16xi32>, vector<16xi1>) -> (vector<16xi1>, vector<16xf32>, vector<16xi32>)
      %masked_sort3A_290 = arith.constant dense<true> : vector<16xi1>
      %masked_sort3A_291, %masked_sort3A_292, %masked_sort3A_293 = tpu.sort %mul3A_277, %add3A_32 masked %masked_sort3A_290 : (vector<16xf32>, vector<16xi32>, vector<16xi1>) -> (vector<16xi1>, vector<16xf32>, vector<16xi32>)
      %masked_sort3A_294 = arith.constant dense<true> : vector<16xi1>
      %masked_sort3A_295, %masked_sort3A_296, %masked_sort3A_297 = tpu.sort %mul3A_281, %add3A_35 masked %masked_sort3A_294 : (vector<16xf32>, vector<16xi32>, vector<16xi1>) -> (vector<16xi1>, vector<16xf32>, vector<16xi32>)
      %masked_sort3A_298 = arith.constant dense<true> : vector<16xi1>
      %masked_sort3A_299, %masked_sort3A_300, %masked_sort3A_301 = tpu.sort %select_n3A, %add3A_38 masked %masked_sort3A_298 : (vector<16xf32>, vector<16xi32>, vector<16xi1>) -> (vector<16xi1>, vector<16xf32>, vector<16xi32>)
      %rev3A_302 = arith.constant 15 : i32
      %rev3A_303 = vector.broadcast %rev3A_302 : i32 to vector<16xi32>
      %rev3A_304 = tpu.iota {dimensions = array<i32: 0>} : vector<16xi32>
      %rev3A_305 = arith.subi %rev3A_303, %rev3A_304 : vector<16xi32>
      %rev3A_306 = tpu.dynamic_gather %masked_sort3A_288[%rev3A_305] in [0] : vector<16xf32>, vector<16xi32> -> vector<16xf32>
      %rev3A_307 = arith.constant 15 : i32
      %rev3A_308 = vector.broadcast %rev3A_307 : i32 to vector<16xi32>
      %rev3A_309 = tpu.iota {dimensions = array<i32: 0>} : vector<16xi32>
      %rev3A_310 = arith.subi %rev3A_308, %rev3A_309 : vector<16xi32>
      %rev3A_311 = tpu.dynamic_gather %masked_sort3A_289[%rev3A_310] in [0] : vector<16xi32>, vector<16xi32> -> vector<16xi32>
      %le3A_312 = arith.cmpf ole, %masked_sort3A_284, %rev3A_306 : vector<16xf32>
      %select_n3A_313 = arith.select %le3A_312, %masked_sort3A_284, %rev3A_306 : vector<16xi1>, vector<16xf32>
      %select_n3A_314 = arith.select %le3A_312, %masked_sort3A_285, %rev3A_311 : vector<16xi1>, vector<16xi32>
      %select_n3A_315 = arith.select %le3A_312, %rev3A_306, %masked_sort3A_284 : vector<16xi1>, vector<16xf32>
      %select_n3A_316 = arith.select %le3A_312, %rev3A_311, %masked_sort3A_285 : vector<16xi1>, vector<16xi32>
      %masked_sort3A_317 = arith.constant dense<true> : vector<16xi1>
      %masked_sort3A_318, %masked_sort3A_319, %masked_sort3A_320 = tpu.sort %select_n3A_313, %select_n3A_314 masked %masked_sort3A_317 : (vector<16xf32>, vector<16xi32>, vector<16xi1>) -> (vector<16xi1>, vector<16xf32>, vector<16xi32>)
      %masked_sort3A_321 = arith.constant dense<true> : vector<16xi1>
      %masked_sort3A_322, %masked_sort3A_323, %masked_sort3A_324 = tpu.sort %select_n3A_315, %select_n3A_316 masked %masked_sort3A_321 : (vector<16xf32>, vector<16xi32>, vector<16xi1>) -> (vector<16xi1>, vector<16xf32>, vector<16xi32>)
      %rev3A_325 = arith.constant 15 : i32
      %rev3A_326 = vector.broadcast %rev3A_325 : i32 to vector<16xi32>
      %rev3A_327 = tpu.iota {dimensions = array<i32: 0>} : vector<16xi32>
      %rev3A_328 = arith.subi %rev3A_326, %rev3A_327 : vector<16xi32>
      %rev3A_329 = tpu.dynamic_gather %masked_sort3A_296[%rev3A_328] in [0] : vector<16xf32>, vector<16xi32> -> vector<16xf32>
      %rev3A_330 = arith.constant 15 : i32
      %rev3A_331 = vector.broadcast %rev3A_330 : i32 to vector<16xi32>
      %rev3A_332 = tpu.iota {dimensions = array<i32: 0>} : vector<16xi32>
      %rev3A_333 = arith.subi %rev3A_331, %rev3A_332 : vector<16xi32>
      %rev3A_334 = tpu.dynamic_gather %masked_sort3A_297[%rev3A_333] in [0] : vector<16xi32>, vector<16xi32> -> vector<16xi32>
      %le3A_335 = arith.cmpf ole, %masked_sort3A_292, %rev3A_329 : vector<16xf32>
      %select_n3A_336 = arith.select %le3A_335, %masked_sort3A_292, %rev3A_329 : vector<16xi1>, vector<16xf32>
      %select_n3A_337 = arith.select %le3A_335, %masked_sort3A_293, %rev3A_334 : vector<16xi1>, vector<16xi32>
      %select_n3A_338 = arith.select %le3A_335, %rev3A_329, %masked_sort3A_292 : vector<16xi1>, vector<16xf32>
      %select_n3A_339 = arith.select %le3A_335, %rev3A_334, %masked_sort3A_293 : vector<16xi1>, vector<16xi32>
      %masked_sort3A_340 = arith.constant dense<true> : vector<16xi1>
      %masked_sort3A_341, %masked_sort3A_342, %masked_sort3A_343 = tpu.sort %select_n3A_336, %select_n3A_337 masked %masked_sort3A_340 : (vector<16xf32>, vector<16xi32>, vector<16xi1>) -> (vector<16xi1>, vector<16xf32>, vector<16xi32>)
      %masked_sort3A_344 = arith.constant dense<true> : vector<16xi1>
      %masked_sort3A_345, %masked_sort3A_346, %masked_sort3A_347 = tpu.sort %select_n3A_338, %select_n3A_339 masked %masked_sort3A_344 : (vector<16xf32>, vector<16xi32>, vector<16xi1>) -> (vector<16xi1>, vector<16xf32>, vector<16xi32>)
      %rev3A_348 = arith.constant 15 : i32
      %rev3A_349 = vector.broadcast %rev3A_348 : i32 to vector<16xi32>
      %rev3A_350 = tpu.iota {dimensions = array<i32: 0>} : vector<16xi32>
      %rev3A_351 = arith.subi %rev3A_349, %rev3A_350 : vector<16xi32>
      %rev3A_352 = tpu.dynamic_gather %masked_sort3A_346[%rev3A_351] in [0] : vector<16xf32>, vector<16xi32> -> vector<16xf32>
      %rev3A_353 = arith.constant 15 : i32
      %rev3A_354 = vector.broadcast %rev3A_353 : i32 to vector<16xi32>
      %rev3A_355 = tpu.iota {dimensions = array<i32: 0>} : vector<16xi32>
      %rev3A_356 = arith.subi %rev3A_354, %rev3A_355 : vector<16xi32>
      %rev3A_357 = tpu.dynamic_gather %masked_sort3A_347[%rev3A_356] in [0] : vector<16xi32>, vector<16xi32> -> vector<16xi32>
      %le3A_358 = arith.cmpf ole, %masked_sort3A_319, %rev3A_352 : vector<16xf32>
      %select_n3A_359 = arith.select %le3A_358, %masked_sort3A_319, %rev3A_352 : vector<16xi1>, vector<16xf32>
      %select_n3A_360 = arith.select %le3A_358, %masked_sort3A_320, %rev3A_357 : vector<16xi1>, vector<16xi32>
      %select_n3A_361 = arith.select %le3A_358, %rev3A_352, %masked_sort3A_319 : vector<16xi1>, vector<16xf32>
      %select_n3A_362 = arith.select %le3A_358, %rev3A_357, %masked_sort3A_320 : vector<16xi1>, vector<16xi32>
      %rev3A_363 = arith.constant 15 : i32
      %rev3A_364 = vector.broadcast %rev3A_363 : i32 to vector<16xi32>
      %rev3A_365 = tpu.iota {dimensions = array<i32: 0>} : vector<16xi32>
      %rev3A_366 = arith.subi %rev3A_364, %rev3A_365 : vector<16xi32>
      %rev3A_367 = tpu.dynamic_gather %masked_sort3A_342[%rev3A_366] in [0] : vector<16xf32>, vector<16xi32> -> vector<16xf32>
      %rev3A_368 = arith.constant 15 : i32
      %rev3A_369 = vector.broadcast %rev3A_368 : i32 to vector<16xi32>
      %rev3A_370 = tpu.iota {dimensions = array<i32: 0>} : vector<16xi32>
      %rev3A_371 = arith.subi %rev3A_369, %rev3A_370 : vector<16xi32>
      %rev3A_372 = tpu.dynamic_gather %masked_sort3A_343[%rev3A_371] in [0] : vector<16xi32>, vector<16xi32> -> vector<16xi32>
      %le3A_373 = arith.cmpf ole, %masked_sort3A_323, %rev3A_367 : vector<16xf32>
      %select_n3A_374 = arith.select %le3A_373, %masked_sort3A_323, %rev3A_367 : vector<16xi1>, vector<16xf32>
      %select_n3A_375 = arith.select %le3A_373, %masked_sort3A_324, %rev3A_372 : vector<16xi1>, vector<16xi32>
      %select_n3A_376 = arith.select %le3A_373, %rev3A_367, %masked_sort3A_323 : vector<16xi1>, vector<16xf32>
      %select_n3A_377 = arith.select %le3A_373, %rev3A_372, %masked_sort3A_324 : vector<16xi1>, vector<16xi32>
      %le3A_378 = arith.cmpf ole, %select_n3A_359, %select_n3A_374 : vector<16xf32>
      %select_n3A_379 = arith.select %le3A_378, %select_n3A_359, %select_n3A_374 : vector<16xi1>, vector<16xf32>
      %select_n3A_380 = arith.select %le3A_378, %select_n3A_360, %select_n3A_375 : vector<16xi1>, vector<16xi32>
      %select_n3A_381 = arith.select %le3A_378, %select_n3A_374, %select_n3A_359 : vector<16xi1>, vector<16xf32>
      %select_n3A_382 = arith.select %le3A_378, %select_n3A_375, %select_n3A_360 : vector<16xi1>, vector<16xi32>
      %le3A_383 = arith.cmpf ole, %select_n3A_361, %select_n3A_376 : vector<16xf32>
      %select_n3A_384 = arith.select %le3A_383, %select_n3A_361, %select_n3A_376 : vector<16xi1>, vector<16xf32>
      %select_n3A_385 = arith.select %le3A_383, %select_n3A_362, %select_n3A_377 : vector<16xi1>, vector<16xi32>
      %select_n3A_386 = arith.select %le3A_383, %select_n3A_376, %select_n3A_361 : vector<16xi1>, vector<16xf32>
      %select_n3A_387 = arith.select %le3A_383, %select_n3A_377, %select_n3A_362 : vector<16xi1>, vector<16xi32>
      %masked_sort3A_388 = arith.constant dense<true> : vector<16xi1>
      %masked_sort3A_389, %masked_sort3A_390, %masked_sort3A_391 = tpu.sort %select_n3A_379, %select_n3A_380 masked %masked_sort3A_388 : (vector<16xf32>, vector<16xi32>, vector<16xi1>) -> (vector<16xi1>, vector<16xf32>, vector<16xi32>)
      %masked_sort3A_392 = arith.constant dense<true> : vector<16xi1>
      %masked_sort3A_393, %masked_sort3A_394, %masked_sort3A_395 = tpu.sort %select_n3A_381, %select_n3A_382 masked %masked_sort3A_392 : (vector<16xf32>, vector<16xi32>, vector<16xi1>) -> (vector<16xi1>, vector<16xf32>, vector<16xi32>)
      %masked_sort3A_396 = arith.constant dense<true> : vector<16xi1>
      %masked_sort3A_397, %masked_sort3A_398, %masked_sort3A_399 = tpu.sort %select_n3A_384, %select_n3A_385 masked %masked_sort3A_396 : (vector<16xf32>, vector<16xi32>, vector<16xi1>) -> (vector<16xi1>, vector<16xf32>, vector<16xi32>)
      %masked_sort3A_400 = arith.constant dense<true> : vector<16xi1>
      %masked_sort3A_401, %masked_sort3A_402, %masked_sort3A_403 = tpu.sort %select_n3A_386, %select_n3A_387 masked %masked_sort3A_400 : (vector<16xf32>, vector<16xi32>, vector<16xi1>) -> (vector<16xi1>, vector<16xf32>, vector<16xi32>)
      %rev3A_404 = arith.constant 15 : i32
      %rev3A_405 = vector.broadcast %rev3A_404 : i32 to vector<16xi32>
      %rev3A_406 = tpu.iota {dimensions = array<i32: 0>} : vector<16xi32>
      %rev3A_407 = arith.subi %rev3A_405, %rev3A_406 : vector<16xi32>
      %rev3A_408 = tpu.dynamic_gather %masked_sort3A_300[%rev3A_407] in [0] : vector<16xf32>, vector<16xi32> -> vector<16xf32>
      %rev3A_409 = arith.constant 15 : i32
      %rev3A_410 = vector.broadcast %rev3A_409 : i32 to vector<16xi32>
      %rev3A_411 = tpu.iota {dimensions = array<i32: 0>} : vector<16xi32>
      %rev3A_412 = arith.subi %rev3A_410, %rev3A_411 : vector<16xi32>
      %rev3A_413 = tpu.dynamic_gather %masked_sort3A_301[%rev3A_412] in [0] : vector<16xi32>, vector<16xi32> -> vector<16xi32>
      %le3A_414 = arith.cmpf ole, %masked_sort3A_402, %rev3A_408 : vector<16xf32>
      %select_n3A_415 = arith.select %le3A_414, %masked_sort3A_402, %rev3A_408 : vector<16xi1>, vector<16xf32>
      %select_n3A_416 = arith.select %le3A_414, %masked_sort3A_403, %rev3A_413 : vector<16xi1>, vector<16xi32>
      %select_n3A_417 = arith.select %le3A_414, %rev3A_408, %masked_sort3A_402 : vector<16xi1>, vector<16xf32>
      %select_n3A_418 = arith.select %le3A_414, %rev3A_413, %masked_sort3A_403 : vector<16xi1>, vector<16xi32>
      %le3A_419 = arith.cmpf ole, %masked_sort3A_390, %masked_sort3A_398 : vector<16xf32>
      %select_n3A_420 = arith.select %le3A_419, %masked_sort3A_390, %masked_sort3A_398 : vector<16xi1>, vector<16xf32>
      %select_n3A_421 = arith.select %le3A_419, %masked_sort3A_391, %masked_sort3A_399 : vector<16xi1>, vector<16xi32>
      %select_n3A_422 = arith.select %le3A_419, %masked_sort3A_398, %masked_sort3A_390 : vector<16xi1>, vector<16xf32>
      %select_n3A_423 = arith.select %le3A_419, %masked_sort3A_399, %masked_sort3A_391 : vector<16xi1>, vector<16xi32>
      %le3A_424 = arith.cmpf ole, %masked_sort3A_394, %select_n3A_415 : vector<16xf32>
      %select_n3A_425 = arith.select %le3A_424, %masked_sort3A_394, %select_n3A_415 : vector<16xi1>, vector<16xf32>
      %select_n3A_426 = arith.select %le3A_424, %masked_sort3A_395, %select_n3A_416 : vector<16xi1>, vector<16xi32>
      %select_n3A_427 = arith.select %le3A_424, %select_n3A_415, %masked_sort3A_394 : vector<16xi1>, vector<16xf32>
      %select_n3A_428 = arith.select %le3A_424, %select_n3A_416, %masked_sort3A_395 : vector<16xi1>, vector<16xi32>
      %le3A_429 = arith.cmpf ole, %select_n3A_420, %select_n3A_425 : vector<16xf32>
      %select_n3A_430 = arith.select %le3A_429, %select_n3A_420, %select_n3A_425 : vector<16xi1>, vector<16xf32>
      %select_n3A_431 = arith.select %le3A_429, %select_n3A_421, %select_n3A_426 : vector<16xi1>, vector<16xi32>
      %select_n3A_432 = arith.select %le3A_429, %select_n3A_425, %select_n3A_420 : vector<16xi1>, vector<16xf32>
      %select_n3A_433 = arith.select %le3A_429, %select_n3A_426, %select_n3A_421 : vector<16xi1>, vector<16xi32>
      %le3A_434 = arith.cmpf ole, %select_n3A_422, %select_n3A_427 : vector<16xf32>
      %select_n3A_435 = arith.select %le3A_434, %select_n3A_422, %select_n3A_427 : vector<16xi1>, vector<16xf32>
      %select_n3A_436 = arith.select %le3A_434, %select_n3A_423, %select_n3A_428 : vector<16xi1>, vector<16xi32>
      %select_n3A_437 = arith.select %le3A_434, %select_n3A_427, %select_n3A_422 : vector<16xi1>, vector<16xf32>
      %select_n3A_438 = arith.select %le3A_434, %select_n3A_428, %select_n3A_423 : vector<16xi1>, vector<16xi32>
      %masked_sort3A_439 = arith.constant dense<true> : vector<16xi1>
      %masked_sort3A_440, %masked_sort3A_441, %masked_sort3A_442 = tpu.sort %select_n3A_430, %select_n3A_431 masked %masked_sort3A_439 : (vector<16xf32>, vector<16xi32>, vector<16xi1>) -> (vector<16xi1>, vector<16xf32>, vector<16xi32>)
      %masked_sort3A_443 = arith.constant dense<true> : vector<16xi1>
      %masked_sort3A_444, %masked_sort3A_445, %masked_sort3A_446 = tpu.sort %select_n3A_432, %select_n3A_433 masked %masked_sort3A_443 : (vector<16xf32>, vector<16xi32>, vector<16xi1>) -> (vector<16xi1>, vector<16xf32>, vector<16xi32>)
      %masked_sort3A_447 = arith.constant dense<true> : vector<16xi1>
      %masked_sort3A_448, %masked_sort3A_449, %masked_sort3A_450 = tpu.sort %select_n3A_435, %select_n3A_436 masked %masked_sort3A_447 : (vector<16xf32>, vector<16xi32>, vector<16xi1>) -> (vector<16xi1>, vector<16xf32>, vector<16xi32>)
      %masked_sort3A_451 = arith.constant dense<true> : vector<16xi1>
      %masked_sort3A_452, %masked_sort3A_453, %masked_sort3A_454 = tpu.sort %select_n3A_437, %select_n3A_438 masked %masked_sort3A_451 : (vector<16xf32>, vector<16xi32>, vector<16xi1>) -> (vector<16xi1>, vector<16xf32>, vector<16xi32>)
      %masked_sort3A_455 = arith.constant dense<true> : vector<16xi1>
      %masked_sort3A_456, %masked_sort3A_457, %masked_sort3A_458 = tpu.sort %select_n3A_417, %select_n3A_418 masked %masked_sort3A_455 : (vector<16xf32>, vector<16xi32>, vector<16xi1>) -> (vector<16xi1>, vector<16xf32>, vector<16xi32>)
      %swap3A_459 = arith.constant 96 : index
      %swap3A_460 = tpu.vector_load %arg9[%swap3A_459] {strides = array<i32>} : memref<192xf32, #tpu.memory_space<vmem>>, vector<16xf32>,
      tpu.vector_store %arg9[%swap3A_459], %masked_sort3A_441 {strides = array<i32>} : memref<192xf32, #tpu.memory_space<vmem>>, vector<16xf32>,
      %swap3A_461 = arith.constant 96 : index
      %swap3A_462 = tpu.vector_load %arg10[%swap3A_461] {strides = array<i32>} : memref<192xi32, #tpu.memory_space<vmem>>, vector<16xi32>,
      tpu.vector_store %arg10[%swap3A_461], %masked_sort3A_442 {strides = array<i32>} : memref<192xi32, #tpu.memory_space<vmem>>, vector<16xi32>,
      %swap3A_463 = arith.constant 112 : index
      %swap3A_464 = tpu.vector_load %arg9[%swap3A_463] {strides = array<i32>} : memref<192xf32, #tpu.memory_space<vmem>>, vector<16xf32>,
      tpu.vector_store %arg9[%swap3A_463], %masked_sort3A_445 {strides = array<i32>} : memref<192xf32, #tpu.memory_space<vmem>>, vector<16xf32>,
      %swap3A_465 = arith.constant 112 : index
      %swap3A_466 = tpu.vector_load %arg10[%swap3A_465] {strides = array<i32>} : memref<192xi32, #tpu.memory_space<vmem>>, vector<16xi32>,
      tpu.vector_store %arg10[%swap3A_465], %masked_sort3A_446 {strides = array<i32>} : memref<192xi32, #tpu.memory_space<vmem>>, vector<16xi32>,
      %swap3A_467 = arith.constant 128 : index
      %swap3A_468 = tpu.vector_load %arg9[%swap3A_467] {strides = array<i32>} : memref<192xf32, #tpu.memory_space<vmem>>, vector<16xf32>,
      tpu.vector_store %arg9[%swap3A_467], %masked_sort3A_449 {strides = array<i32>} : memref<192xf32, #tpu.memory_space<vmem>>, vector<16xf32>,
      %swap3A_469 = arith.constant 128 : index
      %swap3A_470 = tpu.vector_load %arg10[%swap3A_469] {strides = array<i32>} : memref<192xi32, #tpu.memory_space<vmem>>, vector<16xi32>,
      tpu.vector_store %arg10[%swap3A_469], %masked_sort3A_450 {strides = array<i32>} : memref<192xi32, #tpu.memory_space<vmem>>, vector<16xi32>,
      %swap3A_471 = arith.constant 144 : index
      %swap3A_472 = tpu.vector_load %arg9[%swap3A_471] {strides = array<i32>} : memref<192xf32, #tpu.memory_space<vmem>>, vector<16xf32>,
      tpu.vector_store %arg9[%swap3A_471], %masked_sort3A_453 {strides = array<i32>} : memref<192xf32, #tpu.memory_space<vmem>>, vector<16xf32>,
      %swap3A_473 = arith.constant 144 : index
      %swap3A_474 = tpu.vector_load %arg10[%swap3A_473] {strides = array<i32>} : memref<192xi32, #tpu.memory_space<vmem>>, vector<16xi32>,
      tpu.vector_store %arg10[%swap3A_473], %masked_sort3A_454 {strides = array<i32>} : memref<192xi32, #tpu.memory_space<vmem>>, vector<16xi32>,
      %swap3A_475 = arith.constant 160 : index
      %swap3A_476 = tpu.vector_load %arg9[%swap3A_475] {strides = array<i32>} : memref<192xf32, #tpu.memory_space<vmem>>, vector<16xf32>,
      tpu.vector_store %arg9[%swap3A_475], %masked_sort3A_457 {strides = array<i32>} : memref<192xf32, #tpu.memory_space<vmem>>, vector<16xf32>,
      %swap3A_477 = arith.constant 160 : index
      %swap3A_478 = tpu.vector_load %arg10[%swap3A_477] {strides = array<i32>} : memref<192xi32, #tpu.memory_space<vmem>>, vector<16xi32>,
      tpu.vector_store %arg10[%swap3A_477], %masked_sort3A_458 {strides = array<i32>} : memref<192xi32, #tpu.memory_space<vmem>>, vector<16xi32>,
      %broadcast_in_dim3A_479 = arith.constant 0.000000e+00 : f32
      %broadcast_in_dim3A_480 = vector.broadcast %broadcast_in_dim3A_479 : f32 to vector<16xf32>
      %broadcast_in_dim3A_481 = arith.constant 1.000000e+05 : f32
      %broadcast_in_dim3A_482 = vector.broadcast %broadcast_in_dim3A_481 : f32 to vector<16xf32>
      %broadcast_in_dim3A_483 = arith.constant 1.000000e+00 : f32
      %broadcast_in_dim3A_484 = vector.broadcast %broadcast_in_dim3A_483 : f32 to vector<16xf32>
      %scan3A_485 = arith.constant 0 : i32
      %scan3A_486 = arith.constant 4 : i32
      %scan3A_487 = arith.addi %scan3A_485, %scan3A_486 : i32
      %scan3A_488 = arith.constant 1 : i32
      %scan3A_489:32 = scf.for %scan3A_757 = %scan3A_485 to %scan3A_487 step %scan3A_488 iter_args(%scan3A_758 = %broadcast_in_dim3A_480, %scan3A_759 = %broadcast_in_dim3A_480, %scan3A_760 = %broadcast_in_dim3A_480, %scan3A_761 = %broadcast_in_dim3A_480, %scan3A_762 = %broadcast_in_dim3A_480, %scan3A_763 = %broadcast_in_dim3A_480, %scan3A_764 = %broadcast_in_dim3A_480, %scan3A_765 = %broadcast_in_dim3A_480, %scan3A_766 = %broadcast_in_dim3A_482, %scan3A_767 = %broadcast_in_dim3A_482, %scan3A_768 = %broadcast_in_dim3A_482, %scan3A_769 = %broadcast_in_dim3A_482, %scan3A_770 = %broadcast_in_dim3A_482, %scan3A_771 = %broadcast_in_dim3A_482, %scan3A_772 = %broadcast_in_dim3A_482, %scan3A_773 = %broadcast_in_dim3A_482, %scan3A_774 = %broadcast_in_dim3A_484, %scan3A_775 = %broadcast_in_dim3A_484, %scan3A_776 = %broadcast_in_dim3A_484, %scan3A_777 = %broadcast_in_dim3A_484, %scan3A_778 = %broadcast_in_dim3A_484, %scan3A_779 = %broadcast_in_dim3A_484, %scan3A_780 = %broadcast_in_dim3A_484, %scan3A_781 = %broadcast_in_dim3A_484, %scan3A_782 = %broadcast_in_dim3A_480, %scan3A_783 = %broadcast_in_dim3A_480, %scan3A_784 = %broadcast_in_dim3A_480, %scan3A_785 = %broadcast_in_dim3A_480, %scan3A_786 = %broadcast_in_dim3A_480, %scan3A_787 = %broadcast_in_dim3A_480, %scan3A_788 = %broadcast_in_dim3A_480, %scan3A_789 = %broadcast_in_dim3A_480) -> (vector<16xf32>, vector<16xf32>, vector<16xf32>, vector<16xf32>, vector<16xf32>, vector<16xf32>, vector<16xf32>, vector<16xf32>, vector<16xf32>, vector<16xf32>, vector<16xf32>, vector<16xf32>, vector<16xf32>, vector<16xf32>, vector<16xf32>, vector<16xf32>, vector<16xf32>, vector<16xf32>, vector<16xf32>, vector<16xf32>, vector<16xf32>, vector<16xf32>, vector<16xf32>, vector<16xf32>, vector<16xf32>, vector<16xf32>, vector<16xf32>, vector<16xf32>, vector<16xf32>, vector<16xf32>, vector<16xf32>, vector<16xf32>)  : i32 {
        %mul3A_790 = arith.constant 16 : i32
        %mul3A_791 = arith.muli %mul3A_790, %scan3A_757 : i32
        %add3A_792 = arith.constant 0 : i32
        %add3A_793 = arith.addi %add3A_792, %mul3A_791 : i32
        %get3A_794 = arith.index_cast %add3A_793 : i32 to index
        %get3A_795 = tpu.vector_load %arg9[%get3A_794] {strides = array<i32>} : memref<192xf32, #tpu.memory_space<vmem>>, vector<16xf32>,
        %mul3A_796 = arith.constant 16 : i32
        %mul3A_797 = arith.muli %mul3A_796, %scan3A_757 : i32
        %add3A_798 = arith.constant 96 : i32
        %add3A_799 = arith.addi %add3A_798, %mul3A_797 : i32
        %get3A_800 = arith.index_cast %add3A_799 : i32 to index
        %get3A_801 = tpu.vector_load %arg9[%get3A_800] {strides = array<i32>} : memref<192xf32, #tpu.memory_space<vmem>>, vector<16xf32>,
        %mul3A_802 = arith.constant 16 : i32
        %mul3A_803 = arith.muli %mul3A_802, %scan3A_757 : i32
        %add3A_804 = arith.constant 0 : i32
        %add3A_805 = arith.addi %add3A_804, %mul3A_803 : i32
        %add3A_806 = arith.constant 1 : i32
        %add3A_807 = arith.addi %add3A_805, %add3A_806 : i32
        %get3A_808 = arith.index_cast %add3A_807 : i32 to index
        %get3A_809 = tpu.vector_load %arg9[%get3A_808] {strides = array<i32>} : memref<192xf32, #tpu.memory_space<vmem>>, vector<16xf32>,
        %mul3A_810 = arith.constant 16 : i32
        %mul3A_811 = arith.muli %mul3A_810, %scan3A_757 : i32
        %add3A_812 = arith.constant 96 : i32
        %add3A_813 = arith.addi %add3A_812, %mul3A_811 : i32
        %add3A_814 = arith.constant 1 : i32
        %add3A_815 = arith.addi %add3A_813, %add3A_814 : i32
        %get3A_816 = arith.index_cast %add3A_815 : i32 to index
        %get3A_817 = tpu.vector_load %arg9[%get3A_816] {strides = array<i32>} : memref<192xf32, #tpu.memory_space<vmem>>, vector<16xf32>,
        %mul3A_818 = arith.constant 16 : i32
        %mul3A_819 = arith.muli %mul3A_818, %scan3A_757 : i32
        %add3A_820 = arith.constant 0 : i32
        %add3A_821 = arith.addi %add3A_820, %mul3A_819 : i32
        %get3A_822 = arith.index_cast %add3A_821 : i32 to index
        %get3A_823 = tpu.vector_load %arg10[%get3A_822] {strides = array<i32>} : memref<192xi32, #tpu.memory_space<vmem>>, vector<16xi32>,
        %mul3A_824 = arith.constant 16 : i32
        %mul3A_825 = arith.muli %mul3A_824, %scan3A_757 : i32
        %add3A_826 = arith.constant 96 : i32
        %add3A_827 = arith.addi %add3A_826, %mul3A_825 : i32
        %get3A_828 = arith.index_cast %add3A_827 : i32 to index
        %get3A_829 = tpu.vector_load %arg10[%get3A_828] {strides = array<i32>} : memref<192xi32, #tpu.memory_space<vmem>>, vector<16xi32>,
        %slice3A_830 = vector.extract_strided_slice %get3A_795 {offsets = [0], sizes = [1], strides = [1]} : vector<16xf32> to vector<1xf32>
        %squeeze3A_831 = vector.extract %slice3A_830[0] : f32 from vector<1xf32>
        %slice3A_832 = vector.extract_strided_slice %get3A_801 {offsets = [0], sizes = [1], strides = [1]} : vector<16xf32> to vector<1xf32>
        %squeeze3A_833 = vector.extract %slice3A_832[0] : f32 from vector<1xf32>
        %slice3A_834 = vector.extract_strided_slice %get3A_809 {offsets = [0], sizes = [1], strides = [1]} : vector<16xf32> to vector<1xf32>
        %squeeze3A_835 = vector.extract %slice3A_834[0] : f32 from vector<1xf32>
        %slice3A_836 = vector.extract_strided_slice %get3A_817 {offsets = [0], sizes = [1], strides = [1]} : vector<16xf32> to vector<1xf32>
        %squeeze3A_837 = vector.extract %slice3A_836[0] : f32 from vector<1xf32>
        %slice3A_838 = vector.extract_strided_slice %get3A_823 {offsets = [0], sizes = [1], strides = [1]} : vector<16xi32> to vector<1xi32>
        %squeeze3A_839 = vector.extract %slice3A_838[0] : i32 from vector<1xi32>
        %slice3A_840 = vector.extract_strided_slice %get3A_829 {offsets = [0], sizes = [1], strides = [1]} : vector<16xi32> to vector<1xi32>
        %squeeze3A_841 = vector.extract %slice3A_840[0] : i32 from vector<1xi32>
        %get3A_842 = arith.index_cast %squeeze3A_839 : i32 to index
        %get3A_843 = arith.constant 0 : index
        %get3A_844 = tpu.vector_load %arg7[%get3A_842, %get3A_843] {strides = array<i32>} : memref<65x64xf32, #tpu.memory_space<vmem>>, vector<16xf32>,
        %add3A_845 = arith.addf %scan3A_758, %get3A_844 : vector<16xf32>
        %mul3A_846 = vector.broadcast %squeeze3A_831 : f32 to vector<16xf32>
        %mul3A_847 = arith.mulf %get3A_844, %mul3A_846 : vector<16xf32>
        %add3A_848 = arith.addf %scan3A_782, %mul3A_847 : vector<16xf32>
        %sub3A_849 = arith.constant 1.000000e+00 : f32
        %sub3A_850 = vector.broadcast %sub3A_849 : f32 to vector<16xf32>
        %sub3A_851 = arith.subf %add3A_845, %sub3A_850 : vector<16xf32>
        %mul3A_852 = vector.broadcast %squeeze3A_831 : f32 to vector<16xf32>
        %mul3A_853 = arith.mulf %mul3A_852, %sub3A_851 : vector<16xf32>
        %ge3A_854 = arith.cmpf oge, %add3A_848, %mul3A_853 : vector<16xf32>
        %mul3A_855 = vector.broadcast %squeeze3A_835 : f32 to vector<16xf32>
        %mul3A_856 = arith.mulf %mul3A_855, %sub3A_851 : vector<16xf32>
        %le3A_857 = arith.cmpf ole, %add3A_848, %mul3A_856 : vector<16xf32>
        %and3A_858 = arith.andi %ge3A_854, %le3A_857 : vector<16xi1>
        %mul3A_859 = arith.mulf %add3A_848, %scan3A_774 : vector<16xf32>
        %mul3A_860 = arith.mulf %scan3A_766, %sub3A_851 : vector<16xf32>
        %lt3A_861 = arith.cmpf olt, %mul3A_859, %mul3A_860 : vector<16xf32>
        %and3A_862 = arith.andi %and3A_858, %lt3A_861 : vector<16xi1>
        %select_n3A_863 = arith.select %and3A_862, %add3A_848, %scan3A_766 : vector<16xi1>, vector<16xf32>
        %select_n3A_864 = arith.select %and3A_862, %sub3A_851, %scan3A_774 : vector<16xi1>, vector<16xf32>
        %get3A_865 = arith.index_cast %squeeze3A_839 : i32 to index
        %get3A_866 = arith.constant 16 : index
        %get3A_867 = tpu.vector_load %arg7[%get3A_865, %get3A_866] {strides = array<i32>} : memref<65x64xf32, #tpu.memory_space<vmem>>, vector<16xf32>,
        %add3A_868 = arith.addf %scan3A_759, %get3A_867 : vector<16xf32>
        %mul3A_869 = vector.broadcast %squeeze3A_831 : f32 to vector<16xf32>
        %mul3A_870 = arith.mulf %get3A_867, %mul3A_869 : vector<16xf32>
        %add3A_871 = arith.addf %scan3A_783, %mul3A_870 : vector<16xf32>
        %sub3A_872 = arith.constant 1.000000e+00 : f32
        %sub3A_873 = vector.broadcast %sub3A_872 : f32 to vector<16xf32>
        %sub3A_874 = arith.subf %add3A_868, %sub3A_873 : vector<16xf32>
        %mul3A_875 = vector.broadcast %squeeze3A_831 : f32 to vector<16xf32>
        %mul3A_876 = arith.mulf %mul3A_875, %sub3A_874 : vector<16xf32>
        %ge3A_877 = arith.cmpf oge, %add3A_871, %mul3A_876 : vector<16xf32>
        %mul3A_878 = vector.broadcast %squeeze3A_835 : f32 to vector<16xf32>
        %mul3A_879 = arith.mulf %mul3A_878, %sub3A_874 : vector<16xf32>
        %le3A_880 = arith.cmpf ole, %add3A_871, %mul3A_879 : vector<16xf32>
        %and3A_881 = arith.andi %ge3A_877, %le3A_880 : vector<16xi1>
        %mul3A_882 = arith.mulf %add3A_871, %scan3A_775 : vector<16xf32>
        %mul3A_883 = arith.mulf %scan3A_767, %sub3A_874 : vector<16xf32>
        %lt3A_884 = arith.cmpf olt, %mul3A_882, %mul3A_883 : vector<16xf32>
        %and3A_885 = arith.andi %and3A_881, %lt3A_884 : vector<16xi1>
        %select_n3A_886 = arith.select %and3A_885, %add3A_871, %scan3A_767 : vector<16xi1>, vector<16xf32>
        %select_n3A_887 = arith.select %and3A_885, %sub3A_874, %scan3A_775 : vector<16xi1>, vector<16xf32>
        %get3A_888 = arith.index_cast %squeeze3A_839 : i32 to index
        %get3A_889 = arith.constant 32 : index
        %get3A_890 = tpu.vector_load %arg7[%get3A_888, %get3A_889] {strides = array<i32>} : memref<65x64xf32, #tpu.memory_space<vmem>>, vector<16xf32>,
        %add3A_891 = arith.addf %scan3A_760, %get3A_890 : vector<16xf32>
        %mul3A_892 = vector.broadcast %squeeze3A_831 : f32 to vector<16xf32>
        %mul3A_893 = arith.mulf %get3A_890, %mul3A_892 : vector<16xf32>
        %add3A_894 = arith.addf %scan3A_784, %mul3A_893 : vector<16xf32>
        %sub3A_895 = arith.constant 1.000000e+00 : f32
        %sub3A_896 = vector.broadcast %sub3A_895 : f32 to vector<16xf32>
        %sub3A_897 = arith.subf %add3A_891, %sub3A_896 : vector<16xf32>
        %mul3A_898 = vector.broadcast %squeeze3A_831 : f32 to vector<16xf32>
        %mul3A_899 = arith.mulf %mul3A_898, %sub3A_897 : vector<16xf32>
        %ge3A_900 = arith.cmpf oge, %add3A_894, %mul3A_899 : vector<16xf32>
        %mul3A_901 = vector.broadcast %squeeze3A_835 : f32 to vector<16xf32>
        %mul3A_902 = arith.mulf %mul3A_901, %sub3A_897 : vector<16xf32>
        %le3A_903 = arith.cmpf ole, %add3A_894, %mul3A_902 : vector<16xf32>
        %and3A_904 = arith.andi %ge3A_900, %le3A_903 : vector<16xi1>
        %mul3A_905 = arith.mulf %add3A_894, %scan3A_776 : vector<16xf32>
        %mul3A_906 = arith.mulf %scan3A_768, %sub3A_897 : vector<16xf32>
        %lt3A_907 = arith.cmpf olt, %mul3A_905, %mul3A_906 : vector<16xf32>
        %and3A_908 = arith.andi %and3A_904, %lt3A_907 : vector<16xi1>
        %select_n3A_909 = arith.select %and3A_908, %add3A_894, %scan3A_768 : vector<16xi1>, vector<16xf32>
        %select_n3A_910 = arith.select %and3A_908, %sub3A_897, %scan3A_776 : vector<16xi1>, vector<16xf32>
        %get3A_911 = arith.index_cast %squeeze3A_839 : i32 to index
        %get3A_912 = arith.constant 48 : index
        %get3A_913 = tpu.vector_load %arg7[%get3A_911, %get3A_912] {strides = array<i32>} : memref<65x64xf32, #tpu.memory_space<vmem>>, vector<16xf32>,
        %add3A_914 = arith.addf %scan3A_761, %get3A_913 : vector<16xf32>
        %mul3A_915 = vector.broadcast %squeeze3A_831 : f32 to vector<16xf32>
        %mul3A_916 = arith.mulf %get3A_913, %mul3A_915 : vector<16xf32>
        %add3A_917 = arith.addf %scan3A_785, %mul3A_916 : vector<16xf32>
        %sub3A_918 = arith.constant 1.000000e+00 : f32
        %sub3A_919 = vector.broadcast %sub3A_918 : f32 to vector<16xf32>
        %sub3A_920 = arith.subf %add3A_914, %sub3A_919 : vector<16xf32>
        %mul3A_921 = vector.broadcast %squeeze3A_831 : f32 to vector<16xf32>
        %mul3A_922 = arith.mulf %mul3A_921, %sub3A_920 : vector<16xf32>
        %ge3A_923 = arith.cmpf oge, %add3A_917, %mul3A_922 : vector<16xf32>
        %mul3A_924 = vector.broadcast %squeeze3A_835 : f32 to vector<16xf32>
        %mul3A_925 = arith.mulf %mul3A_924, %sub3A_920 : vector<16xf32>
        %le3A_926 = arith.cmpf ole, %add3A_917, %mul3A_925 : vector<16xf32>
        %and3A_927 = arith.andi %ge3A_923, %le3A_926 : vector<16xi1>
        %mul3A_928 = arith.mulf %add3A_917, %scan3A_777 : vector<16xf32>
        %mul3A_929 = arith.mulf %scan3A_769, %sub3A_920 : vector<16xf32>
        %lt3A_930 = arith.cmpf olt, %mul3A_928, %mul3A_929 : vector<16xf32>
        %and3A_931 = arith.andi %and3A_927, %lt3A_930 : vector<16xi1>
        %select_n3A_932 = arith.select %and3A_931, %add3A_917, %scan3A_769 : vector<16xi1>, vector<16xf32>
        %select_n3A_933 = arith.select %and3A_931, %sub3A_920, %scan3A_777 : vector<16xi1>, vector<16xf32>
        %get3A_934 = arith.index_cast %squeeze3A_841 : i32 to index
        %get3A_935 = arith.constant 0 : index
        %get3A_936 = tpu.vector_load %arg7[%get3A_934, %get3A_935] {strides = array<i32>} : memref<65x64xf32, #tpu.memory_space<vmem>>, vector<16xf32>,
        %add3A_937 = arith.addf %scan3A_762, %get3A_936 : vector<16xf32>
        %mul3A_938 = vector.broadcast %squeeze3A_833 : f32 to vector<16xf32>
        %mul3A_939 = arith.mulf %get3A_936, %mul3A_938 : vector<16xf32>
        %add3A_940 = arith.addf %scan3A_786, %mul3A_939 : vector<16xf32>
        %sub3A_941 = arith.constant 1.000000e+00 : f32
        %sub3A_942 = vector.broadcast %sub3A_941 : f32 to vector<16xf32>
        %sub3A_943 = arith.subf %add3A_937, %sub3A_942 : vector<16xf32>
        %mul3A_944 = vector.broadcast %squeeze3A_833 : f32 to vector<16xf32>
        %mul3A_945 = arith.mulf %mul3A_944, %sub3A_943 : vector<16xf32>
        %ge3A_946 = arith.cmpf oge, %add3A_940, %mul3A_945 : vector<16xf32>
        %mul3A_947 = vector.broadcast %squeeze3A_837 : f32 to vector<16xf32>
        %mul3A_948 = arith.mulf %mul3A_947, %sub3A_943 : vector<16xf32>
        %le3A_949 = arith.cmpf ole, %add3A_940, %mul3A_948 : vector<16xf32>
        %and3A_950 = arith.andi %ge3A_946, %le3A_949 : vector<16xi1>
        %mul3A_951 = arith.mulf %add3A_940, %scan3A_778 : vector<16xf32>
        %mul3A_952 = arith.mulf %scan3A_770, %sub3A_943 : vector<16xf32>
        %lt3A_953 = arith.cmpf olt, %mul3A_951, %mul3A_952 : vector<16xf32>
        %and3A_954 = arith.andi %and3A_950, %lt3A_953 : vector<16xi1>
        %select_n3A_955 = arith.select %and3A_954, %add3A_940, %scan3A_770 : vector<16xi1>, vector<16xf32>
        %select_n3A_956 = arith.select %and3A_954, %sub3A_943, %scan3A_778 : vector<16xi1>, vector<16xf32>
        %get3A_957 = arith.index_cast %squeeze3A_841 : i32 to index
        %get3A_958 = arith.constant 16 : index
        %get3A_959 = tpu.vector_load %arg7[%get3A_957, %get3A_958] {strides = array<i32>} : memref<65x64xf32, #tpu.memory_space<vmem>>, vector<16xf32>,
        %add3A_960 = arith.addf %scan3A_763, %get3A_959 : vector<16xf32>
        %mul3A_961 = vector.broadcast %squeeze3A_833 : f32 to vector<16xf32>
        %mul3A_962 = arith.mulf %get3A_959, %mul3A_961 : vector<16xf32>
        %add3A_963 = arith.addf %scan3A_787, %mul3A_962 : vector<16xf32>
        %sub3A_964 = arith.constant 1.000000e+00 : f32
        %sub3A_965 = vector.broadcast %sub3A_964 : f32 to vector<16xf32>
        %sub3A_966 = arith.subf %add3A_960, %sub3A_965 : vector<16xf32>
        %mul3A_967 = vector.broadcast %squeeze3A_833 : f32 to vector<16xf32>
        %mul3A_968 = arith.mulf %mul3A_967, %sub3A_966 : vector<16xf32>
        %ge3A_969 = arith.cmpf oge, %add3A_963, %mul3A_968 : vector<16xf32>
        %mul3A_970 = vector.broadcast %squeeze3A_837 : f32 to vector<16xf32>
        %mul3A_971 = arith.mulf %mul3A_970, %sub3A_966 : vector<16xf32>
        %le3A_972 = arith.cmpf ole, %add3A_963, %mul3A_971 : vector<16xf32>
        %and3A_973 = arith.andi %ge3A_969, %le3A_972 : vector<16xi1>
        %mul3A_974 = arith.mulf %add3A_963, %scan3A_779 : vector<16xf32>
        %mul3A_975 = arith.mulf %scan3A_771, %sub3A_966 : vector<16xf32>
        %lt3A_976 = arith.cmpf olt, %mul3A_974, %mul3A_975 : vector<16xf32>
        %and3A_977 = arith.andi %and3A_973, %lt3A_976 : vector<16xi1>
        %select_n3A_978 = arith.select %and3A_977, %add3A_963, %scan3A_771 : vector<16xi1>, vector<16xf32>
        %select_n3A_979 = arith.select %and3A_977, %sub3A_966, %scan3A_779 : vector<16xi1>, vector<16xf32>
        %get3A_980 = arith.index_cast %squeeze3A_841 : i32 to index
        %get3A_981 = arith.constant 32 : index
        %get3A_982 = tpu.vector_load %arg7[%get3A_980, %get3A_981] {strides = array<i32>} : memref<65x64xf32, #tpu.memory_space<vmem>>, vector<16xf32>,
        %add3A_983 = arith.addf %scan3A_764, %get3A_982 : vector<16xf32>
        %mul3A_984 = vector.broadcast %squeeze3A_833 : f32 to vector<16xf32>
        %mul3A_985 = arith.mulf %get3A_982, %mul3A_984 : vector<16xf32>
        %add3A_986 = arith.addf %scan3A_788, %mul3A_985 : vector<16xf32>
        %sub3A_987 = arith.constant 1.000000e+00 : f32
        %sub3A_988 = vector.broadcast %sub3A_987 : f32 to vector<16xf32>
        %sub3A_989 = arith.subf %add3A_983, %sub3A_988 : vector<16xf32>
        %mul3A_990 = vector.broadcast %squeeze3A_833 : f32 to vector<16xf32>
        %mul3A_991 = arith.mulf %mul3A_990, %sub3A_989 : vector<16xf32>
        %ge3A_992 = arith.cmpf oge, %add3A_986, %mul3A_991 : vector<16xf32>
        %mul3A_993 = vector.broadcast %squeeze3A_837 : f32 to vector<16xf32>
        %mul3A_994 = arith.mulf %mul3A_993, %sub3A_989 : vector<16xf32>
        %le3A_995 = arith.cmpf ole, %add3A_986, %mul3A_994 : vector<16xf32>
        %and3A_996 = arith.andi %ge3A_992, %le3A_995 : vector<16xi1>
        %mul3A_997 = arith.mulf %add3A_986, %scan3A_780 : vector<16xf32>
        %mul3A_998 = arith.mulf %scan3A_772, %sub3A_989 : vector<16xf32>
        %lt3A_999 = arith.cmpf olt, %mul3A_997, %mul3A_998 : vector<16xf32>
        %and3A_1000 = arith.andi %and3A_996, %lt3A_999 : vector<16xi1>
        %select_n3A_1001 = arith.select %and3A_1000, %add3A_986, %scan3A_772 : vector<16xi1>, vector<16xf32>
        %select_n3A_1002 = arith.select %and3A_1000, %sub3A_989, %scan3A_780 : vector<16xi1>, vector<16xf32>
        %get3A_1003 = arith.index_cast %squeeze3A_841 : i32 to index
        %get3A_1004 = arith.constant 48 : index
        %get3A_1005 = tpu.vector_load %arg7[%get3A_1003, %get3A_1004] {strides = array<i32>} : memref<65x64xf32, #tpu.memory_space<vmem>>, vector<16xf32>,
        %add3A_1006 = arith.addf %scan3A_765, %get3A_1005 : vector<16xf32>
        %mul3A_1007 = vector.broadcast %squeeze3A_833 : f32 to vector<16xf32>
        %mul3A_1008 = arith.mulf %get3A_1005, %mul3A_1007 : vector<16xf32>
        %add3A_1009 = arith.addf %scan3A_789, %mul3A_1008 : vector<16xf32>
        %sub3A_1010 = arith.constant 1.000000e+00 : f32
        %sub3A_1011 = vector.broadcast %sub3A_1010 : f32 to vector<16xf32>
        %sub3A_1012 = arith.subf %add3A_1006, %sub3A_1011 : vector<16xf32>
        %mul3A_1013 = vector.broadcast %squeeze3A_833 : f32 to vector<16xf32>
        %mul3A_1014 = arith.mulf %mul3A_1013, %sub3A_1012 : vector<16xf32>
        %ge3A_1015 = arith.cmpf oge, %add3A_1009, %mul3A_1014 : vector<16xf32>
        %mul3A_1016 = vector.broadcast %squeeze3A_837 : f32 to vector<16xf32>
        %mul3A_1017 = arith.mulf %mul3A_1016, %sub3A_1012 : vector<16xf32>
        %le3A_1018 = arith.cmpf ole, %add3A_1009, %mul3A_1017 : vector<16xf32>
        %and3A_1019 = arith.andi %ge3A_1015, %le3A_1018 : vector<16xi1>
        %mul3A_1020 = arith.mulf %add3A_1009, %scan3A_781 : vector<16xf32>
        %mul3A_1021 = arith.mulf %scan3A_773, %sub3A_1012 : vector<16xf32>
        %lt3A_1022 = arith.cmpf olt, %mul3A_1020, %mul3A_1021 : vector<16xf32>
        %and3A_1023 = arith.andi %and3A_1019, %lt3A_1022 : vector<16xi1>
        %select_n3A_1024 = arith.select %and3A_1023, %add3A_1009, %scan3A_773 : vector<16xi1>, vector<16xf32>
        %select_n3A_1025 = arith.select %and3A_1023, %sub3A_1012, %scan3A_781 : vector<16xi1>, vector<16xf32>
        %slice3A_1026 = vector.extract_strided_slice %get3A_795 {offsets = [1], sizes = [1], strides = [1]} : vector<16xf32> to vector<1xf32>
        %squeeze3A_1027 = vector.extract %slice3A_1026[0] : f32 from vector<1xf32>
        %slice3A_1028 = vector.extract_strided_slice %get3A_801 {offsets = [1], sizes = [1], strides = [1]} : vector<16xf32> to vector<1xf32>
        %squeeze3A_1029 = vector.extract %slice3A_1028[0] : f32 from vector<1xf32>
        %slice3A_1030 = vector.extract_strided_slice %get3A_809 {offsets = [1], sizes = [1], strides = [1]} : vector<16xf32> to vector<1xf32>
        %squeeze3A_1031 = vector.extract %slice3A_1030[0] : f32 from vector<1xf32>
        %slice3A_1032 = vector.extract_strided_slice %get3A_817 {offsets = [1], sizes = [1], strides = [1]} : vector<16xf32> to vector<1xf32>
        %squeeze3A_1033 = vector.extract %slice3A_1032[0] : f32 from vector<1xf32>
        %slice3A_1034 = vector.extract_strided_slice %get3A_823 {offsets = [1], sizes = [1], strides = [1]} : vector<16xi32> to vector<1xi32>
        %squeeze3A_1035 = vector.extract %slice3A_1034[0] : i32 from vector<1xi32>
        %slice3A_1036 = vector.extract_strided_slice %get3A_829 {offsets = [1], sizes = [1], strides = [1]} : vector<16xi32> to vector<1xi32>
        %squeeze3A_1037 = vector.extract %slice3A_1036[0] : i32 from vector<1xi32>
        %get3A_1038 = arith.index_cast %squeeze3A_1035 : i32 to index
        %get3A_1039 = arith.constant 0 : index
        %get3A_1040 = tpu.vector_load %arg7[%get3A_1038, %get3A_1039] {strides = array<i32>} : memref<65x64xf32, #tpu.memory_space<vmem>>, vector<16xf32>,
        %add3A_1041 = arith.addf %add3A_845, %get3A_1040 : vector<16xf32>
        %mul3A_1042 = vector.broadcast %squeeze3A_1027 : f32 to vector<16xf32>
        %mul3A_1043 = arith.mulf %get3A_1040, %mul3A_1042 : vector<16xf32>
        %add3A_1044 = arith.addf %add3A_848, %mul3A_1043 : vector<16xf32>
        %sub3A_1045 = arith.constant 1.000000e+00 : f32
        %sub3A_1046 = vector.broadcast %sub3A_1045 : f32 to vector<16xf32>
        %sub3A_1047 = arith.subf %add3A_1041, %sub3A_1046 : vector<16xf32>
        %mul3A_1048 = vector.broadcast %squeeze3A_1027 : f32 to vector<16xf32>
        %mul3A_1049 = arith.mulf %mul3A_1048, %sub3A_1047 : vector<16xf32>
        %ge3A_1050 = arith.cmpf oge, %add3A_1044, %mul3A_1049 : vector<16xf32>
        %mul3A_1051 = vector.broadcast %squeeze3A_1031 : f32 to vector<16xf32>
        %mul3A_1052 = arith.mulf %mul3A_1051, %sub3A_1047 : vector<16xf32>
        %le3A_1053 = arith.cmpf ole, %add3A_1044, %mul3A_1052 : vector<16xf32>
        %and3A_1054 = arith.andi %ge3A_1050, %le3A_1053 : vector<16xi1>
        %mul3A_1055 = arith.mulf %add3A_1044, %select_n3A_864 : vector<16xf32>
        %mul3A_1056 = arith.mulf %select_n3A_863, %sub3A_1047 : vector<16xf32>
        %lt3A_1057 = arith.cmpf olt, %mul3A_1055, %mul3A_1056 : vector<16xf32>
        %and3A_1058 = arith.andi %and3A_1054, %lt3A_1057 : vector<16xi1>
        %select_n3A_1059 = arith.select %and3A_1058, %add3A_1044, %select_n3A_863 : vector<16xi1>, vector<16xf32>
        %select_n3A_1060 = arith.select %and3A_1058, %sub3A_1047, %select_n3A_864 : vector<16xi1>, vector<16xf32>
        %get3A_1061 = arith.index_cast %squeeze3A_1035 : i32 to index
        %get3A_1062 = arith.constant 16 : index
        %get3A_1063 = tpu.vector_load %arg7[%get3A_1061, %get3A_1062] {strides = array<i32>} : memref<65x64xf32, #tpu.memory_space<vmem>>, vector<16xf32>,
        %add3A_1064 = arith.addf %add3A_868, %get3A_1063 : vector<16xf32>
        %mul3A_1065 = vector.broadcast %squeeze3A_1027 : f32 to vector<16xf32>
        %mul3A_1066 = arith.mulf %get3A_1063, %mul3A_1065 : vector<16xf32>
        %add3A_1067 = arith.addf %add3A_871, %mul3A_1066 : vector<16xf32>
        %sub3A_1068 = arith.constant 1.000000e+00 : f32
        %sub3A_1069 = vector.broadcast %sub3A_1068 : f32 to vector<16xf32>
        %sub3A_1070 = arith.subf %add3A_1064, %sub3A_1069 : vector<16xf32>
        %mul3A_1071 = vector.broadcast %squeeze3A_1027 : f32 to vector<16xf32>
        %mul3A_1072 = arith.mulf %mul3A_1071, %sub3A_1070 : vector<16xf32>
        %ge3A_1073 = arith.cmpf oge, %add3A_1067, %mul3A_1072 : vector<16xf32>
        %mul3A_1074 = vector.broadcast %squeeze3A_1031 : f32 to vector<16xf32>
        %mul3A_1075 = arith.mulf %mul3A_1074, %sub3A_1070 : vector<16xf32>
        %le3A_1076 = arith.cmpf ole, %add3A_1067, %mul3A_1075 : vector<16xf32>
        %and3A_1077 = arith.andi %ge3A_1073, %le3A_1076 : vector<16xi1>
        %mul3A_1078 = arith.mulf %add3A_1067, %select_n3A_887 : vector<16xf32>
        %mul3A_1079 = arith.mulf %select_n3A_886, %sub3A_1070 : vector<16xf32>
        %lt3A_1080 = arith.cmpf olt, %mul3A_1078, %mul3A_1079 : vector<16xf32>
        %and3A_1081 = arith.andi %and3A_1077, %lt3A_1080 : vector<16xi1>
        %select_n3A_1082 = arith.select %and3A_1081, %add3A_1067, %select_n3A_886 : vector<16xi1>, vector<16xf32>
        %select_n3A_1083 = arith.select %and3A_1081, %sub3A_1070, %select_n3A_887 : vector<16xi1>, vector<16xf32>
        %get3A_1084 = arith.index_cast %squeeze3A_1035 : i32 to index
        %get3A_1085 = arith.constant 32 : index
        %get3A_1086 = tpu.vector_load %arg7[%get3A_1084, %get3A_1085] {strides = array<i32>} : memref<65x64xf32, #tpu.memory_space<vmem>>, vector<16xf32>,
        %add3A_1087 = arith.addf %add3A_891, %get3A_1086 : vector<16xf32>
        %mul3A_1088 = vector.broadcast %squeeze3A_1027 : f32 to vector<16xf32>
        %mul3A_1089 = arith.mulf %get3A_1086, %mul3A_1088 : vector<16xf32>
        %add3A_1090 = arith.addf %add3A_894, %mul3A_1089 : vector<16xf32>
        %sub3A_1091 = arith.constant 1.000000e+00 : f32
        %sub3A_1092 = vector.broadcast %sub3A_1091 : f32 to vector<16xf32>
        %sub3A_1093 = arith.subf %add3A_1087, %sub3A_1092 : vector<16xf32>
        %mul3A_1094 = vector.broadcast %squeeze3A_1027 : f32 to vector<16xf32>
        %mul3A_1095 = arith.mulf %mul3A_1094, %sub3A_1093 : vector<16xf32>
        %ge3A_1096 = arith.cmpf oge, %add3A_1090, %mul3A_1095 : vector<16xf32>
        %mul3A_1097 = vector.broadcast %squeeze3A_1031 : f32 to vector<16xf32>
        %mul3A_1098 = arith.mulf %mul3A_1097, %sub3A_1093 : vector<16xf32>
        %le3A_1099 = arith.cmpf ole, %add3A_1090, %mul3A_1098 : vector<16xf32>
        %and3A_1100 = arith.andi %ge3A_1096, %le3A_1099 : vector<16xi1>
        %mul3A_1101 = arith.mulf %add3A_1090, %select_n3A_910 : vector<16xf32>
        %mul3A_1102 = arith.mulf %select_n3A_909, %sub3A_1093 : vector<16xf32>
        %lt3A_1103 = arith.cmpf olt, %mul3A_1101, %mul3A_1102 : vector<16xf32>
        %and3A_1104 = arith.andi %and3A_1100, %lt3A_1103 : vector<16xi1>
        %select_n3A_1105 = arith.select %and3A_1104, %add3A_1090, %select_n3A_909 : vector<16xi1>, vector<16xf32>
        %select_n3A_1106 = arith.select %and3A_1104, %sub3A_1093, %select_n3A_910 : vector<16xi1>, vector<16xf32>
        %get3A_1107 = arith.index_cast %squeeze3A_1035 : i32 to index
        %get3A_1108 = arith.constant 48 : index
        %get3A_1109 = tpu.vector_load %arg7[%get3A_1107, %get3A_1108] {strides = array<i32>} : memref<65x64xf32, #tpu.memory_space<vmem>>, vector<16xf32>,
        %add3A_1110 = arith.addf %add3A_914, %get3A_1109 : vector<16xf32>
        %mul3A_1111 = vector.broadcast %squeeze3A_1027 : f32 to vector<16xf32>
        %mul3A_1112 = arith.mulf %get3A_1109, %mul3A_1111 : vector<16xf32>
        %add3A_1113 = arith.addf %add3A_917, %mul3A_1112 : vector<16xf32>
        %sub3A_1114 = arith.constant 1.000000e+00 : f32
        %sub3A_1115 = vector.broadcast %sub3A_1114 : f32 to vector<16xf32>
        %sub3A_1116 = arith.subf %add3A_1110, %sub3A_1115 : vector<16xf32>
        %mul3A_1117 = vector.broadcast %squeeze3A_1027 : f32 to vector<16xf32>
        %mul3A_1118 = arith.mulf %mul3A_1117, %sub3A_1116 : vector<16xf32>
        %ge3A_1119 = arith.cmpf oge, %add3A_1113, %mul3A_1118 : vector<16xf32>
        %mul3A_1120 = vector.broadcast %squeeze3A_1031 : f32 to vector<16xf32>
        %mul3A_1121 = arith.mulf %mul3A_1120, %sub3A_1116 : vector<16xf32>
        %le3A_1122 = arith.cmpf ole, %add3A_1113, %mul3A_1121 : vector<16xf32>
        %and3A_1123 = arith.andi %ge3A_1119, %le3A_1122 : vector<16xi1>
        %mul3A_1124 = arith.mulf %add3A_1113, %select_n3A_933 : vector<16xf32>
        %mul3A_1125 = arith.mulf %select_n3A_932, %sub3A_1116 : vector<16xf32>
        %lt3A_1126 = arith.cmpf olt, %mul3A_1124, %mul3A_1125 : vector<16xf32>
        %and3A_1127 = arith.andi %and3A_1123, %lt3A_1126 : vector<16xi1>
        %select_n3A_1128 = arith.select %and3A_1127, %add3A_1113, %select_n3A_932 : vector<16xi1>, vector<16xf32>
        %select_n3A_1129 = arith.select %and3A_1127, %sub3A_1116, %select_n3A_933 : vector<16xi1>, vector<16xf32>
        %get3A_1130 = arith.index_cast %squeeze3A_1037 : i32 to index
        %get3A_1131 = arith.constant 0 : index
        %get3A_1132 = tpu.vector_load %arg7[%get3A_1130, %get3A_1131] {strides = array<i32>} : memref<65x64xf32, #tpu.memory_space<vmem>>, vector<16xf32>,
        %add3A_1133 = arith.addf %add3A_937, %get3A_1132 : vector<16xf32>
        %mul3A_1134 = vector.broadcast %squeeze3A_1029 : f32 to vector<16xf32>
        %mul3A_1135 = arith.mulf %get3A_1132, %mul3A_1134 : vector<16xf32>
        %add3A_1136 = arith.addf %add3A_940, %mul3A_1135 : vector<16xf32>
        %sub3A_1137 = arith.constant 1.000000e+00 : f32
        %sub3A_1138 = vector.broadcast %sub3A_1137 : f32 to vector<16xf32>
        %sub3A_1139 = arith.subf %add3A_1133, %sub3A_1138 : vector<16xf32>
        %mul3A_1140 = vector.broadcast %squeeze3A_1029 : f32 to vector<16xf32>
        %mul3A_1141 = arith.mulf %mul3A_1140, %sub3A_1139 : vector<16xf32>
        %ge3A_1142 = arith.cmpf oge, %add3A_1136, %mul3A_1141 : vector<16xf32>
        %mul3A_1143 = vector.broadcast %squeeze3A_1033 : f32 to vector<16xf32>
        %mul3A_1144 = arith.mulf %mul3A_1143, %sub3A_1139 : vector<16xf32>
        %le3A_1145 = arith.cmpf ole, %add3A_1136, %mul3A_1144 : vector<16xf32>
        %and3A_1146 = arith.andi %ge3A_1142, %le3A_1145 : vector<16xi1>
        %mul3A_1147 = arith.mulf %add3A_1136, %select_n3A_956 : vector<16xf32>
        %mul3A_1148 = arith.mulf %select_n3A_955, %sub3A_1139 : vector<16xf32>
        %lt3A_1149 = arith.cmpf olt, %mul3A_1147, %mul3A_1148 : vector<16xf32>
        %and3A_1150 = arith.andi %and3A_1146, %lt3A_1149 : vector<16xi1>
        %select_n3A_1151 = arith.select %and3A_1150, %add3A_1136, %select_n3A_955 : vector<16xi1>, vector<16xf32>
        %select_n3A_1152 = arith.select %and3A_1150, %sub3A_1139, %select_n3A_956 : vector<16xi1>, vector<16xf32>
        %get3A_1153 = arith.index_cast %squeeze3A_1037 : i32 to index
        %get3A_1154 = arith.constant 16 : index
        %get3A_1155 = tpu.vector_load %arg7[%get3A_1153, %get3A_1154] {strides = array<i32>} : memref<65x64xf32, #tpu.memory_space<vmem>>, vector<16xf32>,
        %add3A_1156 = arith.addf %add3A_960, %get3A_1155 : vector<16xf32>
        %mul3A_1157 = vector.broadcast %squeeze3A_1029 : f32 to vector<16xf32>
        %mul3A_1158 = arith.mulf %get3A_1155, %mul3A_1157 : vector<16xf32>
        %add3A_1159 = arith.addf %add3A_963, %mul3A_1158 : vector<16xf32>
        %sub3A_1160 = arith.constant 1.000000e+00 : f32
        %sub3A_1161 = vector.broadcast %sub3A_1160 : f32 to vector<16xf32>
        %sub3A_1162 = arith.subf %add3A_1156, %sub3A_1161 : vector<16xf32>
        %mul3A_1163 = vector.broadcast %squeeze3A_1029 : f32 to vector<16xf32>
        %mul3A_1164 = arith.mulf %mul3A_1163, %sub3A_1162 : vector<16xf32>
        %ge3A_1165 = arith.cmpf oge, %add3A_1159, %mul3A_1164 : vector<16xf32>
        %mul3A_1166 = vector.broadcast %squeeze3A_1033 : f32 to vector<16xf32>
        %mul3A_1167 = arith.mulf %mul3A_1166, %sub3A_1162 : vector<16xf32>
        %le3A_1168 = arith.cmpf ole, %add3A_1159, %mul3A_1167 : vector<16xf32>
        %and3A_1169 = arith.andi %ge3A_1165, %le3A_1168 : vector<16xi1>
        %mul3A_1170 = arith.mulf %add3A_1159, %select_n3A_979 : vector<16xf32>
        %mul3A_1171 = arith.mulf %select_n3A_978, %sub3A_1162 : vector<16xf32>
        %lt3A_1172 = arith.cmpf olt, %mul3A_1170, %mul3A_1171 : vector<16xf32>
        %and3A_1173 = arith.andi %and3A_1169, %lt3A_1172 : vector<16xi1>
        %select_n3A_1174 = arith.select %and3A_1173, %add3A_1159, %select_n3A_978 : vector<16xi1>, vector<16xf32>
        %select_n3A_1175 = arith.select %and3A_1173, %sub3A_1162, %select_n3A_979 : vector<16xi1>, vector<16xf32>
        %get3A_1176 = arith.index_cast %squeeze3A_1037 : i32 to index
        %get3A_1177 = arith.constant 32 : index
        %get3A_1178 = tpu.vector_load %arg7[%get3A_1176, %get3A_1177] {strides = array<i32>} : memref<65x64xf32, #tpu.memory_space<vmem>>, vector<16xf32>,
        %add3A_1179 = arith.addf %add3A_983, %get3A_1178 : vector<16xf32>
        %mul3A_1180 = vector.broadcast %squeeze3A_1029 : f32 to vector<16xf32>
        %mul3A_1181 = arith.mulf %get3A_1178, %mul3A_1180 : vector<16xf32>
        %add3A_1182 = arith.addf %add3A_986, %mul3A_1181 : vector<16xf32>
        %sub3A_1183 = arith.constant 1.000000e+00 : f32
        %sub3A_1184 = vector.broadcast %sub3A_1183 : f32 to vector<16xf32>
        %sub3A_1185 = arith.subf %add3A_1179, %sub3A_1184 : vector<16xf32>
        %mul3A_1186 = vector.broadcast %squeeze3A_1029 : f32 to vector<16xf32>
        %mul3A_1187 = arith.mulf %mul3A_1186, %sub3A_1185 : vector<16xf32>
        %ge3A_1188 = arith.cmpf oge, %add3A_1182, %mul3A_1187 : vector<16xf32>
        %mul3A_1189 = vector.broadcast %squeeze3A_1033 : f32 to vector<16xf32>
        %mul3A_1190 = arith.mulf %mul3A_1189, %sub3A_1185 : vector<16xf32>
        %le3A_1191 = arith.cmpf ole, %add3A_1182, %mul3A_1190 : vector<16xf32>
        %and3A_1192 = arith.andi %ge3A_1188, %le3A_1191 : vector<16xi1>
        %mul3A_1193 = arith.mulf %add3A_1182, %select_n3A_1002 : vector<16xf32>
        %mul3A_1194 = arith.mulf %select_n3A_1001, %sub3A_1185 : vector<16xf32>
        %lt3A_1195 = arith.cmpf olt, %mul3A_1193, %mul3A_1194 : vector<16xf32>
        %and3A_1196 = arith.andi %and3A_1192, %lt3A_1195 : vector<16xi1>
        %select_n3A_1197 = arith.select %and3A_1196, %add3A_1182, %select_n3A_1001 : vector<16xi1>, vector<16xf32>
        %select_n3A_1198 = arith.select %and3A_1196, %sub3A_1185, %select_n3A_1002 : vector<16xi1>, vector<16xf32>
        %get3A_1199 = arith.index_cast %squeeze3A_1037 : i32 to index
        %get3A_1200 = arith.constant 48 : index
        %get3A_1201 = tpu.vector_load %arg7[%get3A_1199, %get3A_1200] {strides = array<i32>} : memref<65x64xf32, #tpu.memory_space<vmem>>, vector<16xf32>,
        %add3A_1202 = arith.addf %add3A_1006, %get3A_1201 : vector<16xf32>
        %mul3A_1203 = vector.broadcast %squeeze3A_1029 : f32 to vector<16xf32>
        %mul3A_1204 = arith.mulf %get3A_1201, %mul3A_1203 : vector<16xf32>
        %add3A_1205 = arith.addf %add3A_1009, %mul3A_1204 : vector<16xf32>
        %sub3A_1206 = arith.constant 1.000000e+00 : f32
        %sub3A_1207 = vector.broadcast %sub3A_1206 : f32 to vector<16xf32>
        %sub3A_1208 = arith.subf %add3A_1202, %sub3A_1207 : vector<16xf32>
        %mul3A_1209 = vector.broadcast %squeeze3A_1029 : f32 to vector<16xf32>
        %mul3A_1210 = arith.mulf %mul3A_1209, %sub3A_1208 : vector<16xf32>
        %ge3A_1211 = arith.cmpf oge, %add3A_1205, %mul3A_1210 : vector<16xf32>
        %mul3A_1212 = vector.broadcast %squeeze3A_1033 : f32 to vector<16xf32>
        %mul3A_1213 = arith.mulf %mul3A_1212, %sub3A_1208 : vector<16xf32>
        %le3A_1214 = arith.cmpf ole, %add3A_1205, %mul3A_1213 : vector<16xf32>
        %and3A_1215 = arith.andi %ge3A_1211, %le3A_1214 : vector<16xi1>
        %mul3A_1216 = arith.mulf %add3A_1205, %select_n3A_1025 : vector<16xf32>
        %mul3A_1217 = arith.mulf %select_n3A_1024, %sub3A_1208 : vector<16xf32>
        %lt3A_1218 = arith.cmpf olt, %mul3A_1216, %mul3A_1217 : vector<16xf32>
        %and3A_1219 = arith.andi %and3A_1215, %lt3A_1218 : vector<16xi1>
        %select_n3A_1220 = arith.select %and3A_1219, %add3A_1205, %select_n3A_1024 : vector<16xi1>, vector<16xf32>
        %select_n3A_1221 = arith.select %and3A_1219, %sub3A_1208, %select_n3A_1025 : vector<16xi1>, vector<16xf32>
        %slice3A_1222 = vector.extract_strided_slice %get3A_795 {offsets = [2], sizes = [1], strides = [1]} : vector<16xf32> to vector<1xf32>
        %squeeze3A_1223 = vector.extract %slice3A_1222[0] : f32 from vector<1xf32>
        %slice3A_1224 = vector.extract_strided_slice %get3A_801 {offsets = [2], sizes = [1], strides = [1]} : vector<16xf32> to vector<1xf32>
        %squeeze3A_1225 = vector.extract %slice3A_1224[0] : f32 from vector<1xf32>
        %slice3A_1226 = vector.extract_strided_slice %get3A_809 {offsets = [2], sizes = [1], strides = [1]} : vector<16xf32> to vector<1xf32>
        %squeeze3A_1227 = vector.extract %slice3A_1226[0] : f32 from vector<1xf32>
        %slice3A_1228 = vector.extract_strided_slice %get3A_817 {offsets = [2], sizes = [1], strides = [1]} : vector<16xf32> to vector<1xf32>
        %squeeze3A_1229 = vector.extract %slice3A_1228[0] : f32 from vector<1xf32>
        %slice3A_1230 = vector.extract_strided_slice %get3A_823 {offsets = [2], sizes = [1], strides = [1]} : vector<16xi32> to vector<1xi32>
        %squeeze3A_1231 = vector.extract %slice3A_1230[0] : i32 from vector<1xi32>
        %slice3A_1232 = vector.extract_strided_slice %get3A_829 {offsets = [2], sizes = [1], strides = [1]} : vector<16xi32> to vector<1xi32>
        %squeeze3A_1233 = vector.extract %slice3A_1232[0] : i32 from vector<1xi32>
        %get3A_1234 = arith.index_cast %squeeze3A_1231 : i32 to index
        %get3A_1235 = arith.constant 0 : index
        %get3A_1236 = tpu.vector_load %arg7[%get3A_1234, %get3A_1235] {strides = array<i32>} : memref<65x64xf32, #tpu.memory_space<vmem>>, vector<16xf32>,
        %add3A_1237 = arith.addf %add3A_1041, %get3A_1236 : vector<16xf32>
        %mul3A_1238 = vector.broadcast %squeeze3A_1223 : f32 to vector<16xf32>
        %mul3A_1239 = arith.mulf %get3A_1236, %mul3A_1238 : vector<16xf32>
        %add3A_1240 = arith.addf %add3A_1044, %mul3A_1239 : vector<16xf32>
        %sub3A_1241 = arith.constant 1.000000e+00 : f32
        %sub3A_1242 = vector.broadcast %sub3A_1241 : f32 to vector<16xf32>
        %sub3A_1243 = arith.subf %add3A_1237, %sub3A_1242 : vector<16xf32>
        %mul3A_1244 = vector.broadcast %squeeze3A_1223 : f32 to vector<16xf32>
        %mul3A_1245 = arith.mulf %mul3A_1244, %sub3A_1243 : vector<16xf32>
        %ge3A_1246 = arith.cmpf oge, %add3A_1240, %mul3A_1245 : vector<16xf32>
        %mul3A_1247 = vector.broadcast %squeeze3A_1227 : f32 to vector<16xf32>
        %mul3A_1248 = arith.mulf %mul3A_1247, %sub3A_1243 : vector<16xf32>
        %le3A_1249 = arith.cmpf ole, %add3A_1240, %mul3A_1248 : vector<16xf32>
        %and3A_1250 = arith.andi %ge3A_1246, %le3A_1249 : vector<16xi1>
        %mul3A_1251 = arith.mulf %add3A_1240, %select_n3A_1060 : vector<16xf32>
        %mul3A_1252 = arith.mulf %select_n3A_1059, %sub3A_1243 : vector<16xf32>
        %lt3A_1253 = arith.cmpf olt, %mul3A_1251, %mul3A_1252 : vector<16xf32>
        %and3A_1254 = arith.andi %and3A_1250, %lt3A_1253 : vector<16xi1>
        %select_n3A_1255 = arith.select %and3A_1254, %add3A_1240, %select_n3A_1059 : vector<16xi1>, vector<16xf32>
        %select_n3A_1256 = arith.select %and3A_1254, %sub3A_1243, %select_n3A_1060 : vector<16xi1>, vector<16xf32>
        %get3A_1257 = arith.index_cast %squeeze3A_1231 : i32 to index
        %get3A_1258 = arith.constant 16 : index
        %get3A_1259 = tpu.vector_load %arg7[%get3A_1257, %get3A_1258] {strides = array<i32>} : memref<65x64xf32, #tpu.memory_space<vmem>>, vector<16xf32>,
        %add3A_1260 = arith.addf %add3A_1064, %get3A_1259 : vector<16xf32>
        %mul3A_1261 = vector.broadcast %squeeze3A_1223 : f32 to vector<16xf32>
        %mul3A_1262 = arith.mulf %get3A_1259, %mul3A_1261 : vector<16xf32>
        %add3A_1263 = arith.addf %add3A_1067, %mul3A_1262 : vector<16xf32>
        %sub3A_1264 = arith.constant 1.000000e+00 : f32
        %sub3A_1265 = vector.broadcast %sub3A_1264 : f32 to vector<16xf32>
        %sub3A_1266 = arith.subf %add3A_1260, %sub3A_1265 : vector<16xf32>
        %mul3A_1267 = vector.broadcast %squeeze3A_1223 : f32 to vector<16xf32>
        %mul3A_1268 = arith.mulf %mul3A_1267, %sub3A_1266 : vector<16xf32>
        %ge3A_1269 = arith.cmpf oge, %add3A_1263, %mul3A_1268 : vector<16xf32>
        %mul3A_1270 = vector.broadcast %squeeze3A_1227 : f32 to vector<16xf32>
        %mul3A_1271 = arith.mulf %mul3A_1270, %sub3A_1266 : vector<16xf32>
        %le3A_1272 = arith.cmpf ole, %add3A_1263, %mul3A_1271 : vector<16xf32>
        %and3A_1273 = arith.andi %ge3A_1269, %le3A_1272 : vector<16xi1>
        %mul3A_1274 = arith.mulf %add3A_1263, %select_n3A_1083 : vector<16xf32>
        %mul3A_1275 = arith.mulf %select_n3A_1082, %sub3A_1266 : vector<16xf32>
        %lt3A_1276 = arith.cmpf olt, %mul3A_1274, %mul3A_1275 : vector<16xf32>
        %and3A_1277 = arith.andi %and3A_1273, %lt3A_1276 : vector<16xi1>
        %select_n3A_1278 = arith.select %and3A_1277, %add3A_1263, %select_n3A_1082 : vector<16xi1>, vector<16xf32>
        %select_n3A_1279 = arith.select %and3A_1277, %sub3A_1266, %select_n3A_1083 : vector<16xi1>, vector<16xf32>
        %get3A_1280 = arith.index_cast %squeeze3A_1231 : i32 to index
        %get3A_1281 = arith.constant 32 : index
        %get3A_1282 = tpu.vector_load %arg7[%get3A_1280, %get3A_1281] {strides = array<i32>} : memref<65x64xf32, #tpu.memory_space<vmem>>, vector<16xf32>,
        %add3A_1283 = arith.addf %add3A_1087, %get3A_1282 : vector<16xf32>
        %mul3A_1284 = vector.broadcast %squeeze3A_1223 : f32 to vector<16xf32>
        %mul3A_1285 = arith.mulf %get3A_1282, %mul3A_1284 : vector<16xf32>
        %add3A_1286 = arith.addf %add3A_1090, %mul3A_1285 : vector<16xf32>
        %sub3A_1287 = arith.constant 1.000000e+00 : f32
        %sub3A_1288 = vector.broadcast %sub3A_1287 : f32 to vector<16xf32>
        %sub3A_1289 = arith.subf %add3A_1283, %sub3A_1288 : vector<16xf32>
        %mul3A_1290 = vector.broadcast %squeeze3A_1223 : f32 to vector<16xf32>
        %mul3A_1291 = arith.mulf %mul3A_1290, %sub3A_1289 : vector<16xf32>
        %ge3A_1292 = arith.cmpf oge, %add3A_1286, %mul3A_1291 : vector<16xf32>
        %mul3A_1293 = vector.broadcast %squeeze3A_1227 : f32 to vector<16xf32>
        %mul3A_1294 = arith.mulf %mul3A_1293, %sub3A_1289 : vector<16xf32>
        %le3A_1295 = arith.cmpf ole, %add3A_1286, %mul3A_1294 : vector<16xf32>
        %and3A_1296 = arith.andi %ge3A_1292, %le3A_1295 : vector<16xi1>
        %mul3A_1297 = arith.mulf %add3A_1286, %select_n3A_1106 : vector<16xf32>
        %mul3A_1298 = arith.mulf %select_n3A_1105, %sub3A_1289 : vector<16xf32>
        %lt3A_1299 = arith.cmpf olt, %mul3A_1297, %mul3A_1298 : vector<16xf32>
        %and3A_1300 = arith.andi %and3A_1296, %lt3A_1299 : vector<16xi1>
        %select_n3A_1301 = arith.select %and3A_1300, %add3A_1286, %select_n3A_1105 : vector<16xi1>, vector<16xf32>
        %select_n3A_1302 = arith.select %and3A_1300, %sub3A_1289, %select_n3A_1106 : vector<16xi1>, vector<16xf32>
        %get3A_1303 = arith.index_cast %squeeze3A_1231 : i32 to index
        %get3A_1304 = arith.constant 48 : index
        %get3A_1305 = tpu.vector_load %arg7[%get3A_1303, %get3A_1304] {strides = array<i32>} : memref<65x64xf32, #tpu.memory_space<vmem>>, vector<16xf32>,
        %add3A_1306 = arith.addf %add3A_1110, %get3A_1305 : vector<16xf32>
        %mul3A_1307 = vector.broadcast %squeeze3A_1223 : f32 to vector<16xf32>
        %mul3A_1308 = arith.mulf %get3A_1305, %mul3A_1307 : vector<16xf32>
        %add3A_1309 = arith.addf %add3A_1113, %mul3A_1308 : vector<16xf32>
        %sub3A_1310 = arith.constant 1.000000e+00 : f32
        %sub3A_1311 = vector.broadcast %sub3A_1310 : f32 to vector<16xf32>
        %sub3A_1312 = arith.subf %add3A_1306, %sub3A_1311 : vector<16xf32>
        %mul3A_1313 = vector.broadcast %squeeze3A_1223 : f32 to vector<16xf32>
        %mul3A_1314 = arith.mulf %mul3A_1313, %sub3A_1312 : vector<16xf32>
        %ge3A_1315 = arith.cmpf oge, %add3A_1309, %mul3A_1314 : vector<16xf32>
        %mul3A_1316 = vector.broadcast %squeeze3A_1227 : f32 to vector<16xf32>
        %mul3A_1317 = arith.mulf %mul3A_1316, %sub3A_1312 : vector<16xf32>
        %le3A_1318 = arith.cmpf ole, %add3A_1309, %mul3A_1317 : vector<16xf32>
        %and3A_1319 = arith.andi %ge3A_1315, %le3A_1318 : vector<16xi1>
        %mul3A_1320 = arith.mulf %add3A_1309, %select_n3A_1129 : vector<16xf32>
        %mul3A_1321 = arith.mulf %select_n3A_1128, %sub3A_1312 : vector<16xf32>
        %lt3A_1322 = arith.cmpf olt, %mul3A_1320, %mul3A_1321 : vector<16xf32>
        %and3A_1323 = arith.andi %and3A_1319, %lt3A_1322 : vector<16xi1>
        %select_n3A_1324 = arith.select %and3A_1323, %add3A_1309, %select_n3A_1128 : vector<16xi1>, vector<16xf32>
        %select_n3A_1325 = arith.select %and3A_1323, %sub3A_1312, %select_n3A_1129 : vector<16xi1>, vector<16xf32>
        %get3A_1326 = arith.index_cast %squeeze3A_1233 : i32 to index
        %get3A_1327 = arith.constant 0 : index
        %get3A_1328 = tpu.vector_load %arg7[%get3A_1326, %get3A_1327] {strides = array<i32>} : memref<65x64xf32, #tpu.memory_space<vmem>>, vector<16xf32>,
        %add3A_1329 = arith.addf %add3A_1133, %get3A_1328 : vector<16xf32>
        %mul3A_1330 = vector.broadcast %squeeze3A_1225 : f32 to vector<16xf32>
        %mul3A_1331 = arith.mulf %get3A_1328, %mul3A_1330 : vector<16xf32>
        %add3A_1332 = arith.addf %add3A_1136, %mul3A_1331 : vector<16xf32>
        %sub3A_1333 = arith.constant 1.000000e+00 : f32
        %sub3A_1334 = vector.broadcast %sub3A_1333 : f32 to vector<16xf32>
        %sub3A_1335 = arith.subf %add3A_1329, %sub3A_1334 : vector<16xf32>
        %mul3A_1336 = vector.broadcast %squeeze3A_1225 : f32 to vector<16xf32>
        %mul3A_1337 = arith.mulf %mul3A_1336, %sub3A_1335 : vector<16xf32>
        %ge3A_1338 = arith.cmpf oge, %add3A_1332, %mul3A_1337 : vector<16xf32>
        %mul3A_1339 = vector.broadcast %squeeze3A_1229 : f32 to vector<16xf32>
        %mul3A_1340 = arith.mulf %mul3A_1339, %sub3A_1335 : vector<16xf32>
        %le3A_1341 = arith.cmpf ole, %add3A_1332, %mul3A_1340 : vector<16xf32>
        %and3A_1342 = arith.andi %ge3A_1338, %le3A_1341 : vector<16xi1>
        %mul3A_1343 = arith.mulf %add3A_1332, %select_n3A_1152 : vector<16xf32>
        %mul3A_1344 = arith.mulf %select_n3A_1151, %sub3A_1335 : vector<16xf32>
        %lt3A_1345 = arith.cmpf olt, %mul3A_1343, %mul3A_1344 : vector<16xf32>
        %and3A_1346 = arith.andi %and3A_1342, %lt3A_1345 : vector<16xi1>
        %select_n3A_1347 = arith.select %and3A_1346, %add3A_1332, %select_n3A_1151 : vector<16xi1>, vector<16xf32>
        %select_n3A_1348 = arith.select %and3A_1346, %sub3A_1335, %select_n3A_1152 : vector<16xi1>, vector<16xf32>
        %get3A_1349 = arith.index_cast %squeeze3A_1233 : i32 to index
        %get3A_1350 = arith.constant 16 : index
        %get3A_1351 = tpu.vector_load %arg7[%get3A_1349, %get3A_1350] {strides = array<i32>} : memref<65x64xf32, #tpu.memory_space<vmem>>, vector<16xf32>,
        %add3A_1352 = arith.addf %add3A_1156, %get3A_1351 : vector<16xf32>
        %mul3A_1353 = vector.broadcast %squeeze3A_1225 : f32 to vector<16xf32>
        %mul3A_1354 = arith.mulf %get3A_1351, %mul3A_1353 : vector<16xf32>
        %add3A_1355 = arith.addf %add3A_1159, %mul3A_1354 : vector<16xf32>
        %sub3A_1356 = arith.constant 1.000000e+00 : f32
        %sub3A_1357 = vector.broadcast %sub3A_1356 : f32 to vector<16xf32>
        %sub3A_1358 = arith.subf %add3A_1352, %sub3A_1357 : vector<16xf32>
        %mul3A_1359 = vector.broadcast %squeeze3A_1225 : f32 to vector<16xf32>
        %mul3A_1360 = arith.mulf %mul3A_1359, %sub3A_1358 : vector<16xf32>
        %ge3A_1361 = arith.cmpf oge, %add3A_1355, %mul3A_1360 : vector<16xf32>
        %mul3A_1362 = vector.broadcast %squeeze3A_1229 : f32 to vector<16xf32>
        %mul3A_1363 = arith.mulf %mul3A_1362, %sub3A_1358 : vector<16xf32>
        %le3A_1364 = arith.cmpf ole, %add3A_1355, %mul3A_1363 : vector<16xf32>
        %and3A_1365 = arith.andi %ge3A_1361, %le3A_1364 : vector<16xi1>
        %mul3A_1366 = arith.mulf %add3A_1355, %select_n3A_1175 : vector<16xf32>
        %mul3A_1367 = arith.mulf %select_n3A_1174, %sub3A_1358 : vector<16xf32>
        %lt3A_1368 = arith.cmpf olt, %mul3A_1366, %mul3A_1367 : vector<16xf32>
        %and3A_1369 = arith.andi %and3A_1365, %lt3A_1368 : vector<16xi1>
        %select_n3A_1370 = arith.select %and3A_1369, %add3A_1355, %select_n3A_1174 : vector<16xi1>, vector<16xf32>
        %select_n3A_1371 = arith.select %and3A_1369, %sub3A_1358, %select_n3A_1175 : vector<16xi1>, vector<16xf32>
        %get3A_1372 = arith.index_cast %squeeze3A_1233 : i32 to index
        %get3A_1373 = arith.constant 32 : index
        %get3A_1374 = tpu.vector_load %arg7[%get3A_1372, %get3A_1373] {strides = array<i32>} : memref<65x64xf32, #tpu.memory_space<vmem>>, vector<16xf32>,
        %add3A_1375 = arith.addf %add3A_1179, %get3A_1374 : vector<16xf32>
        %mul3A_1376 = vector.broadcast %squeeze3A_1225 : f32 to vector<16xf32>
        %mul3A_1377 = arith.mulf %get3A_1374, %mul3A_1376 : vector<16xf32>
        %add3A_1378 = arith.addf %add3A_1182, %mul3A_1377 : vector<16xf32>
        %sub3A_1379 = arith.constant 1.000000e+00 : f32
        %sub3A_1380 = vector.broadcast %sub3A_1379 : f32 to vector<16xf32>
        %sub3A_1381 = arith.subf %add3A_1375, %sub3A_1380 : vector<16xf32>
        %mul3A_1382 = vector.broadcast %squeeze3A_1225 : f32 to vector<16xf32>
        %mul3A_1383 = arith.mulf %mul3A_1382, %sub3A_1381 : vector<16xf32>
        %ge3A_1384 = arith.cmpf oge, %add3A_1378, %mul3A_1383 : vector<16xf32>
        %mul3A_1385 = vector.broadcast %squeeze3A_1229 : f32 to vector<16xf32>
        %mul3A_1386 = arith.mulf %mul3A_1385, %sub3A_1381 : vector<16xf32>
        %le3A_1387 = arith.cmpf ole, %add3A_1378, %mul3A_1386 : vector<16xf32>
        %and3A_1388 = arith.andi %ge3A_1384, %le3A_1387 : vector<16xi1>
        %mul3A_1389 = arith.mulf %add3A_1378, %select_n3A_1198 : vector<16xf32>
        %mul3A_1390 = arith.mulf %select_n3A_1197, %sub3A_1381 : vector<16xf32>
        %lt3A_1391 = arith.cmpf olt, %mul3A_1389, %mul3A_1390 : vector<16xf32>
        %and3A_1392 = arith.andi %and3A_1388, %lt3A_1391 : vector<16xi1>
        %select_n3A_1393 = arith.select %and3A_1392, %add3A_1378, %select_n3A_1197 : vector<16xi1>, vector<16xf32>
        %select_n3A_1394 = arith.select %and3A_1392, %sub3A_1381, %select_n3A_1198 : vector<16xi1>, vector<16xf32>
        %get3A_1395 = arith.index_cast %squeeze3A_1233 : i32 to index
        %get3A_1396 = arith.constant 48 : index
        %get3A_1397 = tpu.vector_load %arg7[%get3A_1395, %get3A_1396] {strides = array<i32>} : memref<65x64xf32, #tpu.memory_space<vmem>>, vector<16xf32>,
        %add3A_1398 = arith.addf %add3A_1202, %get3A_1397 : vector<16xf32>
        %mul3A_1399 = vector.broadcast %squeeze3A_1225 : f32 to vector<16xf32>
        %mul3A_1400 = arith.mulf %get3A_1397, %mul3A_1399 : vector<16xf32>
        %add3A_1401 = arith.addf %add3A_1205, %mul3A_1400 : vector<16xf32>
        %sub3A_1402 = arith.constant 1.000000e+00 : f32
        %sub3A_1403 = vector.broadcast %sub3A_1402 : f32 to vector<16xf32>
        %sub3A_1404 = arith.subf %add3A_1398, %sub3A_1403 : vector<16xf32>
        %mul3A_1405 = vector.broadcast %squeeze3A_1225 : f32 to vector<16xf32>
        %mul3A_1406 = arith.mulf %mul3A_1405, %sub3A_1404 : vector<16xf32>
        %ge3A_1407 = arith.cmpf oge, %add3A_1401, %mul3A_1406 : vector<16xf32>
        %mul3A_1408 = vector.broadcast %squeeze3A_1229 : f32 to vector<16xf32>
        %mul3A_1409 = arith.mulf %mul3A_1408, %sub3A_1404 : vector<16xf32>
        %le3A_1410 = arith.cmpf ole, %add3A_1401, %mul3A_1409 : vector<16xf32>
        %and3A_1411 = arith.andi %ge3A_1407, %le3A_1410 : vector<16xi1>
        %mul3A_1412 = arith.mulf %add3A_1401, %select_n3A_1221 : vector<16xf32>
        %mul3A_1413 = arith.mulf %select_n3A_1220, %sub3A_1404 : vector<16xf32>
        %lt3A_1414 = arith.cmpf olt, %mul3A_1412, %mul3A_1413 : vector<16xf32>
        %and3A_1415 = arith.andi %and3A_1411, %lt3A_1414 : vector<16xi1>
        %select_n3A_1416 = arith.select %and3A_1415, %add3A_1401, %select_n3A_1220 : vector<16xi1>, vector<16xf32>
        %select_n3A_1417 = arith.select %and3A_1415, %sub3A_1404, %select_n3A_1221 : vector<16xi1>, vector<16xf32>
        %slice3A_1418 = vector.extract_strided_slice %get3A_795 {offsets = [3], sizes = [1], strides = [1]} : vector<16xf32> to vector<1xf32>
        %squeeze3A_1419 = vector.extract %slice3A_1418[0] : f32 from vector<1xf32>
        %slice3A_1420 = vector.extract_strided_slice %get3A_801 {offsets = [3], sizes = [1], strides = [1]} : vector<16xf32> to vector<1xf32>
        %squeeze3A_1421 = vector.extract %slice3A_1420[0] : f32 from vector<1xf32>
        %slice3A_1422 = vector.extract_strided_slice %get3A_809 {offsets = [3], sizes = [1], strides = [1]} : vector<16xf32> to vector<1xf32>
        %squeeze3A_1423 = vector.extract %slice3A_1422[0] : f32 from vector<1xf32>
        %slice3A_1424 = vector.extract_strided_slice %get3A_817 {offsets = [3], sizes = [1], strides = [1]} : vector<16xf32> to vector<1xf32>
        %squeeze3A_1425 = vector.extract %slice3A_1424[0] : f32 from vector<1xf32>
        %slice3A_1426 = vector.extract_strided_slice %get3A_823 {offsets = [3], sizes = [1], strides = [1]} : vector<16xi32> to vector<1xi32>
        %squeeze3A_1427 = vector.extract %slice3A_1426[0] : i32 from vector<1xi32>
        %slice3A_1428 = vector.extract_strided_slice %get3A_829 {offsets = [3], sizes = [1], strides = [1]} : vector<16xi32> to vector<1xi32>
        %squeeze3A_1429 = vector.extract %slice3A_1428[0] : i32 from vector<1xi32>
        %get3A_1430 = arith.index_cast %squeeze3A_1427 : i32 to index
        %get3A_1431 = arith.constant 0 : index
        %get3A_1432 = tpu.vector_load %arg7[%get3A_1430, %get3A_1431] {strides = array<i32>} : memref<65x64xf32, #tpu.memory_space<vmem>>, vector<16xf32>,
        %add3A_1433 = arith.addf %add3A_1237, %get3A_1432 : vector<16xf32>
        %mul3A_1434 = vector.broadcast %squeeze3A_1419 : f32 to vector<16xf32>
        %mul3A_1435 = arith.mulf %get3A_1432, %mul3A_1434 : vector<16xf32>
        %add3A_1436 = arith.addf %add3A_1240, %mul3A_1435 : vector<16xf32>
        %sub3A_1437 = arith.constant 1.000000e+00 : f32
        %sub3A_1438 = vector.broadcast %sub3A_1437 : f32 to vector<16xf32>
        %sub3A_1439 = arith.subf %add3A_1433, %sub3A_1438 : vector<16xf32>
        %mul3A_1440 = vector.broadcast %squeeze3A_1419 : f32 to vector<16xf32>
        %mul3A_1441 = arith.mulf %mul3A_1440, %sub3A_1439 : vector<16xf32>
        %ge3A_1442 = arith.cmpf oge, %add3A_1436, %mul3A_1441 : vector<16xf32>
        %mul3A_1443 = vector.broadcast %squeeze3A_1423 : f32 to vector<16xf32>
        %mul3A_1444 = arith.mulf %mul3A_1443, %sub3A_1439 : vector<16xf32>
        %le3A_1445 = arith.cmpf ole, %add3A_1436, %mul3A_1444 : vector<16xf32>
        %and3A_1446 = arith.andi %ge3A_1442, %le3A_1445 : vector<16xi1>
        %mul3A_1447 = arith.mulf %add3A_1436, %select_n3A_1256 : vector<16xf32>
        %mul3A_1448 = arith.mulf %select_n3A_1255, %sub3A_1439 : vector<16xf32>
        %lt3A_1449 = arith.cmpf olt, %mul3A_1447, %mul3A_1448 : vector<16xf32>
        %and3A_1450 = arith.andi %and3A_1446, %lt3A_1449 : vector<16xi1>
        %select_n3A_1451 = arith.select %and3A_1450, %add3A_1436, %select_n3A_1255 : vector<16xi1>, vector<16xf32>
        %select_n3A_1452 = arith.select %and3A_1450, %sub3A_1439, %select_n3A_1256 : vector<16xi1>, vector<16xf32>
        %get3A_1453 = arith.index_cast %squeeze3A_1427 : i32 to index
        %get3A_1454 = arith.constant 16 : index
        %get3A_1455 = tpu.vector_load %arg7[%get3A_1453, %get3A_1454] {strides = array<i32>} : memref<65x64xf32, #tpu.memory_space<vmem>>, vector<16xf32>,
        %add3A_1456 = arith.addf %add3A_1260, %get3A_1455 : vector<16xf32>
        %mul3A_1457 = vector.broadcast %squeeze3A_1419 : f32 to vector<16xf32>
        %mul3A_1458 = arith.mulf %get3A_1455, %mul3A_1457 : vector<16xf32>
        %add3A_1459 = arith.addf %add3A_1263, %mul3A_1458 : vector<16xf32>
        %sub3A_1460 = arith.constant 1.000000e+00 : f32
        %sub3A_1461 = vector.broadcast %sub3A_1460 : f32 to vector<16xf32>
        %sub3A_1462 = arith.subf %add3A_1456, %sub3A_1461 : vector<16xf32>
        %mul3A_1463 = vector.broadcast %squeeze3A_1419 : f32 to vector<16xf32>
        %mul3A_1464 = arith.mulf %mul3A_1463, %sub3A_1462 : vector<16xf32>
        %ge3A_1465 = arith.cmpf oge, %add3A_1459, %mul3A_1464 : vector<16xf32>
        %mul3A_1466 = vector.broadcast %squeeze3A_1423 : f32 to vector<16xf32>
        %mul3A_1467 = arith.mulf %mul3A_1466, %sub3A_1462 : vector<16xf32>
        %le3A_1468 = arith.cmpf ole, %add3A_1459, %mul3A_1467 : vector<16xf32>
        %and3A_1469 = arith.andi %ge3A_1465, %le3A_1468 : vector<16xi1>
        %mul3A_1470 = arith.mulf %add3A_1459, %select_n3A_1279 : vector<16xf32>
        %mul3A_1471 = arith.mulf %select_n3A_1278, %sub3A_1462 : vector<16xf32>
        %lt3A_1472 = arith.cmpf olt, %mul3A_1470, %mul3A_1471 : vector<16xf32>
        %and3A_1473 = arith.andi %and3A_1469, %lt3A_1472 : vector<16xi1>
        %select_n3A_1474 = arith.select %and3A_1473, %add3A_1459, %select_n3A_1278 : vector<16xi1>, vector<16xf32>
        %select_n3A_1475 = arith.select %and3A_1473, %sub3A_1462, %select_n3A_1279 : vector<16xi1>, vector<16xf32>
        %get3A_1476 = arith.index_cast %squeeze3A_1427 : i32 to index
        %get3A_1477 = arith.constant 32 : index
        %get3A_1478 = tpu.vector_load %arg7[%get3A_1476, %get3A_1477] {strides = array<i32>} : memref<65x64xf32, #tpu.memory_space<vmem>>, vector<16xf32>,
        %add3A_1479 = arith.addf %add3A_1283, %get3A_1478 : vector<16xf32>
        %mul3A_1480 = vector.broadcast %squeeze3A_1419 : f32 to vector<16xf32>
        %mul3A_1481 = arith.mulf %get3A_1478, %mul3A_1480 : vector<16xf32>
        %add3A_1482 = arith.addf %add3A_1286, %mul3A_1481 : vector<16xf32>
        %sub3A_1483 = arith.constant 1.000000e+00 : f32
        %sub3A_1484 = vector.broadcast %sub3A_1483 : f32 to vector<16xf32>
        %sub3A_1485 = arith.subf %add3A_1479, %sub3A_1484 : vector<16xf32>
        %mul3A_1486 = vector.broadcast %squeeze3A_1419 : f32 to vector<16xf32>
        %mul3A_1487 = arith.mulf %mul3A_1486, %sub3A_1485 : vector<16xf32>
        %ge3A_1488 = arith.cmpf oge, %add3A_1482, %mul3A_1487 : vector<16xf32>
        %mul3A_1489 = vector.broadcast %squeeze3A_1423 : f32 to vector<16xf32>
        %mul3A_1490 = arith.mulf %mul3A_1489, %sub3A_1485 : vector<16xf32>
        %le3A_1491 = arith.cmpf ole, %add3A_1482, %mul3A_1490 : vector<16xf32>
        %and3A_1492 = arith.andi %ge3A_1488, %le3A_1491 : vector<16xi1>
        %mul3A_1493 = arith.mulf %add3A_1482, %select_n3A_1302 : vector<16xf32>
        %mul3A_1494 = arith.mulf %select_n3A_1301, %sub3A_1485 : vector<16xf32>
        %lt3A_1495 = arith.cmpf olt, %mul3A_1493, %mul3A_1494 : vector<16xf32>
        %and3A_1496 = arith.andi %and3A_1492, %lt3A_1495 : vector<16xi1>
        %select_n3A_1497 = arith.select %and3A_1496, %add3A_1482, %select_n3A_1301 : vector<16xi1>, vector<16xf32>
        %select_n3A_1498 = arith.select %and3A_1496, %sub3A_1485, %select_n3A_1302 : vector<16xi1>, vector<16xf32>
        %get3A_1499 = arith.index_cast %squeeze3A_1427 : i32 to index
        %get3A_1500 = arith.constant 48 : index
        %get3A_1501 = tpu.vector_load %arg7[%get3A_1499, %get3A_1500] {strides = array<i32>} : memref<65x64xf32, #tpu.memory_space<vmem>>, vector<16xf32>,
        %add3A_1502 = arith.addf %add3A_1306, %get3A_1501 : vector<16xf32>
        %mul3A_1503 = vector.broadcast %squeeze3A_1419 : f32 to vector<16xf32>
        %mul3A_1504 = arith.mulf %get3A_1501, %mul3A_1503 : vector<16xf32>
        %add3A_1505 = arith.addf %add3A_1309, %mul3A_1504 : vector<16xf32>
        %sub3A_1506 = arith.constant 1.000000e+00 : f32
        %sub3A_1507 = vector.broadcast %sub3A_1506 : f32 to vector<16xf32>
        %sub3A_1508 = arith.subf %add3A_1502, %sub3A_1507 : vector<16xf32>
        %mul3A_1509 = vector.broadcast %squeeze3A_1419 : f32 to vector<16xf32>
        %mul3A_1510 = arith.mulf %mul3A_1509, %sub3A_1508 : vector<16xf32>
        %ge3A_1511 = arith.cmpf oge, %add3A_1505, %mul3A_1510 : vector<16xf32>
        %mul3A_1512 = vector.broadcast %squeeze3A_1423 : f32 to vector<16xf32>
        %mul3A_1513 = arith.mulf %mul3A_1512, %sub3A_1508 : vector<16xf32>
        %le3A_1514 = arith.cmpf ole, %add3A_1505, %mul3A_1513 : vector<16xf32>
        %and3A_1515 = arith.andi %ge3A_1511, %le3A_1514 : vector<16xi1>
        %mul3A_1516 = arith.mulf %add3A_1505, %select_n3A_1325 : vector<16xf32>
        %mul3A_1517 = arith.mulf %select_n3A_1324, %sub3A_1508 : vector<16xf32>
        %lt3A_1518 = arith.cmpf olt, %mul3A_1516, %mul3A_1517 : vector<16xf32>
        %and3A_1519 = arith.andi %and3A_1515, %lt3A_1518 : vector<16xi1>
        %select_n3A_1520 = arith.select %and3A_1519, %add3A_1505, %select_n3A_1324 : vector<16xi1>, vector<16xf32>
        %select_n3A_1521 = arith.select %and3A_1519, %sub3A_1508, %select_n3A_1325 : vector<16xi1>, vector<16xf32>
        %get3A_1522 = arith.index_cast %squeeze3A_1429 : i32 to index
        %get3A_1523 = arith.constant 0 : index
        %get3A_1524 = tpu.vector_load %arg7[%get3A_1522, %get3A_1523] {strides = array<i32>} : memref<65x64xf32, #tpu.memory_space<vmem>>, vector<16xf32>,
        %add3A_1525 = arith.addf %add3A_1329, %get3A_1524 : vector<16xf32>
        %mul3A_1526 = vector.broadcast %squeeze3A_1421 : f32 to vector<16xf32>
        %mul3A_1527 = arith.mulf %get3A_1524, %mul3A_1526 : vector<16xf32>
        %add3A_1528 = arith.addf %add3A_1332, %mul3A_1527 : vector<16xf32>
        %sub3A_1529 = arith.constant 1.000000e+00 : f32
        %sub3A_1530 = vector.broadcast %sub3A_1529 : f32 to vector<16xf32>
        %sub3A_1531 = arith.subf %add3A_1525, %sub3A_1530 : vector<16xf32>
        %mul3A_1532 = vector.broadcast %squeeze3A_1421 : f32 to vector<16xf32>
        %mul3A_1533 = arith.mulf %mul3A_1532, %sub3A_1531 : vector<16xf32>
        %ge3A_1534 = arith.cmpf oge, %add3A_1528, %mul3A_1533 : vector<16xf32>
        %mul3A_1535 = vector.broadcast %squeeze3A_1425 : f32 to vector<16xf32>
        %mul3A_1536 = arith.mulf %mul3A_1535, %sub3A_1531 : vector<16xf32>
        %le3A_1537 = arith.cmpf ole, %add3A_1528, %mul3A_1536 : vector<16xf32>
        %and3A_1538 = arith.andi %ge3A_1534, %le3A_1537 : vector<16xi1>
        %mul3A_1539 = arith.mulf %add3A_1528, %select_n3A_1348 : vector<16xf32>
        %mul3A_1540 = arith.mulf %select_n3A_1347, %sub3A_1531 : vector<16xf32>
        %lt3A_1541 = arith.cmpf olt, %mul3A_1539, %mul3A_1540 : vector<16xf32>
        %and3A_1542 = arith.andi %and3A_1538, %lt3A_1541 : vector<16xi1>
        %select_n3A_1543 = arith.select %and3A_1542, %add3A_1528, %select_n3A_1347 : vector<16xi1>, vector<16xf32>
        %select_n3A_1544 = arith.select %and3A_1542, %sub3A_1531, %select_n3A_1348 : vector<16xi1>, vector<16xf32>
        %get3A_1545 = arith.index_cast %squeeze3A_1429 : i32 to index
        %get3A_1546 = arith.constant 16 : index
        %get3A_1547 = tpu.vector_load %arg7[%get3A_1545, %get3A_1546] {strides = array<i32>} : memref<65x64xf32, #tpu.memory_space<vmem>>, vector<16xf32>,
        %add3A_1548 = arith.addf %add3A_1352, %get3A_1547 : vector<16xf32>
        %mul3A_1549 = vector.broadcast %squeeze3A_1421 : f32 to vector<16xf32>
        %mul3A_1550 = arith.mulf %get3A_1547, %mul3A_1549 : vector<16xf32>
        %add3A_1551 = arith.addf %add3A_1355, %mul3A_1550 : vector<16xf32>
        %sub3A_1552 = arith.constant 1.000000e+00 : f32
        %sub3A_1553 = vector.broadcast %sub3A_1552 : f32 to vector<16xf32>
        %sub3A_1554 = arith.subf %add3A_1548, %sub3A_1553 : vector<16xf32>
        %mul3A_1555 = vector.broadcast %squeeze3A_1421 : f32 to vector<16xf32>
        %mul3A_1556 = arith.mulf %mul3A_1555, %sub3A_1554 : vector<16xf32>
        %ge3A_1557 = arith.cmpf oge, %add3A_1551, %mul3A_1556 : vector<16xf32>
        %mul3A_1558 = vector.broadcast %squeeze3A_1425 : f32 to vector<16xf32>
        %mul3A_1559 = arith.mulf %mul3A_1558, %sub3A_1554 : vector<16xf32>
        %le3A_1560 = arith.cmpf ole, %add3A_1551, %mul3A_1559 : vector<16xf32>
        %and3A_1561 = arith.andi %ge3A_1557, %le3A_1560 : vector<16xi1>
        %mul3A_1562 = arith.mulf %add3A_1551, %select_n3A_1371 : vector<16xf32>
        %mul3A_1563 = arith.mulf %select_n3A_1370, %sub3A_1554 : vector<16xf32>
        %lt3A_1564 = arith.cmpf olt, %mul3A_1562, %mul3A_1563 : vector<16xf32>
        %and3A_1565 = arith.andi %and3A_1561, %lt3A_1564 : vector<16xi1>
        %select_n3A_1566 = arith.select %and3A_1565, %add3A_1551, %select_n3A_1370 : vector<16xi1>, vector<16xf32>
        %select_n3A_1567 = arith.select %and3A_1565, %sub3A_1554, %select_n3A_1371 : vector<16xi1>, vector<16xf32>
        %get3A_1568 = arith.index_cast %squeeze3A_1429 : i32 to index
        %get3A_1569 = arith.constant 32 : index
        %get3A_1570 = tpu.vector_load %arg7[%get3A_1568, %get3A_1569] {strides = array<i32>} : memref<65x64xf32, #tpu.memory_space<vmem>>, vector<16xf32>,
        %add3A_1571 = arith.addf %add3A_1375, %get3A_1570 : vector<16xf32>
        %mul3A_1572 = vector.broadcast %squeeze3A_1421 : f32 to vector<16xf32>
        %mul3A_1573 = arith.mulf %get3A_1570, %mul3A_1572 : vector<16xf32>
        %add3A_1574 = arith.addf %add3A_1378, %mul3A_1573 : vector<16xf32>
        %sub3A_1575 = arith.constant 1.000000e+00 : f32
        %sub3A_1576 = vector.broadcast %sub3A_1575 : f32 to vector<16xf32>
        %sub3A_1577 = arith.subf %add3A_1571, %sub3A_1576 : vector<16xf32>
        %mul3A_1578 = vector.broadcast %squeeze3A_1421 : f32 to vector<16xf32>
        %mul3A_1579 = arith.mulf %mul3A_1578, %sub3A_1577 : vector<16xf32>
        %ge3A_1580 = arith.cmpf oge, %add3A_1574, %mul3A_1579 : vector<16xf32>
        %mul3A_1581 = vector.broadcast %squeeze3A_1425 : f32 to vector<16xf32>
        %mul3A_1582 = arith.mulf %mul3A_1581, %sub3A_1577 : vector<16xf32>
        %le3A_1583 = arith.cmpf ole, %add3A_1574, %mul3A_1582 : vector<16xf32>
        %and3A_1584 = arith.andi %ge3A_1580, %le3A_1583 : vector<16xi1>
        %mul3A_1585 = arith.mulf %add3A_1574, %select_n3A_1394 : vector<16xf32>
        %mul3A_1586 = arith.mulf %select_n3A_1393, %sub3A_1577 : vector<16xf32>
        %lt3A_1587 = arith.cmpf olt, %mul3A_1585, %mul3A_1586 : vector<16xf32>
        %and3A_1588 = arith.andi %and3A_1584, %lt3A_1587 : vector<16xi1>
        %select_n3A_1589 = arith.select %and3A_1588, %add3A_1574, %select_n3A_1393 : vector<16xi1>, vector<16xf32>
        %select_n3A_1590 = arith.select %and3A_1588, %sub3A_1577, %select_n3A_1394 : vector<16xi1>, vector<16xf32>
        %get3A_1591 = arith.index_cast %squeeze3A_1429 : i32 to index
        %get3A_1592 = arith.constant 48 : index
        %get3A_1593 = tpu.vector_load %arg7[%get3A_1591, %get3A_1592] {strides = array<i32>} : memref<65x64xf32, #tpu.memory_space<vmem>>, vector<16xf32>,
        %add3A_1594 = arith.addf %add3A_1398, %get3A_1593 : vector<16xf32>
        %mul3A_1595 = vector.broadcast %squeeze3A_1421 : f32 to vector<16xf32>
        %mul3A_1596 = arith.mulf %get3A_1593, %mul3A_1595 : vector<16xf32>
        %add3A_1597 = arith.addf %add3A_1401, %mul3A_1596 : vector<16xf32>
        %sub3A_1598 = arith.constant 1.000000e+00 : f32
        %sub3A_1599 = vector.broadcast %sub3A_1598 : f32 to vector<16xf32>
        %sub3A_1600 = arith.subf %add3A_1594, %sub3A_1599 : vector<16xf32>
        %mul3A_1601 = vector.broadcast %squeeze3A_1421 : f32 to vector<16xf32>
        %mul3A_1602 = arith.mulf %mul3A_1601, %sub3A_1600 : vector<16xf32>
        %ge3A_1603 = arith.cmpf oge, %add3A_1597, %mul3A_1602 : vector<16xf32>
        %mul3A_1604 = vector.broadcast %squeeze3A_1425 : f32 to vector<16xf32>
        %mul3A_1605 = arith.mulf %mul3A_1604, %sub3A_1600 : vector<16xf32>
        %le3A_1606 = arith.cmpf ole, %add3A_1597, %mul3A_1605 : vector<16xf32>
        %and3A_1607 = arith.andi %ge3A_1603, %le3A_1606 : vector<16xi1>
        %mul3A_1608 = arith.mulf %add3A_1597, %select_n3A_1417 : vector<16xf32>
        %mul3A_1609 = arith.mulf %select_n3A_1416, %sub3A_1600 : vector<16xf32>
        %lt3A_1610 = arith.cmpf olt, %mul3A_1608, %mul3A_1609 : vector<16xf32>
        %and3A_1611 = arith.andi %and3A_1607, %lt3A_1610 : vector<16xi1>
        %select_n3A_1612 = arith.select %and3A_1611, %add3A_1597, %select_n3A_1416 : vector<16xi1>, vector<16xf32>
        %select_n3A_1613 = arith.select %and3A_1611, %sub3A_1600, %select_n3A_1417 : vector<16xi1>, vector<16xf32>
        %slice3A_1614 = vector.extract_strided_slice %get3A_795 {offsets = [4], sizes = [1], strides = [1]} : vector<16xf32> to vector<1xf32>
        %squeeze3A_1615 = vector.extract %slice3A_1614[0] : f32 from vector<1xf32>
        %slice3A_1616 = vector.extract_strided_slice %get3A_801 {offsets = [4], sizes = [1], strides = [1]} : vector<16xf32> to vector<1xf32>
        %squeeze3A_1617 = vector.extract %slice3A_1616[0] : f32 from vector<1xf32>
        %slice3A_1618 = vector.extract_strided_slice %get3A_809 {offsets = [4], sizes = [1], strides = [1]} : vector<16xf32> to vector<1xf32>
        %squeeze3A_1619 = vector.extract %slice3A_1618[0] : f32 from vector<1xf32>
        %slice3A_1620 = vector.extract_strided_slice %get3A_817 {offsets = [4], sizes = [1], strides = [1]} : vector<16xf32> to vector<1xf32>
        %squeeze3A_1621 = vector.extract %slice3A_1620[0] : f32 from vector<1xf32>
        %slice3A_1622 = vector.extract_strided_slice %get3A_823 {offsets = [4], sizes = [1], strides = [1]} : vector<16xi32> to vector<1xi32>
        %squeeze3A_1623 = vector.extract %slice3A_1622[0] : i32 from vector<1xi32>
        %slice3A_1624 = vector.extract_strided_slice %get3A_829 {offsets = [4], sizes = [1], strides = [1]} : vector<16xi32> to vector<1xi32>
        %squeeze3A_1625 = vector.extract %slice3A_1624[0] : i32 from vector<1xi32>
        %get3A_1626 = arith.index_cast %squeeze3A_1623 : i32 to index
        %get3A_1627 = arith.constant 0 : index
        %get3A_1628 = tpu.vector_load %arg7[%get3A_1626, %get3A_1627] {strides = array<i32>} : memref<65x64xf32, #tpu.memory_space<vmem>>, vector<16xf32>,
        %add3A_1629 = arith.addf %add3A_1433, %get3A_1628 : vector<16xf32>
        %mul3A_1630 = vector.broadcast %squeeze3A_1615 : f32 to vector<16xf32>
        %mul3A_1631 = arith.mulf %get3A_1628, %mul3A_1630 : vector<16xf32>
        %add3A_1632 = arith.addf %add3A_1436, %mul3A_1631 : vector<16xf32>
        %sub3A_1633 = arith.constant 1.000000e+00 : f32
        %sub3A_1634 = vector.broadcast %sub3A_1633 : f32 to vector<16xf32>
        %sub3A_1635 = arith.subf %add3A_1629, %sub3A_1634 : vector<16xf32>
        %mul3A_1636 = vector.broadcast %squeeze3A_1615 : f32 to vector<16xf32>
        %mul3A_1637 = arith.mulf %mul3A_1636, %sub3A_1635 : vector<16xf32>
        %ge3A_1638 = arith.cmpf oge, %add3A_1632, %mul3A_1637 : vector<16xf32>
        %mul3A_1639 = vector.broadcast %squeeze3A_1619 : f32 to vector<16xf32>
        %mul3A_1640 = arith.mulf %mul3A_1639, %sub3A_1635 : vector<16xf32>
        %le3A_1641 = arith.cmpf ole, %add3A_1632, %mul3A_1640 : vector<16xf32>
        %and3A_1642 = arith.andi %ge3A_1638, %le3A_1641 : vector<16xi1>
        %mul3A_1643 = arith.mulf %add3A_1632, %select_n3A_1452 : vector<16xf32>
        %mul3A_1644 = arith.mulf %select_n3A_1451, %sub3A_1635 : vector<16xf32>
        %lt3A_1645 = arith.cmpf olt, %mul3A_1643, %mul3A_1644 : vector<16xf32>
        %and3A_1646 = arith.andi %and3A_1642, %lt3A_1645 : vector<16xi1>
        %select_n3A_1647 = arith.select %and3A_1646, %add3A_1632, %select_n3A_1451 : vector<16xi1>, vector<16xf32>
        %select_n3A_1648 = arith.select %and3A_1646, %sub3A_1635, %select_n3A_1452 : vector<16xi1>, vector<16xf32>
        %get3A_1649 = arith.index_cast %squeeze3A_1623 : i32 to index
        %get3A_1650 = arith.constant 16 : index
        %get3A_1651 = tpu.vector_load %arg7[%get3A_1649, %get3A_1650] {strides = array<i32>} : memref<65x64xf32, #tpu.memory_space<vmem>>, vector<16xf32>,
        %add3A_1652 = arith.addf %add3A_1456, %get3A_1651 : vector<16xf32>
        %mul3A_1653 = vector.broadcast %squeeze3A_1615 : f32 to vector<16xf32>
        %mul3A_1654 = arith.mulf %get3A_1651, %mul3A_1653 : vector<16xf32>
        %add3A_1655 = arith.addf %add3A_1459, %mul3A_1654 : vector<16xf32>
        %sub3A_1656 = arith.constant 1.000000e+00 : f32
        %sub3A_1657 = vector.broadcast %sub3A_1656 : f32 to vector<16xf32>
        %sub3A_1658 = arith.subf %add3A_1652, %sub3A_1657 : vector<16xf32>
        %mul3A_1659 = vector.broadcast %squeeze3A_1615 : f32 to vector<16xf32>
        %mul3A_1660 = arith.mulf %mul3A_1659, %sub3A_1658 : vector<16xf32>
        %ge3A_1661 = arith.cmpf oge, %add3A_1655, %mul3A_1660 : vector<16xf32>
        %mul3A_1662 = vector.broadcast %squeeze3A_1619 : f32 to vector<16xf32>
        %mul3A_1663 = arith.mulf %mul3A_1662, %sub3A_1658 : vector<16xf32>
        %le3A_1664 = arith.cmpf ole, %add3A_1655, %mul3A_1663 : vector<16xf32>
        %and3A_1665 = arith.andi %ge3A_1661, %le3A_1664 : vector<16xi1>
        %mul3A_1666 = arith.mulf %add3A_1655, %select_n3A_1475 : vector<16xf32>
        %mul3A_1667 = arith.mulf %select_n3A_1474, %sub3A_1658 : vector<16xf32>
        %lt3A_1668 = arith.cmpf olt, %mul3A_1666, %mul3A_1667 : vector<16xf32>
        %and3A_1669 = arith.andi %and3A_1665, %lt3A_1668 : vector<16xi1>
        %select_n3A_1670 = arith.select %and3A_1669, %add3A_1655, %select_n3A_1474 : vector<16xi1>, vector<16xf32>
        %select_n3A_1671 = arith.select %and3A_1669, %sub3A_1658, %select_n3A_1475 : vector<16xi1>, vector<16xf32>
        %get3A_1672 = arith.index_cast %squeeze3A_1623 : i32 to index
        %get3A_1673 = arith.constant 32 : index
        %get3A_1674 = tpu.vector_load %arg7[%get3A_1672, %get3A_1673] {strides = array<i32>} : memref<65x64xf32, #tpu.memory_space<vmem>>, vector<16xf32>,
        %add3A_1675 = arith.addf %add3A_1479, %get3A_1674 : vector<16xf32>
        %mul3A_1676 = vector.broadcast %squeeze3A_1615 : f32 to vector<16xf32>
        %mul3A_1677 = arith.mulf %get3A_1674, %mul3A_1676 : vector<16xf32>
        %add3A_1678 = arith.addf %add3A_1482, %mul3A_1677 : vector<16xf32>
        %sub3A_1679 = arith.constant 1.000000e+00 : f32
        %sub3A_1680 = vector.broadcast %sub3A_1679 : f32 to vector<16xf32>
        %sub3A_1681 = arith.subf %add3A_1675, %sub3A_1680 : vector<16xf32>
        %mul3A_1682 = vector.broadcast %squeeze3A_1615 : f32 to vector<16xf32>
        %mul3A_1683 = arith.mulf %mul3A_1682, %sub3A_1681 : vector<16xf32>
        %ge3A_1684 = arith.cmpf oge, %add3A_1678, %mul3A_1683 : vector<16xf32>
        %mul3A_1685 = vector.broadcast %squeeze3A_1619 : f32 to vector<16xf32>
        %mul3A_1686 = arith.mulf %mul3A_1685, %sub3A_1681 : vector<16xf32>
        %le3A_1687 = arith.cmpf ole, %add3A_1678, %mul3A_1686 : vector<16xf32>
        %and3A_1688 = arith.andi %ge3A_1684, %le3A_1687 : vector<16xi1>
        %mul3A_1689 = arith.mulf %add3A_1678, %select_n3A_1498 : vector<16xf32>
        %mul3A_1690 = arith.mulf %select_n3A_1497, %sub3A_1681 : vector<16xf32>
        %lt3A_1691 = arith.cmpf olt, %mul3A_1689, %mul3A_1690 : vector<16xf32>
        %and3A_1692 = arith.andi %and3A_1688, %lt3A_1691 : vector<16xi1>
        %select_n3A_1693 = arith.select %and3A_1692, %add3A_1678, %select_n3A_1497 : vector<16xi1>, vector<16xf32>
        %select_n3A_1694 = arith.select %and3A_1692, %sub3A_1681, %select_n3A_1498 : vector<16xi1>, vector<16xf32>
        %get3A_1695 = arith.index_cast %squeeze3A_1623 : i32 to index
        %get3A_1696 = arith.constant 48 : index
        %get3A_1697 = tpu.vector_load %arg7[%get3A_1695, %get3A_1696] {strides = array<i32>} : memref<65x64xf32, #tpu.memory_space<vmem>>, vector<16xf32>,
        %add3A_1698 = arith.addf %add3A_1502, %get3A_1697 : vector<16xf32>
        %mul3A_1699 = vector.broadcast %squeeze3A_1615 : f32 to vector<16xf32>
        %mul3A_1700 = arith.mulf %get3A_1697, %mul3A_1699 : vector<16xf32>
        %add3A_1701 = arith.addf %add3A_1505, %mul3A_1700 : vector<16xf32>
        %sub3A_1702 = arith.constant 1.000000e+00 : f32
        %sub3A_1703 = vector.broadcast %sub3A_1702 : f32 to vector<16xf32>
        %sub3A_1704 = arith.subf %add3A_1698, %sub3A_1703 : vector<16xf32>
        %mul3A_1705 = vector.broadcast %squeeze3A_1615 : f32 to vector<16xf32>
        %mul3A_1706 = arith.mulf %mul3A_1705, %sub3A_1704 : vector<16xf32>
        %ge3A_1707 = arith.cmpf oge, %add3A_1701, %mul3A_1706 : vector<16xf32>
        %mul3A_1708 = vector.broadcast %squeeze3A_1619 : f32 to vector<16xf32>
        %mul3A_1709 = arith.mulf %mul3A_1708, %sub3A_1704 : vector<16xf32>
        %le3A_1710 = arith.cmpf ole, %add3A_1701, %mul3A_1709 : vector<16xf32>
        %and3A_1711 = arith.andi %ge3A_1707, %le3A_1710 : vector<16xi1>
        %mul3A_1712 = arith.mulf %add3A_1701, %select_n3A_1521 : vector<16xf32>
        %mul3A_1713 = arith.mulf %select_n3A_1520, %sub3A_1704 : vector<16xf32>
        %lt3A_1714 = arith.cmpf olt, %mul3A_1712, %mul3A_1713 : vector<16xf32>
        %and3A_1715 = arith.andi %and3A_1711, %lt3A_1714 : vector<16xi1>
        %select_n3A_1716 = arith.select %and3A_1715, %add3A_1701, %select_n3A_1520 : vector<16xi1>, vector<16xf32>
        %select_n3A_1717 = arith.select %and3A_1715, %sub3A_1704, %select_n3A_1521 : vector<16xi1>, vector<16xf32>
        %get3A_1718 = arith.index_cast %squeeze3A_1625 : i32 to index
        %get3A_1719 = arith.constant 0 : index
        %get3A_1720 = tpu.vector_load %arg7[%get3A_1718, %get3A_1719] {strides = array<i32>} : memref<65x64xf32, #tpu.memory_space<vmem>>, vector<16xf32>,
        %add3A_1721 = arith.addf %add3A_1525, %get3A_1720 : vector<16xf32>
        %mul3A_1722 = vector.broadcast %squeeze3A_1617 : f32 to vector<16xf32>
        %mul3A_1723 = arith.mulf %get3A_1720, %mul3A_1722 : vector<16xf32>
        %add3A_1724 = arith.addf %add3A_1528, %mul3A_1723 : vector<16xf32>
        %sub3A_1725 = arith.constant 1.000000e+00 : f32
        %sub3A_1726 = vector.broadcast %sub3A_1725 : f32 to vector<16xf32>
        %sub3A_1727 = arith.subf %add3A_1721, %sub3A_1726 : vector<16xf32>
        %mul3A_1728 = vector.broadcast %squeeze3A_1617 : f32 to vector<16xf32>
        %mul3A_1729 = arith.mulf %mul3A_1728, %sub3A_1727 : vector<16xf32>
        %ge3A_1730 = arith.cmpf oge, %add3A_1724, %mul3A_1729 : vector<16xf32>
        %mul3A_1731 = vector.broadcast %squeeze3A_1621 : f32 to vector<16xf32>
        %mul3A_1732 = arith.mulf %mul3A_1731, %sub3A_1727 : vector<16xf32>
        %le3A_1733 = arith.cmpf ole, %add3A_1724, %mul3A_1732 : vector<16xf32>
        %and3A_1734 = arith.andi %ge3A_1730, %le3A_1733 : vector<16xi1>
        %mul3A_1735 = arith.mulf %add3A_1724, %select_n3A_1544 : vector<16xf32>
        %mul3A_1736 = arith.mulf %select_n3A_1543, %sub3A_1727 : vector<16xf32>
        %lt3A_1737 = arith.cmpf olt, %mul3A_1735, %mul3A_1736 : vector<16xf32>
        %and3A_1738 = arith.andi %and3A_1734, %lt3A_1737 : vector<16xi1>
        %select_n3A_1739 = arith.select %and3A_1738, %add3A_1724, %select_n3A_1543 : vector<16xi1>, vector<16xf32>
        %select_n3A_1740 = arith.select %and3A_1738, %sub3A_1727, %select_n3A_1544 : vector<16xi1>, vector<16xf32>
        %get3A_1741 = arith.index_cast %squeeze3A_1625 : i32 to index
        %get3A_1742 = arith.constant 16 : index
        %get3A_1743 = tpu.vector_load %arg7[%get3A_1741, %get3A_1742] {strides = array<i32>} : memref<65x64xf32, #tpu.memory_space<vmem>>, vector<16xf32>,
        %add3A_1744 = arith.addf %add3A_1548, %get3A_1743 : vector<16xf32>
        %mul3A_1745 = vector.broadcast %squeeze3A_1617 : f32 to vector<16xf32>
        %mul3A_1746 = arith.mulf %get3A_1743, %mul3A_1745 : vector<16xf32>
        %add3A_1747 = arith.addf %add3A_1551, %mul3A_1746 : vector<16xf32>
        %sub3A_1748 = arith.constant 1.000000e+00 : f32
        %sub3A_1749 = vector.broadcast %sub3A_1748 : f32 to vector<16xf32>
        %sub3A_1750 = arith.subf %add3A_1744, %sub3A_1749 : vector<16xf32>
        %mul3A_1751 = vector.broadcast %squeeze3A_1617 : f32 to vector<16xf32>
        %mul3A_1752 = arith.mulf %mul3A_1751, %sub3A_1750 : vector<16xf32>
        %ge3A_1753 = arith.cmpf oge, %add3A_1747, %mul3A_1752 : vector<16xf32>
        %mul3A_1754 = vector.broadcast %squeeze3A_1621 : f32 to vector<16xf32>
        %mul3A_1755 = arith.mulf %mul3A_1754, %sub3A_1750 : vector<16xf32>
        %le3A_1756 = arith.cmpf ole, %add3A_1747, %mul3A_1755 : vector<16xf32>
        %and3A_1757 = arith.andi %ge3A_1753, %le3A_1756 : vector<16xi1>
        %mul3A_1758 = arith.mulf %add3A_1747, %select_n3A_1567 : vector<16xf32>
        %mul3A_1759 = arith.mulf %select_n3A_1566, %sub3A_1750 : vector<16xf32>
        %lt3A_1760 = arith.cmpf olt, %mul3A_1758, %mul3A_1759 : vector<16xf32>
        %and3A_1761 = arith.andi %and3A_1757, %lt3A_1760 : vector<16xi1>
        %select_n3A_1762 = arith.select %and3A_1761, %add3A_1747, %select_n3A_1566 : vector<16xi1>, vector<16xf32>
        %select_n3A_1763 = arith.select %and3A_1761, %sub3A_1750, %select_n3A_1567 : vector<16xi1>, vector<16xf32>
        %get3A_1764 = arith.index_cast %squeeze3A_1625 : i32 to index
        %get3A_1765 = arith.constant 32 : index
        %get3A_1766 = tpu.vector_load %arg7[%get3A_1764, %get3A_1765] {strides = array<i32>} : memref<65x64xf32, #tpu.memory_space<vmem>>, vector<16xf32>,
        %add3A_1767 = arith.addf %add3A_1571, %get3A_1766 : vector<16xf32>
        %mul3A_1768 = vector.broadcast %squeeze3A_1617 : f32 to vector<16xf32>
        %mul3A_1769 = arith.mulf %get3A_1766, %mul3A_1768 : vector<16xf32>
        %add3A_1770 = arith.addf %add3A_1574, %mul3A_1769 : vector<16xf32>
        %sub3A_1771 = arith.constant 1.000000e+00 : f32
        %sub3A_1772 = vector.broadcast %sub3A_1771 : f32 to vector<16xf32>
        %sub3A_1773 = arith.subf %add3A_1767, %sub3A_1772 : vector<16xf32>
        %mul3A_1774 = vector.broadcast %squeeze3A_1617 : f32 to vector<16xf32>
        %mul3A_1775 = arith.mulf %mul3A_1774, %sub3A_1773 : vector<16xf32>
        %ge3A_1776 = arith.cmpf oge, %add3A_1770, %mul3A_1775 : vector<16xf32>
        %mul3A_1777 = vector.broadcast %squeeze3A_1621 : f32 to vector<16xf32>
        %mul3A_1778 = arith.mulf %mul3A_1777, %sub3A_1773 : vector<16xf32>
        %le3A_1779 = arith.cmpf ole, %add3A_1770, %mul3A_1778 : vector<16xf32>
        %and3A_1780 = arith.andi %ge3A_1776, %le3A_1779 : vector<16xi1>
        %mul3A_1781 = arith.mulf %add3A_1770, %select_n3A_1590 : vector<16xf32>
        %mul3A_1782 = arith.mulf %select_n3A_1589, %sub3A_1773 : vector<16xf32>
        %lt3A_1783 = arith.cmpf olt, %mul3A_1781, %mul3A_1782 : vector<16xf32>
        %and3A_1784 = arith.andi %and3A_1780, %lt3A_1783 : vector<16xi1>
        %select_n3A_1785 = arith.select %and3A_1784, %add3A_1770, %select_n3A_1589 : vector<16xi1>, vector<16xf32>
        %select_n3A_1786 = arith.select %and3A_1784, %sub3A_1773, %select_n3A_1590 : vector<16xi1>, vector<16xf32>
        %get3A_1787 = arith.index_cast %squeeze3A_1625 : i32 to index
        %get3A_1788 = arith.constant 48 : index
        %get3A_1789 = tpu.vector_load %arg7[%get3A_1787, %get3A_1788] {strides = array<i32>} : memref<65x64xf32, #tpu.memory_space<vmem>>, vector<16xf32>,
        %add3A_1790 = arith.addf %add3A_1594, %get3A_1789 : vector<16xf32>
        %mul3A_1791 = vector.broadcast %squeeze3A_1617 : f32 to vector<16xf32>
        %mul3A_1792 = arith.mulf %get3A_1789, %mul3A_1791 : vector<16xf32>
        %add3A_1793 = arith.addf %add3A_1597, %mul3A_1792 : vector<16xf32>
        %sub3A_1794 = arith.constant 1.000000e+00 : f32
        %sub3A_1795 = vector.broadcast %sub3A_1794 : f32 to vector<16xf32>
        %sub3A_1796 = arith.subf %add3A_1790, %sub3A_1795 : vector<16xf32>
        %mul3A_1797 = vector.broadcast %squeeze3A_1617 : f32 to vector<16xf32>
        %mul3A_1798 = arith.mulf %mul3A_1797, %sub3A_1796 : vector<16xf32>
        %ge3A_1799 = arith.cmpf oge, %add3A_1793, %mul3A_1798 : vector<16xf32>
        %mul3A_1800 = vector.broadcast %squeeze3A_1621 : f32 to vector<16xf32>
        %mul3A_1801 = arith.mulf %mul3A_1800, %sub3A_1796 : vector<16xf32>
        %le3A_1802 = arith.cmpf ole, %add3A_1793, %mul3A_1801 : vector<16xf32>
        %and3A_1803 = arith.andi %ge3A_1799, %le3A_1802 : vector<16xi1>
        %mul3A_1804 = arith.mulf %add3A_1793, %select_n3A_1613 : vector<16xf32>
        %mul3A_1805 = arith.mulf %select_n3A_1612, %sub3A_1796 : vector<16xf32>
        %lt3A_1806 = arith.cmpf olt, %mul3A_1804, %mul3A_1805 : vector<16xf32>
        %and3A_1807 = arith.andi %and3A_1803, %lt3A_1806 : vector<16xi1>
        %select_n3A_1808 = arith.select %and3A_1807, %add3A_1793, %select_n3A_1612 : vector<16xi1>, vector<16xf32>
        %select_n3A_1809 = arith.select %and3A_1807, %sub3A_1796, %select_n3A_1613 : vector<16xi1>, vector<16xf32>
        %slice3A_1810 = vector.extract_strided_slice %get3A_795 {offsets = [5], sizes = [1], strides = [1]} : vector<16xf32> to vector<1xf32>
        %squeeze3A_1811 = vector.extract %slice3A_1810[0] : f32 from vector<1xf32>
        %slice3A_1812 = vector.extract_strided_slice %get3A_801 {offsets = [5], sizes = [1], strides = [1]} : vector<16xf32> to vector<1xf32>
        %squeeze3A_1813 = vector.extract %slice3A_1812[0] : f32 from vector<1xf32>
        %slice3A_1814 = vector.extract_strided_slice %get3A_809 {offsets = [5], sizes = [1], strides = [1]} : vector<16xf32> to vector<1xf32>
        %squeeze3A_1815 = vector.extract %slice3A_1814[0] : f32 from vector<1xf32>
        %slice3A_1816 = vector.extract_strided_slice %get3A_817 {offsets = [5], sizes = [1], strides = [1]} : vector<16xf32> to vector<1xf32>
        %squeeze3A_1817 = vector.extract %slice3A_1816[0] : f32 from vector<1xf32>
        %slice3A_1818 = vector.extract_strided_slice %get3A_823 {offsets = [5], sizes = [1], strides = [1]} : vector<16xi32> to vector<1xi32>
        %squeeze3A_1819 = vector.extract %slice3A_1818[0] : i32 from vector<1xi32>
        %slice3A_1820 = vector.extract_strided_slice %get3A_829 {offsets = [5], sizes = [1], strides = [1]} : vector<16xi32> to vector<1xi32>
        %squeeze3A_1821 = vector.extract %slice3A_1820[0] : i32 from vector<1xi32>
        %get3A_1822 = arith.index_cast %squeeze3A_1819 : i32 to index
        %get3A_1823 = arith.constant 0 : index
        %get3A_1824 = tpu.vector_load %arg7[%get3A_1822, %get3A_1823] {strides = array<i32>} : memref<65x64xf32, #tpu.memory_space<vmem>>, vector<16xf32>,
        %add3A_1825 = arith.addf %add3A_1629, %get3A_1824 : vector<16xf32>
        %mul3A_1826 = vector.broadcast %squeeze3A_1811 : f32 to vector<16xf32>
        %mul3A_1827 = arith.mulf %get3A_1824, %mul3A_1826 : vector<16xf32>
        %add3A_1828 = arith.addf %add3A_1632, %mul3A_1827 : vector<16xf32>
        %sub3A_1829 = arith.constant 1.000000e+00 : f32
        %sub3A_1830 = vector.broadcast %sub3A_1829 : f32 to vector<16xf32>
        %sub3A_1831 = arith.subf %add3A_1825, %sub3A_1830 : vector<16xf32>
        %mul3A_1832 = vector.broadcast %squeeze3A_1811 : f32 to vector<16xf32>
        %mul3A_1833 = arith.mulf %mul3A_1832, %sub3A_1831 : vector<16xf32>
        %ge3A_1834 = arith.cmpf oge, %add3A_1828, %mul3A_1833 : vector<16xf32>
        %mul3A_1835 = vector.broadcast %squeeze3A_1815 : f32 to vector<16xf32>
        %mul3A_1836 = arith.mulf %mul3A_1835, %sub3A_1831 : vector<16xf32>
        %le3A_1837 = arith.cmpf ole, %add3A_1828, %mul3A_1836 : vector<16xf32>
        %and3A_1838 = arith.andi %ge3A_1834, %le3A_1837 : vector<16xi1>
        %mul3A_1839 = arith.mulf %add3A_1828, %select_n3A_1648 : vector<16xf32>
        %mul3A_1840 = arith.mulf %select_n3A_1647, %sub3A_1831 : vector<16xf32>
        %lt3A_1841 = arith.cmpf olt, %mul3A_1839, %mul3A_1840 : vector<16xf32>
        %and3A_1842 = arith.andi %and3A_1838, %lt3A_1841 : vector<16xi1>
        %select_n3A_1843 = arith.select %and3A_1842, %add3A_1828, %select_n3A_1647 : vector<16xi1>, vector<16xf32>
        %select_n3A_1844 = arith.select %and3A_1842, %sub3A_1831, %select_n3A_1648 : vector<16xi1>, vector<16xf32>
        %get3A_1845 = arith.index_cast %squeeze3A_1819 : i32 to index
        %get3A_1846 = arith.constant 16 : index
        %get3A_1847 = tpu.vector_load %arg7[%get3A_1845, %get3A_1846] {strides = array<i32>} : memref<65x64xf32, #tpu.memory_space<vmem>>, vector<16xf32>,
        %add3A_1848 = arith.addf %add3A_1652, %get3A_1847 : vector<16xf32>
        %mul3A_1849 = vector.broadcast %squeeze3A_1811 : f32 to vector<16xf32>
        %mul3A_1850 = arith.mulf %get3A_1847, %mul3A_1849 : vector<16xf32>
        %add3A_1851 = arith.addf %add3A_1655, %mul3A_1850 : vector<16xf32>
        %sub3A_1852 = arith.constant 1.000000e+00 : f32
        %sub3A_1853 = vector.broadcast %sub3A_1852 : f32 to vector<16xf32>
        %sub3A_1854 = arith.subf %add3A_1848, %sub3A_1853 : vector<16xf32>
        %mul3A_1855 = vector.broadcast %squeeze3A_1811 : f32 to vector<16xf32>
        %mul3A_1856 = arith.mulf %mul3A_1855, %sub3A_1854 : vector<16xf32>
        %ge3A_1857 = arith.cmpf oge, %add3A_1851, %mul3A_1856 : vector<16xf32>
        %mul3A_1858 = vector.broadcast %squeeze3A_1815 : f32 to vector<16xf32>
        %mul3A_1859 = arith.mulf %mul3A_1858, %sub3A_1854 : vector<16xf32>
        %le3A_1860 = arith.cmpf ole, %add3A_1851, %mul3A_1859 : vector<16xf32>
        %and3A_1861 = arith.andi %ge3A_1857, %le3A_1860 : vector<16xi1>
        %mul3A_1862 = arith.mulf %add3A_1851, %select_n3A_1671 : vector<16xf32>
        %mul3A_1863 = arith.mulf %select_n3A_1670, %sub3A_1854 : vector<16xf32>
        %lt3A_1864 = arith.cmpf olt, %mul3A_1862, %mul3A_1863 : vector<16xf32>
        %and3A_1865 = arith.andi %and3A_1861, %lt3A_1864 : vector<16xi1>
        %select_n3A_1866 = arith.select %and3A_1865, %add3A_1851, %select_n3A_1670 : vector<16xi1>, vector<16xf32>
        %select_n3A_1867 = arith.select %and3A_1865, %sub3A_1854, %select_n3A_1671 : vector<16xi1>, vector<16xf32>
        %get3A_1868 = arith.index_cast %squeeze3A_1819 : i32 to index
        %get3A_1869 = arith.constant 32 : index
        %get3A_1870 = tpu.vector_load %arg7[%get3A_1868, %get3A_1869] {strides = array<i32>} : memref<65x64xf32, #tpu.memory_space<vmem>>, vector<16xf32>,
        %add3A_1871 = arith.addf %add3A_1675, %get3A_1870 : vector<16xf32>
        %mul3A_1872 = vector.broadcast %squeeze3A_1811 : f32 to vector<16xf32>
        %mul3A_1873 = arith.mulf %get3A_1870, %mul3A_1872 : vector<16xf32>
        %add3A_1874 = arith.addf %add3A_1678, %mul3A_1873 : vector<16xf32>
        %sub3A_1875 = arith.constant 1.000000e+00 : f32
        %sub3A_1876 = vector.broadcast %sub3A_1875 : f32 to vector<16xf32>
        %sub3A_1877 = arith.subf %add3A_1871, %sub3A_1876 : vector<16xf32>
        %mul3A_1878 = vector.broadcast %squeeze3A_1811 : f32 to vector<16xf32>
        %mul3A_1879 = arith.mulf %mul3A_1878, %sub3A_1877 : vector<16xf32>
        %ge3A_1880 = arith.cmpf oge, %add3A_1874, %mul3A_1879 : vector<16xf32>
        %mul3A_1881 = vector.broadcast %squeeze3A_1815 : f32 to vector<16xf32>
        %mul3A_1882 = arith.mulf %mul3A_1881, %sub3A_1877 : vector<16xf32>
        %le3A_1883 = arith.cmpf ole, %add3A_1874, %mul3A_1882 : vector<16xf32>
        %and3A_1884 = arith.andi %ge3A_1880, %le3A_1883 : vector<16xi1>
        %mul3A_1885 = arith.mulf %add3A_1874, %select_n3A_1694 : vector<16xf32>
        %mul3A_1886 = arith.mulf %select_n3A_1693, %sub3A_1877 : vector<16xf32>
        %lt3A_1887 = arith.cmpf olt, %mul3A_1885, %mul3A_1886 : vector<16xf32>
        %and3A_1888 = arith.andi %and3A_1884, %lt3A_1887 : vector<16xi1>
        %select_n3A_1889 = arith.select %and3A_1888, %add3A_1874, %select_n3A_1693 : vector<16xi1>, vector<16xf32>
        %select_n3A_1890 = arith.select %and3A_1888, %sub3A_1877, %select_n3A_1694 : vector<16xi1>, vector<16xf32>
        %get3A_1891 = arith.index_cast %squeeze3A_1819 : i32 to index
        %get3A_1892 = arith.constant 48 : index
        %get3A_1893 = tpu.vector_load %arg7[%get3A_1891, %get3A_1892] {strides = array<i32>} : memref<65x64xf32, #tpu.memory_space<vmem>>, vector<16xf32>,
        %add3A_1894 = arith.addf %add3A_1698, %get3A_1893 : vector<16xf32>
        %mul3A_1895 = vector.broadcast %squeeze3A_1811 : f32 to vector<16xf32>
        %mul3A_1896 = arith.mulf %get3A_1893, %mul3A_1895 : vector<16xf32>
        %add3A_1897 = arith.addf %add3A_1701, %mul3A_1896 : vector<16xf32>
        %sub3A_1898 = arith.constant 1.000000e+00 : f32
        %sub3A_1899 = vector.broadcast %sub3A_1898 : f32 to vector<16xf32>
        %sub3A_1900 = arith.subf %add3A_1894, %sub3A_1899 : vector<16xf32>
        %mul3A_1901 = vector.broadcast %squeeze3A_1811 : f32 to vector<16xf32>
        %mul3A_1902 = arith.mulf %mul3A_1901, %sub3A_1900 : vector<16xf32>
        %ge3A_1903 = arith.cmpf oge, %add3A_1897, %mul3A_1902 : vector<16xf32>
        %mul3A_1904 = vector.broadcast %squeeze3A_1815 : f32 to vector<16xf32>
        %mul3A_1905 = arith.mulf %mul3A_1904, %sub3A_1900 : vector<16xf32>
        %le3A_1906 = arith.cmpf ole, %add3A_1897, %mul3A_1905 : vector<16xf32>
        %and3A_1907 = arith.andi %ge3A_1903, %le3A_1906 : vector<16xi1>
        %mul3A_1908 = arith.mulf %add3A_1897, %select_n3A_1717 : vector<16xf32>
        %mul3A_1909 = arith.mulf %select_n3A_1716, %sub3A_1900 : vector<16xf32>
        %lt3A_1910 = arith.cmpf olt, %mul3A_1908, %mul3A_1909 : vector<16xf32>
        %and3A_1911 = arith.andi %and3A_1907, %lt3A_1910 : vector<16xi1>
        %select_n3A_1912 = arith.select %and3A_1911, %add3A_1897, %select_n3A_1716 : vector<16xi1>, vector<16xf32>
        %select_n3A_1913 = arith.select %and3A_1911, %sub3A_1900, %select_n3A_1717 : vector<16xi1>, vector<16xf32>
        %get3A_1914 = arith.index_cast %squeeze3A_1821 : i32 to index
        %get3A_1915 = arith.constant 0 : index
        %get3A_1916 = tpu.vector_load %arg7[%get3A_1914, %get3A_1915] {strides = array<i32>} : memref<65x64xf32, #tpu.memory_space<vmem>>, vector<16xf32>,
        %add3A_1917 = arith.addf %add3A_1721, %get3A_1916 : vector<16xf32>
        %mul3A_1918 = vector.broadcast %squeeze3A_1813 : f32 to vector<16xf32>
        %mul3A_1919 = arith.mulf %get3A_1916, %mul3A_1918 : vector<16xf32>
        %add3A_1920 = arith.addf %add3A_1724, %mul3A_1919 : vector<16xf32>
        %sub3A_1921 = arith.constant 1.000000e+00 : f32
        %sub3A_1922 = vector.broadcast %sub3A_1921 : f32 to vector<16xf32>
        %sub3A_1923 = arith.subf %add3A_1917, %sub3A_1922 : vector<16xf32>
        %mul3A_1924 = vector.broadcast %squeeze3A_1813 : f32 to vector<16xf32>
        %mul3A_1925 = arith.mulf %mul3A_1924, %sub3A_1923 : vector<16xf32>
        %ge3A_1926 = arith.cmpf oge, %add3A_1920, %mul3A_1925 : vector<16xf32>
        %mul3A_1927 = vector.broadcast %squeeze3A_1817 : f32 to vector<16xf32>
        %mul3A_1928 = arith.mulf %mul3A_1927, %sub3A_1923 : vector<16xf32>
        %le3A_1929 = arith.cmpf ole, %add3A_1920, %mul3A_1928 : vector<16xf32>
        %and3A_1930 = arith.andi %ge3A_1926, %le3A_1929 : vector<16xi1>
        %mul3A_1931 = arith.mulf %add3A_1920, %select_n3A_1740 : vector<16xf32>
        %mul3A_1932 = arith.mulf %select_n3A_1739, %sub3A_1923 : vector<16xf32>
        %lt3A_1933 = arith.cmpf olt, %mul3A_1931, %mul3A_1932 : vector<16xf32>
        %and3A_1934 = arith.andi %and3A_1930, %lt3A_1933 : vector<16xi1>
        %select_n3A_1935 = arith.select %and3A_1934, %add3A_1920, %select_n3A_1739 : vector<16xi1>, vector<16xf32>
        %select_n3A_1936 = arith.select %and3A_1934, %sub3A_1923, %select_n3A_1740 : vector<16xi1>, vector<16xf32>
        %get3A_1937 = arith.index_cast %squeeze3A_1821 : i32 to index
        %get3A_1938 = arith.constant 16 : index
        %get3A_1939 = tpu.vector_load %arg7[%get3A_1937, %get3A_1938] {strides = array<i32>} : memref<65x64xf32, #tpu.memory_space<vmem>>, vector<16xf32>,
        %add3A_1940 = arith.addf %add3A_1744, %get3A_1939 : vector<16xf32>
        %mul3A_1941 = vector.broadcast %squeeze3A_1813 : f32 to vector<16xf32>
        %mul3A_1942 = arith.mulf %get3A_1939, %mul3A_1941 : vector<16xf32>
        %add3A_1943 = arith.addf %add3A_1747, %mul3A_1942 : vector<16xf32>
        %sub3A_1944 = arith.constant 1.000000e+00 : f32
        %sub3A_1945 = vector.broadcast %sub3A_1944 : f32 to vector<16xf32>
        %sub3A_1946 = arith.subf %add3A_1940, %sub3A_1945 : vector<16xf32>
        %mul3A_1947 = vector.broadcast %squeeze3A_1813 : f32 to vector<16xf32>
        %mul3A_1948 = arith.mulf %mul3A_1947, %sub3A_1946 : vector<16xf32>
        %ge3A_1949 = arith.cmpf oge, %add3A_1943, %mul3A_1948 : vector<16xf32>
        %mul3A_1950 = vector.broadcast %squeeze3A_1817 : f32 to vector<16xf32>
        %mul3A_1951 = arith.mulf %mul3A_1950, %sub3A_1946 : vector<16xf32>
        %le3A_1952 = arith.cmpf ole, %add3A_1943, %mul3A_1951 : vector<16xf32>
        %and3A_1953 = arith.andi %ge3A_1949, %le3A_1952 : vector<16xi1>
        %mul3A_1954 = arith.mulf %add3A_1943, %select_n3A_1763 : vector<16xf32>
        %mul3A_1955 = arith.mulf %select_n3A_1762, %sub3A_1946 : vector<16xf32>
        %lt3A_1956 = arith.cmpf olt, %mul3A_1954, %mul3A_1955 : vector<16xf32>
        %and3A_1957 = arith.andi %and3A_1953, %lt3A_1956 : vector<16xi1>
        %select_n3A_1958 = arith.select %and3A_1957, %add3A_1943, %select_n3A_1762 : vector<16xi1>, vector<16xf32>
        %select_n3A_1959 = arith.select %and3A_1957, %sub3A_1946, %select_n3A_1763 : vector<16xi1>, vector<16xf32>
        %get3A_1960 = arith.index_cast %squeeze3A_1821 : i32 to index
        %get3A_1961 = arith.constant 32 : index
        %get3A_1962 = tpu.vector_load %arg7[%get3A_1960, %get3A_1961] {strides = array<i32>} : memref<65x64xf32, #tpu.memory_space<vmem>>, vector<16xf32>,
        %add3A_1963 = arith.addf %add3A_1767, %get3A_1962 : vector<16xf32>
        %mul3A_1964 = vector.broadcast %squeeze3A_1813 : f32 to vector<16xf32>
        %mul3A_1965 = arith.mulf %get3A_1962, %mul3A_1964 : vector<16xf32>
        %add3A_1966 = arith.addf %add3A_1770, %mul3A_1965 : vector<16xf32>
        %sub3A_1967 = arith.constant 1.000000e+00 : f32
        %sub3A_1968 = vector.broadcast %sub3A_1967 : f32 to vector<16xf32>
        %sub3A_1969 = arith.subf %add3A_1963, %sub3A_1968 : vector<16xf32>
        %mul3A_1970 = vector.broadcast %squeeze3A_1813 : f32 to vector<16xf32>
        %mul3A_1971 = arith.mulf %mul3A_1970, %sub3A_1969 : vector<16xf32>
        %ge3A_1972 = arith.cmpf oge, %add3A_1966, %mul3A_1971 : vector<16xf32>
        %mul3A_1973 = vector.broadcast %squeeze3A_1817 : f32 to vector<16xf32>
        %mul3A_1974 = arith.mulf %mul3A_1973, %sub3A_1969 : vector<16xf32>
        %le3A_1975 = arith.cmpf ole, %add3A_1966, %mul3A_1974 : vector<16xf32>
        %and3A_1976 = arith.andi %ge3A_1972, %le3A_1975 : vector<16xi1>
        %mul3A_1977 = arith.mulf %add3A_1966, %select_n3A_1786 : vector<16xf32>
        %mul3A_1978 = arith.mulf %select_n3A_1785, %sub3A_1969 : vector<16xf32>
        %lt3A_1979 = arith.cmpf olt, %mul3A_1977, %mul3A_1978 : vector<16xf32>
        %and3A_1980 = arith.andi %and3A_1976, %lt3A_1979 : vector<16xi1>
        %select_n3A_1981 = arith.select %and3A_1980, %add3A_1966, %select_n3A_1785 : vector<16xi1>, vector<16xf32>
        %select_n3A_1982 = arith.select %and3A_1980, %sub3A_1969, %select_n3A_1786 : vector<16xi1>, vector<16xf32>
        %get3A_1983 = arith.index_cast %squeeze3A_1821 : i32 to index
        %get3A_1984 = arith.constant 48 : index
        %get3A_1985 = tpu.vector_load %arg7[%get3A_1983, %get3A_1984] {strides = array<i32>} : memref<65x64xf32, #tpu.memory_space<vmem>>, vector<16xf32>,
        %add3A_1986 = arith.addf %add3A_1790, %get3A_1985 : vector<16xf32>
        %mul3A_1987 = vector.broadcast %squeeze3A_1813 : f32 to vector<16xf32>
        %mul3A_1988 = arith.mulf %get3A_1985, %mul3A_1987 : vector<16xf32>
        %add3A_1989 = arith.addf %add3A_1793, %mul3A_1988 : vector<16xf32>
        %sub3A_1990 = arith.constant 1.000000e+00 : f32
        %sub3A_1991 = vector.broadcast %sub3A_1990 : f32 to vector<16xf32>
        %sub3A_1992 = arith.subf %add3A_1986, %sub3A_1991 : vector<16xf32>
        %mul3A_1993 = vector.broadcast %squeeze3A_1813 : f32 to vector<16xf32>
        %mul3A_1994 = arith.mulf %mul3A_1993, %sub3A_1992 : vector<16xf32>
        %ge3A_1995 = arith.cmpf oge, %add3A_1989, %mul3A_1994 : vector<16xf32>
        %mul3A_1996 = vector.broadcast %squeeze3A_1817 : f32 to vector<16xf32>
        %mul3A_1997 = arith.mulf %mul3A_1996, %sub3A_1992 : vector<16xf32>
        %le3A_1998 = arith.cmpf ole, %add3A_1989, %mul3A_1997 : vector<16xf32>
        %and3A_1999 = arith.andi %ge3A_1995, %le3A_1998 : vector<16xi1>
        %mul3A_2000 = arith.mulf %add3A_1989, %select_n3A_1809 : vector<16xf32>
        %mul3A_2001 = arith.mulf %select_n3A_1808, %sub3A_1992 : vector<16xf32>
        %lt3A_2002 = arith.cmpf olt, %mul3A_2000, %mul3A_2001 : vector<16xf32>
        %and3A_2003 = arith.andi %and3A_1999, %lt3A_2002 : vector<16xi1>
        %select_n3A_2004 = arith.select %and3A_2003, %add3A_1989, %select_n3A_1808 : vector<16xi1>, vector<16xf32>
        %select_n3A_2005 = arith.select %and3A_2003, %sub3A_1992, %select_n3A_1809 : vector<16xi1>, vector<16xf32>
        %slice3A_2006 = vector.extract_strided_slice %get3A_795 {offsets = [6], sizes = [1], strides = [1]} : vector<16xf32> to vector<1xf32>
        %squeeze3A_2007 = vector.extract %slice3A_2006[0] : f32 from vector<1xf32>
        %slice3A_2008 = vector.extract_strided_slice %get3A_801 {offsets = [6], sizes = [1], strides = [1]} : vector<16xf32> to vector<1xf32>
        %squeeze3A_2009 = vector.extract %slice3A_2008[0] : f32 from vector<1xf32>
        %slice3A_2010 = vector.extract_strided_slice %get3A_809 {offsets = [6], sizes = [1], strides = [1]} : vector<16xf32> to vector<1xf32>
        %squeeze3A_2011 = vector.extract %slice3A_2010[0] : f32 from vector<1xf32>
        %slice3A_2012 = vector.extract_strided_slice %get3A_817 {offsets = [6], sizes = [1], strides = [1]} : vector<16xf32> to vector<1xf32>
        %squeeze3A_2013 = vector.extract %slice3A_2012[0] : f32 from vector<1xf32>
        %slice3A_2014 = vector.extract_strided_slice %get3A_823 {offsets = [6], sizes = [1], strides = [1]} : vector<16xi32> to vector<1xi32>
        %squeeze3A_2015 = vector.extract %slice3A_2014[0] : i32 from vector<1xi32>
        %slice3A_2016 = vector.extract_strided_slice %get3A_829 {offsets = [6], sizes = [1], strides = [1]} : vector<16xi32> to vector<1xi32>
        %squeeze3A_2017 = vector.extract %slice3A_2016[0] : i32 from vector<1xi32>
        %get3A_2018 = arith.index_cast %squeeze3A_2015 : i32 to index
        %get3A_2019 = arith.constant 0 : index
        %get3A_2020 = tpu.vector_load %arg7[%get3A_2018, %get3A_2019] {strides = array<i32>} : memref<65x64xf32, #tpu.memory_space<vmem>>, vector<16xf32>,
        %add3A_2021 = arith.addf %add3A_1825, %get3A_2020 : vector<16xf32>
        %mul3A_2022 = vector.broadcast %squeeze3A_2007 : f32 to vector<16xf32>
        %mul3A_2023 = arith.mulf %get3A_2020, %mul3A_2022 : vector<16xf32>
        %add3A_2024 = arith.addf %add3A_1828, %mul3A_2023 : vector<16xf32>
        %sub3A_2025 = arith.constant 1.000000e+00 : f32
        %sub3A_2026 = vector.broadcast %sub3A_2025 : f32 to vector<16xf32>
        %sub3A_2027 = arith.subf %add3A_2021, %sub3A_2026 : vector<16xf32>
        %mul3A_2028 = vector.broadcast %squeeze3A_2007 : f32 to vector<16xf32>
        %mul3A_2029 = arith.mulf %mul3A_2028, %sub3A_2027 : vector<16xf32>
        %ge3A_2030 = arith.cmpf oge, %add3A_2024, %mul3A_2029 : vector<16xf32>
        %mul3A_2031 = vector.broadcast %squeeze3A_2011 : f32 to vector<16xf32>
        %mul3A_2032 = arith.mulf %mul3A_2031, %sub3A_2027 : vector<16xf32>
        %le3A_2033 = arith.cmpf ole, %add3A_2024, %mul3A_2032 : vector<16xf32>
        %and3A_2034 = arith.andi %ge3A_2030, %le3A_2033 : vector<16xi1>
        %mul3A_2035 = arith.mulf %add3A_2024, %select_n3A_1844 : vector<16xf32>
        %mul3A_2036 = arith.mulf %select_n3A_1843, %sub3A_2027 : vector<16xf32>
        %lt3A_2037 = arith.cmpf olt, %mul3A_2035, %mul3A_2036 : vector<16xf32>
        %and3A_2038 = arith.andi %and3A_2034, %lt3A_2037 : vector<16xi1>
        %select_n3A_2039 = arith.select %and3A_2038, %add3A_2024, %select_n3A_1843 : vector<16xi1>, vector<16xf32>
        %select_n3A_2040 = arith.select %and3A_2038, %sub3A_2027, %select_n3A_1844 : vector<16xi1>, vector<16xf32>
        %get3A_2041 = arith.index_cast %squeeze3A_2015 : i32 to index
        %get3A_2042 = arith.constant 16 : index
        %get3A_2043 = tpu.vector_load %arg7[%get3A_2041, %get3A_2042] {strides = array<i32>} : memref<65x64xf32, #tpu.memory_space<vmem>>, vector<16xf32>,
        %add3A_2044 = arith.addf %add3A_1848, %get3A_2043 : vector<16xf32>
        %mul3A_2045 = vector.broadcast %squeeze3A_2007 : f32 to vector<16xf32>
        %mul3A_2046 = arith.mulf %get3A_2043, %mul3A_2045 : vector<16xf32>
        %add3A_2047 = arith.addf %add3A_1851, %mul3A_2046 : vector<16xf32>
        %sub3A_2048 = arith.constant 1.000000e+00 : f32
        %sub3A_2049 = vector.broadcast %sub3A_2048 : f32 to vector<16xf32>
        %sub3A_2050 = arith.subf %add3A_2044, %sub3A_2049 : vector<16xf32>
        %mul3A_2051 = vector.broadcast %squeeze3A_2007 : f32 to vector<16xf32>
        %mul3A_2052 = arith.mulf %mul3A_2051, %sub3A_2050 : vector<16xf32>
        %ge3A_2053 = arith.cmpf oge, %add3A_2047, %mul3A_2052 : vector<16xf32>
        %mul3A_2054 = vector.broadcast %squeeze3A_2011 : f32 to vector<16xf32>
        %mul3A_2055 = arith.mulf %mul3A_2054, %sub3A_2050 : vector<16xf32>
        %le3A_2056 = arith.cmpf ole, %add3A_2047, %mul3A_2055 : vector<16xf32>
        %and3A_2057 = arith.andi %ge3A_2053, %le3A_2056 : vector<16xi1>
        %mul3A_2058 = arith.mulf %add3A_2047, %select_n3A_1867 : vector<16xf32>
        %mul3A_2059 = arith.mulf %select_n3A_1866, %sub3A_2050 : vector<16xf32>
        %lt3A_2060 = arith.cmpf olt, %mul3A_2058, %mul3A_2059 : vector<16xf32>
        %and3A_2061 = arith.andi %and3A_2057, %lt3A_2060 : vector<16xi1>
        %select_n3A_2062 = arith.select %and3A_2061, %add3A_2047, %select_n3A_1866 : vector<16xi1>, vector<16xf32>
        %select_n3A_2063 = arith.select %and3A_2061, %sub3A_2050, %select_n3A_1867 : vector<16xi1>, vector<16xf32>
        %get3A_2064 = arith.index_cast %squeeze3A_2015 : i32 to index
        %get3A_2065 = arith.constant 32 : index
        %get3A_2066 = tpu.vector_load %arg7[%get3A_2064, %get3A_2065] {strides = array<i32>} : memref<65x64xf32, #tpu.memory_space<vmem>>, vector<16xf32>,
        %add3A_2067 = arith.addf %add3A_1871, %get3A_2066 : vector<16xf32>
        %mul3A_2068 = vector.broadcast %squeeze3A_2007 : f32 to vector<16xf32>
        %mul3A_2069 = arith.mulf %get3A_2066, %mul3A_2068 : vector<16xf32>
        %add3A_2070 = arith.addf %add3A_1874, %mul3A_2069 : vector<16xf32>
        %sub3A_2071 = arith.constant 1.000000e+00 : f32
        %sub3A_2072 = vector.broadcast %sub3A_2071 : f32 to vector<16xf32>
        %sub3A_2073 = arith.subf %add3A_2067, %sub3A_2072 : vector<16xf32>
        %mul3A_2074 = vector.broadcast %squeeze3A_2007 : f32 to vector<16xf32>
        %mul3A_2075 = arith.mulf %mul3A_2074, %sub3A_2073 : vector<16xf32>
        %ge3A_2076 = arith.cmpf oge, %add3A_2070, %mul3A_2075 : vector<16xf32>
        %mul3A_2077 = vector.broadcast %squeeze3A_2011 : f32 to vector<16xf32>
        %mul3A_2078 = arith.mulf %mul3A_2077, %sub3A_2073 : vector<16xf32>
        %le3A_2079 = arith.cmpf ole, %add3A_2070, %mul3A_2078 : vector<16xf32>
        %and3A_2080 = arith.andi %ge3A_2076, %le3A_2079 : vector<16xi1>
        %mul3A_2081 = arith.mulf %add3A_2070, %select_n3A_1890 : vector<16xf32>
        %mul3A_2082 = arith.mulf %select_n3A_1889, %sub3A_2073 : vector<16xf32>
        %lt3A_2083 = arith.cmpf olt, %mul3A_2081, %mul3A_2082 : vector<16xf32>
        %and3A_2084 = arith.andi %and3A_2080, %lt3A_2083 : vector<16xi1>
        %select_n3A_2085 = arith.select %and3A_2084, %add3A_2070, %select_n3A_1889 : vector<16xi1>, vector<16xf32>
        %select_n3A_2086 = arith.select %and3A_2084, %sub3A_2073, %select_n3A_1890 : vector<16xi1>, vector<16xf32>
        %get3A_2087 = arith.index_cast %squeeze3A_2015 : i32 to index
        %get3A_2088 = arith.constant 48 : index
        %get3A_2089 = tpu.vector_load %arg7[%get3A_2087, %get3A_2088] {strides = array<i32>} : memref<65x64xf32, #tpu.memory_space<vmem>>, vector<16xf32>,
        %add3A_2090 = arith.addf %add3A_1894, %get3A_2089 : vector<16xf32>
        %mul3A_2091 = vector.broadcast %squeeze3A_2007 : f32 to vector<16xf32>
        %mul3A_2092 = arith.mulf %get3A_2089, %mul3A_2091 : vector<16xf32>
        %add3A_2093 = arith.addf %add3A_1897, %mul3A_2092 : vector<16xf32>
        %sub3A_2094 = arith.constant 1.000000e+00 : f32
        %sub3A_2095 = vector.broadcast %sub3A_2094 : f32 to vector<16xf32>
        %sub3A_2096 = arith.subf %add3A_2090, %sub3A_2095 : vector<16xf32>
        %mul3A_2097 = vector.broadcast %squeeze3A_2007 : f32 to vector<16xf32>
        %mul3A_2098 = arith.mulf %mul3A_2097, %sub3A_2096 : vector<16xf32>
        %ge3A_2099 = arith.cmpf oge, %add3A_2093, %mul3A_2098 : vector<16xf32>
        %mul3A_2100 = vector.broadcast %squeeze3A_2011 : f32 to vector<16xf32>
        %mul3A_2101 = arith.mulf %mul3A_2100, %sub3A_2096 : vector<16xf32>
        %le3A_2102 = arith.cmpf ole, %add3A_2093, %mul3A_2101 : vector<16xf32>
        %and3A_2103 = arith.andi %ge3A_2099, %le3A_2102 : vector<16xi1>
        %mul3A_2104 = arith.mulf %add3A_2093, %select_n3A_1913 : vector<16xf32>
        %mul3A_2105 = arith.mulf %select_n3A_1912, %sub3A_2096 : vector<16xf32>
        %lt3A_2106 = arith.cmpf olt, %mul3A_2104, %mul3A_2105 : vector<16xf32>
        %and3A_2107 = arith.andi %and3A_2103, %lt3A_2106 : vector<16xi1>
        %select_n3A_2108 = arith.select %and3A_2107, %add3A_2093, %select_n3A_1912 : vector<16xi1>, vector<16xf32>
        %select_n3A_2109 = arith.select %and3A_2107, %sub3A_2096, %select_n3A_1913 : vector<16xi1>, vector<16xf32>
        %get3A_2110 = arith.index_cast %squeeze3A_2017 : i32 to index
        %get3A_2111 = arith.constant 0 : index
        %get3A_2112 = tpu.vector_load %arg7[%get3A_2110, %get3A_2111] {strides = array<i32>} : memref<65x64xf32, #tpu.memory_space<vmem>>, vector<16xf32>,
        %add3A_2113 = arith.addf %add3A_1917, %get3A_2112 : vector<16xf32>
        %mul3A_2114 = vector.broadcast %squeeze3A_2009 : f32 to vector<16xf32>
        %mul3A_2115 = arith.mulf %get3A_2112, %mul3A_2114 : vector<16xf32>
        %add3A_2116 = arith.addf %add3A_1920, %mul3A_2115 : vector<16xf32>
        %sub3A_2117 = arith.constant 1.000000e+00 : f32
        %sub3A_2118 = vector.broadcast %sub3A_2117 : f32 to vector<16xf32>
        %sub3A_2119 = arith.subf %add3A_2113, %sub3A_2118 : vector<16xf32>
        %mul3A_2120 = vector.broadcast %squeeze3A_2009 : f32 to vector<16xf32>
        %mul3A_2121 = arith.mulf %mul3A_2120, %sub3A_2119 : vector<16xf32>
        %ge3A_2122 = arith.cmpf oge, %add3A_2116, %mul3A_2121 : vector<16xf32>
        %mul3A_2123 = vector.broadcast %squeeze3A_2013 : f32 to vector<16xf32>
        %mul3A_2124 = arith.mulf %mul3A_2123, %sub3A_2119 : vector<16xf32>
        %le3A_2125 = arith.cmpf ole, %add3A_2116, %mul3A_2124 : vector<16xf32>
        %and3A_2126 = arith.andi %ge3A_2122, %le3A_2125 : vector<16xi1>
        %mul3A_2127 = arith.mulf %add3A_2116, %select_n3A_1936 : vector<16xf32>
        %mul3A_2128 = arith.mulf %select_n3A_1935, %sub3A_2119 : vector<16xf32>
        %lt3A_2129 = arith.cmpf olt, %mul3A_2127, %mul3A_2128 : vector<16xf32>
        %and3A_2130 = arith.andi %and3A_2126, %lt3A_2129 : vector<16xi1>
        %select_n3A_2131 = arith.select %and3A_2130, %add3A_2116, %select_n3A_1935 : vector<16xi1>, vector<16xf32>
        %select_n3A_2132 = arith.select %and3A_2130, %sub3A_2119, %select_n3A_1936 : vector<16xi1>, vector<16xf32>
        %get3A_2133 = arith.index_cast %squeeze3A_2017 : i32 to index
        %get3A_2134 = arith.constant 16 : index
        %get3A_2135 = tpu.vector_load %arg7[%get3A_2133, %get3A_2134] {strides = array<i32>} : memref<65x64xf32, #tpu.memory_space<vmem>>, vector<16xf32>,
        %add3A_2136 = arith.addf %add3A_1940, %get3A_2135 : vector<16xf32>
        %mul3A_2137 = vector.broadcast %squeeze3A_2009 : f32 to vector<16xf32>
        %mul3A_2138 = arith.mulf %get3A_2135, %mul3A_2137 : vector<16xf32>
        %add3A_2139 = arith.addf %add3A_1943, %mul3A_2138 : vector<16xf32>
        %sub3A_2140 = arith.constant 1.000000e+00 : f32
        %sub3A_2141 = vector.broadcast %sub3A_2140 : f32 to vector<16xf32>
        %sub3A_2142 = arith.subf %add3A_2136, %sub3A_2141 : vector<16xf32>
        %mul3A_2143 = vector.broadcast %squeeze3A_2009 : f32 to vector<16xf32>
        %mul3A_2144 = arith.mulf %mul3A_2143, %sub3A_2142 : vector<16xf32>
        %ge3A_2145 = arith.cmpf oge, %add3A_2139, %mul3A_2144 : vector<16xf32>
        %mul3A_2146 = vector.broadcast %squeeze3A_2013 : f32 to vector<16xf32>
        %mul3A_2147 = arith.mulf %mul3A_2146, %sub3A_2142 : vector<16xf32>
        %le3A_2148 = arith.cmpf ole, %add3A_2139, %mul3A_2147 : vector<16xf32>
        %and3A_2149 = arith.andi %ge3A_2145, %le3A_2148 : vector<16xi1>
        %mul3A_2150 = arith.mulf %add3A_2139, %select_n3A_1959 : vector<16xf32>
        %mul3A_2151 = arith.mulf %select_n3A_1958, %sub3A_2142 : vector<16xf32>
        %lt3A_2152 = arith.cmpf olt, %mul3A_2150, %mul3A_2151 : vector<16xf32>
        %and3A_2153 = arith.andi %and3A_2149, %lt3A_2152 : vector<16xi1>
        %select_n3A_2154 = arith.select %and3A_2153, %add3A_2139, %select_n3A_1958 : vector<16xi1>, vector<16xf32>
        %select_n3A_2155 = arith.select %and3A_2153, %sub3A_2142, %select_n3A_1959 : vector<16xi1>, vector<16xf32>
        %get3A_2156 = arith.index_cast %squeeze3A_2017 : i32 to index
        %get3A_2157 = arith.constant 32 : index
        %get3A_2158 = tpu.vector_load %arg7[%get3A_2156, %get3A_2157] {strides = array<i32>} : memref<65x64xf32, #tpu.memory_space<vmem>>, vector<16xf32>,
        %add3A_2159 = arith.addf %add3A_1963, %get3A_2158 : vector<16xf32>
        %mul3A_2160 = vector.broadcast %squeeze3A_2009 : f32 to vector<16xf32>
        %mul3A_2161 = arith.mulf %get3A_2158, %mul3A_2160 : vector<16xf32>
        %add3A_2162 = arith.addf %add3A_1966, %mul3A_2161 : vector<16xf32>
        %sub3A_2163 = arith.constant 1.000000e+00 : f32
        %sub3A_2164 = vector.broadcast %sub3A_2163 : f32 to vector<16xf32>
        %sub3A_2165 = arith.subf %add3A_2159, %sub3A_2164 : vector<16xf32>
        %mul3A_2166 = vector.broadcast %squeeze3A_2009 : f32 to vector<16xf32>
        %mul3A_2167 = arith.mulf %mul3A_2166, %sub3A_2165 : vector<16xf32>
        %ge3A_2168 = arith.cmpf oge, %add3A_2162, %mul3A_2167 : vector<16xf32>
        %mul3A_2169 = vector.broadcast %squeeze3A_2013 : f32 to vector<16xf32>
        %mul3A_2170 = arith.mulf %mul3A_2169, %sub3A_2165 : vector<16xf32>
        %le3A_2171 = arith.cmpf ole, %add3A_2162, %mul3A_2170 : vector<16xf32>
        %and3A_2172 = arith.andi %ge3A_2168, %le3A_2171 : vector<16xi1>
        %mul3A_2173 = arith.mulf %add3A_2162, %select_n3A_1982 : vector<16xf32>
        %mul3A_2174 = arith.mulf %select_n3A_1981, %sub3A_2165 : vector<16xf32>
        %lt3A_2175 = arith.cmpf olt, %mul3A_2173, %mul3A_2174 : vector<16xf32>
        %and3A_2176 = arith.andi %and3A_2172, %lt3A_2175 : vector<16xi1>
        %select_n3A_2177 = arith.select %and3A_2176, %add3A_2162, %select_n3A_1981 : vector<16xi1>, vector<16xf32>
        %select_n3A_2178 = arith.select %and3A_2176, %sub3A_2165, %select_n3A_1982 : vector<16xi1>, vector<16xf32>
        %get3A_2179 = arith.index_cast %squeeze3A_2017 : i32 to index
        %get3A_2180 = arith.constant 48 : index
        %get3A_2181 = tpu.vector_load %arg7[%get3A_2179, %get3A_2180] {strides = array<i32>} : memref<65x64xf32, #tpu.memory_space<vmem>>, vector<16xf32>,
        %add3A_2182 = arith.addf %add3A_1986, %get3A_2181 : vector<16xf32>
        %mul3A_2183 = vector.broadcast %squeeze3A_2009 : f32 to vector<16xf32>
        %mul3A_2184 = arith.mulf %get3A_2181, %mul3A_2183 : vector<16xf32>
        %add3A_2185 = arith.addf %add3A_1989, %mul3A_2184 : vector<16xf32>
        %sub3A_2186 = arith.constant 1.000000e+00 : f32
        %sub3A_2187 = vector.broadcast %sub3A_2186 : f32 to vector<16xf32>
        %sub3A_2188 = arith.subf %add3A_2182, %sub3A_2187 : vector<16xf32>
        %mul3A_2189 = vector.broadcast %squeeze3A_2009 : f32 to vector<16xf32>
        %mul3A_2190 = arith.mulf %mul3A_2189, %sub3A_2188 : vector<16xf32>
        %ge3A_2191 = arith.cmpf oge, %add3A_2185, %mul3A_2190 : vector<16xf32>
        %mul3A_2192 = vector.broadcast %squeeze3A_2013 : f32 to vector<16xf32>
        %mul3A_2193 = arith.mulf %mul3A_2192, %sub3A_2188 : vector<16xf32>
        %le3A_2194 = arith.cmpf ole, %add3A_2185, %mul3A_2193 : vector<16xf32>
        %and3A_2195 = arith.andi %ge3A_2191, %le3A_2194 : vector<16xi1>
        %mul3A_2196 = arith.mulf %add3A_2185, %select_n3A_2005 : vector<16xf32>
        %mul3A_2197 = arith.mulf %select_n3A_2004, %sub3A_2188 : vector<16xf32>
        %lt3A_2198 = arith.cmpf olt, %mul3A_2196, %mul3A_2197 : vector<16xf32>
        %and3A_2199 = arith.andi %and3A_2195, %lt3A_2198 : vector<16xi1>
        %select_n3A_2200 = arith.select %and3A_2199, %add3A_2185, %select_n3A_2004 : vector<16xi1>, vector<16xf32>
        %select_n3A_2201 = arith.select %and3A_2199, %sub3A_2188, %select_n3A_2005 : vector<16xi1>, vector<16xf32>
        %slice3A_2202 = vector.extract_strided_slice %get3A_795 {offsets = [7], sizes = [1], strides = [1]} : vector<16xf32> to vector<1xf32>
        %squeeze3A_2203 = vector.extract %slice3A_2202[0] : f32 from vector<1xf32>
        %slice3A_2204 = vector.extract_strided_slice %get3A_801 {offsets = [7], sizes = [1], strides = [1]} : vector<16xf32> to vector<1xf32>
        %squeeze3A_2205 = vector.extract %slice3A_2204[0] : f32 from vector<1xf32>
        %slice3A_2206 = vector.extract_strided_slice %get3A_809 {offsets = [7], sizes = [1], strides = [1]} : vector<16xf32> to vector<1xf32>
        %squeeze3A_2207 = vector.extract %slice3A_2206[0] : f32 from vector<1xf32>
        %slice3A_2208 = vector.extract_strided_slice %get3A_817 {offsets = [7], sizes = [1], strides = [1]} : vector<16xf32> to vector<1xf32>
        %squeeze3A_2209 = vector.extract %slice3A_2208[0] : f32 from vector<1xf32>
        %slice3A_2210 = vector.extract_strided_slice %get3A_823 {offsets = [7], sizes = [1], strides = [1]} : vector<16xi32> to vector<1xi32>
        %squeeze3A_2211 = vector.extract %slice3A_2210[0] : i32 from vector<1xi32>
        %slice3A_2212 = vector.extract_strided_slice %get3A_829 {offsets = [7], sizes = [1], strides = [1]} : vector<16xi32> to vector<1xi32>
        %squeeze3A_2213 = vector.extract %slice3A_2212[0] : i32 from vector<1xi32>
        %get3A_2214 = arith.index_cast %squeeze3A_2211 : i32 to index
        %get3A_2215 = arith.constant 0 : index
        %get3A_2216 = tpu.vector_load %arg7[%get3A_2214, %get3A_2215] {strides = array<i32>} : memref<65x64xf32, #tpu.memory_space<vmem>>, vector<16xf32>,
        %add3A_2217 = arith.addf %add3A_2021, %get3A_2216 : vector<16xf32>
        %mul3A_2218 = vector.broadcast %squeeze3A_2203 : f32 to vector<16xf32>
        %mul3A_2219 = arith.mulf %get3A_2216, %mul3A_2218 : vector<16xf32>
        %add3A_2220 = arith.addf %add3A_2024, %mul3A_2219 : vector<16xf32>
        %sub3A_2221 = arith.constant 1.000000e+00 : f32
        %sub3A_2222 = vector.broadcast %sub3A_2221 : f32 to vector<16xf32>
        %sub3A_2223 = arith.subf %add3A_2217, %sub3A_2222 : vector<16xf32>
        %mul3A_2224 = vector.broadcast %squeeze3A_2203 : f32 to vector<16xf32>
        %mul3A_2225 = arith.mulf %mul3A_2224, %sub3A_2223 : vector<16xf32>
        %ge3A_2226 = arith.cmpf oge, %add3A_2220, %mul3A_2225 : vector<16xf32>
        %mul3A_2227 = vector.broadcast %squeeze3A_2207 : f32 to vector<16xf32>
        %mul3A_2228 = arith.mulf %mul3A_2227, %sub3A_2223 : vector<16xf32>
        %le3A_2229 = arith.cmpf ole, %add3A_2220, %mul3A_2228 : vector<16xf32>
        %and3A_2230 = arith.andi %ge3A_2226, %le3A_2229 : vector<16xi1>
        %mul3A_2231 = arith.mulf %add3A_2220, %select_n3A_2040 : vector<16xf32>
        %mul3A_2232 = arith.mulf %select_n3A_2039, %sub3A_2223 : vector<16xf32>
        %lt3A_2233 = arith.cmpf olt, %mul3A_2231, %mul3A_2232 : vector<16xf32>
        %and3A_2234 = arith.andi %and3A_2230, %lt3A_2233 : vector<16xi1>
        %select_n3A_2235 = arith.select %and3A_2234, %add3A_2220, %select_n3A_2039 : vector<16xi1>, vector<16xf32>
        %select_n3A_2236 = arith.select %and3A_2234, %sub3A_2223, %select_n3A_2040 : vector<16xi1>, vector<16xf32>
        %get3A_2237 = arith.index_cast %squeeze3A_2211 : i32 to index
        %get3A_2238 = arith.constant 16 : index
        %get3A_2239 = tpu.vector_load %arg7[%get3A_2237, %get3A_2238] {strides = array<i32>} : memref<65x64xf32, #tpu.memory_space<vmem>>, vector<16xf32>,
        %add3A_2240 = arith.addf %add3A_2044, %get3A_2239 : vector<16xf32>
        %mul3A_2241 = vector.broadcast %squeeze3A_2203 : f32 to vector<16xf32>
        %mul3A_2242 = arith.mulf %get3A_2239, %mul3A_2241 : vector<16xf32>
        %add3A_2243 = arith.addf %add3A_2047, %mul3A_2242 : vector<16xf32>
        %sub3A_2244 = arith.constant 1.000000e+00 : f32
        %sub3A_2245 = vector.broadcast %sub3A_2244 : f32 to vector<16xf32>
        %sub3A_2246 = arith.subf %add3A_2240, %sub3A_2245 : vector<16xf32>
        %mul3A_2247 = vector.broadcast %squeeze3A_2203 : f32 to vector<16xf32>
        %mul3A_2248 = arith.mulf %mul3A_2247, %sub3A_2246 : vector<16xf32>
        %ge3A_2249 = arith.cmpf oge, %add3A_2243, %mul3A_2248 : vector<16xf32>
        %mul3A_2250 = vector.broadcast %squeeze3A_2207 : f32 to vector<16xf32>
        %mul3A_2251 = arith.mulf %mul3A_2250, %sub3A_2246 : vector<16xf32>
        %le3A_2252 = arith.cmpf ole, %add3A_2243, %mul3A_2251 : vector<16xf32>
        %and3A_2253 = arith.andi %ge3A_2249, %le3A_2252 : vector<16xi1>
        %mul3A_2254 = arith.mulf %add3A_2243, %select_n3A_2063 : vector<16xf32>
        %mul3A_2255 = arith.mulf %select_n3A_2062, %sub3A_2246 : vector<16xf32>
        %lt3A_2256 = arith.cmpf olt, %mul3A_2254, %mul3A_2255 : vector<16xf32>
        %and3A_2257 = arith.andi %and3A_2253, %lt3A_2256 : vector<16xi1>
        %select_n3A_2258 = arith.select %and3A_2257, %add3A_2243, %select_n3A_2062 : vector<16xi1>, vector<16xf32>
        %select_n3A_2259 = arith.select %and3A_2257, %sub3A_2246, %select_n3A_2063 : vector<16xi1>, vector<16xf32>
        %get3A_2260 = arith.index_cast %squeeze3A_2211 : i32 to index
        %get3A_2261 = arith.constant 32 : index
        %get3A_2262 = tpu.vector_load %arg7[%get3A_2260, %get3A_2261] {strides = array<i32>} : memref<65x64xf32, #tpu.memory_space<vmem>>, vector<16xf32>,
        %add3A_2263 = arith.addf %add3A_2067, %get3A_2262 : vector<16xf32>
        %mul3A_2264 = vector.broadcast %squeeze3A_2203 : f32 to vector<16xf32>
        %mul3A_2265 = arith.mulf %get3A_2262, %mul3A_2264 : vector<16xf32>
        %add3A_2266 = arith.addf %add3A_2070, %mul3A_2265 : vector<16xf32>
        %sub3A_2267 = arith.constant 1.000000e+00 : f32
        %sub3A_2268 = vector.broadcast %sub3A_2267 : f32 to vector<16xf32>
        %sub3A_2269 = arith.subf %add3A_2263, %sub3A_2268 : vector<16xf32>
        %mul3A_2270 = vector.broadcast %squeeze3A_2203 : f32 to vector<16xf32>
        %mul3A_2271 = arith.mulf %mul3A_2270, %sub3A_2269 : vector<16xf32>
        %ge3A_2272 = arith.cmpf oge, %add3A_2266, %mul3A_2271 : vector<16xf32>
        %mul3A_2273 = vector.broadcast %squeeze3A_2207 : f32 to vector<16xf32>
        %mul3A_2274 = arith.mulf %mul3A_2273, %sub3A_2269 : vector<16xf32>
        %le3A_2275 = arith.cmpf ole, %add3A_2266, %mul3A_2274 : vector<16xf32>
        %and3A_2276 = arith.andi %ge3A_2272, %le3A_2275 : vector<16xi1>
        %mul3A_2277 = arith.mulf %add3A_2266, %select_n3A_2086 : vector<16xf32>
        %mul3A_2278 = arith.mulf %select_n3A_2085, %sub3A_2269 : vector<16xf32>
        %lt3A_2279 = arith.cmpf olt, %mul3A_2277, %mul3A_2278 : vector<16xf32>
        %and3A_2280 = arith.andi %and3A_2276, %lt3A_2279 : vector<16xi1>
        %select_n3A_2281 = arith.select %and3A_2280, %add3A_2266, %select_n3A_2085 : vector<16xi1>, vector<16xf32>
        %select_n3A_2282 = arith.select %and3A_2280, %sub3A_2269, %select_n3A_2086 : vector<16xi1>, vector<16xf32>
        %get3A_2283 = arith.index_cast %squeeze3A_2211 : i32 to index
        %get3A_2284 = arith.constant 48 : index
        %get3A_2285 = tpu.vector_load %arg7[%get3A_2283, %get3A_2284] {strides = array<i32>} : memref<65x64xf32, #tpu.memory_space<vmem>>, vector<16xf32>,
        %add3A_2286 = arith.addf %add3A_2090, %get3A_2285 : vector<16xf32>
        %mul3A_2287 = vector.broadcast %squeeze3A_2203 : f32 to vector<16xf32>
        %mul3A_2288 = arith.mulf %get3A_2285, %mul3A_2287 : vector<16xf32>
        %add3A_2289 = arith.addf %add3A_2093, %mul3A_2288 : vector<16xf32>
        %sub3A_2290 = arith.constant 1.000000e+00 : f32
        %sub3A_2291 = vector.broadcast %sub3A_2290 : f32 to vector<16xf32>
        %sub3A_2292 = arith.subf %add3A_2286, %sub3A_2291 : vector<16xf32>
        %mul3A_2293 = vector.broadcast %squeeze3A_2203 : f32 to vector<16xf32>
        %mul3A_2294 = arith.mulf %mul3A_2293, %sub3A_2292 : vector<16xf32>
        %ge3A_2295 = arith.cmpf oge, %add3A_2289, %mul3A_2294 : vector<16xf32>
        %mul3A_2296 = vector.broadcast %squeeze3A_2207 : f32 to vector<16xf32>
        %mul3A_2297 = arith.mulf %mul3A_2296, %sub3A_2292 : vector<16xf32>
        %le3A_2298 = arith.cmpf ole, %add3A_2289, %mul3A_2297 : vector<16xf32>
        %and3A_2299 = arith.andi %ge3A_2295, %le3A_2298 : vector<16xi1>
        %mul3A_2300 = arith.mulf %add3A_2289, %select_n3A_2109 : vector<16xf32>
        %mul3A_2301 = arith.mulf %select_n3A_2108, %sub3A_2292 : vector<16xf32>
        %lt3A_2302 = arith.cmpf olt, %mul3A_2300, %mul3A_2301 : vector<16xf32>
        %and3A_2303 = arith.andi %and3A_2299, %lt3A_2302 : vector<16xi1>
        %select_n3A_2304 = arith.select %and3A_2303, %add3A_2289, %select_n3A_2108 : vector<16xi1>, vector<16xf32>
        %select_n3A_2305 = arith.select %and3A_2303, %sub3A_2292, %select_n3A_2109 : vector<16xi1>, vector<16xf32>
        %get3A_2306 = arith.index_cast %squeeze3A_2213 : i32 to index
        %get3A_2307 = arith.constant 0 : index
        %get3A_2308 = tpu.vector_load %arg7[%get3A_2306, %get3A_2307] {strides = array<i32>} : memref<65x64xf32, #tpu.memory_space<vmem>>, vector<16xf32>,
        %add3A_2309 = arith.addf %add3A_2113, %get3A_2308 : vector<16xf32>
        %mul3A_2310 = vector.broadcast %squeeze3A_2205 : f32 to vector<16xf32>
        %mul3A_2311 = arith.mulf %get3A_2308, %mul3A_2310 : vector<16xf32>
        %add3A_2312 = arith.addf %add3A_2116, %mul3A_2311 : vector<16xf32>
        %sub3A_2313 = arith.constant 1.000000e+00 : f32
        %sub3A_2314 = vector.broadcast %sub3A_2313 : f32 to vector<16xf32>
        %sub3A_2315 = arith.subf %add3A_2309, %sub3A_2314 : vector<16xf32>
        %mul3A_2316 = vector.broadcast %squeeze3A_2205 : f32 to vector<16xf32>
        %mul3A_2317 = arith.mulf %mul3A_2316, %sub3A_2315 : vector<16xf32>
        %ge3A_2318 = arith.cmpf oge, %add3A_2312, %mul3A_2317 : vector<16xf32>
        %mul3A_2319 = vector.broadcast %squeeze3A_2209 : f32 to vector<16xf32>
        %mul3A_2320 = arith.mulf %mul3A_2319, %sub3A_2315 : vector<16xf32>
        %le3A_2321 = arith.cmpf ole, %add3A_2312, %mul3A_2320 : vector<16xf32>
        %and3A_2322 = arith.andi %ge3A_2318, %le3A_2321 : vector<16xi1>
        %mul3A_2323 = arith.mulf %add3A_2312, %select_n3A_2132 : vector<16xf32>
        %mul3A_2324 = arith.mulf %select_n3A_2131, %sub3A_2315 : vector<16xf32>
        %lt3A_2325 = arith.cmpf olt, %mul3A_2323, %mul3A_2324 : vector<16xf32>
        %and3A_2326 = arith.andi %and3A_2322, %lt3A_2325 : vector<16xi1>
        %select_n3A_2327 = arith.select %and3A_2326, %add3A_2312, %select_n3A_2131 : vector<16xi1>, vector<16xf32>
        %select_n3A_2328 = arith.select %and3A_2326, %sub3A_2315, %select_n3A_2132 : vector<16xi1>, vector<16xf32>
        %get3A_2329 = arith.index_cast %squeeze3A_2213 : i32 to index
        %get3A_2330 = arith.constant 16 : index
        %get3A_2331 = tpu.vector_load %arg7[%get3A_2329, %get3A_2330] {strides = array<i32>} : memref<65x64xf32, #tpu.memory_space<vmem>>, vector<16xf32>,
        %add3A_2332 = arith.addf %add3A_2136, %get3A_2331 : vector<16xf32>
        %mul3A_2333 = vector.broadcast %squeeze3A_2205 : f32 to vector<16xf32>
        %mul3A_2334 = arith.mulf %get3A_2331, %mul3A_2333 : vector<16xf32>
        %add3A_2335 = arith.addf %add3A_2139, %mul3A_2334 : vector<16xf32>
        %sub3A_2336 = arith.constant 1.000000e+00 : f32
        %sub3A_2337 = vector.broadcast %sub3A_2336 : f32 to vector<16xf32>
        %sub3A_2338 = arith.subf %add3A_2332, %sub3A_2337 : vector<16xf32>
        %mul3A_2339 = vector.broadcast %squeeze3A_2205 : f32 to vector<16xf32>
        %mul3A_2340 = arith.mulf %mul3A_2339, %sub3A_2338 : vector<16xf32>
        %ge3A_2341 = arith.cmpf oge, %add3A_2335, %mul3A_2340 : vector<16xf32>
        %mul3A_2342 = vector.broadcast %squeeze3A_2209 : f32 to vector<16xf32>
        %mul3A_2343 = arith.mulf %mul3A_2342, %sub3A_2338 : vector<16xf32>
        %le3A_2344 = arith.cmpf ole, %add3A_2335, %mul3A_2343 : vector<16xf32>
        %and3A_2345 = arith.andi %ge3A_2341, %le3A_2344 : vector<16xi1>
        %mul3A_2346 = arith.mulf %add3A_2335, %select_n3A_2155 : vector<16xf32>
        %mul3A_2347 = arith.mulf %select_n3A_2154, %sub3A_2338 : vector<16xf32>
        %lt3A_2348 = arith.cmpf olt, %mul3A_2346, %mul3A_2347 : vector<16xf32>
        %and3A_2349 = arith.andi %and3A_2345, %lt3A_2348 : vector<16xi1>
        %select_n3A_2350 = arith.select %and3A_2349, %add3A_2335, %select_n3A_2154 : vector<16xi1>, vector<16xf32>
        %select_n3A_2351 = arith.select %and3A_2349, %sub3A_2338, %select_n3A_2155 : vector<16xi1>, vector<16xf32>
        %get3A_2352 = arith.index_cast %squeeze3A_2213 : i32 to index
        %get3A_2353 = arith.constant 32 : index
        %get3A_2354 = tpu.vector_load %arg7[%get3A_2352, %get3A_2353] {strides = array<i32>} : memref<65x64xf32, #tpu.memory_space<vmem>>, vector<16xf32>,
        %add3A_2355 = arith.addf %add3A_2159, %get3A_2354 : vector<16xf32>
        %mul3A_2356 = vector.broadcast %squeeze3A_2205 : f32 to vector<16xf32>
        %mul3A_2357 = arith.mulf %get3A_2354, %mul3A_2356 : vector<16xf32>
        %add3A_2358 = arith.addf %add3A_2162, %mul3A_2357 : vector<16xf32>
        %sub3A_2359 = arith.constant 1.000000e+00 : f32
        %sub3A_2360 = vector.broadcast %sub3A_2359 : f32 to vector<16xf32>
        %sub3A_2361 = arith.subf %add3A_2355, %sub3A_2360 : vector<16xf32>
        %mul3A_2362 = vector.broadcast %squeeze3A_2205 : f32 to vector<16xf32>
        %mul3A_2363 = arith.mulf %mul3A_2362, %sub3A_2361 : vector<16xf32>
        %ge3A_2364 = arith.cmpf oge, %add3A_2358, %mul3A_2363 : vector<16xf32>
        %mul3A_2365 = vector.broadcast %squeeze3A_2209 : f32 to vector<16xf32>
        %mul3A_2366 = arith.mulf %mul3A_2365, %sub3A_2361 : vector<16xf32>
        %le3A_2367 = arith.cmpf ole, %add3A_2358, %mul3A_2366 : vector<16xf32>
        %and3A_2368 = arith.andi %ge3A_2364, %le3A_2367 : vector<16xi1>
        %mul3A_2369 = arith.mulf %add3A_2358, %select_n3A_2178 : vector<16xf32>
        %mul3A_2370 = arith.mulf %select_n3A_2177, %sub3A_2361 : vector<16xf32>
        %lt3A_2371 = arith.cmpf olt, %mul3A_2369, %mul3A_2370 : vector<16xf32>
        %and3A_2372 = arith.andi %and3A_2368, %lt3A_2371 : vector<16xi1>
        %select_n3A_2373 = arith.select %and3A_2372, %add3A_2358, %select_n3A_2177 : vector<16xi1>, vector<16xf32>
        %select_n3A_2374 = arith.select %and3A_2372, %sub3A_2361, %select_n3A_2178 : vector<16xi1>, vector<16xf32>
        %get3A_2375 = arith.index_cast %squeeze3A_2213 : i32 to index
        %get3A_2376 = arith.constant 48 : index
        %get3A_2377 = tpu.vector_load %arg7[%get3A_2375, %get3A_2376] {strides = array<i32>} : memref<65x64xf32, #tpu.memory_space<vmem>>, vector<16xf32>,
        %add3A_2378 = arith.addf %add3A_2182, %get3A_2377 : vector<16xf32>
        %mul3A_2379 = vector.broadcast %squeeze3A_2205 : f32 to vector<16xf32>
        %mul3A_2380 = arith.mulf %get3A_2377, %mul3A_2379 : vector<16xf32>
        %add3A_2381 = arith.addf %add3A_2185, %mul3A_2380 : vector<16xf32>
        %sub3A_2382 = arith.constant 1.000000e+00 : f32
        %sub3A_2383 = vector.broadcast %sub3A_2382 : f32 to vector<16xf32>
        %sub3A_2384 = arith.subf %add3A_2378, %sub3A_2383 : vector<16xf32>
        %mul3A_2385 = vector.broadcast %squeeze3A_2205 : f32 to vector<16xf32>
        %mul3A_2386 = arith.mulf %mul3A_2385, %sub3A_2384 : vector<16xf32>
        %ge3A_2387 = arith.cmpf oge, %add3A_2381, %mul3A_2386 : vector<16xf32>
        %mul3A_2388 = vector.broadcast %squeeze3A_2209 : f32 to vector<16xf32>
        %mul3A_2389 = arith.mulf %mul3A_2388, %sub3A_2384 : vector<16xf32>
        %le3A_2390 = arith.cmpf ole, %add3A_2381, %mul3A_2389 : vector<16xf32>
        %and3A_2391 = arith.andi %ge3A_2387, %le3A_2390 : vector<16xi1>
        %mul3A_2392 = arith.mulf %add3A_2381, %select_n3A_2201 : vector<16xf32>
        %mul3A_2393 = arith.mulf %select_n3A_2200, %sub3A_2384 : vector<16xf32>
        %lt3A_2394 = arith.cmpf olt, %mul3A_2392, %mul3A_2393 : vector<16xf32>
        %and3A_2395 = arith.andi %and3A_2391, %lt3A_2394 : vector<16xi1>
        %select_n3A_2396 = arith.select %and3A_2395, %add3A_2381, %select_n3A_2200 : vector<16xi1>, vector<16xf32>
        %select_n3A_2397 = arith.select %and3A_2395, %sub3A_2384, %select_n3A_2201 : vector<16xi1>, vector<16xf32>
        %slice3A_2398 = vector.extract_strided_slice %get3A_795 {offsets = [8], sizes = [1], strides = [1]} : vector<16xf32> to vector<1xf32>
        %squeeze3A_2399 = vector.extract %slice3A_2398[0] : f32 from vector<1xf32>
        %slice3A_2400 = vector.extract_strided_slice %get3A_801 {offsets = [8], sizes = [1], strides = [1]} : vector<16xf32> to vector<1xf32>
        %squeeze3A_2401 = vector.extract %slice3A_2400[0] : f32 from vector<1xf32>
        %slice3A_2402 = vector.extract_strided_slice %get3A_809 {offsets = [8], sizes = [1], strides = [1]} : vector<16xf32> to vector<1xf32>
        %squeeze3A_2403 = vector.extract %slice3A_2402[0] : f32 from vector<1xf32>
        %slice3A_2404 = vector.extract_strided_slice %get3A_817 {offsets = [8], sizes = [1], strides = [1]} : vector<16xf32> to vector<1xf32>
        %squeeze3A_2405 = vector.extract %slice3A_2404[0] : f32 from vector<1xf32>
        %slice3A_2406 = vector.extract_strided_slice %get3A_823 {offsets = [8], sizes = [1], strides = [1]} : vector<16xi32> to vector<1xi32>
        %squeeze3A_2407 = vector.extract %slice3A_2406[0] : i32 from vector<1xi32>
        %slice3A_2408 = vector.extract_strided_slice %get3A_829 {offsets = [8], sizes = [1], strides = [1]} : vector<16xi32> to vector<1xi32>
        %squeeze3A_2409 = vector.extract %slice3A_2408[0] : i32 from vector<1xi32>
        %get3A_2410 = arith.index_cast %squeeze3A_2407 : i32 to index
        %get3A_2411 = arith.constant 0 : index
        %get3A_2412 = tpu.vector_load %arg7[%get3A_2410, %get3A_2411] {strides = array<i32>} : memref<65x64xf32, #tpu.memory_space<vmem>>, vector<16xf32>,
        %add3A_2413 = arith.addf %add3A_2217, %get3A_2412 : vector<16xf32>
        %mul3A_2414 = vector.broadcast %squeeze3A_2399 : f32 to vector<16xf32>
        %mul3A_2415 = arith.mulf %get3A_2412, %mul3A_2414 : vector<16xf32>
        %add3A_2416 = arith.addf %add3A_2220, %mul3A_2415 : vector<16xf32>
        %sub3A_2417 = arith.constant 1.000000e+00 : f32
        %sub3A_2418 = vector.broadcast %sub3A_2417 : f32 to vector<16xf32>
        %sub3A_2419 = arith.subf %add3A_2413, %sub3A_2418 : vector<16xf32>
        %mul3A_2420 = vector.broadcast %squeeze3A_2399 : f32 to vector<16xf32>
        %mul3A_2421 = arith.mulf %mul3A_2420, %sub3A_2419 : vector<16xf32>
        %ge3A_2422 = arith.cmpf oge, %add3A_2416, %mul3A_2421 : vector<16xf32>
        %mul3A_2423 = vector.broadcast %squeeze3A_2403 : f32 to vector<16xf32>
        %mul3A_2424 = arith.mulf %mul3A_2423, %sub3A_2419 : vector<16xf32>
        %le3A_2425 = arith.cmpf ole, %add3A_2416, %mul3A_2424 : vector<16xf32>
        %and3A_2426 = arith.andi %ge3A_2422, %le3A_2425 : vector<16xi1>
        %mul3A_2427 = arith.mulf %add3A_2416, %select_n3A_2236 : vector<16xf32>
        %mul3A_2428 = arith.mulf %select_n3A_2235, %sub3A_2419 : vector<16xf32>
        %lt3A_2429 = arith.cmpf olt, %mul3A_2427, %mul3A_2428 : vector<16xf32>
        %and3A_2430 = arith.andi %and3A_2426, %lt3A_2429 : vector<16xi1>
        %select_n3A_2431 = arith.select %and3A_2430, %add3A_2416, %select_n3A_2235 : vector<16xi1>, vector<16xf32>
        %select_n3A_2432 = arith.select %and3A_2430, %sub3A_2419, %select_n3A_2236 : vector<16xi1>, vector<16xf32>
        %get3A_2433 = arith.index_cast %squeeze3A_2407 : i32 to index
        %get3A_2434 = arith.constant 16 : index
        %get3A_2435 = tpu.vector_load %arg7[%get3A_2433, %get3A_2434] {strides = array<i32>} : memref<65x64xf32, #tpu.memory_space<vmem>>, vector<16xf32>,
        %add3A_2436 = arith.addf %add3A_2240, %get3A_2435 : vector<16xf32>
        %mul3A_2437 = vector.broadcast %squeeze3A_2399 : f32 to vector<16xf32>
        %mul3A_2438 = arith.mulf %get3A_2435, %mul3A_2437 : vector<16xf32>
        %add3A_2439 = arith.addf %add3A_2243, %mul3A_2438 : vector<16xf32>
        %sub3A_2440 = arith.constant 1.000000e+00 : f32
        %sub3A_2441 = vector.broadcast %sub3A_2440 : f32 to vector<16xf32>
        %sub3A_2442 = arith.subf %add3A_2436, %sub3A_2441 : vector<16xf32>
        %mul3A_2443 = vector.broadcast %squeeze3A_2399 : f32 to vector<16xf32>
        %mul3A_2444 = arith.mulf %mul3A_2443, %sub3A_2442 : vector<16xf32>
        %ge3A_2445 = arith.cmpf oge, %add3A_2439, %mul3A_2444 : vector<16xf32>
        %mul3A_2446 = vector.broadcast %squeeze3A_2403 : f32 to vector<16xf32>
        %mul3A_2447 = arith.mulf %mul3A_2446, %sub3A_2442 : vector<16xf32>
        %le3A_2448 = arith.cmpf ole, %add3A_2439, %mul3A_2447 : vector<16xf32>
        %and3A_2449 = arith.andi %ge3A_2445, %le3A_2448 : vector<16xi1>
        %mul3A_2450 = arith.mulf %add3A_2439, %select_n3A_2259 : vector<16xf32>
        %mul3A_2451 = arith.mulf %select_n3A_2258, %sub3A_2442 : vector<16xf32>
        %lt3A_2452 = arith.cmpf olt, %mul3A_2450, %mul3A_2451 : vector<16xf32>
        %and3A_2453 = arith.andi %and3A_2449, %lt3A_2452 : vector<16xi1>
        %select_n3A_2454 = arith.select %and3A_2453, %add3A_2439, %select_n3A_2258 : vector<16xi1>, vector<16xf32>
        %select_n3A_2455 = arith.select %and3A_2453, %sub3A_2442, %select_n3A_2259 : vector<16xi1>, vector<16xf32>
        %get3A_2456 = arith.index_cast %squeeze3A_2407 : i32 to index
        %get3A_2457 = arith.constant 32 : index
        %get3A_2458 = tpu.vector_load %arg7[%get3A_2456, %get3A_2457] {strides = array<i32>} : memref<65x64xf32, #tpu.memory_space<vmem>>, vector<16xf32>,
        %add3A_2459 = arith.addf %add3A_2263, %get3A_2458 : vector<16xf32>
        %mul3A_2460 = vector.broadcast %squeeze3A_2399 : f32 to vector<16xf32>
        %mul3A_2461 = arith.mulf %get3A_2458, %mul3A_2460 : vector<16xf32>
        %add3A_2462 = arith.addf %add3A_2266, %mul3A_2461 : vector<16xf32>
        %sub3A_2463 = arith.constant 1.000000e+00 : f32
        %sub3A_2464 = vector.broadcast %sub3A_2463 : f32 to vector<16xf32>
        %sub3A_2465 = arith.subf %add3A_2459, %sub3A_2464 : vector<16xf32>
        %mul3A_2466 = vector.broadcast %squeeze3A_2399 : f32 to vector<16xf32>
        %mul3A_2467 = arith.mulf %mul3A_2466, %sub3A_2465 : vector<16xf32>
        %ge3A_2468 = arith.cmpf oge, %add3A_2462, %mul3A_2467 : vector<16xf32>
        %mul3A_2469 = vector.broadcast %squeeze3A_2403 : f32 to vector<16xf32>
        %mul3A_2470 = arith.mulf %mul3A_2469, %sub3A_2465 : vector<16xf32>
        %le3A_2471 = arith.cmpf ole, %add3A_2462, %mul3A_2470 : vector<16xf32>
        %and3A_2472 = arith.andi %ge3A_2468, %le3A_2471 : vector<16xi1>
        %mul3A_2473 = arith.mulf %add3A_2462, %select_n3A_2282 : vector<16xf32>
        %mul3A_2474 = arith.mulf %select_n3A_2281, %sub3A_2465 : vector<16xf32>
        %lt3A_2475 = arith.cmpf olt, %mul3A_2473, %mul3A_2474 : vector<16xf32>
        %and3A_2476 = arith.andi %and3A_2472, %lt3A_2475 : vector<16xi1>
        %select_n3A_2477 = arith.select %and3A_2476, %add3A_2462, %select_n3A_2281 : vector<16xi1>, vector<16xf32>
        %select_n3A_2478 = arith.select %and3A_2476, %sub3A_2465, %select_n3A_2282 : vector<16xi1>, vector<16xf32>
        %get3A_2479 = arith.index_cast %squeeze3A_2407 : i32 to index
        %get3A_2480 = arith.constant 48 : index
        %get3A_2481 = tpu.vector_load %arg7[%get3A_2479, %get3A_2480] {strides = array<i32>} : memref<65x64xf32, #tpu.memory_space<vmem>>, vector<16xf32>,
        %add3A_2482 = arith.addf %add3A_2286, %get3A_2481 : vector<16xf32>
        %mul3A_2483 = vector.broadcast %squeeze3A_2399 : f32 to vector<16xf32>
        %mul3A_2484 = arith.mulf %get3A_2481, %mul3A_2483 : vector<16xf32>
        %add3A_2485 = arith.addf %add3A_2289, %mul3A_2484 : vector<16xf32>
        %sub3A_2486 = arith.constant 1.000000e+00 : f32
        %sub3A_2487 = vector.broadcast %sub3A_2486 : f32 to vector<16xf32>
        %sub3A_2488 = arith.subf %add3A_2482, %sub3A_2487 : vector<16xf32>
        %mul3A_2489 = vector.broadcast %squeeze3A_2399 : f32 to vector<16xf32>
        %mul3A_2490 = arith.mulf %mul3A_2489, %sub3A_2488 : vector<16xf32>
        %ge3A_2491 = arith.cmpf oge, %add3A_2485, %mul3A_2490 : vector<16xf32>
        %mul3A_2492 = vector.broadcast %squeeze3A_2403 : f32 to vector<16xf32>
        %mul3A_2493 = arith.mulf %mul3A_2492, %sub3A_2488 : vector<16xf32>
        %le3A_2494 = arith.cmpf ole, %add3A_2485, %mul3A_2493 : vector<16xf32>
        %and3A_2495 = arith.andi %ge3A_2491, %le3A_2494 : vector<16xi1>
        %mul3A_2496 = arith.mulf %add3A_2485, %select_n3A_2305 : vector<16xf32>
        %mul3A_2497 = arith.mulf %select_n3A_2304, %sub3A_2488 : vector<16xf32>
        %lt3A_2498 = arith.cmpf olt, %mul3A_2496, %mul3A_2497 : vector<16xf32>
        %and3A_2499 = arith.andi %and3A_2495, %lt3A_2498 : vector<16xi1>
        %select_n3A_2500 = arith.select %and3A_2499, %add3A_2485, %select_n3A_2304 : vector<16xi1>, vector<16xf32>
        %select_n3A_2501 = arith.select %and3A_2499, %sub3A_2488, %select_n3A_2305 : vector<16xi1>, vector<16xf32>
        %get3A_2502 = arith.index_cast %squeeze3A_2409 : i32 to index
        %get3A_2503 = arith.constant 0 : index
        %get3A_2504 = tpu.vector_load %arg7[%get3A_2502, %get3A_2503] {strides = array<i32>} : memref<65x64xf32, #tpu.memory_space<vmem>>, vector<16xf32>,
        %add3A_2505 = arith.addf %add3A_2309, %get3A_2504 : vector<16xf32>
        %mul3A_2506 = vector.broadcast %squeeze3A_2401 : f32 to vector<16xf32>
        %mul3A_2507 = arith.mulf %get3A_2504, %mul3A_2506 : vector<16xf32>
        %add3A_2508 = arith.addf %add3A_2312, %mul3A_2507 : vector<16xf32>
        %sub3A_2509 = arith.constant 1.000000e+00 : f32
        %sub3A_2510 = vector.broadcast %sub3A_2509 : f32 to vector<16xf32>
        %sub3A_2511 = arith.subf %add3A_2505, %sub3A_2510 : vector<16xf32>
        %mul3A_2512 = vector.broadcast %squeeze3A_2401 : f32 to vector<16xf32>
        %mul3A_2513 = arith.mulf %mul3A_2512, %sub3A_2511 : vector<16xf32>
        %ge3A_2514 = arith.cmpf oge, %add3A_2508, %mul3A_2513 : vector<16xf32>
        %mul3A_2515 = vector.broadcast %squeeze3A_2405 : f32 to vector<16xf32>
        %mul3A_2516 = arith.mulf %mul3A_2515, %sub3A_2511 : vector<16xf32>
        %le3A_2517 = arith.cmpf ole, %add3A_2508, %mul3A_2516 : vector<16xf32>
        %and3A_2518 = arith.andi %ge3A_2514, %le3A_2517 : vector<16xi1>
        %mul3A_2519 = arith.mulf %add3A_2508, %select_n3A_2328 : vector<16xf32>
        %mul3A_2520 = arith.mulf %select_n3A_2327, %sub3A_2511 : vector<16xf32>
        %lt3A_2521 = arith.cmpf olt, %mul3A_2519, %mul3A_2520 : vector<16xf32>
        %and3A_2522 = arith.andi %and3A_2518, %lt3A_2521 : vector<16xi1>
        %select_n3A_2523 = arith.select %and3A_2522, %add3A_2508, %select_n3A_2327 : vector<16xi1>, vector<16xf32>
        %select_n3A_2524 = arith.select %and3A_2522, %sub3A_2511, %select_n3A_2328 : vector<16xi1>, vector<16xf32>
        %get3A_2525 = arith.index_cast %squeeze3A_2409 : i32 to index
        %get3A_2526 = arith.constant 16 : index
        %get3A_2527 = tpu.vector_load %arg7[%get3A_2525, %get3A_2526] {strides = array<i32>} : memref<65x64xf32, #tpu.memory_space<vmem>>, vector<16xf32>,
        %add3A_2528 = arith.addf %add3A_2332, %get3A_2527 : vector<16xf32>
        %mul3A_2529 = vector.broadcast %squeeze3A_2401 : f32 to vector<16xf32>
        %mul3A_2530 = arith.mulf %get3A_2527, %mul3A_2529 : vector<16xf32>
        %add3A_2531 = arith.addf %add3A_2335, %mul3A_2530 : vector<16xf32>
        %sub3A_2532 = arith.constant 1.000000e+00 : f32
        %sub3A_2533 = vector.broadcast %sub3A_2532 : f32 to vector<16xf32>
        %sub3A_2534 = arith.subf %add3A_2528, %sub3A_2533 : vector<16xf32>
        %mul3A_2535 = vector.broadcast %squeeze3A_2401 : f32 to vector<16xf32>
        %mul3A_2536 = arith.mulf %mul3A_2535, %sub3A_2534 : vector<16xf32>
        %ge3A_2537 = arith.cmpf oge, %add3A_2531, %mul3A_2536 : vector<16xf32>
        %mul3A_2538 = vector.broadcast %squeeze3A_2405 : f32 to vector<16xf32>
        %mul3A_2539 = arith.mulf %mul3A_2538, %sub3A_2534 : vector<16xf32>
        %le3A_2540 = arith.cmpf ole, %add3A_2531, %mul3A_2539 : vector<16xf32>
        %and3A_2541 = arith.andi %ge3A_2537, %le3A_2540 : vector<16xi1>
        %mul3A_2542 = arith.mulf %add3A_2531, %select_n3A_2351 : vector<16xf32>
        %mul3A_2543 = arith.mulf %select_n3A_2350, %sub3A_2534 : vector<16xf32>
        %lt3A_2544 = arith.cmpf olt, %mul3A_2542, %mul3A_2543 : vector<16xf32>
        %and3A_2545 = arith.andi %and3A_2541, %lt3A_2544 : vector<16xi1>
        %select_n3A_2546 = arith.select %and3A_2545, %add3A_2531, %select_n3A_2350 : vector<16xi1>, vector<16xf32>
        %select_n3A_2547 = arith.select %and3A_2545, %sub3A_2534, %select_n3A_2351 : vector<16xi1>, vector<16xf32>
        %get3A_2548 = arith.index_cast %squeeze3A_2409 : i32 to index
        %get3A_2549 = arith.constant 32 : index
        %get3A_2550 = tpu.vector_load %arg7[%get3A_2548, %get3A_2549] {strides = array<i32>} : memref<65x64xf32, #tpu.memory_space<vmem>>, vector<16xf32>,
        %add3A_2551 = arith.addf %add3A_2355, %get3A_2550 : vector<16xf32>
        %mul3A_2552 = vector.broadcast %squeeze3A_2401 : f32 to vector<16xf32>
        %mul3A_2553 = arith.mulf %get3A_2550, %mul3A_2552 : vector<16xf32>
        %add3A_2554 = arith.addf %add3A_2358, %mul3A_2553 : vector<16xf32>
        %sub3A_2555 = arith.constant 1.000000e+00 : f32
        %sub3A_2556 = vector.broadcast %sub3A_2555 : f32 to vector<16xf32>
        %sub3A_2557 = arith.subf %add3A_2551, %sub3A_2556 : vector<16xf32>
        %mul3A_2558 = vector.broadcast %squeeze3A_2401 : f32 to vector<16xf32>
        %mul3A_2559 = arith.mulf %mul3A_2558, %sub3A_2557 : vector<16xf32>
        %ge3A_2560 = arith.cmpf oge, %add3A_2554, %mul3A_2559 : vector<16xf32>
        %mul3A_2561 = vector.broadcast %squeeze3A_2405 : f32 to vector<16xf32>
        %mul3A_2562 = arith.mulf %mul3A_2561, %sub3A_2557 : vector<16xf32>
        %le3A_2563 = arith.cmpf ole, %add3A_2554, %mul3A_2562 : vector<16xf32>
        %and3A_2564 = arith.andi %ge3A_2560, %le3A_2563 : vector<16xi1>
        %mul3A_2565 = arith.mulf %add3A_2554, %select_n3A_2374 : vector<16xf32>
        %mul3A_2566 = arith.mulf %select_n3A_2373, %sub3A_2557 : vector<16xf32>
        %lt3A_2567 = arith.cmpf olt, %mul3A_2565, %mul3A_2566 : vector<16xf32>
        %and3A_2568 = arith.andi %and3A_2564, %lt3A_2567 : vector<16xi1>
        %select_n3A_2569 = arith.select %and3A_2568, %add3A_2554, %select_n3A_2373 : vector<16xi1>, vector<16xf32>
        %select_n3A_2570 = arith.select %and3A_2568, %sub3A_2557, %select_n3A_2374 : vector<16xi1>, vector<16xf32>
        %get3A_2571 = arith.index_cast %squeeze3A_2409 : i32 to index
        %get3A_2572 = arith.constant 48 : index
        %get3A_2573 = tpu.vector_load %arg7[%get3A_2571, %get3A_2572] {strides = array<i32>} : memref<65x64xf32, #tpu.memory_space<vmem>>, vector<16xf32>,
        %add3A_2574 = arith.addf %add3A_2378, %get3A_2573 : vector<16xf32>
        %mul3A_2575 = vector.broadcast %squeeze3A_2401 : f32 to vector<16xf32>
        %mul3A_2576 = arith.mulf %get3A_2573, %mul3A_2575 : vector<16xf32>
        %add3A_2577 = arith.addf %add3A_2381, %mul3A_2576 : vector<16xf32>
        %sub3A_2578 = arith.constant 1.000000e+00 : f32
        %sub3A_2579 = vector.broadcast %sub3A_2578 : f32 to vector<16xf32>
        %sub3A_2580 = arith.subf %add3A_2574, %sub3A_2579 : vector<16xf32>
        %mul3A_2581 = vector.broadcast %squeeze3A_2401 : f32 to vector<16xf32>
        %mul3A_2582 = arith.mulf %mul3A_2581, %sub3A_2580 : vector<16xf32>
        %ge3A_2583 = arith.cmpf oge, %add3A_2577, %mul3A_2582 : vector<16xf32>
        %mul3A_2584 = vector.broadcast %squeeze3A_2405 : f32 to vector<16xf32>
        %mul3A_2585 = arith.mulf %mul3A_2584, %sub3A_2580 : vector<16xf32>
        %le3A_2586 = arith.cmpf ole, %add3A_2577, %mul3A_2585 : vector<16xf32>
        %and3A_2587 = arith.andi %ge3A_2583, %le3A_2586 : vector<16xi1>
        %mul3A_2588 = arith.mulf %add3A_2577, %select_n3A_2397 : vector<16xf32>
        %mul3A_2589 = arith.mulf %select_n3A_2396, %sub3A_2580 : vector<16xf32>
        %lt3A_2590 = arith.cmpf olt, %mul3A_2588, %mul3A_2589 : vector<16xf32>
        %and3A_2591 = arith.andi %and3A_2587, %lt3A_2590 : vector<16xi1>
        %select_n3A_2592 = arith.select %and3A_2591, %add3A_2577, %select_n3A_2396 : vector<16xi1>, vector<16xf32>
        %select_n3A_2593 = arith.select %and3A_2591, %sub3A_2580, %select_n3A_2397 : vector<16xi1>, vector<16xf32>
        %slice3A_2594 = vector.extract_strided_slice %get3A_795 {offsets = [9], sizes = [1], strides = [1]} : vector<16xf32> to vector<1xf32>
        %squeeze3A_2595 = vector.extract %slice3A_2594[0] : f32 from vector<1xf32>
        %slice3A_2596 = vector.extract_strided_slice %get3A_801 {offsets = [9], sizes = [1], strides = [1]} : vector<16xf32> to vector<1xf32>
        %squeeze3A_2597 = vector.extract %slice3A_2596[0] : f32 from vector<1xf32>
        %slice3A_2598 = vector.extract_strided_slice %get3A_809 {offsets = [9], sizes = [1], strides = [1]} : vector<16xf32> to vector<1xf32>
        %squeeze3A_2599 = vector.extract %slice3A_2598[0] : f32 from vector<1xf32>
        %slice3A_2600 = vector.extract_strided_slice %get3A_817 {offsets = [9], sizes = [1], strides = [1]} : vector<16xf32> to vector<1xf32>
        %squeeze3A_2601 = vector.extract %slice3A_2600[0] : f32 from vector<1xf32>
        %slice3A_2602 = vector.extract_strided_slice %get3A_823 {offsets = [9], sizes = [1], strides = [1]} : vector<16xi32> to vector<1xi32>
        %squeeze3A_2603 = vector.extract %slice3A_2602[0] : i32 from vector<1xi32>
        %slice3A_2604 = vector.extract_strided_slice %get3A_829 {offsets = [9], sizes = [1], strides = [1]} : vector<16xi32> to vector<1xi32>
        %squeeze3A_2605 = vector.extract %slice3A_2604[0] : i32 from vector<1xi32>
        %get3A_2606 = arith.index_cast %squeeze3A_2603 : i32 to index
        %get3A_2607 = arith.constant 0 : index
        %get3A_2608 = tpu.vector_load %arg7[%get3A_2606, %get3A_2607] {strides = array<i32>} : memref<65x64xf32, #tpu.memory_space<vmem>>, vector<16xf32>,
        %add3A_2609 = arith.addf %add3A_2413, %get3A_2608 : vector<16xf32>
        %mul3A_2610 = vector.broadcast %squeeze3A_2595 : f32 to vector<16xf32>
        %mul3A_2611 = arith.mulf %get3A_2608, %mul3A_2610 : vector<16xf32>
        %add3A_2612 = arith.addf %add3A_2416, %mul3A_2611 : vector<16xf32>
        %sub3A_2613 = arith.constant 1.000000e+00 : f32
        %sub3A_2614 = vector.broadcast %sub3A_2613 : f32 to vector<16xf32>
        %sub3A_2615 = arith.subf %add3A_2609, %sub3A_2614 : vector<16xf32>
        %mul3A_2616 = vector.broadcast %squeeze3A_2595 : f32 to vector<16xf32>
        %mul3A_2617 = arith.mulf %mul3A_2616, %sub3A_2615 : vector<16xf32>
        %ge3A_2618 = arith.cmpf oge, %add3A_2612, %mul3A_2617 : vector<16xf32>
        %mul3A_2619 = vector.broadcast %squeeze3A_2599 : f32 to vector<16xf32>
        %mul3A_2620 = arith.mulf %mul3A_2619, %sub3A_2615 : vector<16xf32>
        %le3A_2621 = arith.cmpf ole, %add3A_2612, %mul3A_2620 : vector<16xf32>
        %and3A_2622 = arith.andi %ge3A_2618, %le3A_2621 : vector<16xi1>
        %mul3A_2623 = arith.mulf %add3A_2612, %select_n3A_2432 : vector<16xf32>
        %mul3A_2624 = arith.mulf %select_n3A_2431, %sub3A_2615 : vector<16xf32>
        %lt3A_2625 = arith.cmpf olt, %mul3A_2623, %mul3A_2624 : vector<16xf32>
        %and3A_2626 = arith.andi %and3A_2622, %lt3A_2625 : vector<16xi1>
        %select_n3A_2627 = arith.select %and3A_2626, %add3A_2612, %select_n3A_2431 : vector<16xi1>, vector<16xf32>
        %select_n3A_2628 = arith.select %and3A_2626, %sub3A_2615, %select_n3A_2432 : vector<16xi1>, vector<16xf32>
        %get3A_2629 = arith.index_cast %squeeze3A_2603 : i32 to index
        %get3A_2630 = arith.constant 16 : index
        %get3A_2631 = tpu.vector_load %arg7[%get3A_2629, %get3A_2630] {strides = array<i32>} : memref<65x64xf32, #tpu.memory_space<vmem>>, vector<16xf32>,
        %add3A_2632 = arith.addf %add3A_2436, %get3A_2631 : vector<16xf32>
        %mul3A_2633 = vector.broadcast %squeeze3A_2595 : f32 to vector<16xf32>
        %mul3A_2634 = arith.mulf %get3A_2631, %mul3A_2633 : vector<16xf32>
        %add3A_2635 = arith.addf %add3A_2439, %mul3A_2634 : vector<16xf32>
        %sub3A_2636 = arith.constant 1.000000e+00 : f32
        %sub3A_2637 = vector.broadcast %sub3A_2636 : f32 to vector<16xf32>
        %sub3A_2638 = arith.subf %add3A_2632, %sub3A_2637 : vector<16xf32>
        %mul3A_2639 = vector.broadcast %squeeze3A_2595 : f32 to vector<16xf32>
        %mul3A_2640 = arith.mulf %mul3A_2639, %sub3A_2638 : vector<16xf32>
        %ge3A_2641 = arith.cmpf oge, %add3A_2635, %mul3A_2640 : vector<16xf32>
        %mul3A_2642 = vector.broadcast %squeeze3A_2599 : f32 to vector<16xf32>
        %mul3A_2643 = arith.mulf %mul3A_2642, %sub3A_2638 : vector<16xf32>
        %le3A_2644 = arith.cmpf ole, %add3A_2635, %mul3A_2643 : vector<16xf32>
        %and3A_2645 = arith.andi %ge3A_2641, %le3A_2644 : vector<16xi1>
        %mul3A_2646 = arith.mulf %add3A_2635, %select_n3A_2455 : vector<16xf32>
        %mul3A_2647 = arith.mulf %select_n3A_2454, %sub3A_2638 : vector<16xf32>
        %lt3A_2648 = arith.cmpf olt, %mul3A_2646, %mul3A_2647 : vector<16xf32>
        %and3A_2649 = arith.andi %and3A_2645, %lt3A_2648 : vector<16xi1>
        %select_n3A_2650 = arith.select %and3A_2649, %add3A_2635, %select_n3A_2454 : vector<16xi1>, vector<16xf32>
        %select_n3A_2651 = arith.select %and3A_2649, %sub3A_2638, %select_n3A_2455 : vector<16xi1>, vector<16xf32>
        %get3A_2652 = arith.index_cast %squeeze3A_2603 : i32 to index
        %get3A_2653 = arith.constant 32 : index
        %get3A_2654 = tpu.vector_load %arg7[%get3A_2652, %get3A_2653] {strides = array<i32>} : memref<65x64xf32, #tpu.memory_space<vmem>>, vector<16xf32>,
        %add3A_2655 = arith.addf %add3A_2459, %get3A_2654 : vector<16xf32>
        %mul3A_2656 = vector.broadcast %squeeze3A_2595 : f32 to vector<16xf32>
        %mul3A_2657 = arith.mulf %get3A_2654, %mul3A_2656 : vector<16xf32>
        %add3A_2658 = arith.addf %add3A_2462, %mul3A_2657 : vector<16xf32>
        %sub3A_2659 = arith.constant 1.000000e+00 : f32
        %sub3A_2660 = vector.broadcast %sub3A_2659 : f32 to vector<16xf32>
        %sub3A_2661 = arith.subf %add3A_2655, %sub3A_2660 : vector<16xf32>
        %mul3A_2662 = vector.broadcast %squeeze3A_2595 : f32 to vector<16xf32>
        %mul3A_2663 = arith.mulf %mul3A_2662, %sub3A_2661 : vector<16xf32>
        %ge3A_2664 = arith.cmpf oge, %add3A_2658, %mul3A_2663 : vector<16xf32>
        %mul3A_2665 = vector.broadcast %squeeze3A_2599 : f32 to vector<16xf32>
        %mul3A_2666 = arith.mulf %mul3A_2665, %sub3A_2661 : vector<16xf32>
        %le3A_2667 = arith.cmpf ole, %add3A_2658, %mul3A_2666 : vector<16xf32>
        %and3A_2668 = arith.andi %ge3A_2664, %le3A_2667 : vector<16xi1>
        %mul3A_2669 = arith.mulf %add3A_2658, %select_n3A_2478 : vector<16xf32>
        %mul3A_2670 = arith.mulf %select_n3A_2477, %sub3A_2661 : vector<16xf32>
        %lt3A_2671 = arith.cmpf olt, %mul3A_2669, %mul3A_2670 : vector<16xf32>
        %and3A_2672 = arith.andi %and3A_2668, %lt3A_2671 : vector<16xi1>
        %select_n3A_2673 = arith.select %and3A_2672, %add3A_2658, %select_n3A_2477 : vector<16xi1>, vector<16xf32>
        %select_n3A_2674 = arith.select %and3A_2672, %sub3A_2661, %select_n3A_2478 : vector<16xi1>, vector<16xf32>
        %get3A_2675 = arith.index_cast %squeeze3A_2603 : i32 to index
        %get3A_2676 = arith.constant 48 : index
        %get3A_2677 = tpu.vector_load %arg7[%get3A_2675, %get3A_2676] {strides = array<i32>} : memref<65x64xf32, #tpu.memory_space<vmem>>, vector<16xf32>,
        %add3A_2678 = arith.addf %add3A_2482, %get3A_2677 : vector<16xf32>
        %mul3A_2679 = vector.broadcast %squeeze3A_2595 : f32 to vector<16xf32>
        %mul3A_2680 = arith.mulf %get3A_2677, %mul3A_2679 : vector<16xf32>
        %add3A_2681 = arith.addf %add3A_2485, %mul3A_2680 : vector<16xf32>
        %sub3A_2682 = arith.constant 1.000000e+00 : f32
        %sub3A_2683 = vector.broadcast %sub3A_2682 : f32 to vector<16xf32>
        %sub3A_2684 = arith.subf %add3A_2678, %sub3A_2683 : vector<16xf32>
        %mul3A_2685 = vector.broadcast %squeeze3A_2595 : f32 to vector<16xf32>
        %mul3A_2686 = arith.mulf %mul3A_2685, %sub3A_2684 : vector<16xf32>
        %ge3A_2687 = arith.cmpf oge, %add3A_2681, %mul3A_2686 : vector<16xf32>
        %mul3A_2688 = vector.broadcast %squeeze3A_2599 : f32 to vector<16xf32>
        %mul3A_2689 = arith.mulf %mul3A_2688, %sub3A_2684 : vector<16xf32>
        %le3A_2690 = arith.cmpf ole, %add3A_2681, %mul3A_2689 : vector<16xf32>
        %and3A_2691 = arith.andi %ge3A_2687, %le3A_2690 : vector<16xi1>
        %mul3A_2692 = arith.mulf %add3A_2681, %select_n3A_2501 : vector<16xf32>
        %mul3A_2693 = arith.mulf %select_n3A_2500, %sub3A_2684 : vector<16xf32>
        %lt3A_2694 = arith.cmpf olt, %mul3A_2692, %mul3A_2693 : vector<16xf32>
        %and3A_2695 = arith.andi %and3A_2691, %lt3A_2694 : vector<16xi1>
        %select_n3A_2696 = arith.select %and3A_2695, %add3A_2681, %select_n3A_2500 : vector<16xi1>, vector<16xf32>
        %select_n3A_2697 = arith.select %and3A_2695, %sub3A_2684, %select_n3A_2501 : vector<16xi1>, vector<16xf32>
        %get3A_2698 = arith.index_cast %squeeze3A_2605 : i32 to index
        %get3A_2699 = arith.constant 0 : index
        %get3A_2700 = tpu.vector_load %arg7[%get3A_2698, %get3A_2699] {strides = array<i32>} : memref<65x64xf32, #tpu.memory_space<vmem>>, vector<16xf32>,
        %add3A_2701 = arith.addf %add3A_2505, %get3A_2700 : vector<16xf32>
        %mul3A_2702 = vector.broadcast %squeeze3A_2597 : f32 to vector<16xf32>
        %mul3A_2703 = arith.mulf %get3A_2700, %mul3A_2702 : vector<16xf32>
        %add3A_2704 = arith.addf %add3A_2508, %mul3A_2703 : vector<16xf32>
        %sub3A_2705 = arith.constant 1.000000e+00 : f32
        %sub3A_2706 = vector.broadcast %sub3A_2705 : f32 to vector<16xf32>
        %sub3A_2707 = arith.subf %add3A_2701, %sub3A_2706 : vector<16xf32>
        %mul3A_2708 = vector.broadcast %squeeze3A_2597 : f32 to vector<16xf32>
        %mul3A_2709 = arith.mulf %mul3A_2708, %sub3A_2707 : vector<16xf32>
        %ge3A_2710 = arith.cmpf oge, %add3A_2704, %mul3A_2709 : vector<16xf32>
        %mul3A_2711 = vector.broadcast %squeeze3A_2601 : f32 to vector<16xf32>
        %mul3A_2712 = arith.mulf %mul3A_2711, %sub3A_2707 : vector<16xf32>
        %le3A_2713 = arith.cmpf ole, %add3A_2704, %mul3A_2712 : vector<16xf32>
        %and3A_2714 = arith.andi %ge3A_2710, %le3A_2713 : vector<16xi1>
        %mul3A_2715 = arith.mulf %add3A_2704, %select_n3A_2524 : vector<16xf32>
        %mul3A_2716 = arith.mulf %select_n3A_2523, %sub3A_2707 : vector<16xf32>
        %lt3A_2717 = arith.cmpf olt, %mul3A_2715, %mul3A_2716 : vector<16xf32>
        %and3A_2718 = arith.andi %and3A_2714, %lt3A_2717 : vector<16xi1>
        %select_n3A_2719 = arith.select %and3A_2718, %add3A_2704, %select_n3A_2523 : vector<16xi1>, vector<16xf32>
        %select_n3A_2720 = arith.select %and3A_2718, %sub3A_2707, %select_n3A_2524 : vector<16xi1>, vector<16xf32>
        %get3A_2721 = arith.index_cast %squeeze3A_2605 : i32 to index
        %get3A_2722 = arith.constant 16 : index
        %get3A_2723 = tpu.vector_load %arg7[%get3A_2721, %get3A_2722] {strides = array<i32>} : memref<65x64xf32, #tpu.memory_space<vmem>>, vector<16xf32>,
        %add3A_2724 = arith.addf %add3A_2528, %get3A_2723 : vector<16xf32>
        %mul3A_2725 = vector.broadcast %squeeze3A_2597 : f32 to vector<16xf32>
        %mul3A_2726 = arith.mulf %get3A_2723, %mul3A_2725 : vector<16xf32>
        %add3A_2727 = arith.addf %add3A_2531, %mul3A_2726 : vector<16xf32>
        %sub3A_2728 = arith.constant 1.000000e+00 : f32
        %sub3A_2729 = vector.broadcast %sub3A_2728 : f32 to vector<16xf32>
        %sub3A_2730 = arith.subf %add3A_2724, %sub3A_2729 : vector<16xf32>
        %mul3A_2731 = vector.broadcast %squeeze3A_2597 : f32 to vector<16xf32>
        %mul3A_2732 = arith.mulf %mul3A_2731, %sub3A_2730 : vector<16xf32>
        %ge3A_2733 = arith.cmpf oge, %add3A_2727, %mul3A_2732 : vector<16xf32>
        %mul3A_2734 = vector.broadcast %squeeze3A_2601 : f32 to vector<16xf32>
        %mul3A_2735 = arith.mulf %mul3A_2734, %sub3A_2730 : vector<16xf32>
        %le3A_2736 = arith.cmpf ole, %add3A_2727, %mul3A_2735 : vector<16xf32>
        %and3A_2737 = arith.andi %ge3A_2733, %le3A_2736 : vector<16xi1>
        %mul3A_2738 = arith.mulf %add3A_2727, %select_n3A_2547 : vector<16xf32>
        %mul3A_2739 = arith.mulf %select_n3A_2546, %sub3A_2730 : vector<16xf32>
        %lt3A_2740 = arith.cmpf olt, %mul3A_2738, %mul3A_2739 : vector<16xf32>
        %and3A_2741 = arith.andi %and3A_2737, %lt3A_2740 : vector<16xi1>
        %select_n3A_2742 = arith.select %and3A_2741, %add3A_2727, %select_n3A_2546 : vector<16xi1>, vector<16xf32>
        %select_n3A_2743 = arith.select %and3A_2741, %sub3A_2730, %select_n3A_2547 : vector<16xi1>, vector<16xf32>
        %get3A_2744 = arith.index_cast %squeeze3A_2605 : i32 to index
        %get3A_2745 = arith.constant 32 : index
        %get3A_2746 = tpu.vector_load %arg7[%get3A_2744, %get3A_2745] {strides = array<i32>} : memref<65x64xf32, #tpu.memory_space<vmem>>, vector<16xf32>,
        %add3A_2747 = arith.addf %add3A_2551, %get3A_2746 : vector<16xf32>
        %mul3A_2748 = vector.broadcast %squeeze3A_2597 : f32 to vector<16xf32>
        %mul3A_2749 = arith.mulf %get3A_2746, %mul3A_2748 : vector<16xf32>
        %add3A_2750 = arith.addf %add3A_2554, %mul3A_2749 : vector<16xf32>
        %sub3A_2751 = arith.constant 1.000000e+00 : f32
        %sub3A_2752 = vector.broadcast %sub3A_2751 : f32 to vector<16xf32>
        %sub3A_2753 = arith.subf %add3A_2747, %sub3A_2752 : vector<16xf32>
        %mul3A_2754 = vector.broadcast %squeeze3A_2597 : f32 to vector<16xf32>
        %mul3A_2755 = arith.mulf %mul3A_2754, %sub3A_2753 : vector<16xf32>
        %ge3A_2756 = arith.cmpf oge, %add3A_2750, %mul3A_2755 : vector<16xf32>
        %mul3A_2757 = vector.broadcast %squeeze3A_2601 : f32 to vector<16xf32>
        %mul3A_2758 = arith.mulf %mul3A_2757, %sub3A_2753 : vector<16xf32>
        %le3A_2759 = arith.cmpf ole, %add3A_2750, %mul3A_2758 : vector<16xf32>
        %and3A_2760 = arith.andi %ge3A_2756, %le3A_2759 : vector<16xi1>
        %mul3A_2761 = arith.mulf %add3A_2750, %select_n3A_2570 : vector<16xf32>
        %mul3A_2762 = arith.mulf %select_n3A_2569, %sub3A_2753 : vector<16xf32>
        %lt3A_2763 = arith.cmpf olt, %mul3A_2761, %mul3A_2762 : vector<16xf32>
        %and3A_2764 = arith.andi %and3A_2760, %lt3A_2763 : vector<16xi1>
        %select_n3A_2765 = arith.select %and3A_2764, %add3A_2750, %select_n3A_2569 : vector<16xi1>, vector<16xf32>
        %select_n3A_2766 = arith.select %and3A_2764, %sub3A_2753, %select_n3A_2570 : vector<16xi1>, vector<16xf32>
        %get3A_2767 = arith.index_cast %squeeze3A_2605 : i32 to index
        %get3A_2768 = arith.constant 48 : index
        %get3A_2769 = tpu.vector_load %arg7[%get3A_2767, %get3A_2768] {strides = array<i32>} : memref<65x64xf32, #tpu.memory_space<vmem>>, vector<16xf32>,
        %add3A_2770 = arith.addf %add3A_2574, %get3A_2769 : vector<16xf32>
        %mul3A_2771 = vector.broadcast %squeeze3A_2597 : f32 to vector<16xf32>
        %mul3A_2772 = arith.mulf %get3A_2769, %mul3A_2771 : vector<16xf32>
        %add3A_2773 = arith.addf %add3A_2577, %mul3A_2772 : vector<16xf32>
        %sub3A_2774 = arith.constant 1.000000e+00 : f32
        %sub3A_2775 = vector.broadcast %sub3A_2774 : f32 to vector<16xf32>
        %sub3A_2776 = arith.subf %add3A_2770, %sub3A_2775 : vector<16xf32>
        %mul3A_2777 = vector.broadcast %squeeze3A_2597 : f32 to vector<16xf32>
        %mul3A_2778 = arith.mulf %mul3A_2777, %sub3A_2776 : vector<16xf32>
        %ge3A_2779 = arith.cmpf oge, %add3A_2773, %mul3A_2778 : vector<16xf32>
        %mul3A_2780 = vector.broadcast %squeeze3A_2601 : f32 to vector<16xf32>
        %mul3A_2781 = arith.mulf %mul3A_2780, %sub3A_2776 : vector<16xf32>
        %le3A_2782 = arith.cmpf ole, %add3A_2773, %mul3A_2781 : vector<16xf32>
        %and3A_2783 = arith.andi %ge3A_2779, %le3A_2782 : vector<16xi1>
        %mul3A_2784 = arith.mulf %add3A_2773, %select_n3A_2593 : vector<16xf32>
        %mul3A_2785 = arith.mulf %select_n3A_2592, %sub3A_2776 : vector<16xf32>
        %lt3A_2786 = arith.cmpf olt, %mul3A_2784, %mul3A_2785 : vector<16xf32>
        %and3A_2787 = arith.andi %and3A_2783, %lt3A_2786 : vector<16xi1>
        %select_n3A_2788 = arith.select %and3A_2787, %add3A_2773, %select_n3A_2592 : vector<16xi1>, vector<16xf32>
        %select_n3A_2789 = arith.select %and3A_2787, %sub3A_2776, %select_n3A_2593 : vector<16xi1>, vector<16xf32>
        %slice3A_2790 = vector.extract_strided_slice %get3A_795 {offsets = [10], sizes = [1], strides = [1]} : vector<16xf32> to vector<1xf32>
        %squeeze3A_2791 = vector.extract %slice3A_2790[0] : f32 from vector<1xf32>
        %slice3A_2792 = vector.extract_strided_slice %get3A_801 {offsets = [10], sizes = [1], strides = [1]} : vector<16xf32> to vector<1xf32>
        %squeeze3A_2793 = vector.extract %slice3A_2792[0] : f32 from vector<1xf32>
        %slice3A_2794 = vector.extract_strided_slice %get3A_809 {offsets = [10], sizes = [1], strides = [1]} : vector<16xf32> to vector<1xf32>
        %squeeze3A_2795 = vector.extract %slice3A_2794[0] : f32 from vector<1xf32>
        %slice3A_2796 = vector.extract_strided_slice %get3A_817 {offsets = [10], sizes = [1], strides = [1]} : vector<16xf32> to vector<1xf32>
        %squeeze3A_2797 = vector.extract %slice3A_2796[0] : f32 from vector<1xf32>
        %slice3A_2798 = vector.extract_strided_slice %get3A_823 {offsets = [10], sizes = [1], strides = [1]} : vector<16xi32> to vector<1xi32>
        %squeeze3A_2799 = vector.extract %slice3A_2798[0] : i32 from vector<1xi32>
        %slice3A_2800 = vector.extract_strided_slice %get3A_829 {offsets = [10], sizes = [1], strides = [1]} : vector<16xi32> to vector<1xi32>
        %squeeze3A_2801 = vector.extract %slice3A_2800[0] : i32 from vector<1xi32>
        %get3A_2802 = arith.index_cast %squeeze3A_2799 : i32 to index
        %get3A_2803 = arith.constant 0 : index
        %get3A_2804 = tpu.vector_load %arg7[%get3A_2802, %get3A_2803] {strides = array<i32>} : memref<65x64xf32, #tpu.memory_space<vmem>>, vector<16xf32>,
        %add3A_2805 = arith.addf %add3A_2609, %get3A_2804 : vector<16xf32>
        %mul3A_2806 = vector.broadcast %squeeze3A_2791 : f32 to vector<16xf32>
        %mul3A_2807 = arith.mulf %get3A_2804, %mul3A_2806 : vector<16xf32>
        %add3A_2808 = arith.addf %add3A_2612, %mul3A_2807 : vector<16xf32>
        %sub3A_2809 = arith.constant 1.000000e+00 : f32
        %sub3A_2810 = vector.broadcast %sub3A_2809 : f32 to vector<16xf32>
        %sub3A_2811 = arith.subf %add3A_2805, %sub3A_2810 : vector<16xf32>
        %mul3A_2812 = vector.broadcast %squeeze3A_2791 : f32 to vector<16xf32>
        %mul3A_2813 = arith.mulf %mul3A_2812, %sub3A_2811 : vector<16xf32>
        %ge3A_2814 = arith.cmpf oge, %add3A_2808, %mul3A_2813 : vector<16xf32>
        %mul3A_2815 = vector.broadcast %squeeze3A_2795 : f32 to vector<16xf32>
        %mul3A_2816 = arith.mulf %mul3A_2815, %sub3A_2811 : vector<16xf32>
        %le3A_2817 = arith.cmpf ole, %add3A_2808, %mul3A_2816 : vector<16xf32>
        %and3A_2818 = arith.andi %ge3A_2814, %le3A_2817 : vector<16xi1>
        %mul3A_2819 = arith.mulf %add3A_2808, %select_n3A_2628 : vector<16xf32>
        %mul3A_2820 = arith.mulf %select_n3A_2627, %sub3A_2811 : vector<16xf32>
        %lt3A_2821 = arith.cmpf olt, %mul3A_2819, %mul3A_2820 : vector<16xf32>
        %and3A_2822 = arith.andi %and3A_2818, %lt3A_2821 : vector<16xi1>
        %select_n3A_2823 = arith.select %and3A_2822, %add3A_2808, %select_n3A_2627 : vector<16xi1>, vector<16xf32>
        %select_n3A_2824 = arith.select %and3A_2822, %sub3A_2811, %select_n3A_2628 : vector<16xi1>, vector<16xf32>
        %get3A_2825 = arith.index_cast %squeeze3A_2799 : i32 to index
        %get3A_2826 = arith.constant 16 : index
        %get3A_2827 = tpu.vector_load %arg7[%get3A_2825, %get3A_2826] {strides = array<i32>} : memref<65x64xf32, #tpu.memory_space<vmem>>, vector<16xf32>,
        %add3A_2828 = arith.addf %add3A_2632, %get3A_2827 : vector<16xf32>
        %mul3A_2829 = vector.broadcast %squeeze3A_2791 : f32 to vector<16xf32>
        %mul3A_2830 = arith.mulf %get3A_2827, %mul3A_2829 : vector<16xf32>
        %add3A_2831 = arith.addf %add3A_2635, %mul3A_2830 : vector<16xf32>
        %sub3A_2832 = arith.constant 1.000000e+00 : f32
        %sub3A_2833 = vector.broadcast %sub3A_2832 : f32 to vector<16xf32>
        %sub3A_2834 = arith.subf %add3A_2828, %sub3A_2833 : vector<16xf32>
        %mul3A_2835 = vector.broadcast %squeeze3A_2791 : f32 to vector<16xf32>
        %mul3A_2836 = arith.mulf %mul3A_2835, %sub3A_2834 : vector<16xf32>
        %ge3A_2837 = arith.cmpf oge, %add3A_2831, %mul3A_2836 : vector<16xf32>
        %mul3A_2838 = vector.broadcast %squeeze3A_2795 : f32 to vector<16xf32>
        %mul3A_2839 = arith.mulf %mul3A_2838, %sub3A_2834 : vector<16xf32>
        %le3A_2840 = arith.cmpf ole, %add3A_2831, %mul3A_2839 : vector<16xf32>
        %and3A_2841 = arith.andi %ge3A_2837, %le3A_2840 : vector<16xi1>
        %mul3A_2842 = arith.mulf %add3A_2831, %select_n3A_2651 : vector<16xf32>
        %mul3A_2843 = arith.mulf %select_n3A_2650, %sub3A_2834 : vector<16xf32>
        %lt3A_2844 = arith.cmpf olt, %mul3A_2842, %mul3A_2843 : vector<16xf32>
        %and3A_2845 = arith.andi %and3A_2841, %lt3A_2844 : vector<16xi1>
        %select_n3A_2846 = arith.select %and3A_2845, %add3A_2831, %select_n3A_2650 : vector<16xi1>, vector<16xf32>
        %select_n3A_2847 = arith.select %and3A_2845, %sub3A_2834, %select_n3A_2651 : vector<16xi1>, vector<16xf32>
        %get3A_2848 = arith.index_cast %squeeze3A_2799 : i32 to index
        %get3A_2849 = arith.constant 32 : index
        %get3A_2850 = tpu.vector_load %arg7[%get3A_2848, %get3A_2849] {strides = array<i32>} : memref<65x64xf32, #tpu.memory_space<vmem>>, vector<16xf32>,
        %add3A_2851 = arith.addf %add3A_2655, %get3A_2850 : vector<16xf32>
        %mul3A_2852 = vector.broadcast %squeeze3A_2791 : f32 to vector<16xf32>
        %mul3A_2853 = arith.mulf %get3A_2850, %mul3A_2852 : vector<16xf32>
        %add3A_2854 = arith.addf %add3A_2658, %mul3A_2853 : vector<16xf32>
        %sub3A_2855 = arith.constant 1.000000e+00 : f32
        %sub3A_2856 = vector.broadcast %sub3A_2855 : f32 to vector<16xf32>
        %sub3A_2857 = arith.subf %add3A_2851, %sub3A_2856 : vector<16xf32>
        %mul3A_2858 = vector.broadcast %squeeze3A_2791 : f32 to vector<16xf32>
        %mul3A_2859 = arith.mulf %mul3A_2858, %sub3A_2857 : vector<16xf32>
        %ge3A_2860 = arith.cmpf oge, %add3A_2854, %mul3A_2859 : vector<16xf32>
        %mul3A_2861 = vector.broadcast %squeeze3A_2795 : f32 to vector<16xf32>
        %mul3A_2862 = arith.mulf %mul3A_2861, %sub3A_2857 : vector<16xf32>
        %le3A_2863 = arith.cmpf ole, %add3A_2854, %mul3A_2862 : vector<16xf32>
        %and3A_2864 = arith.andi %ge3A_2860, %le3A_2863 : vector<16xi1>
        %mul3A_2865 = arith.mulf %add3A_2854, %select_n3A_2674 : vector<16xf32>
        %mul3A_2866 = arith.mulf %select_n3A_2673, %sub3A_2857 : vector<16xf32>
        %lt3A_2867 = arith.cmpf olt, %mul3A_2865, %mul3A_2866 : vector<16xf32>
        %and3A_2868 = arith.andi %and3A_2864, %lt3A_2867 : vector<16xi1>
        %select_n3A_2869 = arith.select %and3A_2868, %add3A_2854, %select_n3A_2673 : vector<16xi1>, vector<16xf32>
        %select_n3A_2870 = arith.select %and3A_2868, %sub3A_2857, %select_n3A_2674 : vector<16xi1>, vector<16xf32>
        %get3A_2871 = arith.index_cast %squeeze3A_2799 : i32 to index
        %get3A_2872 = arith.constant 48 : index
        %get3A_2873 = tpu.vector_load %arg7[%get3A_2871, %get3A_2872] {strides = array<i32>} : memref<65x64xf32, #tpu.memory_space<vmem>>, vector<16xf32>,
        %add3A_2874 = arith.addf %add3A_2678, %get3A_2873 : vector<16xf32>
        %mul3A_2875 = vector.broadcast %squeeze3A_2791 : f32 to vector<16xf32>
        %mul3A_2876 = arith.mulf %get3A_2873, %mul3A_2875 : vector<16xf32>
        %add3A_2877 = arith.addf %add3A_2681, %mul3A_2876 : vector<16xf32>
        %sub3A_2878 = arith.constant 1.000000e+00 : f32
        %sub3A_2879 = vector.broadcast %sub3A_2878 : f32 to vector<16xf32>
        %sub3A_2880 = arith.subf %add3A_2874, %sub3A_2879 : vector<16xf32>
        %mul3A_2881 = vector.broadcast %squeeze3A_2791 : f32 to vector<16xf32>
        %mul3A_2882 = arith.mulf %mul3A_2881, %sub3A_2880 : vector<16xf32>
        %ge3A_2883 = arith.cmpf oge, %add3A_2877, %mul3A_2882 : vector<16xf32>
        %mul3A_2884 = vector.broadcast %squeeze3A_2795 : f32 to vector<16xf32>
        %mul3A_2885 = arith.mulf %mul3A_2884, %sub3A_2880 : vector<16xf32>
        %le3A_2886 = arith.cmpf ole, %add3A_2877, %mul3A_2885 : vector<16xf32>
        %and3A_2887 = arith.andi %ge3A_2883, %le3A_2886 : vector<16xi1>
        %mul3A_2888 = arith.mulf %add3A_2877, %select_n3A_2697 : vector<16xf32>
        %mul3A_2889 = arith.mulf %select_n3A_2696, %sub3A_2880 : vector<16xf32>
        %lt3A_2890 = arith.cmpf olt, %mul3A_2888, %mul3A_2889 : vector<16xf32>
        %and3A_2891 = arith.andi %and3A_2887, %lt3A_2890 : vector<16xi1>
        %select_n3A_2892 = arith.select %and3A_2891, %add3A_2877, %select_n3A_2696 : vector<16xi1>, vector<16xf32>
        %select_n3A_2893 = arith.select %and3A_2891, %sub3A_2880, %select_n3A_2697 : vector<16xi1>, vector<16xf32>
        %get3A_2894 = arith.index_cast %squeeze3A_2801 : i32 to index
        %get3A_2895 = arith.constant 0 : index
        %get3A_2896 = tpu.vector_load %arg7[%get3A_2894, %get3A_2895] {strides = array<i32>} : memref<65x64xf32, #tpu.memory_space<vmem>>, vector<16xf32>,
        %add3A_2897 = arith.addf %add3A_2701, %get3A_2896 : vector<16xf32>
        %mul3A_2898 = vector.broadcast %squeeze3A_2793 : f32 to vector<16xf32>
        %mul3A_2899 = arith.mulf %get3A_2896, %mul3A_2898 : vector<16xf32>
        %add3A_2900 = arith.addf %add3A_2704, %mul3A_2899 : vector<16xf32>
        %sub3A_2901 = arith.constant 1.000000e+00 : f32
        %sub3A_2902 = vector.broadcast %sub3A_2901 : f32 to vector<16xf32>
        %sub3A_2903 = arith.subf %add3A_2897, %sub3A_2902 : vector<16xf32>
        %mul3A_2904 = vector.broadcast %squeeze3A_2793 : f32 to vector<16xf32>
        %mul3A_2905 = arith.mulf %mul3A_2904, %sub3A_2903 : vector<16xf32>
        %ge3A_2906 = arith.cmpf oge, %add3A_2900, %mul3A_2905 : vector<16xf32>
        %mul3A_2907 = vector.broadcast %squeeze3A_2797 : f32 to vector<16xf32>
        %mul3A_2908 = arith.mulf %mul3A_2907, %sub3A_2903 : vector<16xf32>
        %le3A_2909 = arith.cmpf ole, %add3A_2900, %mul3A_2908 : vector<16xf32>
        %and3A_2910 = arith.andi %ge3A_2906, %le3A_2909 : vector<16xi1>
        %mul3A_2911 = arith.mulf %add3A_2900, %select_n3A_2720 : vector<16xf32>
        %mul3A_2912 = arith.mulf %select_n3A_2719, %sub3A_2903 : vector<16xf32>
        %lt3A_2913 = arith.cmpf olt, %mul3A_2911, %mul3A_2912 : vector<16xf32>
        %and3A_2914 = arith.andi %and3A_2910, %lt3A_2913 : vector<16xi1>
        %select_n3A_2915 = arith.select %and3A_2914, %add3A_2900, %select_n3A_2719 : vector<16xi1>, vector<16xf32>
        %select_n3A_2916 = arith.select %and3A_2914, %sub3A_2903, %select_n3A_2720 : vector<16xi1>, vector<16xf32>
        %get3A_2917 = arith.index_cast %squeeze3A_2801 : i32 to index
        %get3A_2918 = arith.constant 16 : index
        %get3A_2919 = tpu.vector_load %arg7[%get3A_2917, %get3A_2918] {strides = array<i32>} : memref<65x64xf32, #tpu.memory_space<vmem>>, vector<16xf32>,
        %add3A_2920 = arith.addf %add3A_2724, %get3A_2919 : vector<16xf32>
        %mul3A_2921 = vector.broadcast %squeeze3A_2793 : f32 to vector<16xf32>
        %mul3A_2922 = arith.mulf %get3A_2919, %mul3A_2921 : vector<16xf32>
        %add3A_2923 = arith.addf %add3A_2727, %mul3A_2922 : vector<16xf32>
        %sub3A_2924 = arith.constant 1.000000e+00 : f32
        %sub3A_2925 = vector.broadcast %sub3A_2924 : f32 to vector<16xf32>
        %sub3A_2926 = arith.subf %add3A_2920, %sub3A_2925 : vector<16xf32>
        %mul3A_2927 = vector.broadcast %squeeze3A_2793 : f32 to vector<16xf32>
        %mul3A_2928 = arith.mulf %mul3A_2927, %sub3A_2926 : vector<16xf32>
        %ge3A_2929 = arith.cmpf oge, %add3A_2923, %mul3A_2928 : vector<16xf32>
        %mul3A_2930 = vector.broadcast %squeeze3A_2797 : f32 to vector<16xf32>
        %mul3A_2931 = arith.mulf %mul3A_2930, %sub3A_2926 : vector<16xf32>
        %le3A_2932 = arith.cmpf ole, %add3A_2923, %mul3A_2931 : vector<16xf32>
        %and3A_2933 = arith.andi %ge3A_2929, %le3A_2932 : vector<16xi1>
        %mul3A_2934 = arith.mulf %add3A_2923, %select_n3A_2743 : vector<16xf32>
        %mul3A_2935 = arith.mulf %select_n3A_2742, %sub3A_2926 : vector<16xf32>
        %lt3A_2936 = arith.cmpf olt, %mul3A_2934, %mul3A_2935 : vector<16xf32>
        %and3A_2937 = arith.andi %and3A_2933, %lt3A_2936 : vector<16xi1>
        %select_n3A_2938 = arith.select %and3A_2937, %add3A_2923, %select_n3A_2742 : vector<16xi1>, vector<16xf32>
        %select_n3A_2939 = arith.select %and3A_2937, %sub3A_2926, %select_n3A_2743 : vector<16xi1>, vector<16xf32>
        %get3A_2940 = arith.index_cast %squeeze3A_2801 : i32 to index
        %get3A_2941 = arith.constant 32 : index
        %get3A_2942 = tpu.vector_load %arg7[%get3A_2940, %get3A_2941] {strides = array<i32>} : memref<65x64xf32, #tpu.memory_space<vmem>>, vector<16xf32>,
        %add3A_2943 = arith.addf %add3A_2747, %get3A_2942 : vector<16xf32>
        %mul3A_2944 = vector.broadcast %squeeze3A_2793 : f32 to vector<16xf32>
        %mul3A_2945 = arith.mulf %get3A_2942, %mul3A_2944 : vector<16xf32>
        %add3A_2946 = arith.addf %add3A_2750, %mul3A_2945 : vector<16xf32>
        %sub3A_2947 = arith.constant 1.000000e+00 : f32
        %sub3A_2948 = vector.broadcast %sub3A_2947 : f32 to vector<16xf32>
        %sub3A_2949 = arith.subf %add3A_2943, %sub3A_2948 : vector<16xf32>
        %mul3A_2950 = vector.broadcast %squeeze3A_2793 : f32 to vector<16xf32>
        %mul3A_2951 = arith.mulf %mul3A_2950, %sub3A_2949 : vector<16xf32>
        %ge3A_2952 = arith.cmpf oge, %add3A_2946, %mul3A_2951 : vector<16xf32>
        %mul3A_2953 = vector.broadcast %squeeze3A_2797 : f32 to vector<16xf32>
        %mul3A_2954 = arith.mulf %mul3A_2953, %sub3A_2949 : vector<16xf32>
        %le3A_2955 = arith.cmpf ole, %add3A_2946, %mul3A_2954 : vector<16xf32>
        %and3A_2956 = arith.andi %ge3A_2952, %le3A_2955 : vector<16xi1>
        %mul3A_2957 = arith.mulf %add3A_2946, %select_n3A_2766 : vector<16xf32>
        %mul3A_2958 = arith.mulf %select_n3A_2765, %sub3A_2949 : vector<16xf32>
        %lt3A_2959 = arith.cmpf olt, %mul3A_2957, %mul3A_2958 : vector<16xf32>
        %and3A_2960 = arith.andi %and3A_2956, %lt3A_2959 : vector<16xi1>
        %select_n3A_2961 = arith.select %and3A_2960, %add3A_2946, %select_n3A_2765 : vector<16xi1>, vector<16xf32>
        %select_n3A_2962 = arith.select %and3A_2960, %sub3A_2949, %select_n3A_2766 : vector<16xi1>, vector<16xf32>
        %get3A_2963 = arith.index_cast %squeeze3A_2801 : i32 to index
        %get3A_2964 = arith.constant 48 : index
        %get3A_2965 = tpu.vector_load %arg7[%get3A_2963, %get3A_2964] {strides = array<i32>} : memref<65x64xf32, #tpu.memory_space<vmem>>, vector<16xf32>,
        %add3A_2966 = arith.addf %add3A_2770, %get3A_2965 : vector<16xf32>
        %mul3A_2967 = vector.broadcast %squeeze3A_2793 : f32 to vector<16xf32>
        %mul3A_2968 = arith.mulf %get3A_2965, %mul3A_2967 : vector<16xf32>
        %add3A_2969 = arith.addf %add3A_2773, %mul3A_2968 : vector<16xf32>
        %sub3A_2970 = arith.constant 1.000000e+00 : f32
        %sub3A_2971 = vector.broadcast %sub3A_2970 : f32 to vector<16xf32>
        %sub3A_2972 = arith.subf %add3A_2966, %sub3A_2971 : vector<16xf32>
        %mul3A_2973 = vector.broadcast %squeeze3A_2793 : f32 to vector<16xf32>
        %mul3A_2974 = arith.mulf %mul3A_2973, %sub3A_2972 : vector<16xf32>
        %ge3A_2975 = arith.cmpf oge, %add3A_2969, %mul3A_2974 : vector<16xf32>
        %mul3A_2976 = vector.broadcast %squeeze3A_2797 : f32 to vector<16xf32>
        %mul3A_2977 = arith.mulf %mul3A_2976, %sub3A_2972 : vector<16xf32>
        %le3A_2978 = arith.cmpf ole, %add3A_2969, %mul3A_2977 : vector<16xf32>
        %and3A_2979 = arith.andi %ge3A_2975, %le3A_2978 : vector<16xi1>
        %mul3A_2980 = arith.mulf %add3A_2969, %select_n3A_2789 : vector<16xf32>
        %mul3A_2981 = arith.mulf %select_n3A_2788, %sub3A_2972 : vector<16xf32>
        %lt3A_2982 = arith.cmpf olt, %mul3A_2980, %mul3A_2981 : vector<16xf32>
        %and3A_2983 = arith.andi %and3A_2979, %lt3A_2982 : vector<16xi1>
        %select_n3A_2984 = arith.select %and3A_2983, %add3A_2969, %select_n3A_2788 : vector<16xi1>, vector<16xf32>
        %select_n3A_2985 = arith.select %and3A_2983, %sub3A_2972, %select_n3A_2789 : vector<16xi1>, vector<16xf32>
        %slice3A_2986 = vector.extract_strided_slice %get3A_795 {offsets = [11], sizes = [1], strides = [1]} : vector<16xf32> to vector<1xf32>
        %squeeze3A_2987 = vector.extract %slice3A_2986[0] : f32 from vector<1xf32>
        %slice3A_2988 = vector.extract_strided_slice %get3A_801 {offsets = [11], sizes = [1], strides = [1]} : vector<16xf32> to vector<1xf32>
        %squeeze3A_2989 = vector.extract %slice3A_2988[0] : f32 from vector<1xf32>
        %slice3A_2990 = vector.extract_strided_slice %get3A_809 {offsets = [11], sizes = [1], strides = [1]} : vector<16xf32> to vector<1xf32>
        %squeeze3A_2991 = vector.extract %slice3A_2990[0] : f32 from vector<1xf32>
        %slice3A_2992 = vector.extract_strided_slice %get3A_817 {offsets = [11], sizes = [1], strides = [1]} : vector<16xf32> to vector<1xf32>
        %squeeze3A_2993 = vector.extract %slice3A_2992[0] : f32 from vector<1xf32>
        %slice3A_2994 = vector.extract_strided_slice %get3A_823 {offsets = [11], sizes = [1], strides = [1]} : vector<16xi32> to vector<1xi32>
        %squeeze3A_2995 = vector.extract %slice3A_2994[0] : i32 from vector<1xi32>
        %slice3A_2996 = vector.extract_strided_slice %get3A_829 {offsets = [11], sizes = [1], strides = [1]} : vector<16xi32> to vector<1xi32>
        %squeeze3A_2997 = vector.extract %slice3A_2996[0] : i32 from vector<1xi32>
        %get3A_2998 = arith.index_cast %squeeze3A_2995 : i32 to index
        %get3A_2999 = arith.constant 0 : index
        %get3A_3000 = tpu.vector_load %arg7[%get3A_2998, %get3A_2999] {strides = array<i32>} : memref<65x64xf32, #tpu.memory_space<vmem>>, vector<16xf32>,
        %add3A_3001 = arith.addf %add3A_2805, %get3A_3000 : vector<16xf32>
        %mul3A_3002 = vector.broadcast %squeeze3A_2987 : f32 to vector<16xf32>
        %mul3A_3003 = arith.mulf %get3A_3000, %mul3A_3002 : vector<16xf32>
        %add3A_3004 = arith.addf %add3A_2808, %mul3A_3003 : vector<16xf32>
        %sub3A_3005 = arith.constant 1.000000e+00 : f32
        %sub3A_3006 = vector.broadcast %sub3A_3005 : f32 to vector<16xf32>
        %sub3A_3007 = arith.subf %add3A_3001, %sub3A_3006 : vector<16xf32>
        %mul3A_3008 = vector.broadcast %squeeze3A_2987 : f32 to vector<16xf32>
        %mul3A_3009 = arith.mulf %mul3A_3008, %sub3A_3007 : vector<16xf32>
        %ge3A_3010 = arith.cmpf oge, %add3A_3004, %mul3A_3009 : vector<16xf32>
        %mul3A_3011 = vector.broadcast %squeeze3A_2991 : f32 to vector<16xf32>
        %mul3A_3012 = arith.mulf %mul3A_3011, %sub3A_3007 : vector<16xf32>
        %le3A_3013 = arith.cmpf ole, %add3A_3004, %mul3A_3012 : vector<16xf32>
        %and3A_3014 = arith.andi %ge3A_3010, %le3A_3013 : vector<16xi1>
        %mul3A_3015 = arith.mulf %add3A_3004, %select_n3A_2824 : vector<16xf32>
        %mul3A_3016 = arith.mulf %select_n3A_2823, %sub3A_3007 : vector<16xf32>
        %lt3A_3017 = arith.cmpf olt, %mul3A_3015, %mul3A_3016 : vector<16xf32>
        %and3A_3018 = arith.andi %and3A_3014, %lt3A_3017 : vector<16xi1>
        %select_n3A_3019 = arith.select %and3A_3018, %add3A_3004, %select_n3A_2823 : vector<16xi1>, vector<16xf32>
        %select_n3A_3020 = arith.select %and3A_3018, %sub3A_3007, %select_n3A_2824 : vector<16xi1>, vector<16xf32>
        %get3A_3021 = arith.index_cast %squeeze3A_2995 : i32 to index
        %get3A_3022 = arith.constant 16 : index
        %get3A_3023 = tpu.vector_load %arg7[%get3A_3021, %get3A_3022] {strides = array<i32>} : memref<65x64xf32, #tpu.memory_space<vmem>>, vector<16xf32>,
        %add3A_3024 = arith.addf %add3A_2828, %get3A_3023 : vector<16xf32>
        %mul3A_3025 = vector.broadcast %squeeze3A_2987 : f32 to vector<16xf32>
        %mul3A_3026 = arith.mulf %get3A_3023, %mul3A_3025 : vector<16xf32>
        %add3A_3027 = arith.addf %add3A_2831, %mul3A_3026 : vector<16xf32>
        %sub3A_3028 = arith.constant 1.000000e+00 : f32
        %sub3A_3029 = vector.broadcast %sub3A_3028 : f32 to vector<16xf32>
        %sub3A_3030 = arith.subf %add3A_3024, %sub3A_3029 : vector<16xf32>
        %mul3A_3031 = vector.broadcast %squeeze3A_2987 : f32 to vector<16xf32>
        %mul3A_3032 = arith.mulf %mul3A_3031, %sub3A_3030 : vector<16xf32>
        %ge3A_3033 = arith.cmpf oge, %add3A_3027, %mul3A_3032 : vector<16xf32>
        %mul3A_3034 = vector.broadcast %squeeze3A_2991 : f32 to vector<16xf32>
        %mul3A_3035 = arith.mulf %mul3A_3034, %sub3A_3030 : vector<16xf32>
        %le3A_3036 = arith.cmpf ole, %add3A_3027, %mul3A_3035 : vector<16xf32>
        %and3A_3037 = arith.andi %ge3A_3033, %le3A_3036 : vector<16xi1>
        %mul3A_3038 = arith.mulf %add3A_3027, %select_n3A_2847 : vector<16xf32>
        %mul3A_3039 = arith.mulf %select_n3A_2846, %sub3A_3030 : vector<16xf32>
        %lt3A_3040 = arith.cmpf olt, %mul3A_3038, %mul3A_3039 : vector<16xf32>
        %and3A_3041 = arith.andi %and3A_3037, %lt3A_3040 : vector<16xi1>
        %select_n3A_3042 = arith.select %and3A_3041, %add3A_3027, %select_n3A_2846 : vector<16xi1>, vector<16xf32>
        %select_n3A_3043 = arith.select %and3A_3041, %sub3A_3030, %select_n3A_2847 : vector<16xi1>, vector<16xf32>
        %get3A_3044 = arith.index_cast %squeeze3A_2995 : i32 to index
        %get3A_3045 = arith.constant 32 : index
        %get3A_3046 = tpu.vector_load %arg7[%get3A_3044, %get3A_3045] {strides = array<i32>} : memref<65x64xf32, #tpu.memory_space<vmem>>, vector<16xf32>,
        %add3A_3047 = arith.addf %add3A_2851, %get3A_3046 : vector<16xf32>
        %mul3A_3048 = vector.broadcast %squeeze3A_2987 : f32 to vector<16xf32>
        %mul3A_3049 = arith.mulf %get3A_3046, %mul3A_3048 : vector<16xf32>
        %add3A_3050 = arith.addf %add3A_2854, %mul3A_3049 : vector<16xf32>
        %sub3A_3051 = arith.constant 1.000000e+00 : f32
        %sub3A_3052 = vector.broadcast %sub3A_3051 : f32 to vector<16xf32>
        %sub3A_3053 = arith.subf %add3A_3047, %sub3A_3052 : vector<16xf32>
        %mul3A_3054 = vector.broadcast %squeeze3A_2987 : f32 to vector<16xf32>
        %mul3A_3055 = arith.mulf %mul3A_3054, %sub3A_3053 : vector<16xf32>
        %ge3A_3056 = arith.cmpf oge, %add3A_3050, %mul3A_3055 : vector<16xf32>
        %mul3A_3057 = vector.broadcast %squeeze3A_2991 : f32 to vector<16xf32>
        %mul3A_3058 = arith.mulf %mul3A_3057, %sub3A_3053 : vector<16xf32>
        %le3A_3059 = arith.cmpf ole, %add3A_3050, %mul3A_3058 : vector<16xf32>
        %and3A_3060 = arith.andi %ge3A_3056, %le3A_3059 : vector<16xi1>
        %mul3A_3061 = arith.mulf %add3A_3050, %select_n3A_2870 : vector<16xf32>
        %mul3A_3062 = arith.mulf %select_n3A_2869, %sub3A_3053 : vector<16xf32>
        %lt3A_3063 = arith.cmpf olt, %mul3A_3061, %mul3A_3062 : vector<16xf32>
        %and3A_3064 = arith.andi %and3A_3060, %lt3A_3063 : vector<16xi1>
        %select_n3A_3065 = arith.select %and3A_3064, %add3A_3050, %select_n3A_2869 : vector<16xi1>, vector<16xf32>
        %select_n3A_3066 = arith.select %and3A_3064, %sub3A_3053, %select_n3A_2870 : vector<16xi1>, vector<16xf32>
        %get3A_3067 = arith.index_cast %squeeze3A_2995 : i32 to index
        %get3A_3068 = arith.constant 48 : index
        %get3A_3069 = tpu.vector_load %arg7[%get3A_3067, %get3A_3068] {strides = array<i32>} : memref<65x64xf32, #tpu.memory_space<vmem>>, vector<16xf32>,
        %add3A_3070 = arith.addf %add3A_2874, %get3A_3069 : vector<16xf32>
        %mul3A_3071 = vector.broadcast %squeeze3A_2987 : f32 to vector<16xf32>
        %mul3A_3072 = arith.mulf %get3A_3069, %mul3A_3071 : vector<16xf32>
        %add3A_3073 = arith.addf %add3A_2877, %mul3A_3072 : vector<16xf32>
        %sub3A_3074 = arith.constant 1.000000e+00 : f32
        %sub3A_3075 = vector.broadcast %sub3A_3074 : f32 to vector<16xf32>
        %sub3A_3076 = arith.subf %add3A_3070, %sub3A_3075 : vector<16xf32>
        %mul3A_3077 = vector.broadcast %squeeze3A_2987 : f32 to vector<16xf32>
        %mul3A_3078 = arith.mulf %mul3A_3077, %sub3A_3076 : vector<16xf32>
        %ge3A_3079 = arith.cmpf oge, %add3A_3073, %mul3A_3078 : vector<16xf32>
        %mul3A_3080 = vector.broadcast %squeeze3A_2991 : f32 to vector<16xf32>
        %mul3A_3081 = arith.mulf %mul3A_3080, %sub3A_3076 : vector<16xf32>
        %le3A_3082 = arith.cmpf ole, %add3A_3073, %mul3A_3081 : vector<16xf32>
        %and3A_3083 = arith.andi %ge3A_3079, %le3A_3082 : vector<16xi1>
        %mul3A_3084 = arith.mulf %add3A_3073, %select_n3A_2893 : vector<16xf32>
        %mul3A_3085 = arith.mulf %select_n3A_2892, %sub3A_3076 : vector<16xf32>
        %lt3A_3086 = arith.cmpf olt, %mul3A_3084, %mul3A_3085 : vector<16xf32>
        %and3A_3087 = arith.andi %and3A_3083, %lt3A_3086 : vector<16xi1>
        %select_n3A_3088 = arith.select %and3A_3087, %add3A_3073, %select_n3A_2892 : vector<16xi1>, vector<16xf32>
        %select_n3A_3089 = arith.select %and3A_3087, %sub3A_3076, %select_n3A_2893 : vector<16xi1>, vector<16xf32>
        %get3A_3090 = arith.index_cast %squeeze3A_2997 : i32 to index
        %get3A_3091 = arith.constant 0 : index
        %get3A_3092 = tpu.vector_load %arg7[%get3A_3090, %get3A_3091] {strides = array<i32>} : memref<65x64xf32, #tpu.memory_space<vmem>>, vector<16xf32>,
        %add3A_3093 = arith.addf %add3A_2897, %get3A_3092 : vector<16xf32>
        %mul3A_3094 = vector.broadcast %squeeze3A_2989 : f32 to vector<16xf32>
        %mul3A_3095 = arith.mulf %get3A_3092, %mul3A_3094 : vector<16xf32>
        %add3A_3096 = arith.addf %add3A_2900, %mul3A_3095 : vector<16xf32>
        %sub3A_3097 = arith.constant 1.000000e+00 : f32
        %sub3A_3098 = vector.broadcast %sub3A_3097 : f32 to vector<16xf32>
        %sub3A_3099 = arith.subf %add3A_3093, %sub3A_3098 : vector<16xf32>
        %mul3A_3100 = vector.broadcast %squeeze3A_2989 : f32 to vector<16xf32>
        %mul3A_3101 = arith.mulf %mul3A_3100, %sub3A_3099 : vector<16xf32>
        %ge3A_3102 = arith.cmpf oge, %add3A_3096, %mul3A_3101 : vector<16xf32>
        %mul3A_3103 = vector.broadcast %squeeze3A_2993 : f32 to vector<16xf32>
        %mul3A_3104 = arith.mulf %mul3A_3103, %sub3A_3099 : vector<16xf32>
        %le3A_3105 = arith.cmpf ole, %add3A_3096, %mul3A_3104 : vector<16xf32>
        %and3A_3106 = arith.andi %ge3A_3102, %le3A_3105 : vector<16xi1>
        %mul3A_3107 = arith.mulf %add3A_3096, %select_n3A_2916 : vector<16xf32>
        %mul3A_3108 = arith.mulf %select_n3A_2915, %sub3A_3099 : vector<16xf32>
        %lt3A_3109 = arith.cmpf olt, %mul3A_3107, %mul3A_3108 : vector<16xf32>
        %and3A_3110 = arith.andi %and3A_3106, %lt3A_3109 : vector<16xi1>
        %select_n3A_3111 = arith.select %and3A_3110, %add3A_3096, %select_n3A_2915 : vector<16xi1>, vector<16xf32>
        %select_n3A_3112 = arith.select %and3A_3110, %sub3A_3099, %select_n3A_2916 : vector<16xi1>, vector<16xf32>
        %get3A_3113 = arith.index_cast %squeeze3A_2997 : i32 to index
        %get3A_3114 = arith.constant 16 : index
        %get3A_3115 = tpu.vector_load %arg7[%get3A_3113, %get3A_3114] {strides = array<i32>} : memref<65x64xf32, #tpu.memory_space<vmem>>, vector<16xf32>,
        %add3A_3116 = arith.addf %add3A_2920, %get3A_3115 : vector<16xf32>
        %mul3A_3117 = vector.broadcast %squeeze3A_2989 : f32 to vector<16xf32>
        %mul3A_3118 = arith.mulf %get3A_3115, %mul3A_3117 : vector<16xf32>
        %add3A_3119 = arith.addf %add3A_2923, %mul3A_3118 : vector<16xf32>
        %sub3A_3120 = arith.constant 1.000000e+00 : f32
        %sub3A_3121 = vector.broadcast %sub3A_3120 : f32 to vector<16xf32>
        %sub3A_3122 = arith.subf %add3A_3116, %sub3A_3121 : vector<16xf32>
        %mul3A_3123 = vector.broadcast %squeeze3A_2989 : f32 to vector<16xf32>
        %mul3A_3124 = arith.mulf %mul3A_3123, %sub3A_3122 : vector<16xf32>
        %ge3A_3125 = arith.cmpf oge, %add3A_3119, %mul3A_3124 : vector<16xf32>
        %mul3A_3126 = vector.broadcast %squeeze3A_2993 : f32 to vector<16xf32>
        %mul3A_3127 = arith.mulf %mul3A_3126, %sub3A_3122 : vector<16xf32>
        %le3A_3128 = arith.cmpf ole, %add3A_3119, %mul3A_3127 : vector<16xf32>
        %and3A_3129 = arith.andi %ge3A_3125, %le3A_3128 : vector<16xi1>
        %mul3A_3130 = arith.mulf %add3A_3119, %select_n3A_2939 : vector<16xf32>
        %mul3A_3131 = arith.mulf %select_n3A_2938, %sub3A_3122 : vector<16xf32>
        %lt3A_3132 = arith.cmpf olt, %mul3A_3130, %mul3A_3131 : vector<16xf32>
        %and3A_3133 = arith.andi %and3A_3129, %lt3A_3132 : vector<16xi1>
        %select_n3A_3134 = arith.select %and3A_3133, %add3A_3119, %select_n3A_2938 : vector<16xi1>, vector<16xf32>
        %select_n3A_3135 = arith.select %and3A_3133, %sub3A_3122, %select_n3A_2939 : vector<16xi1>, vector<16xf32>
        %get3A_3136 = arith.index_cast %squeeze3A_2997 : i32 to index
        %get3A_3137 = arith.constant 32 : index
        %get3A_3138 = tpu.vector_load %arg7[%get3A_3136, %get3A_3137] {strides = array<i32>} : memref<65x64xf32, #tpu.memory_space<vmem>>, vector<16xf32>,
        %add3A_3139 = arith.addf %add3A_2943, %get3A_3138 : vector<16xf32>
        %mul3A_3140 = vector.broadcast %squeeze3A_2989 : f32 to vector<16xf32>
        %mul3A_3141 = arith.mulf %get3A_3138, %mul3A_3140 : vector<16xf32>
        %add3A_3142 = arith.addf %add3A_2946, %mul3A_3141 : vector<16xf32>
        %sub3A_3143 = arith.constant 1.000000e+00 : f32
        %sub3A_3144 = vector.broadcast %sub3A_3143 : f32 to vector<16xf32>
        %sub3A_3145 = arith.subf %add3A_3139, %sub3A_3144 : vector<16xf32>
        %mul3A_3146 = vector.broadcast %squeeze3A_2989 : f32 to vector<16xf32>
        %mul3A_3147 = arith.mulf %mul3A_3146, %sub3A_3145 : vector<16xf32>
        %ge3A_3148 = arith.cmpf oge, %add3A_3142, %mul3A_3147 : vector<16xf32>
        %mul3A_3149 = vector.broadcast %squeeze3A_2993 : f32 to vector<16xf32>
        %mul3A_3150 = arith.mulf %mul3A_3149, %sub3A_3145 : vector<16xf32>
        %le3A_3151 = arith.cmpf ole, %add3A_3142, %mul3A_3150 : vector<16xf32>
        %and3A_3152 = arith.andi %ge3A_3148, %le3A_3151 : vector<16xi1>
        %mul3A_3153 = arith.mulf %add3A_3142, %select_n3A_2962 : vector<16xf32>
        %mul3A_3154 = arith.mulf %select_n3A_2961, %sub3A_3145 : vector<16xf32>
        %lt3A_3155 = arith.cmpf olt, %mul3A_3153, %mul3A_3154 : vector<16xf32>
        %and3A_3156 = arith.andi %and3A_3152, %lt3A_3155 : vector<16xi1>
        %select_n3A_3157 = arith.select %and3A_3156, %add3A_3142, %select_n3A_2961 : vector<16xi1>, vector<16xf32>
        %select_n3A_3158 = arith.select %and3A_3156, %sub3A_3145, %select_n3A_2962 : vector<16xi1>, vector<16xf32>
        %get3A_3159 = arith.index_cast %squeeze3A_2997 : i32 to index
        %get3A_3160 = arith.constant 48 : index
        %get3A_3161 = tpu.vector_load %arg7[%get3A_3159, %get3A_3160] {strides = array<i32>} : memref<65x64xf32, #tpu.memory_space<vmem>>, vector<16xf32>,
        %add3A_3162 = arith.addf %add3A_2966, %get3A_3161 : vector<16xf32>
        %mul3A_3163 = vector.broadcast %squeeze3A_2989 : f32 to vector<16xf32>
        %mul3A_3164 = arith.mulf %get3A_3161, %mul3A_3163 : vector<16xf32>
        %add3A_3165 = arith.addf %add3A_2969, %mul3A_3164 : vector<16xf32>
        %sub3A_3166 = arith.constant 1.000000e+00 : f32
        %sub3A_3167 = vector.broadcast %sub3A_3166 : f32 to vector<16xf32>
        %sub3A_3168 = arith.subf %add3A_3162, %sub3A_3167 : vector<16xf32>
        %mul3A_3169 = vector.broadcast %squeeze3A_2989 : f32 to vector<16xf32>
        %mul3A_3170 = arith.mulf %mul3A_3169, %sub3A_3168 : vector<16xf32>
        %ge3A_3171 = arith.cmpf oge, %add3A_3165, %mul3A_3170 : vector<16xf32>
        %mul3A_3172 = vector.broadcast %squeeze3A_2993 : f32 to vector<16xf32>
        %mul3A_3173 = arith.mulf %mul3A_3172, %sub3A_3168 : vector<16xf32>
        %le3A_3174 = arith.cmpf ole, %add3A_3165, %mul3A_3173 : vector<16xf32>
        %and3A_3175 = arith.andi %ge3A_3171, %le3A_3174 : vector<16xi1>
        %mul3A_3176 = arith.mulf %add3A_3165, %select_n3A_2985 : vector<16xf32>
        %mul3A_3177 = arith.mulf %select_n3A_2984, %sub3A_3168 : vector<16xf32>
        %lt3A_3178 = arith.cmpf olt, %mul3A_3176, %mul3A_3177 : vector<16xf32>
        %and3A_3179 = arith.andi %and3A_3175, %lt3A_3178 : vector<16xi1>
        %select_n3A_3180 = arith.select %and3A_3179, %add3A_3165, %select_n3A_2984 : vector<16xi1>, vector<16xf32>
        %select_n3A_3181 = arith.select %and3A_3179, %sub3A_3168, %select_n3A_2985 : vector<16xi1>, vector<16xf32>
        %slice3A_3182 = vector.extract_strided_slice %get3A_795 {offsets = [12], sizes = [1], strides = [1]} : vector<16xf32> to vector<1xf32>
        %squeeze3A_3183 = vector.extract %slice3A_3182[0] : f32 from vector<1xf32>
        %slice3A_3184 = vector.extract_strided_slice %get3A_801 {offsets = [12], sizes = [1], strides = [1]} : vector<16xf32> to vector<1xf32>
        %squeeze3A_3185 = vector.extract %slice3A_3184[0] : f32 from vector<1xf32>
        %slice3A_3186 = vector.extract_strided_slice %get3A_809 {offsets = [12], sizes = [1], strides = [1]} : vector<16xf32> to vector<1xf32>
        %squeeze3A_3187 = vector.extract %slice3A_3186[0] : f32 from vector<1xf32>
        %slice3A_3188 = vector.extract_strided_slice %get3A_817 {offsets = [12], sizes = [1], strides = [1]} : vector<16xf32> to vector<1xf32>
        %squeeze3A_3189 = vector.extract %slice3A_3188[0] : f32 from vector<1xf32>
        %slice3A_3190 = vector.extract_strided_slice %get3A_823 {offsets = [12], sizes = [1], strides = [1]} : vector<16xi32> to vector<1xi32>
        %squeeze3A_3191 = vector.extract %slice3A_3190[0] : i32 from vector<1xi32>
        %slice3A_3192 = vector.extract_strided_slice %get3A_829 {offsets = [12], sizes = [1], strides = [1]} : vector<16xi32> to vector<1xi32>
        %squeeze3A_3193 = vector.extract %slice3A_3192[0] : i32 from vector<1xi32>
        %get3A_3194 = arith.index_cast %squeeze3A_3191 : i32 to index
        %get3A_3195 = arith.constant 0 : index
        %get3A_3196 = tpu.vector_load %arg7[%get3A_3194, %get3A_3195] {strides = array<i32>} : memref<65x64xf32, #tpu.memory_space<vmem>>, vector<16xf32>,
        %add3A_3197 = arith.addf %add3A_3001, %get3A_3196 : vector<16xf32>
        %mul3A_3198 = vector.broadcast %squeeze3A_3183 : f32 to vector<16xf32>
        %mul3A_3199 = arith.mulf %get3A_3196, %mul3A_3198 : vector<16xf32>
        %add3A_3200 = arith.addf %add3A_3004, %mul3A_3199 : vector<16xf32>
        %sub3A_3201 = arith.constant 1.000000e+00 : f32
        %sub3A_3202 = vector.broadcast %sub3A_3201 : f32 to vector<16xf32>
        %sub3A_3203 = arith.subf %add3A_3197, %sub3A_3202 : vector<16xf32>
        %mul3A_3204 = vector.broadcast %squeeze3A_3183 : f32 to vector<16xf32>
        %mul3A_3205 = arith.mulf %mul3A_3204, %sub3A_3203 : vector<16xf32>
        %ge3A_3206 = arith.cmpf oge, %add3A_3200, %mul3A_3205 : vector<16xf32>
        %mul3A_3207 = vector.broadcast %squeeze3A_3187 : f32 to vector<16xf32>
        %mul3A_3208 = arith.mulf %mul3A_3207, %sub3A_3203 : vector<16xf32>
        %le3A_3209 = arith.cmpf ole, %add3A_3200, %mul3A_3208 : vector<16xf32>
        %and3A_3210 = arith.andi %ge3A_3206, %le3A_3209 : vector<16xi1>
        %mul3A_3211 = arith.mulf %add3A_3200, %select_n3A_3020 : vector<16xf32>
        %mul3A_3212 = arith.mulf %select_n3A_3019, %sub3A_3203 : vector<16xf32>
        %lt3A_3213 = arith.cmpf olt, %mul3A_3211, %mul3A_3212 : vector<16xf32>
        %and3A_3214 = arith.andi %and3A_3210, %lt3A_3213 : vector<16xi1>
        %select_n3A_3215 = arith.select %and3A_3214, %add3A_3200, %select_n3A_3019 : vector<16xi1>, vector<16xf32>
        %select_n3A_3216 = arith.select %and3A_3214, %sub3A_3203, %select_n3A_3020 : vector<16xi1>, vector<16xf32>
        %get3A_3217 = arith.index_cast %squeeze3A_3191 : i32 to index
        %get3A_3218 = arith.constant 16 : index
        %get3A_3219 = tpu.vector_load %arg7[%get3A_3217, %get3A_3218] {strides = array<i32>} : memref<65x64xf32, #tpu.memory_space<vmem>>, vector<16xf32>,
        %add3A_3220 = arith.addf %add3A_3024, %get3A_3219 : vector<16xf32>
        %mul3A_3221 = vector.broadcast %squeeze3A_3183 : f32 to vector<16xf32>
        %mul3A_3222 = arith.mulf %get3A_3219, %mul3A_3221 : vector<16xf32>
        %add3A_3223 = arith.addf %add3A_3027, %mul3A_3222 : vector<16xf32>
        %sub3A_3224 = arith.constant 1.000000e+00 : f32
        %sub3A_3225 = vector.broadcast %sub3A_3224 : f32 to vector<16xf32>
        %sub3A_3226 = arith.subf %add3A_3220, %sub3A_3225 : vector<16xf32>
        %mul3A_3227 = vector.broadcast %squeeze3A_3183 : f32 to vector<16xf32>
        %mul3A_3228 = arith.mulf %mul3A_3227, %sub3A_3226 : vector<16xf32>
        %ge3A_3229 = arith.cmpf oge, %add3A_3223, %mul3A_3228 : vector<16xf32>
        %mul3A_3230 = vector.broadcast %squeeze3A_3187 : f32 to vector<16xf32>
        %mul3A_3231 = arith.mulf %mul3A_3230, %sub3A_3226 : vector<16xf32>
        %le3A_3232 = arith.cmpf ole, %add3A_3223, %mul3A_3231 : vector<16xf32>
        %and3A_3233 = arith.andi %ge3A_3229, %le3A_3232 : vector<16xi1>
        %mul3A_3234 = arith.mulf %add3A_3223, %select_n3A_3043 : vector<16xf32>
        %mul3A_3235 = arith.mulf %select_n3A_3042, %sub3A_3226 : vector<16xf32>
        %lt3A_3236 = arith.cmpf olt, %mul3A_3234, %mul3A_3235 : vector<16xf32>
        %and3A_3237 = arith.andi %and3A_3233, %lt3A_3236 : vector<16xi1>
        %select_n3A_3238 = arith.select %and3A_3237, %add3A_3223, %select_n3A_3042 : vector<16xi1>, vector<16xf32>
        %select_n3A_3239 = arith.select %and3A_3237, %sub3A_3226, %select_n3A_3043 : vector<16xi1>, vector<16xf32>
        %get3A_3240 = arith.index_cast %squeeze3A_3191 : i32 to index
        %get3A_3241 = arith.constant 32 : index
        %get3A_3242 = tpu.vector_load %arg7[%get3A_3240, %get3A_3241] {strides = array<i32>} : memref<65x64xf32, #tpu.memory_space<vmem>>, vector<16xf32>,
        %add3A_3243 = arith.addf %add3A_3047, %get3A_3242 : vector<16xf32>
        %mul3A_3244 = vector.broadcast %squeeze3A_3183 : f32 to vector<16xf32>
        %mul3A_3245 = arith.mulf %get3A_3242, %mul3A_3244 : vector<16xf32>
        %add3A_3246 = arith.addf %add3A_3050, %mul3A_3245 : vector<16xf32>
        %sub3A_3247 = arith.constant 1.000000e+00 : f32
        %sub3A_3248 = vector.broadcast %sub3A_3247 : f32 to vector<16xf32>
        %sub3A_3249 = arith.subf %add3A_3243, %sub3A_3248 : vector<16xf32>
        %mul3A_3250 = vector.broadcast %squeeze3A_3183 : f32 to vector<16xf32>
        %mul3A_3251 = arith.mulf %mul3A_3250, %sub3A_3249 : vector<16xf32>
        %ge3A_3252 = arith.cmpf oge, %add3A_3246, %mul3A_3251 : vector<16xf32>
        %mul3A_3253 = vector.broadcast %squeeze3A_3187 : f32 to vector<16xf32>
        %mul3A_3254 = arith.mulf %mul3A_3253, %sub3A_3249 : vector<16xf32>
        %le3A_3255 = arith.cmpf ole, %add3A_3246, %mul3A_3254 : vector<16xf32>
        %and3A_3256 = arith.andi %ge3A_3252, %le3A_3255 : vector<16xi1>
        %mul3A_3257 = arith.mulf %add3A_3246, %select_n3A_3066 : vector<16xf32>
        %mul3A_3258 = arith.mulf %select_n3A_3065, %sub3A_3249 : vector<16xf32>
        %lt3A_3259 = arith.cmpf olt, %mul3A_3257, %mul3A_3258 : vector<16xf32>
        %and3A_3260 = arith.andi %and3A_3256, %lt3A_3259 : vector<16xi1>
        %select_n3A_3261 = arith.select %and3A_3260, %add3A_3246, %select_n3A_3065 : vector<16xi1>, vector<16xf32>
        %select_n3A_3262 = arith.select %and3A_3260, %sub3A_3249, %select_n3A_3066 : vector<16xi1>, vector<16xf32>
        %get3A_3263 = arith.index_cast %squeeze3A_3191 : i32 to index
        %get3A_3264 = arith.constant 48 : index
        %get3A_3265 = tpu.vector_load %arg7[%get3A_3263, %get3A_3264] {strides = array<i32>} : memref<65x64xf32, #tpu.memory_space<vmem>>, vector<16xf32>,
        %add3A_3266 = arith.addf %add3A_3070, %get3A_3265 : vector<16xf32>
        %mul3A_3267 = vector.broadcast %squeeze3A_3183 : f32 to vector<16xf32>
        %mul3A_3268 = arith.mulf %get3A_3265, %mul3A_3267 : vector<16xf32>
        %add3A_3269 = arith.addf %add3A_3073, %mul3A_3268 : vector<16xf32>
        %sub3A_3270 = arith.constant 1.000000e+00 : f32
        %sub3A_3271 = vector.broadcast %sub3A_3270 : f32 to vector<16xf32>
        %sub3A_3272 = arith.subf %add3A_3266, %sub3A_3271 : vector<16xf32>
        %mul3A_3273 = vector.broadcast %squeeze3A_3183 : f32 to vector<16xf32>
        %mul3A_3274 = arith.mulf %mul3A_3273, %sub3A_3272 : vector<16xf32>
        %ge3A_3275 = arith.cmpf oge, %add3A_3269, %mul3A_3274 : vector<16xf32>
        %mul3A_3276 = vector.broadcast %squeeze3A_3187 : f32 to vector<16xf32>
        %mul3A_3277 = arith.mulf %mul3A_3276, %sub3A_3272 : vector<16xf32>
        %le3A_3278 = arith.cmpf ole, %add3A_3269, %mul3A_3277 : vector<16xf32>
        %and3A_3279 = arith.andi %ge3A_3275, %le3A_3278 : vector<16xi1>
        %mul3A_3280 = arith.mulf %add3A_3269, %select_n3A_3089 : vector<16xf32>
        %mul3A_3281 = arith.mulf %select_n3A_3088, %sub3A_3272 : vector<16xf32>
        %lt3A_3282 = arith.cmpf olt, %mul3A_3280, %mul3A_3281 : vector<16xf32>
        %and3A_3283 = arith.andi %and3A_3279, %lt3A_3282 : vector<16xi1>
        %select_n3A_3284 = arith.select %and3A_3283, %add3A_3269, %select_n3A_3088 : vector<16xi1>, vector<16xf32>
        %select_n3A_3285 = arith.select %and3A_3283, %sub3A_3272, %select_n3A_3089 : vector<16xi1>, vector<16xf32>
        %get3A_3286 = arith.index_cast %squeeze3A_3193 : i32 to index
        %get3A_3287 = arith.constant 0 : index
        %get3A_3288 = tpu.vector_load %arg7[%get3A_3286, %get3A_3287] {strides = array<i32>} : memref<65x64xf32, #tpu.memory_space<vmem>>, vector<16xf32>,
        %add3A_3289 = arith.addf %add3A_3093, %get3A_3288 : vector<16xf32>
        %mul3A_3290 = vector.broadcast %squeeze3A_3185 : f32 to vector<16xf32>
        %mul3A_3291 = arith.mulf %get3A_3288, %mul3A_3290 : vector<16xf32>
        %add3A_3292 = arith.addf %add3A_3096, %mul3A_3291 : vector<16xf32>
        %sub3A_3293 = arith.constant 1.000000e+00 : f32
        %sub3A_3294 = vector.broadcast %sub3A_3293 : f32 to vector<16xf32>
        %sub3A_3295 = arith.subf %add3A_3289, %sub3A_3294 : vector<16xf32>
        %mul3A_3296 = vector.broadcast %squeeze3A_3185 : f32 to vector<16xf32>
        %mul3A_3297 = arith.mulf %mul3A_3296, %sub3A_3295 : vector<16xf32>
        %ge3A_3298 = arith.cmpf oge, %add3A_3292, %mul3A_3297 : vector<16xf32>
        %mul3A_3299 = vector.broadcast %squeeze3A_3189 : f32 to vector<16xf32>
        %mul3A_3300 = arith.mulf %mul3A_3299, %sub3A_3295 : vector<16xf32>
        %le3A_3301 = arith.cmpf ole, %add3A_3292, %mul3A_3300 : vector<16xf32>
        %and3A_3302 = arith.andi %ge3A_3298, %le3A_3301 : vector<16xi1>
        %mul3A_3303 = arith.mulf %add3A_3292, %select_n3A_3112 : vector<16xf32>
        %mul3A_3304 = arith.mulf %select_n3A_3111, %sub3A_3295 : vector<16xf32>
        %lt3A_3305 = arith.cmpf olt, %mul3A_3303, %mul3A_3304 : vector<16xf32>
        %and3A_3306 = arith.andi %and3A_3302, %lt3A_3305 : vector<16xi1>
        %select_n3A_3307 = arith.select %and3A_3306, %add3A_3292, %select_n3A_3111 : vector<16xi1>, vector<16xf32>
        %select_n3A_3308 = arith.select %and3A_3306, %sub3A_3295, %select_n3A_3112 : vector<16xi1>, vector<16xf32>
        %get3A_3309 = arith.index_cast %squeeze3A_3193 : i32 to index
        %get3A_3310 = arith.constant 16 : index
        %get3A_3311 = tpu.vector_load %arg7[%get3A_3309, %get3A_3310] {strides = array<i32>} : memref<65x64xf32, #tpu.memory_space<vmem>>, vector<16xf32>,
        %add3A_3312 = arith.addf %add3A_3116, %get3A_3311 : vector<16xf32>
        %mul3A_3313 = vector.broadcast %squeeze3A_3185 : f32 to vector<16xf32>
        %mul3A_3314 = arith.mulf %get3A_3311, %mul3A_3313 : vector<16xf32>
        %add3A_3315 = arith.addf %add3A_3119, %mul3A_3314 : vector<16xf32>
        %sub3A_3316 = arith.constant 1.000000e+00 : f32
        %sub3A_3317 = vector.broadcast %sub3A_3316 : f32 to vector<16xf32>
        %sub3A_3318 = arith.subf %add3A_3312, %sub3A_3317 : vector<16xf32>
        %mul3A_3319 = vector.broadcast %squeeze3A_3185 : f32 to vector<16xf32>
        %mul3A_3320 = arith.mulf %mul3A_3319, %sub3A_3318 : vector<16xf32>
        %ge3A_3321 = arith.cmpf oge, %add3A_3315, %mul3A_3320 : vector<16xf32>
        %mul3A_3322 = vector.broadcast %squeeze3A_3189 : f32 to vector<16xf32>
        %mul3A_3323 = arith.mulf %mul3A_3322, %sub3A_3318 : vector<16xf32>
        %le3A_3324 = arith.cmpf ole, %add3A_3315, %mul3A_3323 : vector<16xf32>
        %and3A_3325 = arith.andi %ge3A_3321, %le3A_3324 : vector<16xi1>
        %mul3A_3326 = arith.mulf %add3A_3315, %select_n3A_3135 : vector<16xf32>
        %mul3A_3327 = arith.mulf %select_n3A_3134, %sub3A_3318 : vector<16xf32>
        %lt3A_3328 = arith.cmpf olt, %mul3A_3326, %mul3A_3327 : vector<16xf32>
        %and3A_3329 = arith.andi %and3A_3325, %lt3A_3328 : vector<16xi1>
        %select_n3A_3330 = arith.select %and3A_3329, %add3A_3315, %select_n3A_3134 : vector<16xi1>, vector<16xf32>
        %select_n3A_3331 = arith.select %and3A_3329, %sub3A_3318, %select_n3A_3135 : vector<16xi1>, vector<16xf32>
        %get3A_3332 = arith.index_cast %squeeze3A_3193 : i32 to index
        %get3A_3333 = arith.constant 32 : index
        %get3A_3334 = tpu.vector_load %arg7[%get3A_3332, %get3A_3333] {strides = array<i32>} : memref<65x64xf32, #tpu.memory_space<vmem>>, vector<16xf32>,
        %add3A_3335 = arith.addf %add3A_3139, %get3A_3334 : vector<16xf32>
        %mul3A_3336 = vector.broadcast %squeeze3A_3185 : f32 to vector<16xf32>
        %mul3A_3337 = arith.mulf %get3A_3334, %mul3A_3336 : vector<16xf32>
        %add3A_3338 = arith.addf %add3A_3142, %mul3A_3337 : vector<16xf32>
        %sub3A_3339 = arith.constant 1.000000e+00 : f32
        %sub3A_3340 = vector.broadcast %sub3A_3339 : f32 to vector<16xf32>
        %sub3A_3341 = arith.subf %add3A_3335, %sub3A_3340 : vector<16xf32>
        %mul3A_3342 = vector.broadcast %squeeze3A_3185 : f32 to vector<16xf32>
        %mul3A_3343 = arith.mulf %mul3A_3342, %sub3A_3341 : vector<16xf32>
        %ge3A_3344 = arith.cmpf oge, %add3A_3338, %mul3A_3343 : vector<16xf32>
        %mul3A_3345 = vector.broadcast %squeeze3A_3189 : f32 to vector<16xf32>
        %mul3A_3346 = arith.mulf %mul3A_3345, %sub3A_3341 : vector<16xf32>
        %le3A_3347 = arith.cmpf ole, %add3A_3338, %mul3A_3346 : vector<16xf32>
        %and3A_3348 = arith.andi %ge3A_3344, %le3A_3347 : vector<16xi1>
        %mul3A_3349 = arith.mulf %add3A_3338, %select_n3A_3158 : vector<16xf32>
        %mul3A_3350 = arith.mulf %select_n3A_3157, %sub3A_3341 : vector<16xf32>
        %lt3A_3351 = arith.cmpf olt, %mul3A_3349, %mul3A_3350 : vector<16xf32>
        %and3A_3352 = arith.andi %and3A_3348, %lt3A_3351 : vector<16xi1>
        %select_n3A_3353 = arith.select %and3A_3352, %add3A_3338, %select_n3A_3157 : vector<16xi1>, vector<16xf32>
        %select_n3A_3354 = arith.select %and3A_3352, %sub3A_3341, %select_n3A_3158 : vector<16xi1>, vector<16xf32>
        %get3A_3355 = arith.index_cast %squeeze3A_3193 : i32 to index
        %get3A_3356 = arith.constant 48 : index
        %get3A_3357 = tpu.vector_load %arg7[%get3A_3355, %get3A_3356] {strides = array<i32>} : memref<65x64xf32, #tpu.memory_space<vmem>>, vector<16xf32>,
        %add3A_3358 = arith.addf %add3A_3162, %get3A_3357 : vector<16xf32>
        %mul3A_3359 = vector.broadcast %squeeze3A_3185 : f32 to vector<16xf32>
        %mul3A_3360 = arith.mulf %get3A_3357, %mul3A_3359 : vector<16xf32>
        %add3A_3361 = arith.addf %add3A_3165, %mul3A_3360 : vector<16xf32>
        %sub3A_3362 = arith.constant 1.000000e+00 : f32
        %sub3A_3363 = vector.broadcast %sub3A_3362 : f32 to vector<16xf32>
        %sub3A_3364 = arith.subf %add3A_3358, %sub3A_3363 : vector<16xf32>
        %mul3A_3365 = vector.broadcast %squeeze3A_3185 : f32 to vector<16xf32>
        %mul3A_3366 = arith.mulf %mul3A_3365, %sub3A_3364 : vector<16xf32>
        %ge3A_3367 = arith.cmpf oge, %add3A_3361, %mul3A_3366 : vector<16xf32>
        %mul3A_3368 = vector.broadcast %squeeze3A_3189 : f32 to vector<16xf32>
        %mul3A_3369 = arith.mulf %mul3A_3368, %sub3A_3364 : vector<16xf32>
        %le3A_3370 = arith.cmpf ole, %add3A_3361, %mul3A_3369 : vector<16xf32>
        %and3A_3371 = arith.andi %ge3A_3367, %le3A_3370 : vector<16xi1>
        %mul3A_3372 = arith.mulf %add3A_3361, %select_n3A_3181 : vector<16xf32>
        %mul3A_3373 = arith.mulf %select_n3A_3180, %sub3A_3364 : vector<16xf32>
        %lt3A_3374 = arith.cmpf olt, %mul3A_3372, %mul3A_3373 : vector<16xf32>
        %and3A_3375 = arith.andi %and3A_3371, %lt3A_3374 : vector<16xi1>
        %select_n3A_3376 = arith.select %and3A_3375, %add3A_3361, %select_n3A_3180 : vector<16xi1>, vector<16xf32>
        %select_n3A_3377 = arith.select %and3A_3375, %sub3A_3364, %select_n3A_3181 : vector<16xi1>, vector<16xf32>
        %slice3A_3378 = vector.extract_strided_slice %get3A_795 {offsets = [13], sizes = [1], strides = [1]} : vector<16xf32> to vector<1xf32>
        %squeeze3A_3379 = vector.extract %slice3A_3378[0] : f32 from vector<1xf32>
        %slice3A_3380 = vector.extract_strided_slice %get3A_801 {offsets = [13], sizes = [1], strides = [1]} : vector<16xf32> to vector<1xf32>
        %squeeze3A_3381 = vector.extract %slice3A_3380[0] : f32 from vector<1xf32>
        %slice3A_3382 = vector.extract_strided_slice %get3A_809 {offsets = [13], sizes = [1], strides = [1]} : vector<16xf32> to vector<1xf32>
        %squeeze3A_3383 = vector.extract %slice3A_3382[0] : f32 from vector<1xf32>
        %slice3A_3384 = vector.extract_strided_slice %get3A_817 {offsets = [13], sizes = [1], strides = [1]} : vector<16xf32> to vector<1xf32>
        %squeeze3A_3385 = vector.extract %slice3A_3384[0] : f32 from vector<1xf32>
        %slice3A_3386 = vector.extract_strided_slice %get3A_823 {offsets = [13], sizes = [1], strides = [1]} : vector<16xi32> to vector<1xi32>
        %squeeze3A_3387 = vector.extract %slice3A_3386[0] : i32 from vector<1xi32>
        %slice3A_3388 = vector.extract_strided_slice %get3A_829 {offsets = [13], sizes = [1], strides = [1]} : vector<16xi32> to vector<1xi32>
        %squeeze3A_3389 = vector.extract %slice3A_3388[0] : i32 from vector<1xi32>
        %get3A_3390 = arith.index_cast %squeeze3A_3387 : i32 to index
        %get3A_3391 = arith.constant 0 : index
        %get3A_3392 = tpu.vector_load %arg7[%get3A_3390, %get3A_3391] {strides = array<i32>} : memref<65x64xf32, #tpu.memory_space<vmem>>, vector<16xf32>,
        %add3A_3393 = arith.addf %add3A_3197, %get3A_3392 : vector<16xf32>
        %mul3A_3394 = vector.broadcast %squeeze3A_3379 : f32 to vector<16xf32>
        %mul3A_3395 = arith.mulf %get3A_3392, %mul3A_3394 : vector<16xf32>
        %add3A_3396 = arith.addf %add3A_3200, %mul3A_3395 : vector<16xf32>
        %sub3A_3397 = arith.constant 1.000000e+00 : f32
        %sub3A_3398 = vector.broadcast %sub3A_3397 : f32 to vector<16xf32>
        %sub3A_3399 = arith.subf %add3A_3393, %sub3A_3398 : vector<16xf32>
        %mul3A_3400 = vector.broadcast %squeeze3A_3379 : f32 to vector<16xf32>
        %mul3A_3401 = arith.mulf %mul3A_3400, %sub3A_3399 : vector<16xf32>
        %ge3A_3402 = arith.cmpf oge, %add3A_3396, %mul3A_3401 : vector<16xf32>
        %mul3A_3403 = vector.broadcast %squeeze3A_3383 : f32 to vector<16xf32>
        %mul3A_3404 = arith.mulf %mul3A_3403, %sub3A_3399 : vector<16xf32>
        %le3A_3405 = arith.cmpf ole, %add3A_3396, %mul3A_3404 : vector<16xf32>
        %and3A_3406 = arith.andi %ge3A_3402, %le3A_3405 : vector<16xi1>
        %mul3A_3407 = arith.mulf %add3A_3396, %select_n3A_3216 : vector<16xf32>
        %mul3A_3408 = arith.mulf %select_n3A_3215, %sub3A_3399 : vector<16xf32>
        %lt3A_3409 = arith.cmpf olt, %mul3A_3407, %mul3A_3408 : vector<16xf32>
        %and3A_3410 = arith.andi %and3A_3406, %lt3A_3409 : vector<16xi1>
        %select_n3A_3411 = arith.select %and3A_3410, %add3A_3396, %select_n3A_3215 : vector<16xi1>, vector<16xf32>
        %select_n3A_3412 = arith.select %and3A_3410, %sub3A_3399, %select_n3A_3216 : vector<16xi1>, vector<16xf32>
        %get3A_3413 = arith.index_cast %squeeze3A_3387 : i32 to index
        %get3A_3414 = arith.constant 16 : index
        %get3A_3415 = tpu.vector_load %arg7[%get3A_3413, %get3A_3414] {strides = array<i32>} : memref<65x64xf32, #tpu.memory_space<vmem>>, vector<16xf32>,
        %add3A_3416 = arith.addf %add3A_3220, %get3A_3415 : vector<16xf32>
        %mul3A_3417 = vector.broadcast %squeeze3A_3379 : f32 to vector<16xf32>
        %mul3A_3418 = arith.mulf %get3A_3415, %mul3A_3417 : vector<16xf32>
        %add3A_3419 = arith.addf %add3A_3223, %mul3A_3418 : vector<16xf32>
        %sub3A_3420 = arith.constant 1.000000e+00 : f32
        %sub3A_3421 = vector.broadcast %sub3A_3420 : f32 to vector<16xf32>
        %sub3A_3422 = arith.subf %add3A_3416, %sub3A_3421 : vector<16xf32>
        %mul3A_3423 = vector.broadcast %squeeze3A_3379 : f32 to vector<16xf32>
        %mul3A_3424 = arith.mulf %mul3A_3423, %sub3A_3422 : vector<16xf32>
        %ge3A_3425 = arith.cmpf oge, %add3A_3419, %mul3A_3424 : vector<16xf32>
        %mul3A_3426 = vector.broadcast %squeeze3A_3383 : f32 to vector<16xf32>
        %mul3A_3427 = arith.mulf %mul3A_3426, %sub3A_3422 : vector<16xf32>
        %le3A_3428 = arith.cmpf ole, %add3A_3419, %mul3A_3427 : vector<16xf32>
        %and3A_3429 = arith.andi %ge3A_3425, %le3A_3428 : vector<16xi1>
        %mul3A_3430 = arith.mulf %add3A_3419, %select_n3A_3239 : vector<16xf32>
        %mul3A_3431 = arith.mulf %select_n3A_3238, %sub3A_3422 : vector<16xf32>
        %lt3A_3432 = arith.cmpf olt, %mul3A_3430, %mul3A_3431 : vector<16xf32>
        %and3A_3433 = arith.andi %and3A_3429, %lt3A_3432 : vector<16xi1>
        %select_n3A_3434 = arith.select %and3A_3433, %add3A_3419, %select_n3A_3238 : vector<16xi1>, vector<16xf32>
        %select_n3A_3435 = arith.select %and3A_3433, %sub3A_3422, %select_n3A_3239 : vector<16xi1>, vector<16xf32>
        %get3A_3436 = arith.index_cast %squeeze3A_3387 : i32 to index
        %get3A_3437 = arith.constant 32 : index
        %get3A_3438 = tpu.vector_load %arg7[%get3A_3436, %get3A_3437] {strides = array<i32>} : memref<65x64xf32, #tpu.memory_space<vmem>>, vector<16xf32>,
        %add3A_3439 = arith.addf %add3A_3243, %get3A_3438 : vector<16xf32>
        %mul3A_3440 = vector.broadcast %squeeze3A_3379 : f32 to vector<16xf32>
        %mul3A_3441 = arith.mulf %get3A_3438, %mul3A_3440 : vector<16xf32>
        %add3A_3442 = arith.addf %add3A_3246, %mul3A_3441 : vector<16xf32>
        %sub3A_3443 = arith.constant 1.000000e+00 : f32
        %sub3A_3444 = vector.broadcast %sub3A_3443 : f32 to vector<16xf32>
        %sub3A_3445 = arith.subf %add3A_3439, %sub3A_3444 : vector<16xf32>
        %mul3A_3446 = vector.broadcast %squeeze3A_3379 : f32 to vector<16xf32>
        %mul3A_3447 = arith.mulf %mul3A_3446, %sub3A_3445 : vector<16xf32>
        %ge3A_3448 = arith.cmpf oge, %add3A_3442, %mul3A_3447 : vector<16xf32>
        %mul3A_3449 = vector.broadcast %squeeze3A_3383 : f32 to vector<16xf32>
        %mul3A_3450 = arith.mulf %mul3A_3449, %sub3A_3445 : vector<16xf32>
        %le3A_3451 = arith.cmpf ole, %add3A_3442, %mul3A_3450 : vector<16xf32>
        %and3A_3452 = arith.andi %ge3A_3448, %le3A_3451 : vector<16xi1>
        %mul3A_3453 = arith.mulf %add3A_3442, %select_n3A_3262 : vector<16xf32>
        %mul3A_3454 = arith.mulf %select_n3A_3261, %sub3A_3445 : vector<16xf32>
        %lt3A_3455 = arith.cmpf olt, %mul3A_3453, %mul3A_3454 : vector<16xf32>
        %and3A_3456 = arith.andi %and3A_3452, %lt3A_3455 : vector<16xi1>
        %select_n3A_3457 = arith.select %and3A_3456, %add3A_3442, %select_n3A_3261 : vector<16xi1>, vector<16xf32>
        %select_n3A_3458 = arith.select %and3A_3456, %sub3A_3445, %select_n3A_3262 : vector<16xi1>, vector<16xf32>
        %get3A_3459 = arith.index_cast %squeeze3A_3387 : i32 to index
        %get3A_3460 = arith.constant 48 : index
        %get3A_3461 = tpu.vector_load %arg7[%get3A_3459, %get3A_3460] {strides = array<i32>} : memref<65x64xf32, #tpu.memory_space<vmem>>, vector<16xf32>,
        %add3A_3462 = arith.addf %add3A_3266, %get3A_3461 : vector<16xf32>
        %mul3A_3463 = vector.broadcast %squeeze3A_3379 : f32 to vector<16xf32>
        %mul3A_3464 = arith.mulf %get3A_3461, %mul3A_3463 : vector<16xf32>
        %add3A_3465 = arith.addf %add3A_3269, %mul3A_3464 : vector<16xf32>
        %sub3A_3466 = arith.constant 1.000000e+00 : f32
        %sub3A_3467 = vector.broadcast %sub3A_3466 : f32 to vector<16xf32>
        %sub3A_3468 = arith.subf %add3A_3462, %sub3A_3467 : vector<16xf32>
        %mul3A_3469 = vector.broadcast %squeeze3A_3379 : f32 to vector<16xf32>
        %mul3A_3470 = arith.mulf %mul3A_3469, %sub3A_3468 : vector<16xf32>
        %ge3A_3471 = arith.cmpf oge, %add3A_3465, %mul3A_3470 : vector<16xf32>
        %mul3A_3472 = vector.broadcast %squeeze3A_3383 : f32 to vector<16xf32>
        %mul3A_3473 = arith.mulf %mul3A_3472, %sub3A_3468 : vector<16xf32>
        %le3A_3474 = arith.cmpf ole, %add3A_3465, %mul3A_3473 : vector<16xf32>
        %and3A_3475 = arith.andi %ge3A_3471, %le3A_3474 : vector<16xi1>
        %mul3A_3476 = arith.mulf %add3A_3465, %select_n3A_3285 : vector<16xf32>
        %mul3A_3477 = arith.mulf %select_n3A_3284, %sub3A_3468 : vector<16xf32>
        %lt3A_3478 = arith.cmpf olt, %mul3A_3476, %mul3A_3477 : vector<16xf32>
        %and3A_3479 = arith.andi %and3A_3475, %lt3A_3478 : vector<16xi1>
        %select_n3A_3480 = arith.select %and3A_3479, %add3A_3465, %select_n3A_3284 : vector<16xi1>, vector<16xf32>
        %select_n3A_3481 = arith.select %and3A_3479, %sub3A_3468, %select_n3A_3285 : vector<16xi1>, vector<16xf32>
        %get3A_3482 = arith.index_cast %squeeze3A_3389 : i32 to index
        %get3A_3483 = arith.constant 0 : index
        %get3A_3484 = tpu.vector_load %arg7[%get3A_3482, %get3A_3483] {strides = array<i32>} : memref<65x64xf32, #tpu.memory_space<vmem>>, vector<16xf32>,
        %add3A_3485 = arith.addf %add3A_3289, %get3A_3484 : vector<16xf32>
        %mul3A_3486 = vector.broadcast %squeeze3A_3381 : f32 to vector<16xf32>
        %mul3A_3487 = arith.mulf %get3A_3484, %mul3A_3486 : vector<16xf32>
        %add3A_3488 = arith.addf %add3A_3292, %mul3A_3487 : vector<16xf32>
        %sub3A_3489 = arith.constant 1.000000e+00 : f32
        %sub3A_3490 = vector.broadcast %sub3A_3489 : f32 to vector<16xf32>
        %sub3A_3491 = arith.subf %add3A_3485, %sub3A_3490 : vector<16xf32>
        %mul3A_3492 = vector.broadcast %squeeze3A_3381 : f32 to vector<16xf32>
        %mul3A_3493 = arith.mulf %mul3A_3492, %sub3A_3491 : vector<16xf32>
        %ge3A_3494 = arith.cmpf oge, %add3A_3488, %mul3A_3493 : vector<16xf32>
        %mul3A_3495 = vector.broadcast %squeeze3A_3385 : f32 to vector<16xf32>
        %mul3A_3496 = arith.mulf %mul3A_3495, %sub3A_3491 : vector<16xf32>
        %le3A_3497 = arith.cmpf ole, %add3A_3488, %mul3A_3496 : vector<16xf32>
        %and3A_3498 = arith.andi %ge3A_3494, %le3A_3497 : vector<16xi1>
        %mul3A_3499 = arith.mulf %add3A_3488, %select_n3A_3308 : vector<16xf32>
        %mul3A_3500 = arith.mulf %select_n3A_3307, %sub3A_3491 : vector<16xf32>
        %lt3A_3501 = arith.cmpf olt, %mul3A_3499, %mul3A_3500 : vector<16xf32>
        %and3A_3502 = arith.andi %and3A_3498, %lt3A_3501 : vector<16xi1>
        %select_n3A_3503 = arith.select %and3A_3502, %add3A_3488, %select_n3A_3307 : vector<16xi1>, vector<16xf32>
        %select_n3A_3504 = arith.select %and3A_3502, %sub3A_3491, %select_n3A_3308 : vector<16xi1>, vector<16xf32>
        %get3A_3505 = arith.index_cast %squeeze3A_3389 : i32 to index
        %get3A_3506 = arith.constant 16 : index
        %get3A_3507 = tpu.vector_load %arg7[%get3A_3505, %get3A_3506] {strides = array<i32>} : memref<65x64xf32, #tpu.memory_space<vmem>>, vector<16xf32>,
        %add3A_3508 = arith.addf %add3A_3312, %get3A_3507 : vector<16xf32>
        %mul3A_3509 = vector.broadcast %squeeze3A_3381 : f32 to vector<16xf32>
        %mul3A_3510 = arith.mulf %get3A_3507, %mul3A_3509 : vector<16xf32>
        %add3A_3511 = arith.addf %add3A_3315, %mul3A_3510 : vector<16xf32>
        %sub3A_3512 = arith.constant 1.000000e+00 : f32
        %sub3A_3513 = vector.broadcast %sub3A_3512 : f32 to vector<16xf32>
        %sub3A_3514 = arith.subf %add3A_3508, %sub3A_3513 : vector<16xf32>
        %mul3A_3515 = vector.broadcast %squeeze3A_3381 : f32 to vector<16xf32>
        %mul3A_3516 = arith.mulf %mul3A_3515, %sub3A_3514 : vector<16xf32>
        %ge3A_3517 = arith.cmpf oge, %add3A_3511, %mul3A_3516 : vector<16xf32>
        %mul3A_3518 = vector.broadcast %squeeze3A_3385 : f32 to vector<16xf32>
        %mul3A_3519 = arith.mulf %mul3A_3518, %sub3A_3514 : vector<16xf32>
        %le3A_3520 = arith.cmpf ole, %add3A_3511, %mul3A_3519 : vector<16xf32>
        %and3A_3521 = arith.andi %ge3A_3517, %le3A_3520 : vector<16xi1>
        %mul3A_3522 = arith.mulf %add3A_3511, %select_n3A_3331 : vector<16xf32>
        %mul3A_3523 = arith.mulf %select_n3A_3330, %sub3A_3514 : vector<16xf32>
        %lt3A_3524 = arith.cmpf olt, %mul3A_3522, %mul3A_3523 : vector<16xf32>
        %and3A_3525 = arith.andi %and3A_3521, %lt3A_3524 : vector<16xi1>
        %select_n3A_3526 = arith.select %and3A_3525, %add3A_3511, %select_n3A_3330 : vector<16xi1>, vector<16xf32>
        %select_n3A_3527 = arith.select %and3A_3525, %sub3A_3514, %select_n3A_3331 : vector<16xi1>, vector<16xf32>
        %get3A_3528 = arith.index_cast %squeeze3A_3389 : i32 to index
        %get3A_3529 = arith.constant 32 : index
        %get3A_3530 = tpu.vector_load %arg7[%get3A_3528, %get3A_3529] {strides = array<i32>} : memref<65x64xf32, #tpu.memory_space<vmem>>, vector<16xf32>,
        %add3A_3531 = arith.addf %add3A_3335, %get3A_3530 : vector<16xf32>
        %mul3A_3532 = vector.broadcast %squeeze3A_3381 : f32 to vector<16xf32>
        %mul3A_3533 = arith.mulf %get3A_3530, %mul3A_3532 : vector<16xf32>
        %add3A_3534 = arith.addf %add3A_3338, %mul3A_3533 : vector<16xf32>
        %sub3A_3535 = arith.constant 1.000000e+00 : f32
        %sub3A_3536 = vector.broadcast %sub3A_3535 : f32 to vector<16xf32>
        %sub3A_3537 = arith.subf %add3A_3531, %sub3A_3536 : vector<16xf32>
        %mul3A_3538 = vector.broadcast %squeeze3A_3381 : f32 to vector<16xf32>
        %mul3A_3539 = arith.mulf %mul3A_3538, %sub3A_3537 : vector<16xf32>
        %ge3A_3540 = arith.cmpf oge, %add3A_3534, %mul3A_3539 : vector<16xf32>
        %mul3A_3541 = vector.broadcast %squeeze3A_3385 : f32 to vector<16xf32>
        %mul3A_3542 = arith.mulf %mul3A_3541, %sub3A_3537 : vector<16xf32>
        %le3A_3543 = arith.cmpf ole, %add3A_3534, %mul3A_3542 : vector<16xf32>
        %and3A_3544 = arith.andi %ge3A_3540, %le3A_3543 : vector<16xi1>
        %mul3A_3545 = arith.mulf %add3A_3534, %select_n3A_3354 : vector<16xf32>
        %mul3A_3546 = arith.mulf %select_n3A_3353, %sub3A_3537 : vector<16xf32>
        %lt3A_3547 = arith.cmpf olt, %mul3A_3545, %mul3A_3546 : vector<16xf32>
        %and3A_3548 = arith.andi %and3A_3544, %lt3A_3547 : vector<16xi1>
        %select_n3A_3549 = arith.select %and3A_3548, %add3A_3534, %select_n3A_3353 : vector<16xi1>, vector<16xf32>
        %select_n3A_3550 = arith.select %and3A_3548, %sub3A_3537, %select_n3A_3354 : vector<16xi1>, vector<16xf32>
        %get3A_3551 = arith.index_cast %squeeze3A_3389 : i32 to index
        %get3A_3552 = arith.constant 48 : index
        %get3A_3553 = tpu.vector_load %arg7[%get3A_3551, %get3A_3552] {strides = array<i32>} : memref<65x64xf32, #tpu.memory_space<vmem>>, vector<16xf32>,
        %add3A_3554 = arith.addf %add3A_3358, %get3A_3553 : vector<16xf32>
        %mul3A_3555 = vector.broadcast %squeeze3A_3381 : f32 to vector<16xf32>
        %mul3A_3556 = arith.mulf %get3A_3553, %mul3A_3555 : vector<16xf32>
        %add3A_3557 = arith.addf %add3A_3361, %mul3A_3556 : vector<16xf32>
        %sub3A_3558 = arith.constant 1.000000e+00 : f32
        %sub3A_3559 = vector.broadcast %sub3A_3558 : f32 to vector<16xf32>
        %sub3A_3560 = arith.subf %add3A_3554, %sub3A_3559 : vector<16xf32>
        %mul3A_3561 = vector.broadcast %squeeze3A_3381 : f32 to vector<16xf32>
        %mul3A_3562 = arith.mulf %mul3A_3561, %sub3A_3560 : vector<16xf32>
        %ge3A_3563 = arith.cmpf oge, %add3A_3557, %mul3A_3562 : vector<16xf32>
        %mul3A_3564 = vector.broadcast %squeeze3A_3385 : f32 to vector<16xf32>
        %mul3A_3565 = arith.mulf %mul3A_3564, %sub3A_3560 : vector<16xf32>
        %le3A_3566 = arith.cmpf ole, %add3A_3557, %mul3A_3565 : vector<16xf32>
        %and3A_3567 = arith.andi %ge3A_3563, %le3A_3566 : vector<16xi1>
        %mul3A_3568 = arith.mulf %add3A_3557, %select_n3A_3377 : vector<16xf32>
        %mul3A_3569 = arith.mulf %select_n3A_3376, %sub3A_3560 : vector<16xf32>
        %lt3A_3570 = arith.cmpf olt, %mul3A_3568, %mul3A_3569 : vector<16xf32>
        %and3A_3571 = arith.andi %and3A_3567, %lt3A_3570 : vector<16xi1>
        %select_n3A_3572 = arith.select %and3A_3571, %add3A_3557, %select_n3A_3376 : vector<16xi1>, vector<16xf32>
        %select_n3A_3573 = arith.select %and3A_3571, %sub3A_3560, %select_n3A_3377 : vector<16xi1>, vector<16xf32>
        %slice3A_3574 = vector.extract_strided_slice %get3A_795 {offsets = [14], sizes = [1], strides = [1]} : vector<16xf32> to vector<1xf32>
        %squeeze3A_3575 = vector.extract %slice3A_3574[0] : f32 from vector<1xf32>
        %slice3A_3576 = vector.extract_strided_slice %get3A_801 {offsets = [14], sizes = [1], strides = [1]} : vector<16xf32> to vector<1xf32>
        %squeeze3A_3577 = vector.extract %slice3A_3576[0] : f32 from vector<1xf32>
        %slice3A_3578 = vector.extract_strided_slice %get3A_809 {offsets = [14], sizes = [1], strides = [1]} : vector<16xf32> to vector<1xf32>
        %squeeze3A_3579 = vector.extract %slice3A_3578[0] : f32 from vector<1xf32>
        %slice3A_3580 = vector.extract_strided_slice %get3A_817 {offsets = [14], sizes = [1], strides = [1]} : vector<16xf32> to vector<1xf32>
        %squeeze3A_3581 = vector.extract %slice3A_3580[0] : f32 from vector<1xf32>
        %slice3A_3582 = vector.extract_strided_slice %get3A_823 {offsets = [14], sizes = [1], strides = [1]} : vector<16xi32> to vector<1xi32>
        %squeeze3A_3583 = vector.extract %slice3A_3582[0] : i32 from vector<1xi32>
        %slice3A_3584 = vector.extract_strided_slice %get3A_829 {offsets = [14], sizes = [1], strides = [1]} : vector<16xi32> to vector<1xi32>
        %squeeze3A_3585 = vector.extract %slice3A_3584[0] : i32 from vector<1xi32>
        %get3A_3586 = arith.index_cast %squeeze3A_3583 : i32 to index
        %get3A_3587 = arith.constant 0 : index
        %get3A_3588 = tpu.vector_load %arg7[%get3A_3586, %get3A_3587] {strides = array<i32>} : memref<65x64xf32, #tpu.memory_space<vmem>>, vector<16xf32>,
        %add3A_3589 = arith.addf %add3A_3393, %get3A_3588 : vector<16xf32>
        %mul3A_3590 = vector.broadcast %squeeze3A_3575 : f32 to vector<16xf32>
        %mul3A_3591 = arith.mulf %get3A_3588, %mul3A_3590 : vector<16xf32>
        %add3A_3592 = arith.addf %add3A_3396, %mul3A_3591 : vector<16xf32>
        %sub3A_3593 = arith.constant 1.000000e+00 : f32
        %sub3A_3594 = vector.broadcast %sub3A_3593 : f32 to vector<16xf32>
        %sub3A_3595 = arith.subf %add3A_3589, %sub3A_3594 : vector<16xf32>
        %mul3A_3596 = vector.broadcast %squeeze3A_3575 : f32 to vector<16xf32>
        %mul3A_3597 = arith.mulf %mul3A_3596, %sub3A_3595 : vector<16xf32>
        %ge3A_3598 = arith.cmpf oge, %add3A_3592, %mul3A_3597 : vector<16xf32>
        %mul3A_3599 = vector.broadcast %squeeze3A_3579 : f32 to vector<16xf32>
        %mul3A_3600 = arith.mulf %mul3A_3599, %sub3A_3595 : vector<16xf32>
        %le3A_3601 = arith.cmpf ole, %add3A_3592, %mul3A_3600 : vector<16xf32>
        %and3A_3602 = arith.andi %ge3A_3598, %le3A_3601 : vector<16xi1>
        %mul3A_3603 = arith.mulf %add3A_3592, %select_n3A_3412 : vector<16xf32>
        %mul3A_3604 = arith.mulf %select_n3A_3411, %sub3A_3595 : vector<16xf32>
        %lt3A_3605 = arith.cmpf olt, %mul3A_3603, %mul3A_3604 : vector<16xf32>
        %and3A_3606 = arith.andi %and3A_3602, %lt3A_3605 : vector<16xi1>
        %select_n3A_3607 = arith.select %and3A_3606, %add3A_3592, %select_n3A_3411 : vector<16xi1>, vector<16xf32>
        %select_n3A_3608 = arith.select %and3A_3606, %sub3A_3595, %select_n3A_3412 : vector<16xi1>, vector<16xf32>
        %get3A_3609 = arith.index_cast %squeeze3A_3583 : i32 to index
        %get3A_3610 = arith.constant 16 : index
        %get3A_3611 = tpu.vector_load %arg7[%get3A_3609, %get3A_3610] {strides = array<i32>} : memref<65x64xf32, #tpu.memory_space<vmem>>, vector<16xf32>,
        %add3A_3612 = arith.addf %add3A_3416, %get3A_3611 : vector<16xf32>
        %mul3A_3613 = vector.broadcast %squeeze3A_3575 : f32 to vector<16xf32>
        %mul3A_3614 = arith.mulf %get3A_3611, %mul3A_3613 : vector<16xf32>
        %add3A_3615 = arith.addf %add3A_3419, %mul3A_3614 : vector<16xf32>
        %sub3A_3616 = arith.constant 1.000000e+00 : f32
        %sub3A_3617 = vector.broadcast %sub3A_3616 : f32 to vector<16xf32>
        %sub3A_3618 = arith.subf %add3A_3612, %sub3A_3617 : vector<16xf32>
        %mul3A_3619 = vector.broadcast %squeeze3A_3575 : f32 to vector<16xf32>
        %mul3A_3620 = arith.mulf %mul3A_3619, %sub3A_3618 : vector<16xf32>
        %ge3A_3621 = arith.cmpf oge, %add3A_3615, %mul3A_3620 : vector<16xf32>
        %mul3A_3622 = vector.broadcast %squeeze3A_3579 : f32 to vector<16xf32>
        %mul3A_3623 = arith.mulf %mul3A_3622, %sub3A_3618 : vector<16xf32>
        %le3A_3624 = arith.cmpf ole, %add3A_3615, %mul3A_3623 : vector<16xf32>
        %and3A_3625 = arith.andi %ge3A_3621, %le3A_3624 : vector<16xi1>
        %mul3A_3626 = arith.mulf %add3A_3615, %select_n3A_3435 : vector<16xf32>
        %mul3A_3627 = arith.mulf %select_n3A_3434, %sub3A_3618 : vector<16xf32>
        %lt3A_3628 = arith.cmpf olt, %mul3A_3626, %mul3A_3627 : vector<16xf32>
        %and3A_3629 = arith.andi %and3A_3625, %lt3A_3628 : vector<16xi1>
        %select_n3A_3630 = arith.select %and3A_3629, %add3A_3615, %select_n3A_3434 : vector<16xi1>, vector<16xf32>
        %select_n3A_3631 = arith.select %and3A_3629, %sub3A_3618, %select_n3A_3435 : vector<16xi1>, vector<16xf32>
        %get3A_3632 = arith.index_cast %squeeze3A_3583 : i32 to index
        %get3A_3633 = arith.constant 32 : index
        %get3A_3634 = tpu.vector_load %arg7[%get3A_3632, %get3A_3633] {strides = array<i32>} : memref<65x64xf32, #tpu.memory_space<vmem>>, vector<16xf32>,
        %add3A_3635 = arith.addf %add3A_3439, %get3A_3634 : vector<16xf32>
        %mul3A_3636 = vector.broadcast %squeeze3A_3575 : f32 to vector<16xf32>
        %mul3A_3637 = arith.mulf %get3A_3634, %mul3A_3636 : vector<16xf32>
        %add3A_3638 = arith.addf %add3A_3442, %mul3A_3637 : vector<16xf32>
        %sub3A_3639 = arith.constant 1.000000e+00 : f32
        %sub3A_3640 = vector.broadcast %sub3A_3639 : f32 to vector<16xf32>
        %sub3A_3641 = arith.subf %add3A_3635, %sub3A_3640 : vector<16xf32>
        %mul3A_3642 = vector.broadcast %squeeze3A_3575 : f32 to vector<16xf32>
        %mul3A_3643 = arith.mulf %mul3A_3642, %sub3A_3641 : vector<16xf32>
        %ge3A_3644 = arith.cmpf oge, %add3A_3638, %mul3A_3643 : vector<16xf32>
        %mul3A_3645 = vector.broadcast %squeeze3A_3579 : f32 to vector<16xf32>
        %mul3A_3646 = arith.mulf %mul3A_3645, %sub3A_3641 : vector<16xf32>
        %le3A_3647 = arith.cmpf ole, %add3A_3638, %mul3A_3646 : vector<16xf32>
        %and3A_3648 = arith.andi %ge3A_3644, %le3A_3647 : vector<16xi1>
        %mul3A_3649 = arith.mulf %add3A_3638, %select_n3A_3458 : vector<16xf32>
        %mul3A_3650 = arith.mulf %select_n3A_3457, %sub3A_3641 : vector<16xf32>
        %lt3A_3651 = arith.cmpf olt, %mul3A_3649, %mul3A_3650 : vector<16xf32>
        %and3A_3652 = arith.andi %and3A_3648, %lt3A_3651 : vector<16xi1>
        %select_n3A_3653 = arith.select %and3A_3652, %add3A_3638, %select_n3A_3457 : vector<16xi1>, vector<16xf32>
        %select_n3A_3654 = arith.select %and3A_3652, %sub3A_3641, %select_n3A_3458 : vector<16xi1>, vector<16xf32>
        %get3A_3655 = arith.index_cast %squeeze3A_3583 : i32 to index
        %get3A_3656 = arith.constant 48 : index
        %get3A_3657 = tpu.vector_load %arg7[%get3A_3655, %get3A_3656] {strides = array<i32>} : memref<65x64xf32, #tpu.memory_space<vmem>>, vector<16xf32>,
        %add3A_3658 = arith.addf %add3A_3462, %get3A_3657 : vector<16xf32>
        %mul3A_3659 = vector.broadcast %squeeze3A_3575 : f32 to vector<16xf32>
        %mul3A_3660 = arith.mulf %get3A_3657, %mul3A_3659 : vector<16xf32>
        %add3A_3661 = arith.addf %add3A_3465, %mul3A_3660 : vector<16xf32>
        %sub3A_3662 = arith.constant 1.000000e+00 : f32
        %sub3A_3663 = vector.broadcast %sub3A_3662 : f32 to vector<16xf32>
        %sub3A_3664 = arith.subf %add3A_3658, %sub3A_3663 : vector<16xf32>
        %mul3A_3665 = vector.broadcast %squeeze3A_3575 : f32 to vector<16xf32>
        %mul3A_3666 = arith.mulf %mul3A_3665, %sub3A_3664 : vector<16xf32>
        %ge3A_3667 = arith.cmpf oge, %add3A_3661, %mul3A_3666 : vector<16xf32>
        %mul3A_3668 = vector.broadcast %squeeze3A_3579 : f32 to vector<16xf32>
        %mul3A_3669 = arith.mulf %mul3A_3668, %sub3A_3664 : vector<16xf32>
        %le3A_3670 = arith.cmpf ole, %add3A_3661, %mul3A_3669 : vector<16xf32>
        %and3A_3671 = arith.andi %ge3A_3667, %le3A_3670 : vector<16xi1>
        %mul3A_3672 = arith.mulf %add3A_3661, %select_n3A_3481 : vector<16xf32>
        %mul3A_3673 = arith.mulf %select_n3A_3480, %sub3A_3664 : vector<16xf32>
        %lt3A_3674 = arith.cmpf olt, %mul3A_3672, %mul3A_3673 : vector<16xf32>
        %and3A_3675 = arith.andi %and3A_3671, %lt3A_3674 : vector<16xi1>
        %select_n3A_3676 = arith.select %and3A_3675, %add3A_3661, %select_n3A_3480 : vector<16xi1>, vector<16xf32>
        %select_n3A_3677 = arith.select %and3A_3675, %sub3A_3664, %select_n3A_3481 : vector<16xi1>, vector<16xf32>
        %get3A_3678 = arith.index_cast %squeeze3A_3585 : i32 to index
        %get3A_3679 = arith.constant 0 : index
        %get3A_3680 = tpu.vector_load %arg7[%get3A_3678, %get3A_3679] {strides = array<i32>} : memref<65x64xf32, #tpu.memory_space<vmem>>, vector<16xf32>,
        %add3A_3681 = arith.addf %add3A_3485, %get3A_3680 : vector<16xf32>
        %mul3A_3682 = vector.broadcast %squeeze3A_3577 : f32 to vector<16xf32>
        %mul3A_3683 = arith.mulf %get3A_3680, %mul3A_3682 : vector<16xf32>
        %add3A_3684 = arith.addf %add3A_3488, %mul3A_3683 : vector<16xf32>
        %sub3A_3685 = arith.constant 1.000000e+00 : f32
        %sub3A_3686 = vector.broadcast %sub3A_3685 : f32 to vector<16xf32>
        %sub3A_3687 = arith.subf %add3A_3681, %sub3A_3686 : vector<16xf32>
        %mul3A_3688 = vector.broadcast %squeeze3A_3577 : f32 to vector<16xf32>
        %mul3A_3689 = arith.mulf %mul3A_3688, %sub3A_3687 : vector<16xf32>
        %ge3A_3690 = arith.cmpf oge, %add3A_3684, %mul3A_3689 : vector<16xf32>
        %mul3A_3691 = vector.broadcast %squeeze3A_3581 : f32 to vector<16xf32>
        %mul3A_3692 = arith.mulf %mul3A_3691, %sub3A_3687 : vector<16xf32>
        %le3A_3693 = arith.cmpf ole, %add3A_3684, %mul3A_3692 : vector<16xf32>
        %and3A_3694 = arith.andi %ge3A_3690, %le3A_3693 : vector<16xi1>
        %mul3A_3695 = arith.mulf %add3A_3684, %select_n3A_3504 : vector<16xf32>
        %mul3A_3696 = arith.mulf %select_n3A_3503, %sub3A_3687 : vector<16xf32>
        %lt3A_3697 = arith.cmpf olt, %mul3A_3695, %mul3A_3696 : vector<16xf32>
        %and3A_3698 = arith.andi %and3A_3694, %lt3A_3697 : vector<16xi1>
        %select_n3A_3699 = arith.select %and3A_3698, %add3A_3684, %select_n3A_3503 : vector<16xi1>, vector<16xf32>
        %select_n3A_3700 = arith.select %and3A_3698, %sub3A_3687, %select_n3A_3504 : vector<16xi1>, vector<16xf32>
        %get3A_3701 = arith.index_cast %squeeze3A_3585 : i32 to index
        %get3A_3702 = arith.constant 16 : index
        %get3A_3703 = tpu.vector_load %arg7[%get3A_3701, %get3A_3702] {strides = array<i32>} : memref<65x64xf32, #tpu.memory_space<vmem>>, vector<16xf32>,
        %add3A_3704 = arith.addf %add3A_3508, %get3A_3703 : vector<16xf32>
        %mul3A_3705 = vector.broadcast %squeeze3A_3577 : f32 to vector<16xf32>
        %mul3A_3706 = arith.mulf %get3A_3703, %mul3A_3705 : vector<16xf32>
        %add3A_3707 = arith.addf %add3A_3511, %mul3A_3706 : vector<16xf32>
        %sub3A_3708 = arith.constant 1.000000e+00 : f32
        %sub3A_3709 = vector.broadcast %sub3A_3708 : f32 to vector<16xf32>
        %sub3A_3710 = arith.subf %add3A_3704, %sub3A_3709 : vector<16xf32>
        %mul3A_3711 = vector.broadcast %squeeze3A_3577 : f32 to vector<16xf32>
        %mul3A_3712 = arith.mulf %mul3A_3711, %sub3A_3710 : vector<16xf32>
        %ge3A_3713 = arith.cmpf oge, %add3A_3707, %mul3A_3712 : vector<16xf32>
        %mul3A_3714 = vector.broadcast %squeeze3A_3581 : f32 to vector<16xf32>
        %mul3A_3715 = arith.mulf %mul3A_3714, %sub3A_3710 : vector<16xf32>
        %le3A_3716 = arith.cmpf ole, %add3A_3707, %mul3A_3715 : vector<16xf32>
        %and3A_3717 = arith.andi %ge3A_3713, %le3A_3716 : vector<16xi1>
        %mul3A_3718 = arith.mulf %add3A_3707, %select_n3A_3527 : vector<16xf32>
        %mul3A_3719 = arith.mulf %select_n3A_3526, %sub3A_3710 : vector<16xf32>
        %lt3A_3720 = arith.cmpf olt, %mul3A_3718, %mul3A_3719 : vector<16xf32>
        %and3A_3721 = arith.andi %and3A_3717, %lt3A_3720 : vector<16xi1>
        %select_n3A_3722 = arith.select %and3A_3721, %add3A_3707, %select_n3A_3526 : vector<16xi1>, vector<16xf32>
        %select_n3A_3723 = arith.select %and3A_3721, %sub3A_3710, %select_n3A_3527 : vector<16xi1>, vector<16xf32>
        %get3A_3724 = arith.index_cast %squeeze3A_3585 : i32 to index
        %get3A_3725 = arith.constant 32 : index
        %get3A_3726 = tpu.vector_load %arg7[%get3A_3724, %get3A_3725] {strides = array<i32>} : memref<65x64xf32, #tpu.memory_space<vmem>>, vector<16xf32>,
        %add3A_3727 = arith.addf %add3A_3531, %get3A_3726 : vector<16xf32>
        %mul3A_3728 = vector.broadcast %squeeze3A_3577 : f32 to vector<16xf32>
        %mul3A_3729 = arith.mulf %get3A_3726, %mul3A_3728 : vector<16xf32>
        %add3A_3730 = arith.addf %add3A_3534, %mul3A_3729 : vector<16xf32>
        %sub3A_3731 = arith.constant 1.000000e+00 : f32
        %sub3A_3732 = vector.broadcast %sub3A_3731 : f32 to vector<16xf32>
        %sub3A_3733 = arith.subf %add3A_3727, %sub3A_3732 : vector<16xf32>
        %mul3A_3734 = vector.broadcast %squeeze3A_3577 : f32 to vector<16xf32>
        %mul3A_3735 = arith.mulf %mul3A_3734, %sub3A_3733 : vector<16xf32>
        %ge3A_3736 = arith.cmpf oge, %add3A_3730, %mul3A_3735 : vector<16xf32>
        %mul3A_3737 = vector.broadcast %squeeze3A_3581 : f32 to vector<16xf32>
        %mul3A_3738 = arith.mulf %mul3A_3737, %sub3A_3733 : vector<16xf32>
        %le3A_3739 = arith.cmpf ole, %add3A_3730, %mul3A_3738 : vector<16xf32>
        %and3A_3740 = arith.andi %ge3A_3736, %le3A_3739 : vector<16xi1>
        %mul3A_3741 = arith.mulf %add3A_3730, %select_n3A_3550 : vector<16xf32>
        %mul3A_3742 = arith.mulf %select_n3A_3549, %sub3A_3733 : vector<16xf32>
        %lt3A_3743 = arith.cmpf olt, %mul3A_3741, %mul3A_3742 : vector<16xf32>
        %and3A_3744 = arith.andi %and3A_3740, %lt3A_3743 : vector<16xi1>
        %select_n3A_3745 = arith.select %and3A_3744, %add3A_3730, %select_n3A_3549 : vector<16xi1>, vector<16xf32>
        %select_n3A_3746 = arith.select %and3A_3744, %sub3A_3733, %select_n3A_3550 : vector<16xi1>, vector<16xf32>
        %get3A_3747 = arith.index_cast %squeeze3A_3585 : i32 to index
        %get3A_3748 = arith.constant 48 : index
        %get3A_3749 = tpu.vector_load %arg7[%get3A_3747, %get3A_3748] {strides = array<i32>} : memref<65x64xf32, #tpu.memory_space<vmem>>, vector<16xf32>,
        %add3A_3750 = arith.addf %add3A_3554, %get3A_3749 : vector<16xf32>
        %mul3A_3751 = vector.broadcast %squeeze3A_3577 : f32 to vector<16xf32>
        %mul3A_3752 = arith.mulf %get3A_3749, %mul3A_3751 : vector<16xf32>
        %add3A_3753 = arith.addf %add3A_3557, %mul3A_3752 : vector<16xf32>
        %sub3A_3754 = arith.constant 1.000000e+00 : f32
        %sub3A_3755 = vector.broadcast %sub3A_3754 : f32 to vector<16xf32>
        %sub3A_3756 = arith.subf %add3A_3750, %sub3A_3755 : vector<16xf32>
        %mul3A_3757 = vector.broadcast %squeeze3A_3577 : f32 to vector<16xf32>
        %mul3A_3758 = arith.mulf %mul3A_3757, %sub3A_3756 : vector<16xf32>
        %ge3A_3759 = arith.cmpf oge, %add3A_3753, %mul3A_3758 : vector<16xf32>
        %mul3A_3760 = vector.broadcast %squeeze3A_3581 : f32 to vector<16xf32>
        %mul3A_3761 = arith.mulf %mul3A_3760, %sub3A_3756 : vector<16xf32>
        %le3A_3762 = arith.cmpf ole, %add3A_3753, %mul3A_3761 : vector<16xf32>
        %and3A_3763 = arith.andi %ge3A_3759, %le3A_3762 : vector<16xi1>
        %mul3A_3764 = arith.mulf %add3A_3753, %select_n3A_3573 : vector<16xf32>
        %mul3A_3765 = arith.mulf %select_n3A_3572, %sub3A_3756 : vector<16xf32>
        %lt3A_3766 = arith.cmpf olt, %mul3A_3764, %mul3A_3765 : vector<16xf32>
        %and3A_3767 = arith.andi %and3A_3763, %lt3A_3766 : vector<16xi1>
        %select_n3A_3768 = arith.select %and3A_3767, %add3A_3753, %select_n3A_3572 : vector<16xi1>, vector<16xf32>
        %select_n3A_3769 = arith.select %and3A_3767, %sub3A_3756, %select_n3A_3573 : vector<16xi1>, vector<16xf32>
        %slice3A_3770 = vector.extract_strided_slice %get3A_795 {offsets = [15], sizes = [1], strides = [1]} : vector<16xf32> to vector<1xf32>
        %squeeze3A_3771 = vector.extract %slice3A_3770[0] : f32 from vector<1xf32>
        %slice3A_3772 = vector.extract_strided_slice %get3A_801 {offsets = [15], sizes = [1], strides = [1]} : vector<16xf32> to vector<1xf32>
        %squeeze3A_3773 = vector.extract %slice3A_3772[0] : f32 from vector<1xf32>
        %slice3A_3774 = vector.extract_strided_slice %get3A_809 {offsets = [15], sizes = [1], strides = [1]} : vector<16xf32> to vector<1xf32>
        %squeeze3A_3775 = vector.extract %slice3A_3774[0] : f32 from vector<1xf32>
        %slice3A_3776 = vector.extract_strided_slice %get3A_817 {offsets = [15], sizes = [1], strides = [1]} : vector<16xf32> to vector<1xf32>
        %squeeze3A_3777 = vector.extract %slice3A_3776[0] : f32 from vector<1xf32>
        %slice3A_3778 = vector.extract_strided_slice %get3A_823 {offsets = [15], sizes = [1], strides = [1]} : vector<16xi32> to vector<1xi32>
        %squeeze3A_3779 = vector.extract %slice3A_3778[0] : i32 from vector<1xi32>
        %slice3A_3780 = vector.extract_strided_slice %get3A_829 {offsets = [15], sizes = [1], strides = [1]} : vector<16xi32> to vector<1xi32>
        %squeeze3A_3781 = vector.extract %slice3A_3780[0] : i32 from vector<1xi32>
        %get3A_3782 = arith.index_cast %squeeze3A_3779 : i32 to index
        %get3A_3783 = arith.constant 0 : index
        %get3A_3784 = tpu.vector_load %arg7[%get3A_3782, %get3A_3783] {strides = array<i32>} : memref<65x64xf32, #tpu.memory_space<vmem>>, vector<16xf32>,
        %add3A_3785 = arith.addf %add3A_3589, %get3A_3784 : vector<16xf32>
        %mul3A_3786 = vector.broadcast %squeeze3A_3771 : f32 to vector<16xf32>
        %mul3A_3787 = arith.mulf %get3A_3784, %mul3A_3786 : vector<16xf32>
        %add3A_3788 = arith.addf %add3A_3592, %mul3A_3787 : vector<16xf32>
        %sub3A_3789 = arith.constant 1.000000e+00 : f32
        %sub3A_3790 = vector.broadcast %sub3A_3789 : f32 to vector<16xf32>
        %sub3A_3791 = arith.subf %add3A_3785, %sub3A_3790 : vector<16xf32>
        %mul3A_3792 = vector.broadcast %squeeze3A_3771 : f32 to vector<16xf32>
        %mul3A_3793 = arith.mulf %mul3A_3792, %sub3A_3791 : vector<16xf32>
        %ge3A_3794 = arith.cmpf oge, %add3A_3788, %mul3A_3793 : vector<16xf32>
        %mul3A_3795 = vector.broadcast %squeeze3A_3775 : f32 to vector<16xf32>
        %mul3A_3796 = arith.mulf %mul3A_3795, %sub3A_3791 : vector<16xf32>
        %le3A_3797 = arith.cmpf ole, %add3A_3788, %mul3A_3796 : vector<16xf32>
        %and3A_3798 = arith.andi %ge3A_3794, %le3A_3797 : vector<16xi1>
        %mul3A_3799 = arith.mulf %add3A_3788, %select_n3A_3608 : vector<16xf32>
        %mul3A_3800 = arith.mulf %select_n3A_3607, %sub3A_3791 : vector<16xf32>
        %lt3A_3801 = arith.cmpf olt, %mul3A_3799, %mul3A_3800 : vector<16xf32>
        %and3A_3802 = arith.andi %and3A_3798, %lt3A_3801 : vector<16xi1>
        %select_n3A_3803 = arith.select %and3A_3802, %add3A_3788, %select_n3A_3607 : vector<16xi1>, vector<16xf32>
        %select_n3A_3804 = arith.select %and3A_3802, %sub3A_3791, %select_n3A_3608 : vector<16xi1>, vector<16xf32>
        %get3A_3805 = arith.index_cast %squeeze3A_3779 : i32 to index
        %get3A_3806 = arith.constant 16 : index
        %get3A_3807 = tpu.vector_load %arg7[%get3A_3805, %get3A_3806] {strides = array<i32>} : memref<65x64xf32, #tpu.memory_space<vmem>>, vector<16xf32>,
        %add3A_3808 = arith.addf %add3A_3612, %get3A_3807 : vector<16xf32>
        %mul3A_3809 = vector.broadcast %squeeze3A_3771 : f32 to vector<16xf32>
        %mul3A_3810 = arith.mulf %get3A_3807, %mul3A_3809 : vector<16xf32>
        %add3A_3811 = arith.addf %add3A_3615, %mul3A_3810 : vector<16xf32>
        %sub3A_3812 = arith.constant 1.000000e+00 : f32
        %sub3A_3813 = vector.broadcast %sub3A_3812 : f32 to vector<16xf32>
        %sub3A_3814 = arith.subf %add3A_3808, %sub3A_3813 : vector<16xf32>
        %mul3A_3815 = vector.broadcast %squeeze3A_3771 : f32 to vector<16xf32>
        %mul3A_3816 = arith.mulf %mul3A_3815, %sub3A_3814 : vector<16xf32>
        %ge3A_3817 = arith.cmpf oge, %add3A_3811, %mul3A_3816 : vector<16xf32>
        %mul3A_3818 = vector.broadcast %squeeze3A_3775 : f32 to vector<16xf32>
        %mul3A_3819 = arith.mulf %mul3A_3818, %sub3A_3814 : vector<16xf32>
        %le3A_3820 = arith.cmpf ole, %add3A_3811, %mul3A_3819 : vector<16xf32>
        %and3A_3821 = arith.andi %ge3A_3817, %le3A_3820 : vector<16xi1>
        %mul3A_3822 = arith.mulf %add3A_3811, %select_n3A_3631 : vector<16xf32>
        %mul3A_3823 = arith.mulf %select_n3A_3630, %sub3A_3814 : vector<16xf32>
        %lt3A_3824 = arith.cmpf olt, %mul3A_3822, %mul3A_3823 : vector<16xf32>
        %and3A_3825 = arith.andi %and3A_3821, %lt3A_3824 : vector<16xi1>
        %select_n3A_3826 = arith.select %and3A_3825, %add3A_3811, %select_n3A_3630 : vector<16xi1>, vector<16xf32>
        %select_n3A_3827 = arith.select %and3A_3825, %sub3A_3814, %select_n3A_3631 : vector<16xi1>, vector<16xf32>
        %get3A_3828 = arith.index_cast %squeeze3A_3779 : i32 to index
        %get3A_3829 = arith.constant 32 : index
        %get3A_3830 = tpu.vector_load %arg7[%get3A_3828, %get3A_3829] {strides = array<i32>} : memref<65x64xf32, #tpu.memory_space<vmem>>, vector<16xf32>,
        %add3A_3831 = arith.addf %add3A_3635, %get3A_3830 : vector<16xf32>
        %mul3A_3832 = vector.broadcast %squeeze3A_3771 : f32 to vector<16xf32>
        %mul3A_3833 = arith.mulf %get3A_3830, %mul3A_3832 : vector<16xf32>
        %add3A_3834 = arith.addf %add3A_3638, %mul3A_3833 : vector<16xf32>
        %sub3A_3835 = arith.constant 1.000000e+00 : f32
        %sub3A_3836 = vector.broadcast %sub3A_3835 : f32 to vector<16xf32>
        %sub3A_3837 = arith.subf %add3A_3831, %sub3A_3836 : vector<16xf32>
        %mul3A_3838 = vector.broadcast %squeeze3A_3771 : f32 to vector<16xf32>
        %mul3A_3839 = arith.mulf %mul3A_3838, %sub3A_3837 : vector<16xf32>
        %ge3A_3840 = arith.cmpf oge, %add3A_3834, %mul3A_3839 : vector<16xf32>
        %mul3A_3841 = vector.broadcast %squeeze3A_3775 : f32 to vector<16xf32>
        %mul3A_3842 = arith.mulf %mul3A_3841, %sub3A_3837 : vector<16xf32>
        %le3A_3843 = arith.cmpf ole, %add3A_3834, %mul3A_3842 : vector<16xf32>
        %and3A_3844 = arith.andi %ge3A_3840, %le3A_3843 : vector<16xi1>
        %mul3A_3845 = arith.mulf %add3A_3834, %select_n3A_3654 : vector<16xf32>
        %mul3A_3846 = arith.mulf %select_n3A_3653, %sub3A_3837 : vector<16xf32>
        %lt3A_3847 = arith.cmpf olt, %mul3A_3845, %mul3A_3846 : vector<16xf32>
        %and3A_3848 = arith.andi %and3A_3844, %lt3A_3847 : vector<16xi1>
        %select_n3A_3849 = arith.select %and3A_3848, %add3A_3834, %select_n3A_3653 : vector<16xi1>, vector<16xf32>
        %select_n3A_3850 = arith.select %and3A_3848, %sub3A_3837, %select_n3A_3654 : vector<16xi1>, vector<16xf32>
        %get3A_3851 = arith.index_cast %squeeze3A_3779 : i32 to index
        %get3A_3852 = arith.constant 48 : index
        %get3A_3853 = tpu.vector_load %arg7[%get3A_3851, %get3A_3852] {strides = array<i32>} : memref<65x64xf32, #tpu.memory_space<vmem>>, vector<16xf32>,
        %add3A_3854 = arith.addf %add3A_3658, %get3A_3853 : vector<16xf32>
        %mul3A_3855 = vector.broadcast %squeeze3A_3771 : f32 to vector<16xf32>
        %mul3A_3856 = arith.mulf %get3A_3853, %mul3A_3855 : vector<16xf32>
        %add3A_3857 = arith.addf %add3A_3661, %mul3A_3856 : vector<16xf32>
        %sub3A_3858 = arith.constant 1.000000e+00 : f32
        %sub3A_3859 = vector.broadcast %sub3A_3858 : f32 to vector<16xf32>
        %sub3A_3860 = arith.subf %add3A_3854, %sub3A_3859 : vector<16xf32>
        %mul3A_3861 = vector.broadcast %squeeze3A_3771 : f32 to vector<16xf32>
        %mul3A_3862 = arith.mulf %mul3A_3861, %sub3A_3860 : vector<16xf32>
        %ge3A_3863 = arith.cmpf oge, %add3A_3857, %mul3A_3862 : vector<16xf32>
        %mul3A_3864 = vector.broadcast %squeeze3A_3775 : f32 to vector<16xf32>
        %mul3A_3865 = arith.mulf %mul3A_3864, %sub3A_3860 : vector<16xf32>
        %le3A_3866 = arith.cmpf ole, %add3A_3857, %mul3A_3865 : vector<16xf32>
        %and3A_3867 = arith.andi %ge3A_3863, %le3A_3866 : vector<16xi1>
        %mul3A_3868 = arith.mulf %add3A_3857, %select_n3A_3677 : vector<16xf32>
        %mul3A_3869 = arith.mulf %select_n3A_3676, %sub3A_3860 : vector<16xf32>
        %lt3A_3870 = arith.cmpf olt, %mul3A_3868, %mul3A_3869 : vector<16xf32>
        %and3A_3871 = arith.andi %and3A_3867, %lt3A_3870 : vector<16xi1>
        %select_n3A_3872 = arith.select %and3A_3871, %add3A_3857, %select_n3A_3676 : vector<16xi1>, vector<16xf32>
        %select_n3A_3873 = arith.select %and3A_3871, %sub3A_3860, %select_n3A_3677 : vector<16xi1>, vector<16xf32>
        %get3A_3874 = arith.index_cast %squeeze3A_3781 : i32 to index
        %get3A_3875 = arith.constant 0 : index
        %get3A_3876 = tpu.vector_load %arg7[%get3A_3874, %get3A_3875] {strides = array<i32>} : memref<65x64xf32, #tpu.memory_space<vmem>>, vector<16xf32>,
        %add3A_3877 = arith.addf %add3A_3681, %get3A_3876 : vector<16xf32>
        %mul3A_3878 = vector.broadcast %squeeze3A_3773 : f32 to vector<16xf32>
        %mul3A_3879 = arith.mulf %get3A_3876, %mul3A_3878 : vector<16xf32>
        %add3A_3880 = arith.addf %add3A_3684, %mul3A_3879 : vector<16xf32>
        %sub3A_3881 = arith.constant 1.000000e+00 : f32
        %sub3A_3882 = vector.broadcast %sub3A_3881 : f32 to vector<16xf32>
        %sub3A_3883 = arith.subf %add3A_3877, %sub3A_3882 : vector<16xf32>
        %mul3A_3884 = vector.broadcast %squeeze3A_3773 : f32 to vector<16xf32>
        %mul3A_3885 = arith.mulf %mul3A_3884, %sub3A_3883 : vector<16xf32>
        %ge3A_3886 = arith.cmpf oge, %add3A_3880, %mul3A_3885 : vector<16xf32>
        %mul3A_3887 = vector.broadcast %squeeze3A_3777 : f32 to vector<16xf32>
        %mul3A_3888 = arith.mulf %mul3A_3887, %sub3A_3883 : vector<16xf32>
        %le3A_3889 = arith.cmpf ole, %add3A_3880, %mul3A_3888 : vector<16xf32>
        %and3A_3890 = arith.andi %ge3A_3886, %le3A_3889 : vector<16xi1>
        %mul3A_3891 = arith.mulf %add3A_3880, %select_n3A_3700 : vector<16xf32>
        %mul3A_3892 = arith.mulf %select_n3A_3699, %sub3A_3883 : vector<16xf32>
        %lt3A_3893 = arith.cmpf olt, %mul3A_3891, %mul3A_3892 : vector<16xf32>
        %and3A_3894 = arith.andi %and3A_3890, %lt3A_3893 : vector<16xi1>
        %select_n3A_3895 = arith.select %and3A_3894, %add3A_3880, %select_n3A_3699 : vector<16xi1>, vector<16xf32>
        %select_n3A_3896 = arith.select %and3A_3894, %sub3A_3883, %select_n3A_3700 : vector<16xi1>, vector<16xf32>
        %get3A_3897 = arith.index_cast %squeeze3A_3781 : i32 to index
        %get3A_3898 = arith.constant 16 : index
        %get3A_3899 = tpu.vector_load %arg7[%get3A_3897, %get3A_3898] {strides = array<i32>} : memref<65x64xf32, #tpu.memory_space<vmem>>, vector<16xf32>,
        %add3A_3900 = arith.addf %add3A_3704, %get3A_3899 : vector<16xf32>
        %mul3A_3901 = vector.broadcast %squeeze3A_3773 : f32 to vector<16xf32>
        %mul3A_3902 = arith.mulf %get3A_3899, %mul3A_3901 : vector<16xf32>
        %add3A_3903 = arith.addf %add3A_3707, %mul3A_3902 : vector<16xf32>
        %sub3A_3904 = arith.constant 1.000000e+00 : f32
        %sub3A_3905 = vector.broadcast %sub3A_3904 : f32 to vector<16xf32>
        %sub3A_3906 = arith.subf %add3A_3900, %sub3A_3905 : vector<16xf32>
        %mul3A_3907 = vector.broadcast %squeeze3A_3773 : f32 to vector<16xf32>
        %mul3A_3908 = arith.mulf %mul3A_3907, %sub3A_3906 : vector<16xf32>
        %ge3A_3909 = arith.cmpf oge, %add3A_3903, %mul3A_3908 : vector<16xf32>
        %mul3A_3910 = vector.broadcast %squeeze3A_3777 : f32 to vector<16xf32>
        %mul3A_3911 = arith.mulf %mul3A_3910, %sub3A_3906 : vector<16xf32>
        %le3A_3912 = arith.cmpf ole, %add3A_3903, %mul3A_3911 : vector<16xf32>
        %and3A_3913 = arith.andi %ge3A_3909, %le3A_3912 : vector<16xi1>
        %mul3A_3914 = arith.mulf %add3A_3903, %select_n3A_3723 : vector<16xf32>
        %mul3A_3915 = arith.mulf %select_n3A_3722, %sub3A_3906 : vector<16xf32>
        %lt3A_3916 = arith.cmpf olt, %mul3A_3914, %mul3A_3915 : vector<16xf32>
        %and3A_3917 = arith.andi %and3A_3913, %lt3A_3916 : vector<16xi1>
        %select_n3A_3918 = arith.select %and3A_3917, %add3A_3903, %select_n3A_3722 : vector<16xi1>, vector<16xf32>
        %select_n3A_3919 = arith.select %and3A_3917, %sub3A_3906, %select_n3A_3723 : vector<16xi1>, vector<16xf32>
        %get3A_3920 = arith.index_cast %squeeze3A_3781 : i32 to index
        %get3A_3921 = arith.constant 32 : index
        %get3A_3922 = tpu.vector_load %arg7[%get3A_3920, %get3A_3921] {strides = array<i32>} : memref<65x64xf32, #tpu.memory_space<vmem>>, vector<16xf32>,
        %add3A_3923 = arith.addf %add3A_3727, %get3A_3922 : vector<16xf32>
        %mul3A_3924 = vector.broadcast %squeeze3A_3773 : f32 to vector<16xf32>
        %mul3A_3925 = arith.mulf %get3A_3922, %mul3A_3924 : vector<16xf32>
        %add3A_3926 = arith.addf %add3A_3730, %mul3A_3925 : vector<16xf32>
        %sub3A_3927 = arith.constant 1.000000e+00 : f32
        %sub3A_3928 = vector.broadcast %sub3A_3927 : f32 to vector<16xf32>
        %sub3A_3929 = arith.subf %add3A_3923, %sub3A_3928 : vector<16xf32>
        %mul3A_3930 = vector.broadcast %squeeze3A_3773 : f32 to vector<16xf32>
        %mul3A_3931 = arith.mulf %mul3A_3930, %sub3A_3929 : vector<16xf32>
        %ge3A_3932 = arith.cmpf oge, %add3A_3926, %mul3A_3931 : vector<16xf32>
        %mul3A_3933 = vector.broadcast %squeeze3A_3777 : f32 to vector<16xf32>
        %mul3A_3934 = arith.mulf %mul3A_3933, %sub3A_3929 : vector<16xf32>
        %le3A_3935 = arith.cmpf ole, %add3A_3926, %mul3A_3934 : vector<16xf32>
        %and3A_3936 = arith.andi %ge3A_3932, %le3A_3935 : vector<16xi1>
        %mul3A_3937 = arith.mulf %add3A_3926, %select_n3A_3746 : vector<16xf32>
        %mul3A_3938 = arith.mulf %select_n3A_3745, %sub3A_3929 : vector<16xf32>
        %lt3A_3939 = arith.cmpf olt, %mul3A_3937, %mul3A_3938 : vector<16xf32>
        %and3A_3940 = arith.andi %and3A_3936, %lt3A_3939 : vector<16xi1>
        %select_n3A_3941 = arith.select %and3A_3940, %add3A_3926, %select_n3A_3745 : vector<16xi1>, vector<16xf32>
        %select_n3A_3942 = arith.select %and3A_3940, %sub3A_3929, %select_n3A_3746 : vector<16xi1>, vector<16xf32>
        %get3A_3943 = arith.index_cast %squeeze3A_3781 : i32 to index
        %get3A_3944 = arith.constant 48 : index
        %get3A_3945 = tpu.vector_load %arg7[%get3A_3943, %get3A_3944] {strides = array<i32>} : memref<65x64xf32, #tpu.memory_space<vmem>>, vector<16xf32>,
        %add3A_3946 = arith.addf %add3A_3750, %get3A_3945 : vector<16xf32>
        %mul3A_3947 = vector.broadcast %squeeze3A_3773 : f32 to vector<16xf32>
        %mul3A_3948 = arith.mulf %get3A_3945, %mul3A_3947 : vector<16xf32>
        %add3A_3949 = arith.addf %add3A_3753, %mul3A_3948 : vector<16xf32>
        %sub3A_3950 = arith.constant 1.000000e+00 : f32
        %sub3A_3951 = vector.broadcast %sub3A_3950 : f32 to vector<16xf32>
        %sub3A_3952 = arith.subf %add3A_3946, %sub3A_3951 : vector<16xf32>
        %mul3A_3953 = vector.broadcast %squeeze3A_3773 : f32 to vector<16xf32>
        %mul3A_3954 = arith.mulf %mul3A_3953, %sub3A_3952 : vector<16xf32>
        %ge3A_3955 = arith.cmpf oge, %add3A_3949, %mul3A_3954 : vector<16xf32>
        %mul3A_3956 = vector.broadcast %squeeze3A_3777 : f32 to vector<16xf32>
        %mul3A_3957 = arith.mulf %mul3A_3956, %sub3A_3952 : vector<16xf32>
        %le3A_3958 = arith.cmpf ole, %add3A_3949, %mul3A_3957 : vector<16xf32>
        %and3A_3959 = arith.andi %ge3A_3955, %le3A_3958 : vector<16xi1>
        %mul3A_3960 = arith.mulf %add3A_3949, %select_n3A_3769 : vector<16xf32>
        %mul3A_3961 = arith.mulf %select_n3A_3768, %sub3A_3952 : vector<16xf32>
        %lt3A_3962 = arith.cmpf olt, %mul3A_3960, %mul3A_3961 : vector<16xf32>
        %and3A_3963 = arith.andi %and3A_3959, %lt3A_3962 : vector<16xi1>
        %select_n3A_3964 = arith.select %and3A_3963, %add3A_3949, %select_n3A_3768 : vector<16xi1>, vector<16xf32>
        %select_n3A_3965 = arith.select %and3A_3963, %sub3A_3952, %select_n3A_3769 : vector<16xi1>, vector<16xf32>
        scf.yield %add3A_3785, %add3A_3808, %add3A_3831, %add3A_3854, %add3A_3877, %add3A_3900, %add3A_3923, %add3A_3946, %select_n3A_3803, %select_n3A_3826, %select_n3A_3849, %select_n3A_3872, %select_n3A_3895, %select_n3A_3918, %select_n3A_3941, %select_n3A_3964, %select_n3A_3804, %select_n3A_3827, %select_n3A_3850, %select_n3A_3873, %select_n3A_3896, %select_n3A_3919, %select_n3A_3942, %select_n3A_3965, %add3A_3788, %add3A_3811, %add3A_3834, %add3A_3857, %add3A_3880, %add3A_3903, %add3A_3926, %add3A_3949 : vector<16xf32>, vector<16xf32>, vector<16xf32>, vector<16xf32>, vector<16xf32>, vector<16xf32>, vector<16xf32>, vector<16xf32>, vector<16xf32>, vector<16xf32>, vector<16xf32>, vector<16xf32>, vector<16xf32>, vector<16xf32>, vector<16xf32>, vector<16xf32>, vector<16xf32>, vector<16xf32>, vector<16xf32>, vector<16xf32>, vector<16xf32>, vector<16xf32>, vector<16xf32>, vector<16xf32>, vector<16xf32>, vector<16xf32>, vector<16xf32>, vector<16xf32>, vector<16xf32>, vector<16xf32>, vector<16xf32>, vector<16xf32>
      }
      %scan3A_490 = arith.constant 4 : i32
      %get3A_491 = arith.constant 64 : index
      %get3A_492 = tpu.vector_load %arg9[%get3A_491] {strides = array<i32>} : memref<192xf32, #tpu.memory_space<vmem>>, vector<16xf32>,
      %get3A_493 = arith.constant 160 : index
      %get3A_494 = tpu.vector_load %arg9[%get3A_493] {strides = array<i32>} : memref<192xf32, #tpu.memory_space<vmem>>, vector<16xf32>,
      %get3A_495 = arith.constant 65 : index
      %get3A_496 = tpu.vector_load %arg9[%get3A_495] {strides = array<i32>} : memref<192xf32, #tpu.memory_space<vmem>>, vector<16xf32>,
      %get3A_497 = arith.constant 161 : index
      %get3A_498 = tpu.vector_load %arg9[%get3A_497] {strides = array<i32>} : memref<192xf32, #tpu.memory_space<vmem>>, vector<16xf32>,
      %get3A_499 = arith.constant 64 : index
      %get3A_500 = tpu.vector_load %arg10[%get3A_499] {strides = array<i32>} : memref<192xi32, #tpu.memory_space<vmem>>, vector<16xi32>,
      %get3A_501 = arith.constant 160 : index
      %get3A_502 = tpu.vector_load %arg10[%get3A_501] {strides = array<i32>} : memref<192xi32, #tpu.memory_space<vmem>>, vector<16xi32>,
      %slice3A = vector.extract_strided_slice %get3A_492 {offsets = [0], sizes = [1], strides = [1]} : vector<16xf32> to vector<1xf32>
      %squeeze3A = vector.extract %slice3A[0] : f32 from vector<1xf32>
      %slice3A_503 = vector.extract_strided_slice %get3A_494 {offsets = [0], sizes = [1], strides = [1]} : vector<16xf32> to vector<1xf32>
      %squeeze3A_504 = vector.extract %slice3A_503[0] : f32 from vector<1xf32>
      %slice3A_505 = vector.extract_strided_slice %get3A_496 {offsets = [0], sizes = [1], strides = [1]} : vector<16xf32> to vector<1xf32>
      %squeeze3A_506 = vector.extract %slice3A_505[0] : f32 from vector<1xf32>
      %slice3A_507 = vector.extract_strided_slice %get3A_498 {offsets = [0], sizes = [1], strides = [1]} : vector<16xf32> to vector<1xf32>
      %squeeze3A_508 = vector.extract %slice3A_507[0] : f32 from vector<1xf32>
      %slice3A_509 = vector.extract_strided_slice %get3A_500 {offsets = [0], sizes = [1], strides = [1]} : vector<16xi32> to vector<1xi32>
      %squeeze3A_510 = vector.extract %slice3A_509[0] : i32 from vector<1xi32>
      %slice3A_511 = vector.extract_strided_slice %get3A_502 {offsets = [0], sizes = [1], strides = [1]} : vector<16xi32> to vector<1xi32>
      %squeeze3A_512 = vector.extract %slice3A_511[0] : i32 from vector<1xi32>
      %get3A_513 = arith.index_cast %squeeze3A_510 : i32 to index
      %get3A_514 = arith.constant 0 : index
      %get3A_515 = tpu.vector_load %arg7[%get3A_513, %get3A_514] {strides = array<i32>} : memref<65x64xf32, #tpu.memory_space<vmem>>, vector<16xf32>,
      %add3A_516 = arith.addf %scan3A_489#0, %get3A_515 : vector<16xf32>
      %mul3A_517 = vector.broadcast %squeeze3A : f32 to vector<16xf32>
      %mul3A_518 = arith.mulf %get3A_515, %mul3A_517 : vector<16xf32>
      %add3A_519 = arith.addf %scan3A_489#24, %mul3A_518 : vector<16xf32>
      %sub3A = arith.constant 1.000000e+00 : f32
      %sub3A_520 = vector.broadcast %sub3A : f32 to vector<16xf32>
      %sub3A_521 = arith.subf %add3A_516, %sub3A_520 : vector<16xf32>
      %mul3A_522 = vector.broadcast %squeeze3A : f32 to vector<16xf32>
      %mul3A_523 = arith.mulf %mul3A_522, %sub3A_521 : vector<16xf32>
      %ge3A = arith.cmpf oge, %add3A_519, %mul3A_523 : vector<16xf32>
      %mul3A_524 = vector.broadcast %squeeze3A_506 : f32 to vector<16xf32>
      %mul3A_525 = arith.mulf %mul3A_524, %sub3A_521 : vector<16xf32>
      %le3A_526 = arith.cmpf ole, %add3A_519, %mul3A_525 : vector<16xf32>
      %and3A = arith.andi %ge3A, %le3A_526 : vector<16xi1>
      %mul3A_527 = arith.mulf %add3A_519, %scan3A_489#16 : vector<16xf32>
      %mul3A_528 = arith.mulf %scan3A_489#8, %sub3A_521 : vector<16xf32>
      %lt3A = arith.cmpf olt, %mul3A_527, %mul3A_528 : vector<16xf32>
      %and3A_529 = arith.andi %and3A, %lt3A : vector<16xi1>
      %select_n3A_530 = arith.select %and3A_529, %add3A_519, %scan3A_489#8 : vector<16xi1>, vector<16xf32>
      %select_n3A_531 = arith.select %and3A_529, %sub3A_521, %scan3A_489#16 : vector<16xi1>, vector<16xf32>
      %get3A_532 = arith.index_cast %squeeze3A_510 : i32 to index
      %get3A_533 = arith.constant 16 : index
      %get3A_534 = tpu.vector_load %arg7[%get3A_532, %get3A_533] {strides = array<i32>} : memref<65x64xf32, #tpu.memory_space<vmem>>, vector<16xf32>,
      %add3A_535 = arith.addf %scan3A_489#1, %get3A_534 : vector<16xf32>
      %mul3A_536 = vector.broadcast %squeeze3A : f32 to vector<16xf32>
      %mul3A_537 = arith.mulf %get3A_534, %mul3A_536 : vector<16xf32>
      %add3A_538 = arith.addf %scan3A_489#25, %mul3A_537 : vector<16xf32>
      %sub3A_539 = arith.constant 1.000000e+00 : f32
      %sub3A_540 = vector.broadcast %sub3A_539 : f32 to vector<16xf32>
      %sub3A_541 = arith.subf %add3A_535, %sub3A_540 : vector<16xf32>
      %mul3A_542 = vector.broadcast %squeeze3A : f32 to vector<16xf32>
      %mul3A_543 = arith.mulf %mul3A_542, %sub3A_541 : vector<16xf32>
      %ge3A_544 = arith.cmpf oge, %add3A_538, %mul3A_543 : vector<16xf32>
      %mul3A_545 = vector.broadcast %squeeze3A_506 : f32 to vector<16xf32>
      %mul3A_546 = arith.mulf %mul3A_545, %sub3A_541 : vector<16xf32>
      %le3A_547 = arith.cmpf ole, %add3A_538, %mul3A_546 : vector<16xf32>
      %and3A_548 = arith.andi %ge3A_544, %le3A_547 : vector<16xi1>
      %mul3A_549 = arith.mulf %add3A_538, %scan3A_489#17 : vector<16xf32>
      %mul3A_550 = arith.mulf %scan3A_489#9, %sub3A_541 : vector<16xf32>
      %lt3A_551 = arith.cmpf olt, %mul3A_549, %mul3A_550 : vector<16xf32>
      %and3A_552 = arith.andi %and3A_548, %lt3A_551 : vector<16xi1>
      %select_n3A_553 = arith.select %and3A_552, %add3A_538, %scan3A_489#9 : vector<16xi1>, vector<16xf32>
      %select_n3A_554 = arith.select %and3A_552, %sub3A_541, %scan3A_489#17 : vector<16xi1>, vector<16xf32>
      %get3A_555 = arith.index_cast %squeeze3A_510 : i32 to index
      %get3A_556 = arith.constant 32 : index
      %get3A_557 = tpu.vector_load %arg7[%get3A_555, %get3A_556] {strides = array<i32>} : memref<65x64xf32, #tpu.memory_space<vmem>>, vector<16xf32>,
      %add3A_558 = arith.addf %scan3A_489#2, %get3A_557 : vector<16xf32>
      %mul3A_559 = vector.broadcast %squeeze3A : f32 to vector<16xf32>
      %mul3A_560 = arith.mulf %get3A_557, %mul3A_559 : vector<16xf32>
      %add3A_561 = arith.addf %scan3A_489#26, %mul3A_560 : vector<16xf32>
      %sub3A_562 = arith.constant 1.000000e+00 : f32
      %sub3A_563 = vector.broadcast %sub3A_562 : f32 to vector<16xf32>
      %sub3A_564 = arith.subf %add3A_558, %sub3A_563 : vector<16xf32>
      %mul3A_565 = vector.broadcast %squeeze3A : f32 to vector<16xf32>
      %mul3A_566 = arith.mulf %mul3A_565, %sub3A_564 : vector<16xf32>
      %ge3A_567 = arith.cmpf oge, %add3A_561, %mul3A_566 : vector<16xf32>
      %mul3A_568 = vector.broadcast %squeeze3A_506 : f32 to vector<16xf32>
      %mul3A_569 = arith.mulf %mul3A_568, %sub3A_564 : vector<16xf32>
      %le3A_570 = arith.cmpf ole, %add3A_561, %mul3A_569 : vector<16xf32>
      %and3A_571 = arith.andi %ge3A_567, %le3A_570 : vector<16xi1>
      %mul3A_572 = arith.mulf %add3A_561, %scan3A_489#18 : vector<16xf32>
      %mul3A_573 = arith.mulf %scan3A_489#10, %sub3A_564 : vector<16xf32>
      %lt3A_574 = arith.cmpf olt, %mul3A_572, %mul3A_573 : vector<16xf32>
      %and3A_575 = arith.andi %and3A_571, %lt3A_574 : vector<16xi1>
      %select_n3A_576 = arith.select %and3A_575, %add3A_561, %scan3A_489#10 : vector<16xi1>, vector<16xf32>
      %select_n3A_577 = arith.select %and3A_575, %sub3A_564, %scan3A_489#18 : vector<16xi1>, vector<16xf32>
      %get3A_578 = arith.index_cast %squeeze3A_510 : i32 to index
      %get3A_579 = arith.constant 48 : index
      %get3A_580 = tpu.vector_load %arg7[%get3A_578, %get3A_579] {strides = array<i32>} : memref<65x64xf32, #tpu.memory_space<vmem>>, vector<16xf32>,
      %add3A_581 = arith.addf %scan3A_489#3, %get3A_580 : vector<16xf32>
      %mul3A_582 = vector.broadcast %squeeze3A : f32 to vector<16xf32>
      %mul3A_583 = arith.mulf %get3A_580, %mul3A_582 : vector<16xf32>
      %add3A_584 = arith.addf %scan3A_489#27, %mul3A_583 : vector<16xf32>
      %sub3A_585 = arith.constant 1.000000e+00 : f32
      %sub3A_586 = vector.broadcast %sub3A_585 : f32 to vector<16xf32>
      %sub3A_587 = arith.subf %add3A_581, %sub3A_586 : vector<16xf32>
      %mul3A_588 = vector.broadcast %squeeze3A : f32 to vector<16xf32>
      %mul3A_589 = arith.mulf %mul3A_588, %sub3A_587 : vector<16xf32>
      %ge3A_590 = arith.cmpf oge, %add3A_584, %mul3A_589 : vector<16xf32>
      %mul3A_591 = vector.broadcast %squeeze3A_506 : f32 to vector<16xf32>
      %mul3A_592 = arith.mulf %mul3A_591, %sub3A_587 : vector<16xf32>
      %le3A_593 = arith.cmpf ole, %add3A_584, %mul3A_592 : vector<16xf32>
      %and3A_594 = arith.andi %ge3A_590, %le3A_593 : vector<16xi1>
      %mul3A_595 = arith.mulf %add3A_584, %scan3A_489#19 : vector<16xf32>
      %mul3A_596 = arith.mulf %scan3A_489#11, %sub3A_587 : vector<16xf32>
      %lt3A_597 = arith.cmpf olt, %mul3A_595, %mul3A_596 : vector<16xf32>
      %and3A_598 = arith.andi %and3A_594, %lt3A_597 : vector<16xi1>
      %select_n3A_599 = arith.select %and3A_598, %add3A_584, %scan3A_489#11 : vector<16xi1>, vector<16xf32>
      %select_n3A_600 = arith.select %and3A_598, %sub3A_587, %scan3A_489#19 : vector<16xi1>, vector<16xf32>
      %get3A_601 = arith.index_cast %squeeze3A_512 : i32 to index
      %get3A_602 = arith.constant 0 : index
      %get3A_603 = tpu.vector_load %arg7[%get3A_601, %get3A_602] {strides = array<i32>} : memref<65x64xf32, #tpu.memory_space<vmem>>, vector<16xf32>,
      %add3A_604 = arith.addf %scan3A_489#4, %get3A_603 : vector<16xf32>
      %mul3A_605 = vector.broadcast %squeeze3A_504 : f32 to vector<16xf32>
      %mul3A_606 = arith.mulf %get3A_603, %mul3A_605 : vector<16xf32>
      %add3A_607 = arith.addf %scan3A_489#28, %mul3A_606 : vector<16xf32>
      %sub3A_608 = arith.constant 1.000000e+00 : f32
      %sub3A_609 = vector.broadcast %sub3A_608 : f32 to vector<16xf32>
      %sub3A_610 = arith.subf %add3A_604, %sub3A_609 : vector<16xf32>
      %mul3A_611 = vector.broadcast %squeeze3A_504 : f32 to vector<16xf32>
      %mul3A_612 = arith.mulf %mul3A_611, %sub3A_610 : vector<16xf32>
      %ge3A_613 = arith.cmpf oge, %add3A_607, %mul3A_612 : vector<16xf32>
      %mul3A_614 = vector.broadcast %squeeze3A_508 : f32 to vector<16xf32>
      %mul3A_615 = arith.mulf %mul3A_614, %sub3A_610 : vector<16xf32>
      %le3A_616 = arith.cmpf ole, %add3A_607, %mul3A_615 : vector<16xf32>
      %and3A_617 = arith.andi %ge3A_613, %le3A_616 : vector<16xi1>
      %mul3A_618 = arith.mulf %add3A_607, %scan3A_489#20 : vector<16xf32>
      %mul3A_619 = arith.mulf %scan3A_489#12, %sub3A_610 : vector<16xf32>
      %lt3A_620 = arith.cmpf olt, %mul3A_618, %mul3A_619 : vector<16xf32>
      %and3A_621 = arith.andi %and3A_617, %lt3A_620 : vector<16xi1>
      %select_n3A_622 = arith.select %and3A_621, %add3A_607, %scan3A_489#12 : vector<16xi1>, vector<16xf32>
      %select_n3A_623 = arith.select %and3A_621, %sub3A_610, %scan3A_489#20 : vector<16xi1>, vector<16xf32>
      %get3A_624 = arith.index_cast %squeeze3A_512 : i32 to index
      %get3A_625 = arith.constant 16 : index
      %get3A_626 = tpu.vector_load %arg7[%get3A_624, %get3A_625] {strides = array<i32>} : memref<65x64xf32, #tpu.memory_space<vmem>>, vector<16xf32>,
      %add3A_627 = arith.addf %scan3A_489#5, %get3A_626 : vector<16xf32>
      %mul3A_628 = vector.broadcast %squeeze3A_504 : f32 to vector<16xf32>
      %mul3A_629 = arith.mulf %get3A_626, %mul3A_628 : vector<16xf32>
      %add3A_630 = arith.addf %scan3A_489#29, %mul3A_629 : vector<16xf32>
      %sub3A_631 = arith.constant 1.000000e+00 : f32
      %sub3A_632 = vector.broadcast %sub3A_631 : f32 to vector<16xf32>
      %sub3A_633 = arith.subf %add3A_627, %sub3A_632 : vector<16xf32>
      %mul3A_634 = vector.broadcast %squeeze3A_504 : f32 to vector<16xf32>
      %mul3A_635 = arith.mulf %mul3A_634, %sub3A_633 : vector<16xf32>
      %ge3A_636 = arith.cmpf oge, %add3A_630, %mul3A_635 : vector<16xf32>
      %mul3A_637 = vector.broadcast %squeeze3A_508 : f32 to vector<16xf32>
      %mul3A_638 = arith.mulf %mul3A_637, %sub3A_633 : vector<16xf32>
      %le3A_639 = arith.cmpf ole, %add3A_630, %mul3A_638 : vector<16xf32>
      %and3A_640 = arith.andi %ge3A_636, %le3A_639 : vector<16xi1>
      %mul3A_641 = arith.mulf %add3A_630, %scan3A_489#21 : vector<16xf32>
      %mul3A_642 = arith.mulf %scan3A_489#13, %sub3A_633 : vector<16xf32>
      %lt3A_643 = arith.cmpf olt, %mul3A_641, %mul3A_642 : vector<16xf32>
      %and3A_644 = arith.andi %and3A_640, %lt3A_643 : vector<16xi1>
      %select_n3A_645 = arith.select %and3A_644, %add3A_630, %scan3A_489#13 : vector<16xi1>, vector<16xf32>
      %select_n3A_646 = arith.select %and3A_644, %sub3A_633, %scan3A_489#21 : vector<16xi1>, vector<16xf32>
      %get3A_647 = arith.index_cast %squeeze3A_512 : i32 to index
      %get3A_648 = arith.constant 32 : index
      %get3A_649 = tpu.vector_load %arg7[%get3A_647, %get3A_648] {strides = array<i32>} : memref<65x64xf32, #tpu.memory_space<vmem>>, vector<16xf32>,
      %add3A_650 = arith.addf %scan3A_489#6, %get3A_649 : vector<16xf32>
      %mul3A_651 = vector.broadcast %squeeze3A_504 : f32 to vector<16xf32>
      %mul3A_652 = arith.mulf %get3A_649, %mul3A_651 : vector<16xf32>
      %add3A_653 = arith.addf %scan3A_489#30, %mul3A_652 : vector<16xf32>
      %sub3A_654 = arith.constant 1.000000e+00 : f32
      %sub3A_655 = vector.broadcast %sub3A_654 : f32 to vector<16xf32>
      %sub3A_656 = arith.subf %add3A_650, %sub3A_655 : vector<16xf32>
      %mul3A_657 = vector.broadcast %squeeze3A_504 : f32 to vector<16xf32>
      %mul3A_658 = arith.mulf %mul3A_657, %sub3A_656 : vector<16xf32>
      %ge3A_659 = arith.cmpf oge, %add3A_653, %mul3A_658 : vector<16xf32>
      %mul3A_660 = vector.broadcast %squeeze3A_508 : f32 to vector<16xf32>
      %mul3A_661 = arith.mulf %mul3A_660, %sub3A_656 : vector<16xf32>
      %le3A_662 = arith.cmpf ole, %add3A_653, %mul3A_661 : vector<16xf32>
      %and3A_663 = arith.andi %ge3A_659, %le3A_662 : vector<16xi1>
      %mul3A_664 = arith.mulf %add3A_653, %scan3A_489#22 : vector<16xf32>
      %mul3A_665 = arith.mulf %scan3A_489#14, %sub3A_656 : vector<16xf32>
      %lt3A_666 = arith.cmpf olt, %mul3A_664, %mul3A_665 : vector<16xf32>
      %and3A_667 = arith.andi %and3A_663, %lt3A_666 : vector<16xi1>
      %select_n3A_668 = arith.select %and3A_667, %add3A_653, %scan3A_489#14 : vector<16xi1>, vector<16xf32>
      %select_n3A_669 = arith.select %and3A_667, %sub3A_656, %scan3A_489#22 : vector<16xi1>, vector<16xf32>
      %get3A_670 = arith.index_cast %squeeze3A_512 : i32 to index
      %get3A_671 = arith.constant 48 : index
      %get3A_672 = tpu.vector_load %arg7[%get3A_670, %get3A_671] {strides = array<i32>} : memref<65x64xf32, #tpu.memory_space<vmem>>, vector<16xf32>,
      %add3A_673 = arith.addf %scan3A_489#7, %get3A_672 : vector<16xf32>
      %mul3A_674 = vector.broadcast %squeeze3A_504 : f32 to vector<16xf32>
      %mul3A_675 = arith.mulf %get3A_672, %mul3A_674 : vector<16xf32>
      %add3A_676 = arith.addf %scan3A_489#31, %mul3A_675 : vector<16xf32>
      %sub3A_677 = arith.constant 1.000000e+00 : f32
      %sub3A_678 = vector.broadcast %sub3A_677 : f32 to vector<16xf32>
      %sub3A_679 = arith.subf %add3A_673, %sub3A_678 : vector<16xf32>
      %mul3A_680 = vector.broadcast %squeeze3A_504 : f32 to vector<16xf32>
      %mul3A_681 = arith.mulf %mul3A_680, %sub3A_679 : vector<16xf32>
      %ge3A_682 = arith.cmpf oge, %add3A_676, %mul3A_681 : vector<16xf32>
      %mul3A_683 = vector.broadcast %squeeze3A_508 : f32 to vector<16xf32>
      %mul3A_684 = arith.mulf %mul3A_683, %sub3A_679 : vector<16xf32>
      %le3A_685 = arith.cmpf ole, %add3A_676, %mul3A_684 : vector<16xf32>
      %and3A_686 = arith.andi %ge3A_682, %le3A_685 : vector<16xi1>
      %mul3A_687 = arith.mulf %add3A_676, %scan3A_489#23 : vector<16xf32>
      %mul3A_688 = arith.mulf %scan3A_489#15, %sub3A_679 : vector<16xf32>
      %lt3A_689 = arith.cmpf olt, %mul3A_687, %mul3A_688 : vector<16xf32>
      %and3A_690 = arith.andi %and3A_686, %lt3A_689 : vector<16xi1>
      %select_n3A_691 = arith.select %and3A_690, %add3A_676, %scan3A_489#15 : vector<16xi1>, vector<16xf32>
      %select_n3A_692 = arith.select %and3A_690, %sub3A_679, %scan3A_489#23 : vector<16xi1>, vector<16xf32>
      %div3A = arith.divf %select_n3A_530, %select_n3A_531 : vector<16xf32>
      %mul3A_693 = arith.constant 2 : i32
      %mul3A_694 = arith.muli %mul3A_693, %scan3A_49 : i32
      %add3A_695 = arith.constant 0 : i32
      %add3A_696 = arith.addi %mul3A_694, %add3A_695 : i32
      %swap3A_697 = arith.index_cast %add3A_696 : i32 to index
      %swap3A_698 = arith.constant 0 : index
      %swap3A_699 = tpu.vector_load %arg11[%swap3A_697, %swap3A_698] {strides = array<i32>} : memref<96x64xf32, #tpu.memory_space<vmem>>, vector<16xf32>,
      tpu.vector_store %arg11[%swap3A_697, %swap3A_698], %div3A {strides = array<i32>} : memref<96x64xf32, #tpu.memory_space<vmem>>, vector<16xf32>,
      %div3A_700 = arith.divf %select_n3A_553, %select_n3A_554 : vector<16xf32>
      %mul3A_701 = arith.constant 2 : i32
      %mul3A_702 = arith.muli %mul3A_701, %scan3A_49 : i32
      %add3A_703 = arith.constant 0 : i32
      %add3A_704 = arith.addi %mul3A_702, %add3A_703 : i32
      %swap3A_705 = arith.index_cast %add3A_704 : i32 to index
      %swap3A_706 = arith.constant 16 : index
      %swap3A_707 = tpu.vector_load %arg11[%swap3A_705, %swap3A_706] {strides = array<i32>} : memref<96x64xf32, #tpu.memory_space<vmem>>, vector<16xf32>,
      tpu.vector_store %arg11[%swap3A_705, %swap3A_706], %div3A_700 {strides = array<i32>} : memref<96x64xf32, #tpu.memory_space<vmem>>, vector<16xf32>,
      %div3A_708 = arith.divf %select_n3A_576, %select_n3A_577 : vector<16xf32>
      %mul3A_709 = arith.constant 2 : i32
      %mul3A_710 = arith.muli %mul3A_709, %scan3A_49 : i32
      %add3A_711 = arith.constant 0 : i32
      %add3A_712 = arith.addi %mul3A_710, %add3A_711 : i32
      %swap3A_713 = arith.index_cast %add3A_712 : i32 to index
      %swap3A_714 = arith.constant 32 : index
      %swap3A_715 = tpu.vector_load %arg11[%swap3A_713, %swap3A_714] {strides = array<i32>} : memref<96x64xf32, #tpu.memory_space<vmem>>, vector<16xf32>,
      tpu.vector_store %arg11[%swap3A_713, %swap3A_714], %div3A_708 {strides = array<i32>} : memref<96x64xf32, #tpu.memory_space<vmem>>, vector<16xf32>,
      %div3A_716 = arith.divf %select_n3A_599, %select_n3A_600 : vector<16xf32>
      %mul3A_717 = arith.constant 2 : i32
      %mul3A_718 = arith.muli %mul3A_717, %scan3A_49 : i32
      %add3A_719 = arith.constant 0 : i32
      %add3A_720 = arith.addi %mul3A_718, %add3A_719 : i32
      %swap3A_721 = arith.index_cast %add3A_720 : i32 to index
      %swap3A_722 = arith.constant 48 : index
      %swap3A_723 = tpu.vector_load %arg11[%swap3A_721, %swap3A_722] {strides = array<i32>} : memref<96x64xf32, #tpu.memory_space<vmem>>, vector<16xf32>,
      tpu.vector_store %arg11[%swap3A_721, %swap3A_722], %div3A_716 {strides = array<i32>} : memref<96x64xf32, #tpu.memory_space<vmem>>, vector<16xf32>,
      %div3A_724 = arith.divf %select_n3A_622, %select_n3A_623 : vector<16xf32>
      %mul3A_725 = arith.constant 2 : i32
      %mul3A_726 = arith.muli %mul3A_725, %scan3A_49 : i32
      %add3A_727 = arith.constant 1 : i32
      %add3A_728 = arith.addi %mul3A_726, %add3A_727 : i32
      %swap3A_729 = arith.index_cast %add3A_728 : i32 to index
      %swap3A_730 = arith.constant 0 : index
      %swap3A_731 = tpu.vector_load %arg11[%swap3A_729, %swap3A_730] {strides = array<i32>} : memref<96x64xf32, #tpu.memory_space<vmem>>, vector<16xf32>,
      tpu.vector_store %arg11[%swap3A_729, %swap3A_730], %div3A_724 {strides = array<i32>} : memref<96x64xf32, #tpu.memory_space<vmem>>, vector<16xf32>,
      %div3A_732 = arith.divf %select_n3A_645, %select_n3A_646 : vector<16xf32>
      %mul3A_733 = arith.constant 2 : i32
      %mul3A_734 = arith.muli %mul3A_733, %scan3A_49 : i32
      %add3A_735 = arith.constant 1 : i32
      %add3A_736 = arith.addi %mul3A_734, %add3A_735 : i32
      %swap3A_737 = arith.index_cast %add3A_736 : i32 to index
      %swap3A_738 = arith.constant 16 : index
      %swap3A_739 = tpu.vector_load %arg11[%swap3A_737, %swap3A_738] {strides = array<i32>} : memref<96x64xf32, #tpu.memory_space<vmem>>, vector<16xf32>,
      tpu.vector_store %arg11[%swap3A_737, %swap3A_738], %div3A_732 {strides = array<i32>} : memref<96x64xf32, #tpu.memory_space<vmem>>, vector<16xf32>,
      %div3A_740 = arith.divf %select_n3A_668, %select_n3A_669 : vector<16xf32>
      %mul3A_741 = arith.constant 2 : i32
      %mul3A_742 = arith.muli %mul3A_741, %scan3A_49 : i32
      %add3A_743 = arith.constant 1 : i32
      %add3A_744 = arith.addi %mul3A_742, %add3A_743 : i32
      %swap3A_745 = arith.index_cast %add3A_744 : i32 to index
      %swap3A_746 = arith.constant 32 : index
      %swap3A_747 = tpu.vector_load %arg11[%swap3A_745, %swap3A_746] {strides = array<i32>} : memref<96x64xf32, #tpu.memory_space<vmem>>, vector<16xf32>,
      tpu.vector_store %arg11[%swap3A_745, %swap3A_746], %div3A_740 {strides = array<i32>} : memref<96x64xf32, #tpu.memory_space<vmem>>, vector<16xf32>,
      %div3A_748 = arith.divf %select_n3A_691, %select_n3A_692 : vector<16xf32>
      %mul3A_749 = arith.constant 2 : i32
      %mul3A_750 = arith.muli %mul3A_749, %scan3A_49 : i32
      %add3A_751 = arith.constant 1 : i32
      %add3A_752 = arith.addi %mul3A_750, %add3A_751 : i32
      %swap3A_753 = arith.index_cast %add3A_752 : i32 to index
      %swap3A_754 = arith.constant 48 : index
      %swap3A_755 = tpu.vector_load %arg11[%swap3A_753, %swap3A_754] {strides = array<i32>} : memref<96x64xf32, #tpu.memory_space<vmem>>, vector<16xf32>,
      tpu.vector_store %arg11[%swap3A_753, %swap3A_754], %div3A_748 {strides = array<i32>} : memref<96x64xf32, #tpu.memory_space<vmem>>, vector<16xf32>,
      %scan3A_756 = arith.constant 0 : i32
      scf.yield %scan3A_756 : i32
    }
    %scan3A_48 = arith.constant 48 : i32
    "tpu.region"() ({
      %run_scoped3A = tpu.sem_alloc : memref<!tpu.dma_semaphore, #tpu.memory_space<semaphore_mem>>
      %dma_start3A = arith.constant 0 : i32
      %dma_start3A_49 = tpu.memref_slice %arg5[%mul3A_2, %dma_start3A] : memref<3072x64xf32, #tpu.memory_space<hbm>> -> memref<96x64xf32, #tpu.memory_space<hbm>>
      %dma_start3A_50 = arith.constant 0 : i32
      %dma_start3A_51 = tpu.memref_slice %arg5[%mul3A_2, %dma_start3A_50] : memref<3072x64xf32, #tpu.memory_space<hbm>> -> memref<96x64xf32, #tpu.memory_space<hbm>>
      tpu.enqueue_dma source(%arg11 : memref<96x64xf32, #tpu.memory_space<vmem>>) target(%dma_start3A_51 : memref<96x64xf32, #tpu.memory_space<hbm>>) target_semaphore(%run_scoped3A : memref<!tpu.dma_semaphore, #tpu.memory_space<semaphore_mem>>)
      %dma_wait3A = arith.constant 0 : i32
      %dma_wait3A_52 = tpu.memref_slice %arg5[%mul3A_2, %dma_wait3A] : memref<3072x64xf32, #tpu.memory_space<hbm>> -> memref<96x64xf32, #tpu.memory_space<hbm>>
      %dma_wait3A_53 = arith.constant 0 : i32
      %dma_wait3A_54 = tpu.memref_slice %arg5[%mul3A_2, %dma_wait3A_53] : memref<3072x64xf32, #tpu.memory_space<hbm>> -> memref<96x64xf32, #tpu.memory_space<hbm>>
      tpu.wait_dma2 semaphore(%run_scoped3A : memref<!tpu.dma_semaphore, #tpu.memory_space<semaphore_mem>>) src(%arg11 : memref<96x64xf32, #tpu.memory_space<vmem>>) dst(%dma_wait3A_54 : memref<96x64xf32, #tpu.memory_space<hbm>>)
      tpu.yield
    }) : () -> ()
    return
  }
}

module attributes {stable_mosaic.version = 14 : i64} {
  func.func @_tc_body(%arg0: i32, %arg1: memref<512x64xf32, #tpu.memory_space<vmem>>, %arg2: memref<65x64xf32, #tpu.memory_space<vmem>>, %arg3: memref<1x64xf32, #tpu.memory_space<vmem>>, %arg4: memref<512x64xf32, #tpu.memory_space<vmem>>) attributes {dimension_semantics = [#tpu.dimension_semantics<arbitrary>], iteration_bounds = array<i64: 2>, scalar_prefetch = 0 : i64, scratch_operands = 0 : i64, tpu.core_type = #tpu.core_type<tc>, window_params = [{transform_indices = @transform_0, window_bounds = array<i64: 512, 64>}, {pipeline_mode = #tpu.pipeline_mode<synchronous>, transform_indices = @transform_1, window_bounds = array<i64: 65, 64>}, {pipeline_mode = #tpu.pipeline_mode<synchronous>, transform_indices = @transform_2, window_bounds = array<i64: 1, 64>}, {transform_indices = @transform_3, window_bounds = array<i64: 512, 64>}]} {
    %get3A = arith.constant 0 : index
    %get3A_0 = arith.constant 0 : index
    %get3A_1 = vector.load %arg1[%get3A, %get3A_0] : memref<512x64xf32, #tpu.memory_space<vmem>>, vector<512x64xf32>
    %get3A_2 = arith.constant 0 : index
    %get3A_3 = arith.constant 0 : index
    %get3A_4 = vector.load %arg3[%get3A_2, %get3A_3] : memref<1x64xf32, #tpu.memory_space<vmem>>, vector<1x64xf32>
    %max3A = arith.constant 0.000000e+00 : f32
    %max3A_5 = vector.broadcast %max3A : f32 to vector<1x64xf32>
    %max3A_6 = arith.maximumf %get3A_4, %max3A_5 : vector<1x64xf32>
    %exp3A = math.exp %max3A_6 : vector<1x64xf32>
    %mul3A = vector.broadcast %exp3A : vector<1x64xf32> to vector<512x64xf32>
    %mul3A_7 = arith.mulf %get3A_1, %mul3A : vector<512x64xf32>
    %broadcast_in_dim3A = arith.constant 1.000000e+00 : f32
    %broadcast_in_dim3A_8 = vector.broadcast %broadcast_in_dim3A : f32 to vector<512x1xf32>
    %concatenate3A = tpu.concatenate %mul3A_7, %broadcast_in_dim3A_8 in 1 : vector<512x64xf32>, vector<512x1xf32> -> vector<512x65xf32>
    %get3A_9 = arith.constant 0 : index
    %get3A_10 = arith.constant 0 : index
    %get3A_11 = vector.load %arg2[%get3A_9, %get3A_10] : memref<65x64xf32, #tpu.memory_space<vmem>>, vector<65x64xf32>
    %iota3A = tpu.iota {dimensions = array<i32: 1>} : vector<1x65xi32>
    %broadcast_in_dim3A_12 = arith.constant 1.000000e+05 : f32
    %broadcast_in_dim3A_13 = vector.broadcast %broadcast_in_dim3A_12 : f32 to vector<512x64xf32>
    %scan3A = arith.constant 0 : i32
    %scan3A_14 = arith.constant 65 : i32
    %scan3A_15 = arith.addi %scan3A, %scan3A_14 : i32
    %scan3A_16 = arith.constant 1 : i32
    %scan3A_17 = scf.for %scan3A_21 = %scan3A to %scan3A_15 step %scan3A_16 iter_args(%scan3A_22 = %broadcast_in_dim3A_13) -> (vector<512x64xf32>)  : i32 {
      %eq3A = vector.broadcast %scan3A_21 : i32 to vector<1x65xi32>
      %eq3A_23 = arith.cmpi eq, %iota3A, %eq3A : vector<1x65xi32>
      %jit3A = arith.constant 0xFF800000 : f32
      %broadcast_in_dim3A_24 = vector.shape_cast %eq3A_23 : vector<1x65xi1> to vector<1x65xi1>
      %broadcast_in_dim3A_25 = vector.broadcast %broadcast_in_dim3A_24 : vector<1x65xi1> to vector<512x65xi1>
      %broadcast_in_dim3A_26 = vector.broadcast %jit3A : f32 to vector<512x65xf32>
      %select_n3A = arith.select %broadcast_in_dim3A_25, %concatenate3A, %broadcast_in_dim3A_26 : vector<512x65xi1>, vector<512x65xf32>
      %reduce_max3A = arith.constant dense<0xFF800000> : vector<512xf32>
      %reduce_max3A_27 = vector.multi_reduction <maximumf>, %select_n3A, %reduce_max3A [1] : vector<512x65xf32> to vector<512xf32>
      %broadcast_in_dim3A_28 = vector.shape_cast %reduce_max3A_27 : vector<512xf32> to vector<512x1xf32>
      %lt3A = vector.broadcast %broadcast_in_dim3A_28 : vector<512x1xf32> to vector<512x65xf32>
      %lt3A_29 = arith.cmpf olt, %concatenate3A, %lt3A : vector<512x65xf32>
      %eq3A_30 = vector.broadcast %broadcast_in_dim3A_28 : vector<512x1xf32> to vector<512x65xf32>
      %eq3A_31 = arith.cmpf oeq, %concatenate3A, %eq3A_30 : vector<512x65xf32>
      %le3A = vector.broadcast %scan3A_21 : i32 to vector<1x65xi32>
      %le3A_32 = arith.cmpi sle, %iota3A, %le3A : vector<1x65xi32>
      %and3A = vector.broadcast %le3A_32 : vector<1x65xi1> to vector<512x65xi1>
      %and3A_33 = arith.andi %eq3A_31, %and3A : vector<512x65xi1>
      %or3A = arith.ori %lt3A_29, %and3A_33 : vector<512x65xi1>
      %convert_element_type3A = arith.extui %or3A : vector<512x65xi1> to vector<512x65xi32>
      %convert_element_type3A_34 = arith.sitofp %convert_element_type3A : vector<512x65xi32> to vector<512x65xf32>
      %dot_general3A = arith.constant dense<0.000000e+00> : vector<512x64xf32>
      %dot_general3A_35 = tpu.matmul %convert_element_type3A_34, %get3A_11, %dot_general3A {dimension_numbers = #tpu.dot_dimension_numbers<[1], [0], [0], [1], [0, 0, 1, 1], [], []>, precision = #tpu.contract_precision<fp32>, transpose_lhs_hint = false} : vector<512x65xf32>, vector<65x64xf32>, vector<512x64xf32> -> vector<512x64xf32>
      %mul3A_36 = arith.mulf %convert_element_type3A_34, %concatenate3A : vector<512x65xf32>
      %dot_general3A_37 = arith.constant dense<0.000000e+00> : vector<512x64xf32>
      %dot_general3A_38 = tpu.matmul %mul3A_36, %get3A_11, %dot_general3A_37 {dimension_numbers = #tpu.dot_dimension_numbers<[1], [0], [0], [1], [0, 0, 1, 1], [], []>, precision = #tpu.contract_precision<fp32>, transpose_lhs_hint = false} : vector<512x65xf32>, vector<65x64xf32>, vector<512x64xf32> -> vector<512x64xf32>
      %jit3A_39 = arith.constant 1.000000e+05 : f32
      %broadcast_in_dim3A_40 = vector.broadcast %jit3A_39 : f32 to vector<512x65xf32>
      %select_n3A_41 = arith.select %or3A, %broadcast_in_dim3A_40, %concatenate3A : vector<512x65xi1>, vector<512x65xf32>
      %reduce_min3A = arith.constant dense<0x7F800000> : vector<512xf32>
      %reduce_min3A_42 = vector.multi_reduction <minimumf>, %select_n3A_41, %reduce_min3A [1] : vector<512x65xf32> to vector<512xf32>
      %broadcast_in_dim3A_43 = vector.shape_cast %reduce_min3A_42 : vector<512xf32> to vector<512x1xf32>
      %sub3A = arith.constant 1.000000e+00 : f32
      %sub3A_44 = vector.broadcast %sub3A : f32 to vector<512x64xf32>
      %sub3A_45 = arith.subf %dot_general3A_35, %sub3A_44 : vector<512x64xf32>
      %max3A_46 = arith.constant 1.000000e-10 : f32
      %max3A_47 = vector.broadcast %max3A_46 : f32 to vector<512x64xf32>
      %max3A_48 = arith.maximumf %sub3A_45, %max3A_47 : vector<512x64xf32>
      %div3A = arith.divf %dot_general3A_38, %max3A_48 : vector<512x64xf32>
      %lt3A_49 = arith.constant 1.000000e+00 : f32
      %lt3A_50 = vector.broadcast %lt3A_49 : f32 to vector<512x64xf32>
      %lt3A_51 = arith.cmpf olt, %dot_general3A_35, %lt3A_50 : vector<512x64xf32>
      %jit3A_52 = arith.constant 1.000000e+05 : f32
      %broadcast_in_dim3A_53 = vector.broadcast %jit3A_52 : f32 to vector<512x64xf32>
      %select_n3A_54 = arith.select %lt3A_51, %broadcast_in_dim3A_53, %div3A : vector<512x64xi1>, vector<512x64xf32>
      %lt3A_55 = vector.broadcast %broadcast_in_dim3A_28 : vector<512x1xf32> to vector<512x64xf32>
      %lt3A_56 = arith.cmpf olt, %select_n3A_54, %lt3A_55 : vector<512x64xf32>
      %jit3A_57 = arith.constant 1.000000e+05 : f32
      %broadcast_in_dim3A_58 = vector.broadcast %jit3A_57 : f32 to vector<512x64xf32>
      %select_n3A_59 = arith.select %lt3A_56, %broadcast_in_dim3A_58, %select_n3A_54 : vector<512x64xi1>, vector<512x64xf32>
      %gt3A = vector.broadcast %broadcast_in_dim3A_43 : vector<512x1xf32> to vector<512x64xf32>
      %gt3A_60 = arith.cmpf ogt, %select_n3A_59, %gt3A : vector<512x64xf32>
      %jit3A_61 = arith.constant 1.000000e+05 : f32
      %broadcast_in_dim3A_62 = vector.broadcast %jit3A_61 : f32 to vector<512x64xf32>
      %select_n3A_63 = arith.select %gt3A_60, %broadcast_in_dim3A_62, %select_n3A_59 : vector<512x64xi1>, vector<512x64xf32>
      %min3A = arith.minimumf %scan3A_22, %select_n3A_63 : vector<512x64xf32>
      scf.yield %min3A : vector<512x64xf32>
    }
    %scan3A_18 = arith.constant 65 : i32
    %swap3A = arith.constant 0 : index
    %swap3A_19 = arith.constant 0 : index
    %swap3A_20 = vector.load %arg4[%swap3A, %swap3A_19] : memref<512x64xf32, #tpu.memory_space<vmem>>, vector<512x64xf32>
    tpu.vector_store %arg4[%swap3A, %swap3A_19], %scan3A_17 {strides = array<i32>} : memref<512x64xf32, #tpu.memory_space<vmem>>, vector<512x64xf32>,
    return
  }
  func.func @transform_0(%arg0: i32) -> (i32, i32) {
    %c0_i32 = arith.constant 0 : i32
    %c0_i32_0 = arith.constant 0 : i32
    return %arg0, %c0_i32 : i32, i32
  }
  func.func @transform_1(%arg0: i32) -> (i32, i32) {
    %c0_i32 = arith.constant 0 : i32
    %c0_i32_0 = arith.constant 0 : i32
    %c0_i32_1 = arith.constant 0 : i32
    return %c0_i32, %c0_i32_0 : i32, i32
  }
  func.func @transform_2(%arg0: i32) -> (i32, i32) {
    %c0_i32 = arith.constant 0 : i32
    %c0_i32_0 = arith.constant 0 : i32
    %c0_i32_1 = arith.constant 0 : i32
    return %c0_i32, %c0_i32_0 : i32, i32
  }
  func.func @transform_3(%arg0: i32) -> (i32, i32) {
    %c0_i32 = arith.constant 0 : i32
    %c0_i32_0 = arith.constant 0 : i32
    return %arg0, %c0_i32 : i32, i32
  }
}

</mosaic_0001>

<sc_bundles>
// kernel: kernel.4.cloned.1.call-start
scs
__scs_entry_jumppad:
0x0: {  	(pc) =	sbr.rel $0x88, $3  }
0x1: {  	(tag) =	ssettag $0x0;
	lr =	simm.s32 $0x1  }
0x2: {  	[smem:$0x3F9E] =	sst lr;
	_ =	strace $0xD0000000  }
0x3: {  	_ = 	snop  }
0x4: {  	_ = 	snop  }
0x5: {  	_ = 	snop  }
0x6: {  	_ = 	snop  }
0x7: {  	_ = 	snop  }
__scs_overlays_trampoline_lowered:
0x8: {  	[smem:$0x3FAD] =	sst s0  }
0x9: {  	[smem:$0x3FAE] =	sst s1  }
0xa: {  	[smem:$0x3FAF] =	sst s2  }
0xb: {  	[smem:$0x3FB0] =	sst s3  }
0xc: {  	[smem:$0x3FB1] =	sst s4  }
0xd: {  	[smem:$0x3FB2] =	sst s5  }
0xe: {  	[smem:$0x3FB3] =	sst s6  }
0xf: {  	[smem:$0x3FB4] =	sst s7  }
0x10: {  	[smem:$0x3FB5] =	sst s8  }
0x11: {  	[smem:$0x3FB6] =	sst s9;
	s0 =	simm.s32 @!p0 $0x0  }
0x12: {  	s1 =	sld [smem:$0x3F9C];
	s0 =	simm.s32 @p0 $0x1  }
0x13: {  	[smem:$0x3FB7] =	sst s0;
	s0 =	simm.s32 @!p1 $0x0  }
0x14: {  	s2 =	sld [smem:$0x3F9B];
	s0 =	simm.s32 @p1 $0x1  }
0x15: {  	[smem:$0x3FB8] =	sst s0;
	s0 =	simm.s32 @!p2 $0x0  }
0x16: {  	s3 =	sld [smem:$0x3FDB];
	s0 =	simm.s32 @p2 $0x1  }
0x17: {  	s4 =	simm.s32 $0x1BF5;
	[smem:$0x3FBA] =	sst s0  }
0x18: {  	s0 =	sld [smem:$0x3F9D];
	_ =	swait.ge [sflag:s4], $0x0  }
0x19: {  	s7 =	sld [smem:$0x3F9E]  }
0x1a: {  	s8 =	sadd.s32 $0xFFFFE003, lr  }
0x1b: {  	s9 =	sadd.s32 $0xFFFFFEF7, lr;
	s5 =	simm.s32 $0xFFFFFFFF;
	p2 =	slt.u32 s8, $0xFFFFF086  }
0x1c: {  	p1 =	slt.u32 s9, $0xF7A;
	s5 =	simm.s32 @!p2 $0x0  }
0x1d: {  	s5 =	simm.s32 @p1 $0x1;
	p0 =	seq.s32 s7, s2  }
0x1e: {  	s7 =	smul.u32 @!p0 $0xF7A, s2;
	p2 =	seq.s32 @!p0 s5, $0x0  }
0x1f: {  	s9 =	smul.u32 $0xF7A, s1;
	s8 =	simm.s32 @!p0 $0x1BF5;
	p2 =	por !p2, p0  }
0x20: {  	[sflag:s8] =	ssyncset.s32 @!p0 $0xFFFFF086;
	s6 =	sadd.s32 @!p0 s3, s7;
	s7 =	simm.s32 @!p0 $0x108  }
0x21: {  	s3 =	sadd.s32 s3, s9;
	s6 =	sadd.s32 @!p0 $0x88, s6;
	s7 =	simm.s32 @p2 $0x1082  }
0x22: {  	[simem:s7], [sflag:s8] =	dma.local @!p0 [hbm:s6], $0xF7A  }
0x23: {  	s9 =	sor.u32 $0xD0000000, s2;
	s6 =	simm.s32 $0x108;
	_ =	swait.ge @!p0 [sflag:s8], $0x0  }
0x24: {  	s3 =	sadd.s32 $0x88, s3;
	s6 =	simm.s32 @!p1 $0x1082;
	[sflag:s4] =	ssyncset.s32 $0xFFFFF086  }
0x25: {  	[simem:s6], [sflag:s4] =	dma.local [hbm:s3], $0xF7A  }
0x26: {  	[smem:$0x3F9E] =	sst s1;
	(tag) =	ssettag s2;
	_ =	strace s9  }
0x27: {  	s1 =	sld [smem:$0x3FAE]  }
0x28: {  	s2 =	sld [smem:$0x3FAF]  }
0x29: {  	s4 =	sld [smem:$0x3FB1]  }
0x2a: {  	p0 =	seq.s32 s5, $0x0;
	s5 =	sld [smem:$0x3FB2]  }
0x2b: {  	s6 =	sld [smem:$0x3FB3]  }
0x2c: {  	s7 =	sld [smem:$0x3FB4]  }
0x2d: {  	s3 =	simm.s32 $0x108;
	s8 =	sld [smem:$0x3FB5]  }
0x2e: {  	s3 =	simm.s32 @!p0 $0x1082;
	s9 =	sld [smem:$0x3FB6]  }
0x2f: {  	lr =	sadd.s32 s0, s3;
	s0 =	sld [smem:$0x3FAD]  }
0x30: {  	s3 =	sld [smem:$0x3FB0]  }
0x31: {  	[smem:$0x3FB9] =	sst s10  }
0x32: {  	s10 =	sld [smem:$0x3FB7];
	_ =	sdelay $0x3  }
0x33: {  	p0 =	seq.s32 s10, $0x1;
	s10 =	sld [smem:$0x3FB9];
	_ =	sdelay $0x3  }
0x34: {  	[smem:$0x3FB9] =	sst s10  }
0x35: {  	s10 =	sld [smem:$0x3FB8];
	_ =	sdelay $0x3  }
0x36: {  	p1 =	seq.s32 s10, $0x1;
	s10 =	sld [smem:$0x3FB9];
	_ =	sdelay $0x3  }
0x37: {  	[smem:$0x3FB9] =	sst s10  }
0x38: {  	s10 =	sld [smem:$0x3FBA]  }
0x39: {  	_ = 	snop;
	(pc) =	sbr.ind lr, $3  }
0x3a: {  	_ = 	snop  }
0x3b: {  	_ = 	snop  }
0x3c: {  	p2 =	seq.s32 s10, $0x1;
	s10 =	sld [smem:$0x3FB9]  }
0x3d: {  	_ =	shalt  }
0x3e: {  	_ =	shalt  }
0x3f: {  	_ =	shalt  }
0x40: {  	_ =	shalt  }
0x41: {  	_ =	shalt  }
0x42: {  	_ =	shalt  }
0x43: {  	_ =	shalt  }
0x44: {  	_ =	shalt  }
0x45: {  	_ =	shalt  }
0x46: {  	_ =	shalt  }
0x47: {  	_ =	shalt  }
0x48: {  	_ =	shalt  }
0x49: {  	_ =	shalt  }
0x4a: {  	_ =	shalt  }
0x4b: {  	_ =	shalt  }
0x4c: {  	_ =	shalt  }
0x4d: {  	_ =	shalt  }
0x4e: {  	_ =	shalt  }
0x4f: {  	_ =	shalt  }
0x50: {  	_ =	shalt  }
0x51: {  	_ =	shalt  }
0x52: {  	_ =	shalt  }
0x53: {  	_ =	shalt  }
0x54: {  	_ =	shalt  }
0x55: {  	_ =	shalt  }
0x56: {  	_ =	shalt  }
0x57: {  	_ =	shalt  }
0x58: {  	_ =	shalt  }
0x59: {  	_ =	shalt  }
0x5a: {  	_ =	shalt  }
0x5b: {  	_ =	shalt  }
0x5c: {  	_ =	shalt  }
0x5d: {  	_ =	shalt  }
0x5e: {  	_ =	shalt  }
0x5f: {  	_ =	shalt  }
0x60: {  	_ =	shalt  }
0x61: {  	_ =	shalt  }
0x62: {  	_ =	shalt  }
0x63: {  	_ =	shalt  }
0x64: {  	_ =	shalt  }
0x65: {  	_ =	shalt  }
0x66: {  	_ =	shalt  }
0x67: {  	_ =	shalt  }
0x68: {  	_ =	shalt  }
0x69: {  	_ =	shalt  }
0x6a: {  	_ =	shalt  }
0x6b: {  	_ =	shalt  }
0x6c: {  	_ =	shalt  }
0x6d: {  	_ =	shalt  }
0x6e: {  	_ =	shalt  }
0x6f: {  	_ =	shalt  }
0x70: {  	_ =	shalt  }
0x71: {  	_ =	shalt  }
0x72: {  	_ =	shalt  }
0x73: {  	_ =	shalt  }
0x74: {  	_ =	shalt  }
0x75: {  	_ =	shalt  }
0x76: {  	_ =	shalt  }
0x77: {  	_ =	shalt  }
0x78: {  	_ =	shalt  }
0x79: {  	_ =	shalt  }
0x7a: {  	_ =	shalt  }
0x7b: {  	_ =	shalt  }
0x7c: {  	_ =	shalt  }
0x7d: {  	_ =	shalt  }
0x7e: {  	_ =	shalt  }
0x7f: {  	_ =	shalt  }
0x80: {  	_ =	shalt  }
0x81: {  	_ =	shalt  }
0x82: {  	_ =	shalt  }
0x83: {  	_ =	shalt  }
0x84: {  	_ =	shalt  }
0x85: {  	_ =	shalt  }
0x86: {  	_ =	shalt  }
0x87: {  	_ =	shalt  }
.Lfunc_end0:
.L_simem_size_0:
called_computation_lowered:
.L_overlay_start_0:
0x88: {  	s2 =	sld [smem:$0x3FD9]  }
0x89: {  	s3 =	sld [smem:$0x3FFE];
	_ =	sdelay $0x1  }
0x8a: {  	s1 =	srdreg.scid  }
0x8b: {  	s0 =	sand.u32 $0x1, s1  }
0x8c: {  	s17 =	sshll.u32 s0, $0xA;
	s2 =	sadd.s32 s3, s2  }
0x8d: {  	s2 =	sadd.s32 s2, s17  }
0x8e: {  	[smem:$0x3FC5] =	sst s2  }
0x8f: {  	_ = 	snop  }
0x90: {  	s2 =	sld [smem:$0x3FC7]  }
0x91: {  	s18 =	sld [smem:$0x3FD0];
	(tm) =	ssettm $0x1  }
0x92: {  	s4 =	sld [smem:$0x3FFB];
	_ =	sdelay $0x3  }
0x93: {  	_ =	strace s4  }
0x94: {  	s4 =	sld [smem:$0x3FFC];
	_ =	sdelay $0x3  }
0x95: {  	_ =	strace s4  }
0x96: {  	s4 =	sld [smem:$0x3FFD];
	_ =	sdelay $0x3  }
0x97: {  	_ =	strace s4  }
0x98: {  	_ =	strace $0x8FFFFFFF  }
0x99: {  	s19 =	sld [smem:$0x3FDB];
	_ =	sdelay $0x1  }
0x9a: {  	s5 =	simm.s32 $_scs_section_size  }
0x9b: {  	s6 =	simm.s32 $_size__tile_overlayer_lowered;
	s7 =	simm.s32 $_tile_overlayer_lowered  }
0x9c: {  	s22 =	simm.s32 $0x1BFF;
	s21 =	sshll.u32 s7, $0x1;
	s4 =	sadd.s32 s5, s19  }
0x9d: {  	s8 =	simm.s32 $0x0;
	s20 =	sshll.u32 s6, $0x1;
	s6 =	sadd.s32 s21, s4  }
0x9e: {  	[timem:s8], [sflag:s22] =	dma.local [hbm:s6], s20  }
0x9f: {  	_ =	swait.ge [sflag:s22], s20  }
0xa0: {  	s5 =	ssub.s32 $0x0, s20;
	[sflag:s22] =	ssyncset.done $0x0  }
0xa1: {  	[sflag:s22] =	ssyncadd.s32 s5;
	_ =	sdelay $0x1  }
0xa2: {  	s23 =	simm.s32 $0x1B8B  }
0xa3: {  	_ =	swait.ge [sflag:s23], $0x1  }
0xa4: {  	[sflag:s23] =	ssyncset.done $0x0  }
0xa5: {  	s25 =	simm.s32 $0x1B8E;
	s24 =	sld [smem:$0x3FFE];
	[sflag:s23] =	ssyncadd.s32 $0xFFFFFFFF  }
0xa6: {  	s26 =	simm.s32 $execute0_lowered;
	[smem:$0x3FD2] =	sst s25  }
0xa7: {  	s6 =	sshll.u32 s26, $0x1;
	_ =	strace $0x80000046;
	[dreg:$0x1] =	wrdreg $0xFFFFFFFF  }
0xa8: {  	s28 =	simm.s32 $_size_execute0_lowered;
	s4 =	sadd.s32 s4, s6;
	[dreg:$0x0] =	wrdreg $0x0  }
0xa9: {  	s6 =	sshll.u32 s28, $0x1;
	[dreg:$0x2] =	wrdreg s4  }
0xaa: {  	[dreg:$0x3] =	wrdreg s6  }
0xab: {  	[dreg:$0x4] =	wrdreg $0xC0  }
0xac: {  	_ =	task [dreg:s8], $0x5FFFF  }
0xad: {  	[dreg:$0x1] =	wrdreg $0xFFFFFFFF  }
0xae: {  	[dreg:$0x0] =	wrdreg $0x60  }
0xaf: {  	[dreg:$0x2] =	wrdreg s24  }
0xb0: {  	[dreg:$0x3] =	wrdreg s18  }
0xb1: {  	[dreg:$0x4] =	wrdreg s2  }
0xb2: {  	[dreg:$0x5] =	wrdreg $0x9  }
0xb3: {  	_ =	task.clear_ibuf [dreg:s8], $0x6FFFF;
	_ =	strace $0x90000046  }
0xb4: {  	s29 =	simm.s32 $0x9;
	_ =	strace $0x80000048  }
0xb5: {  	_ =	swait.ge [sflag:s29], $0x1  }
0xb6: {  	[sflag:s29] =	ssyncadd.s32 $0xFFFFFFFF  }
0xb7: {  	_ =	strace $0x90000048  }
0xb8: {  	_ =	sfence  }
0xb9: {  	s30 =	sld [smem:$0x0];
	_ =	sdelay $0x2  }
0xba: {  	s31 =	sshll.u32 s1, $0xD;
	s1 =	sshrl.u32 s1, $0x2  }
0xbb: {  	s3 =	sand.u32 $0x4000, s31;
	s1 =	sadd.s32 s1, s30  }
0xbc: {  	s0 =	sor.u32 s3, s0;
	s1 =	sshll.u32 s1, $0x11  }
0xbd: {  	s0 =	sor.u32 s1, s0  }
0xbe: {  	s0 =	sadd.s32 $0x8F2B, s0  }
0xbf: {  	[sflag:s0] =	ssyncadd.remote.s32 $0x1  }
0xc0: {  	_ =	sfence.sel $0xFFFF  }
0xc1: {  	[dreg:$0x0] =	wrdreg $0xFFFFFFFF;
	(pc) =	sbr.abs _section_cstart, $3  }
0xc2: {  	[dreg:$0x1] =	wrdreg $0xFFFFFFFF  }
0xc3: {  	_ =	task.clear_ibuf [dreg:s8], $0x2FFFF;
	_ =	strace $0x9FFFFFFF  }
0xc4: {  	(tm) =	ssettm $0x7FFFFFFF  }
0xc5: {  	_ =	shalt  }
tec
execute0_lowered:
.L_overlay_start_1:
0x0: {  	(tag) =	ssettag $0x1  }
0x1: {  	s5 =	rddreg [dreg:$0x0]  }
0x2: {  	s1 =	rddreg [dreg:$0x1]  }
0x3: {  	s2 =	rddreg [dreg:$0x2];
	s3 =	simm.s32 $0x0  }
0x4: {  	v1 =	vimm.f32 $+Inf;
	vm0 =	vcmask $0x300;
	v0 =	vlaneseq.u32;
	[smem:$0x7FF] =	sst s3  }
0x5: {  	s0 =	rddreg [dreg:$0x3];
	v1 =	vsel vm0, $0x3F800000, v1;
	v2 =	vor.u32 $0x40, v0;
	_ =	strace $0x80000047  }
0x6: {  	(xrf1) =	vsort.ascd.msk.f32 $0xffff, v1, v2;
	_ =	sdelay $0x7  }
0x7: {  	s6 =	srdreg.scid;
	s4 =	stileid.u32  }
0x8: {  	s6 =	sand.u32 $0x1, s6;
	s7 =	sshll.u32 s4, $0x1  }
0x9: {  	s7 =	sor.u32 s6, s7  }
0xa: {  	s7 =	smul.u32 $0x600, s7  }
0xb: {  	s9 =	simm.s32 $0x3000;
	s10 =	simm.s32 $0x5400;
	v3 =	vmul.u32 $0xFFFFFFFF, v0;
	s6 =	ssub.s32 $0x2, s6  }
0xc: {  	s11 =	simm.s32 $0x5680;
	s31 =	sshrl.u32 s6, $0x1;
	v1 =	vor.u32 $0x10, v0;
	s7 =	sadd.s32 s7, s5  }
0xd: {  	s12 =	simm.s32 $0x0;
	v3 =	vadd.s32 $0xF, v3;
	s8 =	ssub.s32 s6, s31;
	[tilespmem:$0x1FFE0] =	vst v1;
	v1 =	vor.u32 $0x20, v0;
	s5 =	sadd.s32 $0x1000, s7;
	v5, v6, _ =	vpop (xrf1)  }
0xe: {  	v4 =	vor.u32 $0x30, v0;
	[tilespmem:$0x1FFF0] =	vst v1;
	s6 =	sadd.s32 $0xD000, s7;
	s7 =	smax.u32 s8, $0x1;
	s8 =	simm.s32 $0x1;
	v5 =	vperm.xlane v5, v3;
	v6 =	vperm.xlane v6, v3  }
.LBB2_1:
0xf: {  	[tilespmem:s3], [sflag:$0x1] =	stream.linear.gather [hbm4b:s5+s3], $0x3000, $0x38;
	[tilespmem:$0x8680] =	vst v63  }
0x10: {  	_ =	swait.ge [sflag:s8], $0x3000  }
0x11: {  	[sflag:s8] =	ssyncset.done $0x0  }
0x12: {  	[sflag:s8] =	ssyncadd.s32 $0xFFFFD000  }
0x13: {  	[tilespmem:s9], [sflag:$0x1] =	stream.linear.gather [hbm4b:s1+s3], $0x2080, $0x38;
	[tilespmem:$0x8680] =	vst v63  }
0x14: {  	_ =	swait.ge [sflag:s8], $0x2080  }
0x15: {  	[sflag:s8] =	ssyncset.done $0x0  }
0x16: {  	[sflag:s8] =	ssyncadd.s32 $0xFFFFDF80  }
0x17: {  	[tilespmem:s10], [sflag:$0x1] =	stream.linear.gather [hbm4b:s2+s3], $0x80, $0x38;
	[tilespmem:$0x8680] =	vst v63  }
0x18: {  	_ =	swait.ge [sflag:s8], $0x80  }
0x19: {  	[sflag:s8] =	ssyncset.done $0x0  }
0x1a: {  	[sflag:s8] =	ssyncadd.s32 $0xFFFFFF80  }
0x1b: {  	v7 =	vld [tilespmem:$0x5400]  }
0x1c: {  	v8 =	vld [tilespmem:$0x5410]  }
0x1d: {  	v9 =	vld [tilespmem:$0x5420]  }
0x1e: {  	v10 =	vld [tilespmem:$0x5430];
	_ =	sdelay $0x1  }
0x1f: {  	v7 =	vmax.f32 v7, $0.0e+00  }
0x20: {  	v8 =	vmax.f32 v8, $0.0e+00;
	v7 =	vmul.f32 $1.442695020e+00, v7  }
0x21: {  	v9 =	vmax.f32 v9, $0.0e+00;
	v8 =	vmul.f32 $1.442695020e+00, v8  }
0x22: {  	(erf) = vpow2.f32 v7;
	v7 =	vmul.f32 $1.442695020e+00, v9;
	v9 =	vmax.f32 v10, $0.0e+00  }
0x23: {  	(erf) = vpow2.f32 v8;
	v8 =	vmul.f32 $1.442695020e+00, v9  }
0x24: {  	(erf) = vpow2.f32 v7  }
0x25: {  	(erf) = vpow2.f32 v8;
	_ =	sdelay $0x5  }
0x26: {  	v7 =	vpop (erf)  }
0x27: {  	v8 =	vpop (erf)  }
0x28: {  	v9 =	vpop (erf)  }
0x29: {  	s13 =	simm.s32 $0x0;
	v10 =	vpop (erf)  }
.LBB2_2:
0x2a: {  	s14 =	sshll.u32 s13, $0x8;
	v1 =	vld [tilespmem:$0x1FFE0]  }
0x2b: {  	v11 =	vld [tilespmem:s14+$0x0]  }
0x2c: {  	v12 =	vld [tilespmem:s14+$0x10]  }
0x2d: {  	v13 =	vld [tilespmem:s14+$0x20]  }
0x2e: {  	v14 =	vld [tilespmem:s14+$0x30]  }
0x2f: {  	v2 =	vld [tilespmem:$0x1FFF0]  }
0x30: {  	v11 =	vmul.f32 v11, v7  }
0x31: {  	v0 =	vlaneseq.u32;
	v12 =	vmul.f32 v12, v8  }
0x32: {  	(xrf1) =	vsort.ascd.msk.f32 $0xffff, v11, v0;
	v11 =	vmul.f32 v13, v9  }
0x33: {  	v57 =	vmul.f32 v14, v10;
	(xrf1) =	vsort.ascd.msk.f32 $0xffff, v12, v1  }
0x34: {  	(xrf1) =	vsort.ascd.msk.f32 $0xffff, v11, v2  }
0x35: {  	(xrf1) =	vsort.ascd.msk.f32 $0xffff, v57, v4;
	_ =	sdelay $0xa  }
0x36: {  	v11, v58, _ =	vpop (xrf1)  }
0x37: {  	v59, v60, _ =	vpop (xrf1)  }
0x38: {  	v13 =	vperm.xlane v59, v3;
	v15, v16, _ =	vpop (xrf1)  }
0x39: {  	v14 =	vperm.xlane v60, v3;
	v17, v18, _ =	vpop (xrf1)  }
0x3a: {  	vm0 =	vle.f32 v11, v13;
	v17 =	vperm.xlane v17, v3;
	v61 =	vperm.xlane v18, v3  }
0x3b: {  	v19 =	vsel vm0, v11, v13;
	v20 =	vsel vm0, v58, v14;
	v11 =	vsel vm0, v13, v11  }
0x3c: {  	v12 =	vsel vm0, v14, v58;
	(xrf1) =	vsort.ascd.msk.f32 $0xffff, v19, v20;
	vm10 =	vle.f32 v15, v17  }
0x3d: {  	(xrf1) =	vsort.ascd.msk.f32 $0xffff, v11, v12;
	v11 =	vsel vm10, v15, v17;
	v62 =	vsel vm10, v16, v61  }
0x3e: {  	v63 =	vsel vm10, v17, v15;
	v13 =	vsel vm10, v61, v16;
	(xrf1) =	vsort.ascd.msk.f32 $0xffff, v11, v62  }
0x3f: {  	(xrf1) =	vsort.ascd.msk.f32 $0xffff, v63, v13;
	_ =	sdelay $0xa  }
0x40: {  	v11, v12, _ =	vpop (xrf1)  }
0x41: {  	v13, v14, _ =	vpop (xrf1)  }
0x42: {  	v32, v16, _ =	vpop (xrf1)  }
0x43: {  	v17, v18, _ =	vpop (xrf1)  }
0x44: {  	v15 =	vperm.xlane v32, v3;
	v17 =	vperm.xlane v17, v3  }
0x45: {  	v18 =	vperm.xlane v18, v3  }
0x46: {  	v16 =	vperm.xlane v16, v3;
	vm1 =	vle.f32 v13, v15;
	vm11 =	vle.f32 v11, v17  }
0x47: {  	v19 =	vsel vm11, v11, v17;
	v20 =	vsel vm11, v12, v18;
	v11 =	vsel vm11, v17, v11  }
0x48: {  	v12 =	vsel vm11, v18, v12;
	v17 =	vsel vm1, v13, v15;
	v18 =	vsel vm1, v14, v16  }
0x49: {  	v13 =	vsel vm1, v15, v13;
	v14 =	vsel vm1, v16, v14;
	vm12 =	vle.f32 v19, v17  }
0x4a: {  	vm13 =	vle.f32 v11, v13;
	v33 =	vsel vm12, v19, v17;
	v16 =	vsel vm12, v20, v18  }
0x4b: {  	v17 =	vsel vm12, v17, v19;
	v18 =	vsel vm12, v18, v20;
	(xrf1) =	vsort.ascd.msk.f32 $0xffff, v33, v16  }
0x4c: {  	v34 =	vsel vm13, v11, v13;
	v16 =	vsel vm13, v12, v14;
	(xrf1) =	vsort.ascd.msk.f32 $0xffff, v17, v18  }
0x4d: {  	v11 =	vsel vm13, v13, v11;
	v12 =	vsel vm13, v14, v12;
	(xrf1) =	vsort.ascd.msk.f32 $0xffff, v34, v16  }
0x4e: {  	(xrf1) =	vsort.ascd.msk.f32 $0xffff, v11, v12;
	_ =	sdelay $0xa  }
0x4f: {  	v11, v12, _ =	vpop (xrf1)  }
0x50: {  	v35, v36, _ =	vpop (xrf1)  }
0x51: {  	v15, v16, _ =	vpop (xrf1)  }
0x52: {  	v17, v18, _ =	vpop (xrf1)  }
0x53: {  	vm14 =	vle.f32 v17, v5  }
0x54: {  	v19 =	vsel vm14, v17, v5  }
0x55: {  	vm15 =	vle.f32 v11, v15;
	vm2 =	vle.f32 v35, v19  }
0x56: {  	v21 =	vsel vm15, v11, v15;
	v20 =	vsel vm14, v18, v6;
	v22 =	vsel vm2, v35, v19  }
0x57: {  	v23 =	vsel vm15, v12, v16;
	v24 =	vsel vm2, v36, v20;
	vm3 =	vle.f32 v21, v22  }
0x58: {  	v25 =	vsel vm3, v21, v22;
	v26 =	vsel vm3, v23, v24  }
0x59: {  	v11 =	vsel vm15, v15, v11;
	v12 =	vsel vm15, v16, v12;
	(xrf1) =	vsort.ascd.msk.f32 $0xffff, v25, v26  }
0x5a: {  	v13 =	vsel vm2, v19, v35;
	v37 =	vsel vm3, v22, v21;
	v16 =	vsel vm3, v24, v23  }
0x5b: {  	v14 =	vsel vm2, v20, v36;
	vm4 =	vle.f32 v11, v13;
	(xrf1) =	vsort.ascd.msk.f32 $0xffff, v37, v16  }
0x5c: {  	v38 =	vsel vm4, v11, v13;
	v16 =	vsel vm4, v12, v14  }
0x5d: {  	(xrf1) =	vsort.ascd.msk.f32 $0xffff, v38, v16  }
0x5e: {  	v11 =	vsel vm4, v13, v11;
	v12 =	vsel vm4, v14, v12  }
0x5f: {  	(xrf1) =	vsort.ascd.msk.f32 $0xffff, v11, v12  }
0x60: {  	v39 =	vsel vm14, v6, v18;
	v11 =	vsel vm14, v5, v17  }
0x61: {  	(xrf1) =	vsort.ascd.msk.f32 $0xffff, v11, v39;
	_ =	sdelay $0x5  }
0x62: {  	v11, v12, _ =	vpop (xrf1)  }
0x63: {  	[tilespmem:$0x5480] =	vst v11  }
0x64: {  	v11, v40, _ =	vpop (xrf1);
	[tilespmem:$0x5580] =	vst v12  }
0x65: {  	[tilespmem:$0x5490] =	vst v11  }
0x66: {  	v11, v41, _ =	vpop (xrf1);
	[tilespmem:$0x5590] =	vst v40  }
0x67: {  	[tilespmem:$0x54A0] =	vst v11  }
0x68: {  	v11, v42, _ =	vpop (xrf1);
	[tilespmem:$0x55A0] =	vst v41  }
0x69: {  	[tilespmem:$0x54B0] =	vst v11  }
0x6a: {  	v11, v43, _ =	vpop (xrf1);
	[tilespmem:$0x55B0] =	vst v42  }
0x6b: {  	[tilespmem:$0x54C0] =	vst v11  }
0x6c: {  	[tilespmem:$0x55C0] =	vst v43  }
0x6d: {  	v11 =	vld [tilespmem:s14+$0x80]  }
0x6e: {  	v12 =	vld [tilespmem:s14+$0x90]  }
0x6f: {  	v13 =	vld [tilespmem:s14+$0xA0]  }
0x70: {  	v44 =	vld [tilespmem:s14+$0xB0];
	_ =	sdelay $0x1  }
0x71: {  	v11 =	vmul.f32 v11, v7  }
0x72: {  	v12 =	vmul.f32 v12, v8  }
0x73: {  	(xrf1) =	vsort.ascd.msk.f32 $0xffff, v11, v0;
	v11 =	vmul.f32 v13, v9  }
0x74: {  	v45 =	vmul.f32 v44, v10;
	(xrf1) =	vsort.ascd.msk.f32 $0xffff, v12, v1  }
0x75: {  	(xrf1) =	vsort.ascd.msk.f32 $0xffff, v11, v2  }
0x76: {  	(xrf1) =	vsort.ascd.msk.f32 $0xffff, v45, v4;
	_ =	sdelay $0xa  }
0x77: {  	v11, v46, _ =	vpop (xrf1)  }
0x78: {  	v47, v48, _ =	vpop (xrf1)  }
0x79: {  	v13 =	vperm.xlane v47, v3;
	v15, v16, _ =	vpop (xrf1)  }
0x7a: {  	v14 =	vperm.xlane v48, v3;
	v17, v18, _ =	vpop (xrf1)  }
0x7b: {  	vm5 =	vle.f32 v11, v13;
	v17 =	vperm.xlane v17, v3;
	v49 =	vperm.xlane v18, v3  }
0x7c: {  	v19 =	vsel vm5, v11, v13;
	v20 =	vsel vm5, v46, v14;
	v11 =	vsel vm5, v13, v11  }
0x7d: {  	v12 =	vsel vm5, v14, v46;
	(xrf1) =	vsort.ascd.msk.f32 $0xffff, v19, v20;
	vm6 =	vle.f32 v15, v17  }
0x7e: {  	(xrf1) =	vsort.ascd.msk.f32 $0xffff, v11, v12;
	v11 =	vsel vm6, v15, v17;
	v50 =	vsel vm6, v16, v49  }
0x7f: {  	v51 =	vsel vm6, v17, v15;
	v13 =	vsel vm6, v49, v16;
	(xrf1) =	vsort.ascd.msk.f32 $0xffff, v11, v50  }
0x80: {  	(xrf1) =	vsort.ascd.msk.f32 $0xffff, v51, v13;
	_ =	sdelay $0xa  }
0x81: {  	v11, v12, _ =	vpop (xrf1)  }
0x82: {  	v13, v14, _ =	vpop (xrf1)  }
0x83: {  	v52, v16, _ =	vpop (xrf1)  }
0x84: {  	v17, v18, _ =	vpop (xrf1)  }
0x85: {  	v15 =	vperm.xlane v52, v3;
	v17 =	vperm.xlane v17, v3  }
0x86: {  	v18 =	vperm.xlane v18, v3  }
0x87: {  	v16 =	vperm.xlane v16, v3;
	vm8 =	vle.f32 v13, v15;
	vm7 =	vle.f32 v11, v17  }
0x88: {  	v19 =	vsel vm7, v11, v17;
	v20 =	vsel vm7, v12, v18;
	v11 =	vsel vm7, v17, v11  }
0x89: {  	v12 =	vsel vm7, v18, v12;
	v17 =	vsel vm8, v13, v15;
	v18 =	vsel vm8, v14, v16  }
0x8a: {  	v13 =	vsel vm8, v15, v13;
	v14 =	vsel vm8, v16, v14;
	vm9 =	vle.f32 v19, v17  }
0x8b: {  	vm10 =	vle.f32 v11, v13;
	v53 =	vsel vm9, v19, v17;
	v16 =	vsel vm9, v20, v18  }
0x8c: {  	v17 =	vsel vm9, v17, v19;
	v18 =	vsel vm9, v18, v20;
	(xrf1) =	vsort.ascd.msk.f32 $0xffff, v53, v16  }
0x8d: {  	v54 =	vsel vm10, v11, v13;
	v16 =	vsel vm10, v12, v14;
	(xrf1) =	vsort.ascd.msk.f32 $0xffff, v17, v18  }
0x8e: {  	v11 =	vsel vm10, v13, v11;
	v12 =	vsel vm10, v14, v12;
	(xrf1) =	vsort.ascd.msk.f32 $0xffff, v54, v16  }
0x8f: {  	(xrf1) =	vsort.ascd.msk.f32 $0xffff, v11, v12;
	_ =	sdelay $0xa  }
0x90: {  	v11, v12, _ =	vpop (xrf1)  }
0x91: {  	v55, v56, _ =	vpop (xrf1)  }
0x92: {  	v15, v16, _ =	vpop (xrf1)  }
0x93: {  	v17, v18, _ =	vpop (xrf1)  }
0x94: {  	vm11 =	vle.f32 v17, v5  }
0x95: {  	v19 =	vsel vm11, v17, v5  }
0x96: {  	vm12 =	vle.f32 v11, v15;
	vm13 =	vle.f32 v55, v19  }
0x97: {  	v21 =	vsel vm12, v11, v15;
	v20 =	vsel vm11, v18, v6;
	v22 =	vsel vm13, v55, v19  }
0x98: {  	v23 =	vsel vm12, v12, v16;
	v24 =	vsel vm13, v56, v20;
	vm14 =	vle.f32 v21, v22  }
0x99: {  	v25 =	vsel vm14, v21, v22;
	v26 =	vsel vm14, v23, v24  }
0x9a: {  	v11 =	vsel vm12, v15, v11;
	v12 =	vsel vm12, v16, v12;
	(xrf1) =	vsort.ascd.msk.f32 $0xffff, v25, v26  }
0x9b: {  	v13 =	vsel vm13, v19, v55;
	v57 =	vsel vm14, v22, v21;
	v16 =	vsel vm14, v24, v23  }
0x9c: {  	v14 =	vsel vm13, v20, v56;
	vm15 =	vle.f32 v11, v13;
	(xrf1) =	vsort.ascd.msk.f32 $0xffff, v57, v16  }
0x9d: {  	v58 =	vsel vm15, v11, v13;
	v16 =	vsel vm15, v12, v14  }
0x9e: {  	(xrf1) =	vsort.ascd.msk.f32 $0xffff, v58, v16  }
0x9f: {  	v11 =	vsel vm15, v13, v11;
	v12 =	vsel vm15, v14, v12  }
0xa0: {  	(xrf1) =	vsort.ascd.msk.f32 $0xffff, v11, v12  }
0xa1: {  	v59 =	vsel vm11, v6, v18;
	v11 =	vsel vm11, v5, v17  }
0xa2: {  	(xrf1) =	vsort.ascd.msk.f32 $0xffff, v11, v59;
	_ =	sdelay $0x5  }
0xa3: {  	v27 =	vimm.f32 $0.0e+00;
	v31 =	vimm.f32 $0.0e+00;
	v11, v12, _ =	vpop (xrf1)  }
0xa4: {  	v30 =	vimm.f32 $1.000000000e+00;
	v29 =	vimm.f32 $1.000000000e+05;
	v28 =	vimm.f32 $1.000000000e+05;
	[tilespmem:$0x54E0] =	vst v11  }
0xa5: {  	v32 =	vimm.f32 $1.000000000e+00;
	v33 =	vimm.f32 $0.0e+00;
	v34 =	vimm.f32 $1.000000000e+00;
	v11, v60, _ =	vpop (xrf1);
	[tilespmem:$0x55E0] =	vst v12  }
0xa6: {  	v35 =	vimm.f32 $0.0e+00;
	v36 =	vimm.f32 $0.0e+00;
	v37 =	vimm.f32 $1.000000000e+00;
	[tilespmem:$0x54F0] =	vst v11  }
0xa7: {  	v38 =	vimm.f32 $0.0e+00;
	v39 =	vimm.f32 $1.000000000e+00;
	v40 =	vimm.f32 $0.0e+00;
	v11, v61, _ =	vpop (xrf1);
	[tilespmem:$0x55F0] =	vst v60  }
0xa8: {  	v41 =	vimm.f32 $1.000000000e+00;
	v42 =	vimm.f32 $0.0e+00;
	v43 =	vimm.f32 $0.0e+00;
	[tilespmem:$0x5500] =	vst v11  }
0xa9: {  	v44 =	vimm.f32 $0.0e+00;
	v45 =	vimm.f32 $0.0e+00;
	v47 =	vimm.f32 $0.0e+00;
	v11, v62, _ =	vpop (xrf1);
	[tilespmem:$0x5600] =	vst v61  }
0xaa: {  	v48 =	vimm.f32 $0.0e+00;
	v46 =	vimm.f32 $0.0e+00;
	v49 =	vimm.f32 $0.0e+00;
	[tilespmem:$0x5510] =	vst v11  }
0xab: {  	s22 =	simm.s32 $0x0;
	s21 =	sor.u32 $0x10, s14;
	v18 =	vimm.f32 $1.000000000e+05;
	v19 =	vimm.f32 $1.000000000e+00;
	v20 =	vimm.f32 $1.000000000e+05;
	[tilespmem:$0x5610] =	vst v62;
	v63, v11, _ =	vpop (xrf1)  }
0xac: {  	s17 =	sor.u32 $0x20, s14;
	s20 =	sor.u32 $0x30, s14;
	s18 =	sor.u32 $0x80, s14;
	v24 =	vimm.f32 $0.0e+00;
	v21 =	vimm.f32 $1.000000000e+00;
	v22 =	vimm.f32 $1.000000000e+05;
	[tilespmem:$0x5520] =	vst v63  }
0xad: {  	s15 =	sor.u32 $0x90, s14;
	s19 =	sor.u32 $0xA0, s14;
	s16 =	sor.u32 $0xB0, s14;
	v23 =	vimm.f32 $1.000000000e+05;
	v25 =	vimm.f32 $1.000000000e+05;
	v26 =	vimm.f32 $1.000000000e+05;
	[tilespmem:$0x5620] =	vst v11  }
.LBB2_3:
0xae: {  	s23 =	sshra.s32 s22, $0x2  }
0xaf: {  	v12 =	vld [tilespmem:s23+$0x5580];
	_ =	sdelay $0x4  }
0xb0: {  	v12 =	vshll.u32 v12, $0x9  }
0xb1: {  	v17 =	vshra.s32 v12, $0x2  }
0xb2: {  	(v2sf) =	vpush v17, $0x0;
	_ =	sdelay $0xa  }
0xb3: {  	v61 =	vld [tilespmem:s23+$0x55E0];
	_ =	sdelay $0x3  }
0xb4: {  	v15 =	vld [tilespmem:s23+$0x5480];
	s24 =	spop (v2sf)  }
0xb5: {  	v12 =	vshll.u32 v61, $0x9;
	v13 =	vld [tilespmem:s24+$0x3000]  }
0xb6: {  	v14 =	vld [tilespmem:s23+$0x5481];
	v16 =	vshra.s32 v12, $0x2  }
0xb7: {  	(v2sf) =	vpush v16, $0x0;
	v50 =	vld [tilespmem:s24+$0x3010];
	_ =	sdelay $0x1  }
0xb8: {  	v53 =	vbroadcast v15, $0x0;
	v52 =	vld [tilespmem:s24+$0x3020]  }
0xb9: {  	v57 =	vadd.f32 v13, v49  }
0xba: {  	v62 =	vmul.f32 v13, v53  }
0xbb: {  	v54 =	vbroadcast v14, $0x0;
	v48 =	vadd.f32 v50, v48;
	v63 =	vadd.f32 $-1.000000000e+00, v57  }
0xbc: {  	v1 =	vbroadcast v14, $0x5;
	v58 =	vmul.f32 v50, v53;
	v49 =	vadd.f32 v62, v45  }
0xbd: {  	v50 =	vadd.f32 $-1.000000000e+00, v48;
	v62 =	vmul.f32 v52, v53;
	v55 =	vmul.f32 v63, v53  }
0xbe: {  	v45 =	vadd.f32 v58, v44;
	v56 =	vmul.f32 v63, v54;
	v51 =	vmul.f32 v49, v41  }
0xbf: {  	v59 =	vmul.f32 v50, v53;
	v60 =	vmul.f32 v50, v54  }
0xc0: {  	v61 =	vmul.f32 v45, v39;
	vm0 =	vge.f32 v49, v55;
	v55 =	vmul.f32 v63, v28  }
0xc1: {  	vm1 =	vle.f32 v49, v56;
	vm6 =	vge.f32 v45, v59;
	v56 =	vmul.f32 v50, v29  }
0xc2: {  	vm2 =	vle.f32 v45, v60;
	vm0 =	vmand vm0, vm1;
	vm5 =	vlt.f32 v51, v55;
	v55 =	vld [tilespmem:s24+$0x3030]  }
0xc3: {  	vm1 =	vmand vm6, vm2;
	v51 =	vadd.f32 v52, v47;
	vm7 =	vlt.f32 v61, v56  }
0xc4: {  	v13 =	vld [tilespmem:s23+$0x54E0];
	v52 =	vadd.f32 v62, v43;
	vm0 =	vmand vm5, vm0;
	vm8 =	vmand vm7, vm1  }
0xc5: {  	s29 =	spop (v2sf);
	(v2sf) =	vpush v17, $0x1;
	v44 =	vsel vm0, v49, v28;
	v47 =	vadd.f32 $-1.000000000e+00, v51  }
0xc6: {  	v28 =	vsel vm0, v63, v41;
	v29 =	vsel vm8, v45, v29;
	v62 =	vmul.f32 v52, v37;
	v59 =	vld [tilespmem:s29+$0x3000]  }
0xc7: {  	v63 =	vmul.f32 v47, v53;
	v60 =	vmul.f32 v47, v54;
	v41 =	vadd.f32 v55, v46  }
0xc8: {  	v58 =	vmul.f32 v47, v26;
	v61 =	vmul.f32 v55, v53;
	v46 =	vsel vm8, v50, v39  }
0xc9: {  	v12 =	vld [tilespmem:s23+$0x54E1];
	v39 =	vbroadcast v13, $0x0;
	vm9 =	vge.f32 v52, v63;
	v56 =	vadd.f32 $-1.000000000e+00, v41  }
0xca: {  	vm10 =	vle.f32 v52, v60;
	vm11 =	vlt.f32 v62, v58;
	v43 =	vadd.f32 v61, v38  }
0xcb: {  	vm1 =	vmand vm9, vm10;
	v50 =	vadd.f32 v59, v42;
	v63 =	vmul.f32 v56, v53  }
0xcc: {  	v42 =	vld [tilespmem:s29+$0x3010];
	vm12 =	vmand vm11, vm1;
	v60 =	vmul.f32 v56, v54;
	v61 =	vmul.f32 v43, v32  }
0xcd: {  	v62 =	vmul.f32 v56, v25;
	v58 =	vsel vm12, v52, v26;
	v26 =	vmul.f32 v59, v39  }
0xce: {  	v38 =	vadd.f32 $-1.000000000e+00, v50;
	v59 =	vbroadcast v12, $0x0;
	v37 =	vsel vm12, v47, v37  }
0xcf: {  	v54 =	vld [tilespmem:s29+$0x3020];
	vm13 =	vge.f32 v43, v63;
	vm14 =	vle.f32 v43, v60;
	vm15 =	vlt.f32 v61, v62  }
0xd0: {  	v47 =	vadd.f32 v26, v35;
	v26 =	vmul.f32 v38, v39;
	v35 =	vmul.f32 v38, v59  }
0xd1: {  	v60 =	vmul.f32 v38, v23;
	vm1 =	vmand vm13, vm14;
	v55 =	vadd.f32 v42, v40  }
0xd2: {  	v63 =	vmul.f32 v42, v39;
	vm5 =	vge.f32 v47, v26;
	vm6 =	vle.f32 v47, v35  }
0xd3: {  	vm4 =	vmand vm15, vm1;
	v53 =	vmul.f32 v47, v34;
	vm1 =	vmand vm5, vm6  }
0xd4: {  	v40 =	vadd.f32 $-1.000000000e+00, v55;
	v26 =	vsel vm4, v56, v32;
	v35 =	vadd.f32 v54, v36  }
0xd5: {  	v62 =	vmul.f32 v54, v39;
	vm7 =	vlt.f32 v53, v60;
	v53 =	vadd.f32 v63, v31  }
0xd6: {  	v36 =	vld [tilespmem:s29+$0x3030];
	vm8 =	vmand vm7, vm1;
	v60 =	vmul.f32 v40, v39;
	v42 =	vadd.f32 $-1.000000000e+00, v35  }
0xd7: {  	v61 =	vmul.f32 v40, v59;
	v32 =	vadd.f32 v62, v27;
	s30 =	spop (v2sf);
	(v2sf) =	vpush v16, $0x1  }
0xd8: {  	v31 =	vsel vm8, v47, v23;
	v63 =	vmul.f32 v53, v30;
	vm9 =	vge.f32 v53, v60  }
0xd9: {  	vm10 =	vle.f32 v53, v61;
	v60 =	vmul.f32 v40, v22;
	v27 =	vmul.f32 v42, v39  }
0xda: {  	v61 =	vmul.f32 v42, v59;
	v62 =	vmul.f32 v32, v21;
	vm0 =	vmand vm9, vm10  }
0xdb: {  	v56 =	vadd.f32 v36, v33;
	v54 =	vmul.f32 v36, v39;
	vm11 =	vlt.f32 v63, v60  }
0xdc: {  	v63 =	vmul.f32 v42, v20;
	vm12 =	vge.f32 v32, v27;
	vm3 =	vle.f32 v32, v61;
	v27 =	vld [tilespmem:s30+$0x3000]  }
0xdd: {  	v23 =	vsel vm8, v38, v34;
	vm0 =	vmand vm11, vm0;
	vm13 =	vmand vm12, vm3  }
0xde: {  	v36 =	vadd.f32 $-1.000000000e+00, v56;
	v54 =	vadd.f32 v54, v24;
	vm14 =	vlt.f32 v62, v63  }
0xdf: {  	v34 =	vld [tilespmem:s30+$0x3010];
	v60 =	vsel vm0, v53, v22;
	v38 =	vsel vm0, v40, v30;
	vm1 =	vmand vm14, vm13  }
0xe0: {  	v30 =	vmul.f32 v36, v59;
	v22 =	vsel vm1, v32, v20;
	v20 =	vmul.f32 v36, v39  }
0xe1: {  	v25 =	vsel vm4, v43, v25;
	v24 =	vadd.f32 v27, v57;
	v57 =	vbroadcast v15, $0x1  }
0xe2: {  	vm4 =	vle.f32 v54, v30;
	v30 =	vmul.f32 v36, v18;
	vm15 =	vge.f32 v54, v20  }
0xe3: {  	v20 =	vmul.f32 v54, v19;
	v27 =	vmul.f32 v27, v57;
	v59 =	vadd.f32 $-1.000000000e+00, v24  }
0xe4: {  	v61 =	vbroadcast v14, $0x1;
	v33 =	vadd.f32 v34, v48;
	v21 =	vsel vm1, v42, v21  }
0xe5: {  	vm5 =	vlt.f32 v20, v30;
	v42 =	vadd.f32 v27, v49;
	v20 =	vmul.f32 v59, v57  }
0xe6: {  	v48 =	vadd.f32 $-1.000000000e+00, v33;
	vm0 =	vmand vm15, vm4;
	v27 =	vld [tilespmem:s30+$0x3020];
	v30 =	vmul.f32 v59, v61  }
0xe7: {  	vm0 =	vmand vm5, vm0;
	v39 =	vmul.f32 v59, v44;
	vm6 =	vge.f32 v42, v20  }
0xe8: {  	v20 =	vmul.f32 v42, v28;
	vm7 =	vle.f32 v42, v30;
	v30 =	vmul.f32 v34, v57  }
0xe9: {  	v62 =	vsel vm0, v54, v18;
	v18 =	vmul.f32 v48, v57;
	s31 =	spop (v2sf);
	(v2sf) =	vpush v17, $0x2  }
0xea: {  	vm1 =	vmand vm6, vm7;
	vm8 =	vlt.f32 v20, v39;
	v39 =	vadd.f32 v30, v45  }
0xeb: {  	v20 =	vld [tilespmem:s30+$0x3030];
	v34 =	vadd.f32 v27, v51;
	v51 =	vsel vm0, v36, v19;
	vm9 =	vmand vm8, vm1  }
0xec: {  	v19 =	vmul.f32 v48, v61;
	vm10 =	vge.f32 v39, v18;
	v18 =	vmul.f32 v27, v57  }
0xed: {  	v27 =	vmul.f32 v48, v29;
	v63 =	vsel vm9, v42, v44;
	v36 =	vadd.f32 $-1.000000000e+00, v34  }
0xee: {  	v28 =	vsel vm9, v59, v28;
	vm11 =	vle.f32 v39, v19;
	v19 =	vmul.f32 v39, v46  }
0xef: {  	v40 =	vadd.f32 v18, v52;
	vm1 =	vmand vm10, vm11;
	v18 =	vmul.f32 v36, v57  }
0xf0: {  	v30 =	vmul.f32 v36, v61;
	vm12 =	vlt.f32 v19, v27;
	v27 =	vadd.f32 v20, v41  }
0xf1: {  	v19 =	vmul.f32 v36, v58;
	v20 =	vmul.f32 v20, v57;
	v41 =	vld [tilespmem:s31+$0x3000];
	vm1 =	vmand vm12, vm1  }
0xf2: {  	vm13 =	vge.f32 v40, v18;
	vm4 =	vle.f32 v40, v30;
	v18 =	vmul.f32 v40, v37  }
0xf3: {  	v52 =	vadd.f32 $-1.000000000e+00, v27;
	v30 =	vadd.f32 v20, v43;
	v45 =	vsel vm1, v39, v29  }
0xf4: {  	v46 =	vsel vm1, v48, v46;
	v43 =	vbroadcast v13, $0x1;
	vm14 =	vmand vm13, vm4  }
0xf5: {  	vm15 =	vlt.f32 v18, v19;
	v18 =	vmul.f32 v52, v57;
	v19 =	vmul.f32 v52, v61  }
0xf6: {  	v20 =	vmul.f32 v30, v26;
	v29 =	vmul.f32 v52, v25;
	v49 =	vadd.f32 v41, v50  }
0xf7: {  	vm6 =	vmand vm15, vm14;
	v50 =	vbroadcast v12, $0x1;
	vm7 =	vge.f32 v30, v18;
	v18 =	vld [tilespmem:s31+$0x3010]  }
0xf8: {  	vm8 =	vle.f32 v30, v19;
	v19 =	vmul.f32 v41, v43;
	v44 =	vadd.f32 $-1.000000000e+00, v49  }
0xf9: {  	v48 =	vsel vm6, v40, v58;
	vm9 =	vlt.f32 v20, v29;
	v58 =	vbroadcast v14, $0x2  }
0xfa: {  	v57 =	vld [tilespmem:s31+$0x3020];
	vm1 =	vmand vm7, vm8;
	v41 =	vadd.f32 v19, v47;
	v19 =	vmul.f32 v44, v43  }
0xfb: {  	vm10 =	vmand vm9, vm1;
	s24 =	spop (v2sf);
	(v2sf) =	vpush v16, $0x2;
	v20 =	vmul.f32 v44, v50  }
0xfc: {  	v47 =	vsel vm10, v30, v25;
	v29 =	vadd.f32 v18, v55;
	vm11 =	vge.f32 v41, v19  }
0xfd: {  	vm12 =	vle.f32 v41, v20;
	v19 =	vmul.f32 v41, v23;
	v20 =	vmul.f32 v44, v31  }
0xfe: {  	v55 =	vsel vm6, v36, v37;
	v18 =	vmul.f32 v18, v43;
	v37 =	vadd.f32 $-1.000000000e+00, v29  }
0xff: {  	v61 =	vld [tilespmem:s31+$0x3030];
	v35 =	vadd.f32 v57, v35;
	vm1 =	vmand vm11, vm12;
	vm13 =	vlt.f32 v19, v20  }
0x100: {  	v36 =	vadd.f32 v18, v53;
	vm1 =	vmand vm13, vm1;
	v18 =	vmul.f32 v37, v43  }
0x101: {  	v53 =	vmul.f32 v37, v50;
	v20 =	vmul.f32 v37, v60;
	v19 =	vsel vm1, v41, v31  }
0x102: {  	v31 =	vadd.f32 $-1.000000000e+00, v35;
	vm14 =	vge.f32 v36, v18;
	v18 =	vmul.f32 v36, v38  }
0x103: {  	vm15 =	vle.f32 v36, v53;
	v53 =	vsel vm10, v52, v26;
	v26 =	vmul.f32 v57, v43  }
0x104: {  	v25 =	vadd.f32 v61, v56;
	vm5 =	vmand vm14, vm15;
	vm6 =	vlt.f32 v18, v20  }
0x105: {  	v18 =	vsel vm1, v44, v23;
	v56 =	vadd.f32 v26, v32;
	v23 =	vmul.f32 v31, v43  }
0x106: {  	v52 =	vadd.f32 $-1.000000000e+00, v25;
	v26 =	vmul.f32 v31, v50;
	vm0 =	vmand vm6, vm5  }
0x107: {  	v44 =	vmul.f32 v61, v43;
	v61 =	vld [tilespmem:s24+$0x3000];
	v20 =	vsel vm0, v36, v60;
	vm7 =	vge.f32 v56, v23  }
0x108: {  	v23 =	vmul.f32 v56, v21;
	v60 =	vmul.f32 v31, v22;
	vm8 =	vle.f32 v56, v26  }
0x109: {  	v44 =	vadd.f32 v44, v54;
	v26 =	vmul.f32 v52, v43;
	v43 =	vsel vm0, v37, v38  }
0x10a: {  	v38 =	vbroadcast v15, $0x2;
	vm9 =	vlt.f32 v23, v60;
	v23 =	vmul.f32 v52, v50  }
0x10b: {  	vm1 =	vmand vm7, vm8;
	vm11 =	vge.f32 v44, v26;
	v26 =	vmul.f32 v52, v62  }
0x10c: {  	vm10 =	vmand vm9, vm1;
	v50 =	vadd.f32 v61, v24;
	v24 =	vld [tilespmem:s24+$0x3010];
	vm12 =	vle.f32 v44, v23  }
0x10d: {  	v23 =	vmul.f32 v44, v51;
	v59 =	vsel vm10, v56, v22;
	v22 =	vmul.f32 v61, v38  }
0x10e: {  	s25 =	spop (v2sf);
	(v2sf) =	vpush v17, $0x3;
	v32 =	vsel vm10, v31, v21;
	v60 =	vadd.f32 $-1.000000000e+00, v50  }
0x10f: {  	v61 =	vld [tilespmem:s24+$0x3020];
	vm1 =	vmand vm11, vm12;
	vm13 =	vlt.f32 v23, v26;
	v42 =	vadd.f32 v22, v42  }
0x110: {  	vm14 =	vmand vm13, vm1;
	v22 =	vmul.f32 v60, v38;
	v23 =	vmul.f32 v60, v58  }
0x111: {  	v31 =	vmul.f32 v60, v63;
	v21 =	vsel vm14, v44, v62;
	v54 =	vadd.f32 v24, v33  }
0x112: {  	v26 =	vmul.f32 v42, v28;
	vm15 =	vge.f32 v42, v22;
	vm4 =	vle.f32 v42, v23  }
0x113: {  	v22 =	vmul.f32 v24, v38;
	v23 =	vsel vm14, v52, v51;
	v33 =	vadd.f32 $-1.000000000e+00, v54  }
0x114: {  	vm1 =	vmand vm15, vm4;
	vm5 =	vlt.f32 v26, v31;
	v31 =	vadd.f32 v61, v34  }
0x115: {  	vm6 =	vmand vm5, vm1;
	v52 =	vadd.f32 v22, v39;
	v22 =	vmul.f32 v33, v38  }
0x116: {  	v62 =	vmul.f32 v33, v58;
	v26 =	vsel vm6, v42, v63;
	v24 =	vsel vm6, v60, v28  }
0x117: {  	v28 =	vmul.f32 v61, v38;
	v63 =	vld [tilespmem:s24+$0x3030];
	v39 =	vadd.f32 $-1.000000000e+00, v31;
	v57 =	vmul.f32 v33, v45  }
0x118: {  	vm7 =	vge.f32 v52, v22;
	vm8 =	vle.f32 v52, v62;
	v22 =	vmul.f32 v52, v46  }
0x119: {  	v28 =	vadd.f32 v28, v40;
	v60 =	vmul.f32 v39, v38;
	v61 =	vmul.f32 v39, v58  }
0x11a: {  	v62 =	vmul.f32 v39, v48;
	vm0 =	vmand vm7, vm8;
	vm9 =	vlt.f32 v22, v57  }
0x11b: {  	v40 =	vld [tilespmem:s25+$0x3000];
	v22 =	vmul.f32 v28, v55;
	vm10 =	vge.f32 v28, v60;
	vm11 =	vle.f32 v28, v61  }
0x11c: {  	v57 =	vadd.f32 v63, v27;
	vm0 =	vmand vm9, vm0;
	vm12 =	vmand vm10, vm11  }
0x11d: {  	v27 =	vmul.f32 v63, v38;
	s26 =	spop (v2sf);
	(v2sf) =	vpush v16, $0x3;
	vm13 =	vlt.f32 v22, v62  }
0x11e: {  	v60 =	vsel vm0, v52, v45;
	v45 =	vbroadcast v13, $0x2;
	vm1 =	vmand vm13, vm12  }
0x11f: {  	v37 =	vsel vm0, v33, v46;
	v62 =	vld [tilespmem:s25+$0x3020];
	v51 =	vadd.f32 $-1.000000000e+00, v57;
	v22 =	vsel vm1, v28, v48  }
0x120: {  	v48 =	vadd.f32 v27, v30;
	v27 =	vadd.f32 v40, v49;
	v40 =	vmul.f32 v40, v45  }
0x121: {  	v33 =	vsel vm1, v39, v55;
	v30 =	vmul.f32 v51, v38;
	v63 =	vmul.f32 v51, v58;
	v58 =	vld [tilespmem:s25+$0x3010]  }
0x122: {  	v49 =	vbroadcast v12, $0x2;
	v61 =	vmul.f32 v51, v47;
	v46 =	vadd.f32 $-1.000000000e+00, v27  }
0x123: {  	vm14 =	vge.f32 v48, v30;
	vm15 =	vle.f32 v48, v63;
	v30 =	vmul.f32 v48, v53  }
0x124: {  	v39 =	vadd.f32 v40, v41;
	v35 =	vadd.f32 v62, v35;
	vm0 =	vmand vm14, vm15  }
0x125: {  	v63 =	vmul.f32 v46, v49;
	vm4 =	vlt.f32 v30, v61;
	v30 =	vmul.f32 v46, v45  }
0x126: {  	vm0 =	vmand vm4, vm0;
	v34 =	vadd.f32 v58, v29;
	v29 =	vmul.f32 v39, v18  }
0x127: {  	vm6 =	vle.f32 v39, v63;
	v38 =	vmul.f32 v58, v45;
	vm5 =	vge.f32 v39, v30  }
0x128: {  	v30 =	vmul.f32 v46, v19;
	v58 =	vsel vm0, v48, v47;
	v41 =	vadd.f32 $-1.000000000e+00, v34  }
0x129: {  	v51 =	vsel vm0, v51, v53;
	v53 =	vadd.f32 $-1.000000000e+00, v35;
	vm1 =	vmand vm5, vm6  }
0x12a: {  	v36 =	vadd.f32 v38, v36;
	vm7 =	vlt.f32 v29, v30;
	v30 =	vld [tilespmem:s25+$0x3030];
	v29 =	vmul.f32 v41, v45  }
0x12b: {  	v63 =	vmul.f32 v53, v49;
	vm8 =	vmand vm7, vm1;
	v47 =	vmul.f32 v41, v49  }
0x12c: {  	v61 =	vmul.f32 v36, v43;
	vm9 =	vge.f32 v36, v29;
	v29 =	vmul.f32 v62, v45  }
0x12d: {  	vm10 =	vle.f32 v36, v47;
	v62 =	vmul.f32 v41, v20;
	v47 =	vmul.f32 v53, v59  }
0x12e: {  	s28 =	spop (v2sf);
	(v2sf) =	vpush v17, $0x4;
	v38 =	vadd.f32 v29, v56;
	v29 =	vmul.f32 v53, v45  }
0x12f: {  	vm1 =	vmand vm9, vm10;
	vm11 =	vlt.f32 v61, v62;
	v25 =	vadd.f32 v30, v25  }
0x130: {  	v30 =	vmul.f32 v30, v45;
	v56 =	vld [tilespmem:s26+$0x3000];
	v61 =	vsel vm8, v39, v19;
	vm12 =	vge.f32 v38, v29  }
0x131: {  	vm13 =	vle.f32 v38, v63;
	v29 =	vmul.f32 v38, v32;
	v55 =	vadd.f32 $-1.000000000e+00, v25  }
0x132: {  	v62 =	vsel vm8, v46, v18;
	vm1 =	vmand vm11, vm1;
	vm14 =	vmand vm12, vm13  }
0x133: {  	vm15 =	vlt.f32 v29, v47;
	v29 =	vadd.f32 v30, v44;
	v19 =	vmul.f32 v55, v45  }
0x134: {  	v18 =	vld [tilespmem:s26+$0x3010];
	v44 =	vsel vm1, v36, v20;
	v45 =	vsel vm1, v41, v43;
	v41 =	vbroadcast v15, $0x3  }
0x135: {  	v30 =	vmul.f32 v55, v21;
	vm6 =	vmand vm15, vm14;
	v47 =	vadd.f32 v56, v50  }
0x136: {  	vm7 =	vge.f32 v29, v19;
	v19 =	vmul.f32 v55, v49;
	v20 =	vmul.f32 v29, v23  }
0x137: {  	v50 =	vbroadcast v14, $0x3;
	v46 =	vsel vm6, v38, v59;
	v43 =	vadd.f32 $-1.000000000e+00, v47  }
0x138: {  	vm8 =	vle.f32 v29, v19;
	v19 =	vmul.f32 v56, v41;
	vm9 =	vlt.f32 v20, v30  }
0x139: {  	v30 =	vadd.f32 v18, v54;
	v54 =	vsel vm6, v53, v32;
	v18 =	vmul.f32 v18, v41  }
0x13a: {  	v63 =	vld [tilespmem:s26+$0x3020];
	vm1 =	vmand vm7, vm8;
	v40 =	vadd.f32 v19, v42;
	v19 =	vmul.f32 v43, v41  }
0x13b: {  	v20 =	vmul.f32 v43, v50;
	vm10 =	vmand vm9, vm1;
	v53 =	vadd.f32 $-1.000000000e+00, v30  }
0x13c: {  	v32 =	vadd.f32 v18, v52;
	v49 =	vsel vm10, v29, v21;
	vm11 =	vge.f32 v40, v19  }
0x13d: {  	vm12 =	vle.f32 v40, v20;
	v19 =	vmul.f32 v40, v24;
	v20 =	vmul.f32 v43, v26  }
0x13e: {  	v55 =	vsel vm10, v55, v23;
	v18 =	vmul.f32 v53, v41;
	v56 =	vmul.f32 v53, v50  }
0x13f: {  	v21 =	vld [tilespmem:s26+$0x3030];
	v23 =	vmul.f32 v63, v41;
	vm1 =	vmand vm11, vm12;
	vm13 =	vlt.f32 v19, v20  }
0x140: {  	vm14 =	vge.f32 v32, v18;
	vm15 =	vle.f32 v32, v56;
	v18 =	vmul.f32 v32, v37  }
0x141: {  	v20 =	vmul.f32 v53, v60;
	v56 =	vadd.f32 v63, v31;
	vm1 =	vmand vm13, vm1  }
0x142: {  	s29 =	spop (v2sf);
	(v2sf) =	vpush v16, $0x4;
	vm5 =	vmand vm14, vm15;
	v19 =	vsel vm1, v40, v26  }
0x143: {  	vm6 =	vlt.f32 v18, v20;
	v26 =	vadd.f32 $-1.000000000e+00, v56;
	v18 =	vsel vm1, v43, v24  }
0x144: {  	v42 =	vadd.f32 v21, v57;
	v57 =	vadd.f32 v23, v28;
	vm0 =	vmand vm6, vm5  }
0x145: {  	v21 =	vmul.f32 v21, v41;
	v20 =	vsel vm0, v32, v60;
	v23 =	vmul.f32 v26, v41  }
0x146: {  	v59 =	vld [tilespmem:s28+$0x3000];
	v24 =	vmul.f32 v26, v50;
	v28 =	vadd.f32 $-1.000000000e+00, v42;
	v31 =	vmul.f32 v26, v22  }
0x147: {  	v43 =	vadd.f32 v21, v48;
	vm7 =	vge.f32 v57, v23;
	v23 =	vmul.f32 v57, v33  }
0x148: {  	vm8 =	vle.f32 v57, v24;
	v21 =	vmul.f32 v28, v41;
	v41 =	vsel vm0, v53, v37  }
0x149: {  	v37 =	vbroadcast v13, $0x3;
	vm9 =	vlt.f32 v23, v31;
	v23 =	vmul.f32 v28, v50  }
0x14a: {  	vm1 =	vmand vm7, vm8;
	vm11 =	vge.f32 v43, v21;
	v21 =	vmul.f32 v43, v51  }
0x14b: {  	v24 =	vld [tilespmem:s28+$0x3010];
	v50 =	vadd.f32 v59, v27;
	vm10 =	vmand vm9, vm1;
	vm12 =	vle.f32 v43, v23  }
0x14c: {  	v23 =	vmul.f32 v28, v58;
	v60 =	vsel vm10, v57, v22;
	v22 =	vmul.f32 v59, v37  }
0x14d: {  	v63 =	vbroadcast v12, $0x3;
	v27 =	vadd.f32 $-1.000000000e+00, v50;
	v33 =	vsel vm10, v26, v33  }
0x14e: {  	vm1 =	vmand vm11, vm12;
	vm13 =	vlt.f32 v21, v23;
	v48 =	vadd.f32 v22, v39  }
0x14f: {  	v22 =	vmul.f32 v27, v37;
	v23 =	vmul.f32 v27, v63;
	v39 =	vld [tilespmem:s28+$0x3020];
	vm14 =	vmand vm13, vm1  }
0x150: {  	v31 =	vmul.f32 v27, v61;
	v21 =	vsel vm14, v43, v58;
	v58 =	vadd.f32 v24, v34  }
0x151: {  	v26 =	vmul.f32 v48, v62;
	vm15 =	vge.f32 v48, v22;
	v22 =	vmul.f32 v24, v37  }
0x152: {  	vm4 =	vle.f32 v48, v23;
	s30 =	spop (v2sf);
	(v2sf) =	vpush v17, $0x5;
	v34 =	vadd.f32 $-1.000000000e+00, v58  }
0x153: {  	vm1 =	vmand vm15, vm4;
	vm5 =	vlt.f32 v26, v31;
	v52 =	vadd.f32 v22, v36  }
0x154: {  	vm6 =	vmand vm5, vm1;
	v31 =	vadd.f32 v39, v35;
	v22 =	vmul.f32 v34, v37  }
0x155: {  	v23 =	vsel vm14, v28, v51;
	v28 =	vmul.f32 v34, v63;
	v24 =	vsel vm6, v27, v62  }
0x156: {  	v53 =	vld [tilespmem:s28+$0x3030];
	v27 =	vmul.f32 v39, v37;
	v39 =	vadd.f32 $-1.000000000e+00, v31;
	vm7 =	vge.f32 v52, v22  }
0x157: {  	vm8 =	vle.f32 v52, v28;
	v22 =	vmul.f32 v52, v45;
	v28 =	vmul.f32 v34, v44  }
0x158: {  	v26 =	vsel vm6, v48, v61;
	v27 =	vadd.f32 v27, v38;
	v59 =	vmul.f32 v39, v37  }
0x159: {  	vm0 =	vmand vm7, vm8;
	v61 =	vmul.f32 v39, v63;
	vm9 =	vlt.f32 v22, v28  }
0x15a: {  	v22 =	vmul.f32 v27, v54;
	v28 =	vmul.f32 v39, v46;
	vm10 =	vge.f32 v27, v59  }
0x15b: {  	vm11 =	vle.f32 v27, v61;
	v59 =	vadd.f32 v53, v25;
	v25 =	vld [tilespmem:s29+$0x3000];
	vm0 =	vmand vm9, vm0  }
0x15c: {  	vm12 =	vmand vm10, vm11;
	vm13 =	vlt.f32 v22, v28;
	v28 =	vmul.f32 v53, v37  }
0x15d: {  	v61 =	vsel vm0, v52, v44;
	vm1 =	vmand vm13, vm12;
	v38 =	vadd.f32 $-1.000000000e+00, v59  }
0x15e: {  	v36 =	vsel vm0, v34, v45;
	v44 =	vbroadcast v15, $0x4;
	v22 =	vsel vm1, v27, v46  }
0x15f: {  	v53 =	vadd.f32 v28, v29;
	v34 =	vsel vm1, v39, v54;
	v29 =	vmul.f32 v38, v37  }
0x160: {  	v62 =	vmul.f32 v38, v63;
	v63 =	vld [tilespmem:s29+$0x3010];
	v51 =	vmul.f32 v38, v49;
	v28 =	vadd.f32 v25, v47  }
0x161: {  	v25 =	vmul.f32 v25, v44;
	vm14 =	vge.f32 v53, v29;
	v29 =	vmul.f32 v53, v55  }
0x162: {  	v47 =	vbroadcast v14, $0x4;
	vm15 =	vle.f32 v53, v62;
	v45 =	vadd.f32 $-1.000000000e+00, v28  }
0x163: {  	s31 =	spop (v2sf);
	(v2sf) =	vpush v16, $0x5;
	vm0 =	vmand vm14, vm15;
	vm4 =	vlt.f32 v29, v51  }
0x164: {  	v39 =	vadd.f32 v25, v40;
	v29 =	vld [tilespmem:s29+$0x3020];
	v25 =	vmul.f32 v45, v44;
	vm0 =	vmand vm4, vm0  }
0x165: {  	v54 =	vmul.f32 v45, v47;
	v35 =	vadd.f32 v63, v30;
	v30 =	vmul.f32 v45, v19  }
0x166: {  	v37 =	vmul.f32 v63, v44;
	v62 =	vsel vm0, v53, v49;
	vm5 =	vge.f32 v39, v25  }
0x167: {  	v25 =	vmul.f32 v39, v18;
	vm6 =	vle.f32 v39, v54;
	v40 =	vadd.f32 $-1.000000000e+00, v35  }
0x168: {  	v51 =	vsel vm0, v38, v55;
	v37 =	vadd.f32 v37, v32;
	vm1 =	vmand vm5, vm6  }
0x169: {  	vm7 =	vlt.f32 v25, v30;
	v25 =	vmul.f32 v40, v44;
	v32 =	vadd.f32 v29, v56  }
0x16a: {  	v30 =	vld [tilespmem:s29+$0x3030];
	v56 =	vmul.f32 v40, v47;
	v46 =	vmul.f32 v40, v20;
	vm8 =	vmand vm7, vm1  }
0x16b: {  	vm9 =	vge.f32 v37, v25;
	v25 =	vmul.f32 v29, v44;
	v49 =	vadd.f32 $-1.000000000e+00, v32  }
0x16c: {  	vm10 =	vle.f32 v37, v56;
	v29 =	vmul.f32 v37, v41;
	v0 =	vsel vm8, v45, v18  }
0x16d: {  	vm1 =	vmand vm9, vm10;
	v38 =	vadd.f32 v25, v57;
	v57 =	vmul.f32 v49, v44  }
0x16e: {  	v63 =	vmul.f32 v49, v47;
	vm11 =	vlt.f32 v29, v46;
	v46 =	vmul.f32 v49, v60  }
0x16f: {  	v25 =	vadd.f32 v30, v42;
	v30 =	vmul.f32 v30, v44;
	vm1 =	vmand vm11, vm1  }
0x170: {  	vm12 =	vge.f32 v38, v57;
	vm13 =	vle.f32 v38, v63;
	v29 =	vmul.f32 v38, v33  }
0x171: {  	v57 =	vld [tilespmem:s30+$0x3000];
	v63 =	vsel vm8, v39, v19;
	v45 =	vsel vm1, v40, v41;
	v55 =	vadd.f32 $-1.000000000e+00, v25  }
0x172: {  	v18 =	vld [tilespmem:s30+$0x3010];
	v41 =	vbroadcast v13, $0x4;
	vm14 =	vmand vm12, vm13;
	vm15 =	vlt.f32 v29, v46  }
0x173: {  	v29 =	vadd.f32 v30, v43;
	s24 =	spop (v2sf);
	(v2sf) =	vpush v17, $0x6;
	v19 =	vmul.f32 v55, v44  }
0x174: {  	v44 =	vsel vm1, v37, v20;
	vm6 =	vmand vm15, vm14;
	v30 =	vmul.f32 v55, v21  }
0x175: {  	v46 =	vsel vm6, v38, v60;
	v20 =	vmul.f32 v29, v23;
	v54 =	vsel vm6, v49, v33  }
0x176: {  	v60 =	vld [tilespmem:s30+$0x3020];
	vm7 =	vge.f32 v29, v19;
	v19 =	vmul.f32 v55, v47;
	v47 =	vadd.f32 v57, v50  }
0x177: {  	vm9 =	vlt.f32 v20, v30;
	v30 =	vadd.f32 v18, v58;
	v18 =	vmul.f32 v18, v41  }
0x178: {  	vm8 =	vle.f32 v29, v19;
	v19 =	vmul.f32 v57, v41;
	v42 =	vadd.f32 $-1.000000000e+00, v47  }
0x179: {  	v50 =	vbroadcast v12, $0x4;
	vm1 =	vmand vm7, vm8;
	v33 =	vadd.f32 v18, v52  }
0x17a: {  	v40 =	vadd.f32 v19, v48;
	v19 =	vmul.f32 v42, v41;
	vm10 =	vmand vm9, vm1  }
0x17b: {  	v20 =	vmul.f32 v42, v50;
	v48 =	vadd.f32 $-1.000000000e+00, v30;
	v56 =	vadd.f32 v60, v31  }
0x17c: {  	v55 =	vsel vm10, v55, v23;
	v23 =	vmul.f32 v60, v41;
	vm11 =	vge.f32 v40, v19  }
0x17d: {  	vm12 =	vle.f32 v40, v20;
	v19 =	vmul.f32 v40, v24;
	v20 =	vmul.f32 v42, v26  }
0x17e: {  	v49 =	vsel vm10, v29, v21;
	v21 =	vld [tilespmem:s30+$0x3030];
	v18 =	vmul.f32 v48, v41;
	v58 =	vmul.f32 v48, v50  }
0x17f: {  	v60 =	vbroadcast v15, $0x5;
	vm1 =	vmand vm11, vm12;
	v57 =	vadd.f32 v23, v27  }
0x180: {  	vm13 =	vlt.f32 v19, v20;
	vm14 =	vge.f32 v33, v18;
	vm15 =	vle.f32 v33, v58  }
0x181: {  	v18 =	vmul.f32 v33, v36;
	v20 =	vmul.f32 v48, v61;
	vm1 =	vmand vm13, vm1  }
0x182: {  	vm5 =	vmand vm14, vm15;
	v19 =	vsel vm1, v40, v26;
	v26 =	vadd.f32 $-1.000000000e+00, v56  }
0x183: {  	vm6 =	vlt.f32 v18, v20;
	v18 =	vsel vm1, v42, v24;
	v42 =	vadd.f32 v21, v59  }
0x184: {  	v21 =	vmul.f32 v21, v41;
	vm0 =	vmand vm6, vm5;
	v23 =	vmul.f32 v26, v41  }
0x185: {  	v59 =	vld [tilespmem:s31+$0x3000];
	v20 =	vsel vm0, v33, v61;
	v24 =	vmul.f32 v26, v50;
	v27 =	vadd.f32 $-1.000000000e+00, v42  }
0x186: {  	v31 =	vmul.f32 v26, v22;
	v43 =	vadd.f32 v21, v53;
	vm7 =	vge.f32 v57, v23  }
0x187: {  	v23 =	vmul.f32 v57, v34;
	vm8 =	vle.f32 v57, v24;
	v21 =	vmul.f32 v27, v41  }
0x188: {  	s25 =	spop (v2sf);
	(v2sf) =	vpush v16, $0x6;
	v41 =	vsel vm0, v48, v36;
	v24 =	vld [tilespmem:s31+$0x3010];
	vm1 =	vmand vm7, vm8  }
0x189: {  	vm9 =	vlt.f32 v23, v31;
	v23 =	vmul.f32 v27, v50;
	vm11 =	vge.f32 v43, v21  }
0x18a: {  	v21 =	vmul.f32 v43, v51;
	v50 =	vadd.f32 v59, v28;
	vm10 =	vmand vm9, vm1  }
0x18b: {  	vm12 =	vle.f32 v43, v23;
	v23 =	vmul.f32 v27, v62;
	v61 =	vsel vm10, v57, v22  }
0x18c: {  	v22 =	vmul.f32 v59, v60;
	v28 =	vadd.f32 $-1.000000000e+00, v50;
	v34 =	vsel vm10, v26, v34  }
0x18d: {  	vm1 =	vmand vm11, vm12;
	v58 =	vadd.f32 v24, v35;
	vm13 =	vlt.f32 v21, v23  }
0x18e: {  	v48 =	vadd.f32 v22, v39;
	v22 =	vmul.f32 v28, v60;
	vm14 =	vmand vm13, vm1  }
0x18f: {  	v23 =	vmul.f32 v28, v1;
	v31 =	vmul.f32 v28, v63;
	v21 =	vsel vm14, v43, v62;
	v62 =	vld [tilespmem:s31+$0x3020]  }
0x190: {  	v35 =	vadd.f32 $-1.000000000e+00, v58;
	v26 =	vmul.f32 v48, v0;
	vm15 =	vge.f32 v48, v22  }
0x191: {  	vm4 =	vle.f32 v48, v23;
	v22 =	vmul.f32 v24, v60;
	v23 =	vsel vm14, v27, v51  }
0x192: {  	vm1 =	vmand vm15, vm4;
	v27 =	vmul.f32 v35, v1;
	vm5 =	vlt.f32 v26, v31  }
0x193: {  	v52 =	vadd.f32 v22, v37;
	v22 =	vmul.f32 v35, v60;
	vm6 =	vmand vm5, vm1  }
0x194: {  	v26 =	vsel vm6, v48, v63;
	v24 =	vsel vm6, v28, v0;
	v31 =	vadd.f32 v62, v32  }
0x195: {  	v28 =	vld [tilespmem:s31+$0x3030];
	vm7 =	vge.f32 v52, v22;
	vm8 =	vle.f32 v52, v27;
	v22 =	vmul.f32 v52, v45  }
0x196: {  	v63 =	vmul.f32 v35, v44;
	v0 =	vmul.f32 v62, v60;
	v32 =	vadd.f32 $-1.000000000e+00, v31  }
0x197: {  	vm0 =	vmand vm7, vm8;
	s26 =	spop (v2sf);
	(v2sf) =	vpush v17, $0x7  }
0x198: {  	vm9 =	vlt.f32 v22, v63;
	v27 =	vadd.f32 v0, v38;
	v0 =	vmul.f32 v32, v60  }
0x199: {  	vm0 =	vmand vm9, vm0;
	v51 =	vmul.f32 v32, v1  }
0x19a: {  	v22 =	vmul.f32 v27, v54;
	v59 =	vadd.f32 v28, v25;
	vm10 =	vge.f32 v27, v0;
	v0 =	vld [tilespmem:s24+$0x3000]  }
0x19b: {  	v62 =	vsel vm0, v52, v44;
	v53 =	vmul.f32 v32, v46;
	v25 =	vmul.f32 v28, v60  }
0x19c: {  	v36 =	vsel vm0, v35, v45;
	vm11 =	vle.f32 v27, v51;
	v38 =	vadd.f32 $-1.000000000e+00, v59  }
0x19d: {  	vm13 =	vlt.f32 v22, v53;
	v53 =	vadd.f32 v25, v29;
	v29 =	vld [tilespmem:s24+$0x3010];
	vm12 =	vmand vm10, vm11  }
0x19e: {  	vm1 =	vmand vm13, vm12;
	v25 =	vmul.f32 v38, v60;
	v1 =	vmul.f32 v38, v1  }
0x19f: {  	v44 =	vbroadcast v13, $0x5;
	v22 =	vsel vm1, v27, v46;
	v28 =	vadd.f32 v0, v47  }
0x1a0: {  	vm14 =	vge.f32 v53, v25;
	vm15 =	vle.f32 v53, v1;
	v1 =	vmul.f32 v53, v55  }
0x1a1: {  	v25 =	vmul.f32 v38, v49;
	v0 =	vmul.f32 v0, v44;
	v45 =	vadd.f32 $-1.000000000e+00, v28  }
0x1a2: {  	vm0 =	vmand vm14, vm15;
	v47 =	vbroadcast v12, $0x5;
	v35 =	vadd.f32 v29, v30  }
0x1a3: {  	vm4 =	vlt.f32 v1, v25;
	v39 =	vadd.f32 v0, v40;
	v0 =	vmul.f32 v45, v44  }
0x1a4: {  	v32 =	vsel vm1, v32, v54;
	v1 =	vld [tilespmem:s24+$0x3020];
	vm0 =	vmand vm4, vm0;
	v25 =	vmul.f32 v45, v47  }
0x1a5: {  	v54 =	vadd.f32 $-1.000000000e+00, v35;
	v30 =	vmul.f32 v45, v19;
	vm5 =	vge.f32 v39, v0  }
0x1a6: {  	v0 =	vmul.f32 v39, v18;
	vm6 =	vle.f32 v39, v25;
	v25 =	vmul.f32 v29, v44  }
0x1a7: {  	v51 =	vsel vm0, v38, v55;
	s28 =	spop (v2sf);
	(v2sf) =	vpush v16, $0x7;
	vm1 =	vmand vm5, vm6  }
0x1a8: {  	vm7 =	vlt.f32 v0, v30;
	v37 =	vadd.f32 v25, v33;
	v0 =	vmul.f32 v54, v44  }
0x1a9: {  	v29 =	vld [tilespmem:s24+$0x3030];
	v33 =	vadd.f32 v1, v56;
	v25 =	vmul.f32 v54, v47;
	v30 =	vmul.f32 v54, v20  }
0x1aa: {  	vm8 =	vmand vm7, vm1;
	vm9 =	vge.f32 v37, v0;
	v0 =	vmul.f32 v1, v44  }
0x1ab: {  	v1 =	vadd.f32 $-1.000000000e+00, v33;
	vm10 =	vle.f32 v37, v25;
	v25 =	vmul.f32 v37, v41  }
0x1ac: {  	v63 =	vsel vm8, v39, v19;
	v2 =	vsel vm8, v45, v18;
	vm1 =	vmand vm9, vm10  }
0x1ad: {  	v38 =	vadd.f32 v0, v57;
	v0 =	vmul.f32 v1, v44;
	v56 =	vmul.f32 v1, v47  }
0x1ae: {  	vm11 =	vlt.f32 v25, v30;
	v25 =	vadd.f32 v29, v42;
	v30 =	vmul.f32 v1, v61  }
0x1af: {  	v29 =	vmul.f32 v29, v44;
	v57 =	vld [tilespmem:s25+$0x3000];
	vm1 =	vmand vm11, vm1;
	vm12 =	vge.f32 v38, v0  }
0x1b0: {  	vm13 =	vle.f32 v38, v56;
	v0 =	vmul.f32 v38, v34;
	v42 =	vadd.f32 $-1.000000000e+00, v25  }
0x1b1: {  	v29 =	vadd.f32 v29, v43;
	v45 =	vsel vm1, v54, v41;
	v41 =	vbroadcast v15, $0x6  }
0x1b2: {  	vm14 =	vmand vm12, vm13;
	vm15 =	vlt.f32 v0, v30;
	v0 =	vmul.f32 v42, v44  }
0x1b3: {  	v44 =	vsel vm1, v37, v20;
	v18 =	vmul.f32 v42, v47;
	v19 =	vmul.f32 v29, v23  }
0x1b4: {  	vm6 =	vmand vm15, vm14;
	v47 =	vadd.f32 v57, v50;
	vm7 =	vge.f32 v29, v0;
	v0 =	vld [tilespmem:s25+$0x3010]  }
0x1b5: {  	v20 =	vmul.f32 v42, v21;
	v50 =	vbroadcast v14, $0x6;
	v46 =	vsel vm6, v38, v61  }
0x1b6: {  	vm8 =	vle.f32 v29, v18;
	v18 =	vmul.f32 v57, v41;
	v43 =	vadd.f32 $-1.000000000e+00, v47  }
0x1b7: {  	vm9 =	vlt.f32 v19, v20;
	v54 =	vsel vm6, v1, v34;
	s29 =	spop (v2sf);
	(v2sf) =	vpush v17, $0x8  }
0x1b8: {  	v40 =	vadd.f32 v18, v48;
	v18 =	vmul.f32 v43, v41;
	v1 =	vmul.f32 v43, v50  }
0x1b9: {  	vm1 =	vmand vm7, vm8;
	v19 =	vmul.f32 v43, v26;
	v30 =	vadd.f32 v0, v58  }
0x1ba: {  	vm11 =	vge.f32 v40, v18;
	v18 =	vld [tilespmem:s25+$0x3020];
	vm12 =	vle.f32 v40, v1;
	v1 =	vmul.f32 v40, v24  }
0x1bb: {  	vm10 =	vmand vm9, vm1;
	v0 =	vmul.f32 v0, v41;
	v61 =	vadd.f32 $-1.000000000e+00, v30  }
0x1bc: {  	v60 =	vsel vm0, v53, v49;
	v49 =	vsel vm10, v29, v21;
	vm13 =	vlt.f32 v1, v19;
	v1 =	vld [tilespmem:s25+$0x3030]  }
0x1bd: {  	vm1 =	vmand vm11, vm12;
	v34 =	vadd.f32 v0, v52;
	v0 =	vmul.f32 v61, v41  }
0x1be: {  	v55 =	vsel vm10, v42, v23;
	vm1 =	vmand vm13, vm1;
	v20 =	vmul.f32 v61, v50  }
0x1bf: {  	v19 =	vsel vm1, v40, v26;
	v56 =	vadd.f32 v18, v31;
	vm14 =	vge.f32 v34, v0  }
0x1c0: {  	vm15 =	vle.f32 v34, v20;
	v0 =	vmul.f32 v34, v36;
	v20 =	vmul.f32 v61, v62  }
0x1c1: {  	vm5 =	vmand vm14, vm15;
	v21 =	vadd.f32 $-1.000000000e+00, v56;
	v42 =	vadd.f32 v1, v59  }
0x1c2: {  	v1 =	vmul.f32 v1, v41;
	vm6 =	vlt.f32 v0, v20;
	v0 =	vmul.f32 v18, v41  }
0x1c3: {  	v18 =	vsel vm1, v43, v24;
	vm0 =	vmand vm6, vm5;
	v23 =	vmul.f32 v21, v50  }
0x1c4: {  	v24 =	vadd.f32 $-1.000000000e+00, v42;
	v57 =	vadd.f32 v0, v27;
	v0 =	vmul.f32 v21, v41  }
0x1c5: {  	v26 =	vmul.f32 v21, v22;
	v43 =	vadd.f32 v1, v53;
	v20 =	vsel vm0, v34, v62;
	v27 =	vld [tilespmem:s26+$0x3000]  }
0x1c6: {  	v1 =	vmul.f32 v24, v41;
	vm7 =	vge.f32 v57, v0;
	v0 =	vmul.f32 v57, v32  }
0x1c7: {  	s30 =	spop (v2sf);
	(v2sf) =	vpush v16, $0x8;
	vm8 =	vle.f32 v57, v23;
	v23 =	vmul.f32 v24, v60  }
0x1c8: {  	vm1 =	vmand vm7, vm8;
	vm9 =	vlt.f32 v0, v26;
	v0 =	vmul.f32 v24, v50  }
0x1c9: {  	vm11 =	vge.f32 v43, v1;
	v1 =	vmul.f32 v43, v51;
	vm10 =	vmand vm9, vm1  }
0x1ca: {  	v26 =	vld [tilespmem:s26+$0x3010];
	v50 =	vadd.f32 v27, v28;
	vm12 =	vle.f32 v43, v0;
	v0 =	vbroadcast v13, $0x6  }
0x1cb: {  	v41 =	vsel vm0, v61, v36;
	vm13 =	vlt.f32 v1, v23;
	v61 =	vsel vm10, v57, v22  }
0x1cc: {  	vm1 =	vmand vm11, vm12;
	v1 =	vadd.f32 $-1.000000000e+00, v50;
	v22 =	vmul.f32 v27, v0  }
0x1cd: {  	v28 =	vbroadcast v12, $0x6;
	v32 =	vsel vm10, v21, v32;
	vm14 =	vmand vm13, vm1  }
0x1ce: {  	v27 =	vld [tilespmem:s26+$0x3020];
	v21 =	vsel vm14, v43, v60;
	v48 =	vadd.f32 v22, v39;
	v22 =	vmul.f32 v1, v0  }
0x1cf: {  	v23 =	vmul.f32 v1, v28;
	v60 =	vmul.f32 v1, v63;
	v58 =	vadd.f32 v26, v35  }
0x1d0: {  	v31 =	vmul.f32 v48, v2;
	vm15 =	vge.f32 v48, v22;
	v22 =	vmul.f32 v26, v0  }
0x1d1: {  	v35 =	vadd.f32 $-1.000000000e+00, v58;
	vm4 =	vle.f32 v48, v23;
	v23 =	vsel vm14, v24, v51  }
0x1d2: {  	vm1 =	vmand vm15, vm4;
	vm5 =	vlt.f32 v31, v60;
	v52 =	vadd.f32 v22, v37  }
0x1d3: {  	v22 =	vmul.f32 v35, v0;
	v31 =	vadd.f32 v27, v33;
	vm6 =	vmand vm5, vm1  }
0x1d4: {  	v62 =	vmul.f32 v35, v28;
	v26 =	vsel vm6, v48, v63;
	v24 =	vsel vm6, v1, v2;
	v2 =	vld [tilespmem:s26+$0x3030]  }
0x1d5: {  	v1 =	vmul.f32 v27, v0;
	vm7 =	vge.f32 v52, v22;
	v33 =	vadd.f32 $-1.000000000e+00, v31  }
0x1d6: {  	vm8 =	vle.f32 v52, v62;
	v22 =	vmul.f32 v52, v45;
	v63 =	vmul.f32 v35, v44  }
0x1d7: {  	s31 =	spop (v2sf);
	(v2sf) =	vpush v17, $0x9;
	v27 =	vadd.f32 v1, v38;
	v1 =	vmul.f32 v33, v0  }
0x1d8: {  	vm0 =	vmand vm7, vm8;
	v51 =	vmul.f32 v33, v28;
	vm9 =	vlt.f32 v22, v63  }
0x1d9: {  	v53 =	vmul.f32 v33, v46;
	vm10 =	vge.f32 v27, v1;
	v1 =	vld [tilespmem:s28+$0x3000];
	v59 =	vadd.f32 v2, v25  }
0x1da: {  	vm0 =	vmand vm9, vm0;
	v22 =	vmul.f32 v27, v54;
	vm11 =	vle.f32 v27, v51  }
0x1db: {  	v60 =	vsel vm0, v52, v44;
	v2 =	vmul.f32 v2, v0;
	v25 =	vadd.f32 $-1.000000000e+00, v59  }
0x1dc: {  	v44 =	vbroadcast v15, $0x7;
	vm12 =	vmand vm10, vm11;
	vm13 =	vlt.f32 v22, v53  }
0x1dd: {  	v53 =	vadd.f32 v2, v29;
	v0 =	vmul.f32 v25, v0;
	v2 =	vmul.f32 v25, v28  }
0x1de: {  	v36 =	vsel vm0, v35, v45;
	vm1 =	vmand vm13, vm12;
	v29 =	vld [tilespmem:s28+$0x3010];
	v28 =	vadd.f32 v1, v47  }
0x1df: {  	v1 =	vmul.f32 v1, v44;
	vm14 =	vge.f32 v53, v0;
	vm15 =	vle.f32 v53, v2  }
0x1e0: {  	v0 =	vmul.f32 v53, v55;
	v2 =	vmul.f32 v25, v49;
	v45 =	vadd.f32 $-1.000000000e+00, v28  }
0x1e1: {  	v33 =	vsel vm1, v33, v54;
	v47 =	vbroadcast v14, $0x7;
	v39 =	vadd.f32 v1, v40  }
0x1e2: {  	v1 =	vld [tilespmem:s28+$0x3020];
	vm0 =	vmand vm14, vm15;
	vm4 =	vlt.f32 v0, v2;
	v0 =	vmul.f32 v45, v44  }
0x1e3: {  	v35 =	vadd.f32 v29, v30;
	v2 =	vmul.f32 v45, v47;
	v30 =	vmul.f32 v45, v19  }
0x1e4: {  	vm0 =	vmand vm4, vm0;
	vm5 =	vge.f32 v39, v0;
	v0 =	vmul.f32 v39, v18  }
0x1e5: {  	v54 =	vadd.f32 $-1.000000000e+00, v35;
	vm6 =	vle.f32 v39, v2;
	v2 =	vmul.f32 v29, v44  }
0x1e6: {  	v22 =	vsel vm1, v27, v46;
	v51 =	vsel vm0, v25, v55;
	vm7 =	vlt.f32 v0, v30  }
0x1e7: {  	v37 =	vadd.f32 v2, v34;
	v0 =	vmul.f32 v54, v44;
	v34 =	vadd.f32 v1, v56;
	v2 =	vld [tilespmem:s28+$0x3030]  }
0x1e8: {  	s24 =	spop (v2sf);
	(v2sf) =	vpush v16, $0x9;
	vm1 =	vmand vm5, vm6;
	v25 =	vmul.f32 v54, v47  }
0x1e9: {  	vm9 =	vge.f32 v37, v0;
	v0 =	vmul.f32 v1, v44;
	v1 =	vadd.f32 $-1.000000000e+00, v34  }
0x1ea: {  	v29 =	vmul.f32 v54, v20;
	vm10 =	vle.f32 v37, v25;
	v25 =	vmul.f32 v37, v41  }
0x1eb: {  	vm8 =	vmand vm7, vm1;
	v38 =	vadd.f32 v0, v57;
	v0 =	vmul.f32 v1, v44  }
0x1ec: {  	v30 =	vmul.f32 v1, v47;
	vm11 =	vlt.f32 v25, v29;
	v25 =	vadd.f32 v2, v42  }
0x1ed: {  	vm1 =	vmand vm9, vm10;
	v29 =	vmul.f32 v1, v61;
	v2 =	vmul.f32 v2, v44  }
0x1ee: {  	vm12 =	vge.f32 v38, v0;
	v0 =	vmul.f32 v38, v32;
	v42 =	vadd.f32 $-1.000000000e+00, v25  }
0x1ef: {  	v63 =	vsel vm8, v39, v19;
	vm1 =	vmand vm11, vm1;
	vm13 =	vle.f32 v38, v30;
	v30 =	vld [tilespmem:s29+$0x3000]  }
0x1f0: {  	vm15 =	vlt.f32 v0, v29;
	v29 =	vadd.f32 v2, v43;
	v0 =	vmul.f32 v42, v44  }
0x1f1: {  	vm14 =	vmand vm12, vm13;
	v2 =	vsel vm8, v45, v18;
	v45 =	vsel vm1, v54, v41  }
0x1f2: {  	v41 =	vbroadcast v13, $0x7;
	v44 =	vsel vm1, v37, v20;
	vm7 =	vge.f32 v29, v0;
	v0 =	vld [tilespmem:s29+$0x3010]  }
0x1f3: {  	vm6 =	vmand vm15, vm14;
	v18 =	vmul.f32 v42, v47;
	v20 =	vmul.f32 v42, v21  }
0x1f4: {  	v46 =	vsel vm6, v38, v61;
	v19 =	vmul.f32 v29, v23;
	v47 =	vadd.f32 v30, v50  }
0x1f5: {  	v54 =	vsel vm6, v1, v32;
	vm8 =	vle.f32 v29, v18;
	v18 =	vmul.f32 v30, v41  }
0x1f6: {  	v50 =	vbroadcast v12, $0x7;
	vm1 =	vmand vm7, vm8;
	v43 =	vadd.f32 $-1.000000000e+00, v47  }
0x1f7: {  	vm9 =	vlt.f32 v19, v20;
	v40 =	vadd.f32 v18, v48;
	v30 =	vadd.f32 v0, v58  }
0x1f8: {  	vm10 =	vmand vm9, vm1;
	v18 =	vmul.f32 v43, v41;
	v1 =	vmul.f32 v43, v50  }
0x1f9: {  	s25 =	spop (v2sf);
	(v2sf) =	vpush v17, $0xA;
	v0 =	vmul.f32 v0, v41;
	v61 =	vadd.f32 $-1.000000000e+00, v30  }
0x1fa: {  	v19 =	vmul.f32 v43, v26;
	vm11 =	vge.f32 v40, v18;
	v18 =	vld [tilespmem:s29+$0x3020];
	vm12 =	vle.f32 v40, v1  }
0x1fb: {  	v1 =	vmul.f32 v40, v24;
	v32 =	vadd.f32 v0, v52;
	v0 =	vmul.f32 v61, v41  }
0x1fc: {  	v62 =	vsel vm0, v53, v49;
	v49 =	vsel vm10, v29, v21;
	v20 =	vmul.f32 v61, v50  }
0x1fd: {  	vm1 =	vmand vm11, vm12;
	vm13 =	vlt.f32 v1, v19;
	v1 =	vld [tilespmem:s29+$0x3030];
	vm14 =	vge.f32 v32, v0  }
0x1fe: {  	vm15 =	vle.f32 v32, v20;
	v0 =	vmul.f32 v32, v36;
	v20 =	vmul.f32 v61, v60  }
0x1ff: {  	v55 =	vsel vm10, v42, v23;
	vm1 =	vmand vm13, vm1;
	v56 =	vadd.f32 v18, v31  }
0x200: {  	v19 =	vsel vm1, v40, v26;
	vm5 =	vmand vm14, vm15;
	vm6 =	vlt.f32 v0, v20  }
0x201: {  	v0 =	vmul.f32 v18, v41;
	v21 =	vadd.f32 $-1.000000000e+00, v56;
	v18 =	vsel vm1, v43, v24  }
0x202: {  	v42 =	vadd.f32 v1, v59;
	v1 =	vmul.f32 v1, v41;
	vm0 =	vmand vm6, vm5  }
0x203: {  	v20 =	vsel vm0, v32, v60;
	v57 =	vadd.f32 v0, v27;
	v0 =	vmul.f32 v21, v41  }
0x204: {  	v23 =	vmul.f32 v21, v50;
	v24 =	vadd.f32 $-1.000000000e+00, v42;
	v26 =	vmul.f32 v21, v22  }
0x205: {  	v27 =	vld [tilespmem:s30+$0x3000];
	v43 =	vadd.f32 v1, v53;
	vm7 =	vge.f32 v57, v0;
	v0 =	vmul.f32 v57, v33  }
0x206: {  	vm8 =	vle.f32 v57, v23;
	v1 =	vmul.f32 v24, v41;
	v41 =	vsel vm0, v61, v36  }
0x207: {  	v23 =	vmul.f32 v24, v62;
	vm9 =	vlt.f32 v0, v26;
	v0 =	vmul.f32 v24, v50  }
0x208: {  	s26 =	spop (v2sf);
	(v2sf) =	vpush v16, $0xA;
	vm1 =	vmand vm7, vm8;
	vm11 =	vge.f32 v43, v1;
	v26 =	vld [tilespmem:s30+$0x3010]  }
0x209: {  	v1 =	vmul.f32 v43, v51;
	vm12 =	vle.f32 v43, v0;
	v0 =	vbroadcast v15, $0x8  }
0x20a: {  	vm10 =	vmand vm9, vm1;
	v50 =	vadd.f32 v27, v28;
	v28 =	vbroadcast v14, $0x8  }
0x20b: {  	v60 =	vsel vm10, v57, v22;
	vm13 =	vlt.f32 v1, v23;
	v22 =	vmul.f32 v27, v0  }
0x20c: {  	v33 =	vsel vm10, v21, v33;
	vm1 =	vmand vm11, vm12;
	v1 =	vadd.f32 $-1.000000000e+00, v50  }
0x20d: {  	vm14 =	vmand vm13, vm1;
	v58 =	vadd.f32 v26, v35;
	v48 =	vadd.f32 v22, v39  }
0x20e: {  	v27 =	vld [tilespmem:s30+$0x3020];
	v21 =	vsel vm14, v43, v62;
	v23 =	vmul.f32 v1, v28;
	v22 =	vmul.f32 v1, v0  }
0x20f: {  	v61 =	vmul.f32 v1, v63;
	v35 =	vadd.f32 $-1.000000000e+00, v58;
	v31 =	vmul.f32 v48, v2  }
0x210: {  	vm15 =	vge.f32 v48, v22;
	vm4 =	vle.f32 v48, v23;
	v22 =	vmul.f32 v26, v0  }
0x211: {  	v23 =	vsel vm14, v24, v51;
	vm1 =	vmand vm15, vm4;
	vm5 =	vlt.f32 v31, v61  }
0x212: {  	v52 =	vadd.f32 v22, v37;
	v22 =	vmul.f32 v35, v0;
	vm6 =	vmand vm5, vm1  }
0x213: {  	v62 =	vmul.f32 v35, v28;
	v31 =	vadd.f32 v27, v34;
	v26 =	vsel vm6, v48, v63  }
0x214: {  	v24 =	vsel vm6, v1, v2;
	v1 =	vmul.f32 v27, v0;
	v2 =	vld [tilespmem:s30+$0x3030];
	vm7 =	vge.f32 v52, v22  }
0x215: {  	vm8 =	vle.f32 v52, v62;
	v34 =	vadd.f32 $-1.000000000e+00, v31;
	v22 =	vmul.f32 v52, v45  }
0x216: {  	v63 =	vmul.f32 v35, v44;
	vm0 =	vmand vm7, vm8;
	v27 =	vadd.f32 v1, v38  }
0x217: {  	s28 =	spop (v2sf);
	(v2sf) =	vpush v17, $0xB;
	v1 =	vmul.f32 v34, v0;
	v51 =	vmul.f32 v34, v28  }
0x218: {  	vm9 =	vlt.f32 v22, v63;
	v53 =	vmul.f32 v34, v46;
	v22 =	vmul.f32 v27, v54  }
0x219: {  	vm10 =	vge.f32 v27, v1;
	vm11 =	vle.f32 v27, v51;
	v1 =	vld [tilespmem:s31+$0x3000];
	v59 =	vadd.f32 v2, v25  }
0x21a: {  	vm0 =	vmand vm9, vm0;
	vm12 =	vmand vm10, vm11  }
0x21b: {  	v2 =	vmul.f32 v2, v0;
	vm13 =	vlt.f32 v22, v53;
	v25 =	vadd.f32 $-1.000000000e+00, v59  }
0x21c: {  	v61 =	vsel vm0, v52, v44;
	v44 =	vbroadcast v13, $0x8;
	vm1 =	vmand vm13, vm12  }
0x21d: {  	v53 =	vadd.f32 v2, v29;
	v0 =	vmul.f32 v25, v0;
	v2 =	vmul.f32 v25, v28  }
0x21e: {  	v36 =	vsel vm0, v35, v45;
	v29 =	vld [tilespmem:s31+$0x3010];
	v22 =	vsel vm1, v27, v46;
	v28 =	vadd.f32 v1, v47  }
0x21f: {  	v1 =	vmul.f32 v1, v44;
	vm14 =	vge.f32 v53, v0;
	vm15 =	vle.f32 v53, v2  }
0x220: {  	v0 =	vmul.f32 v53, v55;
	v2 =	vmul.f32 v25, v49;
	v45 =	vadd.f32 $-1.000000000e+00, v28  }
0x221: {  	v34 =	vsel vm1, v34, v54;
	v47 =	vbroadcast v12, $0x8;
	v39 =	vadd.f32 v1, v40  }
0x222: {  	v1 =	vld [tilespmem:s31+$0x3020];
	vm0 =	vmand vm14, vm15;
	vm4 =	vlt.f32 v0, v2;
	v0 =	vmul.f32 v45, v44  }
0x223: {  	v35 =	vadd.f32 v29, v30;
	v2 =	vmul.f32 v45, v47;
	v30 =	vmul.f32 v45, v19  }
0x224: {  	vm0 =	vmand vm4, vm0;
	vm5 =	vge.f32 v39, v0;
	v0 =	vmul.f32 v39, v18  }
0x225: {  	v54 =	vadd.f32 $-1.000000000e+00, v35;
	vm6 =	vle.f32 v39, v2;
	v2 =	vmul.f32 v29, v44  }
0x226: {  	v62 =	vsel vm0, v53, v49;
	v51 =	vsel vm0, v25, v55;
	vm7 =	vlt.f32 v0, v30  }
0x227: {  	v37 =	vadd.f32 v2, v32;
	v0 =	vmul.f32 v54, v44;
	v32 =	vadd.f32 v1, v56;
	v2 =	vld [tilespmem:s31+$0x3030]  }
0x228: {  	vm1 =	vmand vm5, vm6;
	v25 =	vmul.f32 v54, v47;
	s29 =	spop (v2sf);
	(v2sf) =	vpush v16, $0xB  }
0x229: {  	vm9 =	vge.f32 v37, v0;
	v0 =	vmul.f32 v1, v44;
	v1 =	vadd.f32 $-1.000000000e+00, v32  }
0x22a: {  	v29 =	vmul.f32 v54, v20;
	vm10 =	vle.f32 v37, v25;
	v25 =	vmul.f32 v37, v41  }
0x22b: {  	vm8 =	vmand vm7, vm1;
	v38 =	vadd.f32 v0, v57;
	v0 =	vmul.f32 v1, v44  }
0x22c: {  	v30 =	vmul.f32 v1, v47;
	vm11 =	vlt.f32 v25, v29;
	v25 =	vadd.f32 v2, v42  }
0x22d: {  	vm1 =	vmand vm9, vm10;
	v29 =	vmul.f32 v1, v60;
	v2 =	vmul.f32 v2, v44  }
0x22e: {  	vm12 =	vge.f32 v38, v0;
	v0 =	vmul.f32 v38, v33;
	v42 =	vadd.f32 $-1.000000000e+00, v25  }
0x22f: {  	v63 =	vsel vm8, v39, v19;
	vm1 =	vmand vm11, vm1;
	vm13 =	vle.f32 v38, v30;
	v30 =	vld [tilespmem:s24+$0x3000]  }
0x230: {  	vm15 =	vlt.f32 v0, v29;
	v29 =	vadd.f32 v2, v43;
	v0 =	vmul.f32 v42, v44  }
0x231: {  	vm14 =	vmand vm12, vm13;
	v2 =	vsel vm8, v45, v18;
	v45 =	vsel vm1, v54, v41  }
0x232: {  	v41 =	vbroadcast v15, $0x9;
	v44 =	vsel vm1, v37, v20;
	vm7 =	vge.f32 v29, v0;
	v0 =	vld [tilespmem:s24+$0x3010]  }
0x233: {  	vm6 =	vmand vm15, vm14;
	v18 =	vmul.f32 v42, v47;
	v20 =	vmul.f32 v42, v21  }
0x234: {  	v46 =	vsel vm6, v38, v60;
	v19 =	vmul.f32 v29, v23;
	v47 =	vadd.f32 v30, v50  }
0x235: {  	v54 =	vsel vm6, v1, v33;
	vm8 =	vle.f32 v29, v18;
	v18 =	vmul.f32 v30, v41  }
0x236: {  	v50 =	vbroadcast v14, $0x9;
	vm1 =	vmand vm7, vm8;
	v43 =	vadd.f32 $-1.000000000e+00, v47  }
0x237: {  	vm9 =	vlt.f32 v19, v20;
	v40 =	vadd.f32 v18, v48;
	v30 =	vadd.f32 v0, v58  }
0x238: {  	s30 =	spop (v2sf);
	(v2sf) =	vpush v17, $0xC;
	v18 =	vmul.f32 v43, v41;
	v1 =	vmul.f32 v43, v50  }
0x239: {  	v19 =	vmul.f32 v43, v26;
	v0 =	vmul.f32 v0, v41;
	v60 =	vadd.f32 $-1.000000000e+00, v30  }
0x23a: {  	vm11 =	vge.f32 v40, v18;
	v18 =	vld [tilespmem:s24+$0x3020];
	vm12 =	vle.f32 v40, v1;
	v1 =	vmul.f32 v40, v24  }
0x23b: {  	vm10 =	vmand vm9, vm1;
	v33 =	vadd.f32 v0, v52;
	v0 =	vmul.f32 v60, v41  }
0x23c: {  	vm1 =	vmand vm11, vm12;
	vm13 =	vlt.f32 v1, v19;
	v20 =	vmul.f32 v60, v50  }
0x23d: {  	v49 =	vsel vm10, v29, v21;
	v1 =	vld [tilespmem:s24+$0x3030];
	vm1 =	vmand vm13, vm1;
	vm14 =	vge.f32 v33, v0  }
0x23e: {  	vm15 =	vle.f32 v33, v20;
	v0 =	vmul.f32 v33, v36;
	v20 =	vmul.f32 v60, v61  }
0x23f: {  	v55 =	vsel vm10, v42, v23;
	v19 =	vsel vm1, v40, v26;
	v56 =	vadd.f32 v18, v31  }
0x240: {  	vm6 =	vmand vm14, vm15;
	vm7 =	vlt.f32 v0, v20;
	v0 =	vmul.f32 v18, v41  }
0x241: {  	v21 =	vadd.f32 $-1.000000000e+00, v56;
	v18 =	vsel vm1, v43, v24;
	vm0 =	vmand vm7, vm6  }
0x242: {  	v42 =	vadd.f32 v1, v59;
	v1 =	vmul.f32 v1, v41;
	v20 =	vsel vm0, v33, v61  }
0x243: {  	v57 =	vadd.f32 v0, v27;
	v0 =	vmul.f32 v21, v41;
	v23 =	vmul.f32 v21, v50  }
0x244: {  	v24 =	vadd.f32 $-1.000000000e+00, v42;
	v26 =	vmul.f32 v21, v22;
	v27 =	vld [tilespmem:s25+$0x3000];
	v43 =	vadd.f32 v1, v53  }
0x245: {  	vm8 =	vge.f32 v57, v0;
	v0 =	vmul.f32 v57, v34;
	vm9 =	vle.f32 v57, v23  }
0x246: {  	v1 =	vmul.f32 v24, v41;
	v23 =	vmul.f32 v24, v62;
	vm1 =	vmand vm8, vm9  }
0x247: {  	s31 =	spop (v2sf);
	(v2sf) =	vpush v16, $0xC;
	vm10 =	vlt.f32 v0, v26;
	v0 =	vmul.f32 v24, v50  }
0x248: {  	vm12 =	vge.f32 v43, v1;
	v1 =	vmul.f32 v43, v51;
	v26 =	vld [tilespmem:s25+$0x3010];
	vm11 =	vmand vm10, vm1  }
0x249: {  	v50 =	vadd.f32 v27, v28;
	vm13 =	vle.f32 v43, v0;
	v0 =	vbroadcast v13, $0x9  }
0x24a: {  	v41 =	vsel vm0, v60, v36;
	v60 =	vsel vm11, v57, v22;
	vm14 =	vlt.f32 v1, v23  }
0x24b: {  	vm1 =	vmand vm12, vm13;
	v1 =	vadd.f32 $-1.000000000e+00, v50;
	v22 =	vmul.f32 v27, v0  }
0x24c: {  	v28 =	vbroadcast v12, $0x9;
	v34 =	vsel vm11, v21, v34;
	vm15 =	vmand vm14, vm1  }
0x24d: {  	v58 =	vadd.f32 v26, v35;
	v48 =	vadd.f32 v22, v39;
	v22 =	vmul.f32 v1, v0  }
0x24e: {  	v27 =	vld [tilespmem:s25+$0x3020];
	v21 =	vsel vm15, v43, v62;
	v23 =	vmul.f32 v1, v28;
	v61 =	vmul.f32 v1, v63  }
0x24f: {  	v35 =	vadd.f32 $-1.000000000e+00, v58;
	v31 =	vmul.f32 v48, v2;
	vm4 =	vge.f32 v48, v22  }
0x250: {  	vm5 =	vle.f32 v48, v23;
	v22 =	vmul.f32 v26, v0;
	v23 =	vsel vm15, v24, v51  }
0x251: {  	vm1 =	vmand vm4, vm5;
	v62 =	vmul.f32 v35, v28;
	vm6 =	vlt.f32 v31, v61  }
0x252: {  	v52 =	vadd.f32 v22, v37;
	v22 =	vmul.f32 v35, v0;
	vm7 =	vmand vm6, vm1  }
0x253: {  	v31 =	vadd.f32 v27, v32;
	v26 =	vsel vm7, v48, v63;
	v24 =	vsel vm7, v1, v2  }
0x254: {  	v1 =	vmul.f32 v27, v0;
	v2 =	vld [tilespmem:s25+$0x3030];
	vm8 =	vge.f32 v52, v22;
	vm9 =	vle.f32 v52, v62  }
0x255: {  	v32 =	vadd.f32 $-1.000000000e+00, v31;
	v22 =	vmul.f32 v52, v45;
	v63 =	vmul.f32 v35, v44  }
0x256: {  	vm0 =	vmand vm8, vm9;
	v27 =	vadd.f32 v1, v38  }
0x257: {  	v1 =	vmul.f32 v32, v0;
	v51 =	vmul.f32 v32, v28;
	vm10 =	vlt.f32 v22, v63  }
0x258: {  	v53 =	vmul.f32 v32, v46;
	s24 =	spop (v2sf);
	(v2sf) =	vpush v17, $0xD;
	v22 =	vmul.f32 v27, v54  }
0x259: {  	vm11 =	vge.f32 v27, v1;
	vm12 =	vle.f32 v27, v51;
	v1 =	vld [tilespmem:s26+$0x3000];
	v59 =	vadd.f32 v2, v25  }
0x25a: {  	v63 =	vbroadcast v12, $0xA;
	vm0 =	vmand vm10, vm0;
	vm13 =	vmand vm11, vm12  }
0x25b: {  	v2 =	vmul.f32 v2, v0;
	vm14 =	vlt.f32 v22, v53;
	v25 =	vadd.f32 $-1.000000000e+00, v59  }
0x25c: {  	v61 =	vsel vm0, v52, v44;
	v44 =	vbroadcast v15, $0xA;
	vm1 =	vmand vm14, vm13  }
0x25d: {  	v53 =	vadd.f32 v2, v29;
	v0 =	vmul.f32 v25, v0;
	v2 =	vmul.f32 v25, v28  }
0x25e: {  	v36 =	vsel vm0, v35, v45;
	v29 =	vld [tilespmem:s26+$0x3010];
	v22 =	vsel vm1, v27, v46;
	v28 =	vadd.f32 v1, v47  }
0x25f: {  	v1 =	vmul.f32 v1, v44;
	vm15 =	vge.f32 v53, v0;
	vm4 =	vle.f32 v53, v2  }
0x260: {  	v0 =	vmul.f32 v53, v55;
	v2 =	vmul.f32 v25, v49;
	v45 =	vadd.f32 $-1.000000000e+00, v28  }
0x261: {  	v32 =	vsel vm1, v32, v54;
	v47 =	vbroadcast v14, $0xA;
	v39 =	vadd.f32 v1, v40  }
0x262: {  	v1 =	vld [tilespmem:s26+$0x3020];
	vm0 =	vmand vm15, vm4;
	vm5 =	vlt.f32 v0, v2;
	v0 =	vmul.f32 v45, v44  }
0x263: {  	v35 =	vadd.f32 v29, v30;
	v2 =	vmul.f32 v45, v47;
	v30 =	vmul.f32 v45, v19  }
0x264: {  	vm0 =	vmand vm5, vm0;
	vm6 =	vge.f32 v39, v0;
	v0 =	vmul.f32 v39, v18  }
0x265: {  	v54 =	vadd.f32 $-1.000000000e+00, v35;
	vm7 =	vle.f32 v39, v2;
	v2 =	vmul.f32 v29, v44  }
0x266: {  	v51 =	vsel vm0, v25, v55;
	vm1 =	vmand vm6, vm7;
	vm8 =	vlt.f32 v0, v30  }
0x267: {  	v37 =	vadd.f32 v2, v33;
	v0 =	vmul.f32 v54, v44;
	v33 =	vadd.f32 v1, v56;
	v2 =	vld [tilespmem:s26+$0x3030]  }
0x268: {  	v25 =	vmul.f32 v54, v47;
	v29 =	vmul.f32 v54, v20;
	s25 =	spop (v2sf);
	(v2sf) =	vpush v16, $0xD  }
0x269: {  	vm10 =	vge.f32 v37, v0;
	v0 =	vmul.f32 v1, v44;
	v1 =	vadd.f32 $-1.000000000e+00, v33  }
0x26a: {  	vm9 =	vmand vm8, vm1;
	vm11 =	vle.f32 v37, v25;
	v25 =	vmul.f32 v37, v41  }
0x26b: {  	vm1 =	vmand vm10, vm11;
	v38 =	vadd.f32 v0, v57;
	v0 =	vmul.f32 v1, v44  }
0x26c: {  	v30 =	vmul.f32 v1, v47;
	vm12 =	vlt.f32 v25, v29;
	v25 =	vadd.f32 v2, v42  }
0x26d: {  	v29 =	vmul.f32 v1, v60;
	v2 =	vmul.f32 v2, v44;
	vm13 =	vge.f32 v38, v0  }
0x26e: {  	vm14 =	vle.f32 v38, v30;
	v0 =	vmul.f32 v38, v34;
	v30 =	vld [tilespmem:s28+$0x3000];
	v42 =	vadd.f32 $-1.000000000e+00, v25  }
0x26f: {  	v62 =	vsel vm0, v53, v49;
	v57 =	vsel vm9, v39, v19;
	vm1 =	vmand vm12, vm1  }
0x270: {  	vm6 =	vlt.f32 v0, v29;
	v29 =	vadd.f32 v2, v43;
	v0 =	vmul.f32 v42, v44  }
0x271: {  	vm15 =	vmand vm13, vm14;
	v2 =	vsel vm9, v45, v18;
	v45 =	vsel vm1, v54, v41  }
0x272: {  	v41 =	vbroadcast v13, $0xA;
	v44 =	vsel vm1, v37, v20;
	vm8 =	vge.f32 v29, v0;
	v0 =	vld [tilespmem:s28+$0x3010]  }
0x273: {  	vm7 =	vmand vm6, vm15;
	v18 =	vmul.f32 v42, v47;
	v47 =	vadd.f32 v30, v50  }
0x274: {  	v20 =	vmul.f32 v42, v21;
	v46 =	vsel vm7, v38, v60;
	v19 =	vmul.f32 v29, v23  }
0x275: {  	vm9 =	vle.f32 v29, v18;
	v18 =	vmul.f32 v30, v41;
	v43 =	vadd.f32 $-1.000000000e+00, v47  }
0x276: {  	v54 =	vsel vm7, v1, v34;
	vm1 =	vmand vm8, vm9;
	vm10 =	vlt.f32 v19, v20  }
0x277: {  	v40 =	vadd.f32 v18, v48;
	v18 =	vmul.f32 v43, v41;
	v30 =	vadd.f32 v0, v58  }
0x278: {  	vm11 =	vmand vm10, vm1;
	v1 =	vmul.f32 v43, v63;
	v19 =	vmul.f32 v43, v26  }
0x279: {  	v0 =	vmul.f32 v0, v41;
	vm12 =	vge.f32 v40, v18;
	v18 =	vld [tilespmem:s28+$0x3020];
	v60 =	vadd.f32 $-1.000000000e+00, v30  }
0x27a: {  	s26 =	spop (v2sf);
	(v2sf) =	vpush v17, $0xE;
	vm13 =	vle.f32 v40, v1;
	v1 =	vmul.f32 v40, v24  }
0x27b: {  	v34 =	vadd.f32 v0, v52;
	v0 =	vmul.f32 v60, v41;
	v20 =	vmul.f32 v60, v63  }
0x27c: {  	v49 =	vsel vm11, v29, v21;
	vm1 =	vmand vm12, vm13;
	vm14 =	vlt.f32 v1, v19;
	v1 =	vld [tilespmem:s28+$0x3030]  }
0x27d: {  	vm1 =	vmand vm14, vm1;
	vm15 =	vge.f32 v34, v0;
	vm6 =	vle.f32 v34, v20  }
0x27e: {  	v0 =	vmul.f32 v34, v36;
	v20 =	vmul.f32 v60, v61;
	v55 =	vadd.f32 v18, v31  }
0x27f: {  	v52 =	vsel vm11, v42, v23;
	v19 =	vsel vm1, v40, v26;
	vm7 =	vmand vm15, vm6  }
0x280: {  	vm8 =	vlt.f32 v0, v20;
	v0 =	vmul.f32 v18, v41;
	v21 =	vadd.f32 $-1.000000000e+00, v55  }
0x281: {  	v18 =	vsel vm1, v43, v24;
	v42 =	vadd.f32 v1, v59;
	v1 =	vmul.f32 v1, v41  }
0x282: {  	vm0 =	vmand vm8, vm7;
	v56 =	vadd.f32 v0, v27;
	v0 =	vmul.f32 v21, v41  }
0x283: {  	v20 =	vsel vm0, v34, v61;
	v23 =	vmul.f32 v21, v63;
	v24 =	vadd.f32 $-1.000000000e+00, v42  }
0x284: {  	v26 =	vmul.f32 v21, v22;
	v27 =	vld [tilespmem:s29+$0x3000];
	vm9 =	vge.f32 v56, v0;
	v0 =	vmul.f32 v56, v32  }
0x285: {  	v43 =	vadd.f32 v1, v53;
	vm10 =	vle.f32 v56, v23;
	v1 =	vmul.f32 v24, v41  }
0x286: {  	v41 =	vsel vm0, v60, v36;
	vm11 =	vlt.f32 v0, v26;
	v0 =	vmul.f32 v24, v63  }
0x287: {  	v23 =	vmul.f32 v24, v62;
	vm1 =	vmand vm9, vm10;
	vm13 =	vge.f32 v43, v1;
	v26 =	vld [tilespmem:s29+$0x3010]  }
0x288: {  	v1 =	vmul.f32 v43, v51;
	vm14 =	vle.f32 v43, v0;
	v0 =	vbroadcast v15, $0xB  }
0x289: {  	s28 =	spop (v2sf);
	(v2sf) =	vpush v16, $0xE;
	vm12 =	vmand vm11, vm1;
	v50 =	vadd.f32 v27, v28  }
0x28a: {  	v28 =	vbroadcast v14, $0xB;
	v58 =	vsel vm12, v56, v22;
	v22 =	vmul.f32 v27, v0  }
0x28b: {  	vm15 =	vlt.f32 v1, v23;
	v32 =	vsel vm12, v21, v32;
	v1 =	vadd.f32 $-1.000000000e+00, v50  }
0x28c: {  	vm1 =	vmand vm13, vm14;
	v53 =	vadd.f32 v26, v35;
	v48 =	vadd.f32 v22, v39  }
0x28d: {  	vm4 =	vmand vm15, vm1;
	v27 =	vld [tilespmem:s29+$0x3020];
	v23 =	vmul.f32 v1, v28;
	v22 =	vmul.f32 v1, v0  }
0x28e: {  	v63 =	vmul.f32 v1, v57;
	v35 =	vadd.f32 $-1.000000000e+00, v53;
	v31 =	vmul.f32 v48, v2  }
0x28f: {  	vm5 =	vge.f32 v48, v22;
	vm6 =	vle.f32 v48, v23;
	v22 =	vmul.f32 v26, v0  }
0x290: {  	v23 =	vsel vm4, v24, v51;
	vm1 =	vmand vm5, vm6;
	v59 =	vmul.f32 v35, v28  }
0x291: {  	vm7 =	vlt.f32 v31, v63;
	v37 =	vadd.f32 v22, v37;
	v22 =	vmul.f32 v35, v0  }
0x292: {  	v60 =	vmul.f32 v35, v44;
	v31 =	vadd.f32 v27, v33;
	v63 =	vld [tilespmem:s30+$0x3010];
	vm8 =	vmand vm7, vm1  }
0x293: {  	v24 =	vsel vm8, v1, v2;
	v1 =	vmul.f32 v27, v0;
	v2 =	vld [tilespmem:s29+$0x3030];
	vm9 =	vge.f32 v37, v22  }
0x294: {  	vm10 =	vle.f32 v37, v59;
	v33 =	vadd.f32 $-1.000000000e+00, v31;
	v22 =	vmul.f32 v37, v45  }
0x295: {  	v21 =	vsel vm4, v43, v62;
	v26 =	vsel vm8, v48, v57;
	vm0 =	vmand vm9, vm10  }
0x296: {  	v27 =	vadd.f32 v1, v38;
	v1 =	vmul.f32 v33, v0;
	vm11 =	vlt.f32 v22, v60  }
0x297: {  	v61 =	vmul.f32 v33, v28;
	v62 =	vmul.f32 v33, v46;
	vm0 =	vmand vm11, vm0  }
0x298: {  	v30 =	vadd.f32 v63, v30;
	vm12 =	vge.f32 v27, v1;
	v1 =	vld [tilespmem:s30+$0x3000];
	v51 =	vadd.f32 v2, v25  }
0x299: {  	s29 =	spop (v2sf);
	(v2sf) =	vpush v17, $0xF;
	v22 =	vmul.f32 v27, v54;
	vm13 =	vle.f32 v27, v61  }
0x29a: {  	v57 =	vsel vm0, v37, v44;
	v2 =	vmul.f32 v2, v0;
	v25 =	vadd.f32 $-1.000000000e+00, v51  }
0x29b: {  	v35 =	vsel vm0, v35, v45;
	v44 =	vbroadcast v13, $0xB;
	vm14 =	vmand vm12, vm13  }
0x29c: {  	v38 =	vadd.f32 v2, v29;
	v0 =	vmul.f32 v25, v0;
	v2 =	vmul.f32 v25, v28  }
0x29d: {  	v60 =	vadd.f32 $-1.000000000e+00, v30;
	vm15 =	vlt.f32 v22, v62;
	v28 =	vadd.f32 v1, v47  }
0x29e: {  	v1 =	vmul.f32 v1, v44;
	vm4 =	vge.f32 v38, v0;
	vm5 =	vle.f32 v38, v2  }
0x29f: {  	v0 =	vmul.f32 v38, v52;
	v2 =	vmul.f32 v25, v49;
	v45 =	vadd.f32 $-1.000000000e+00, v28  }
0x2a0: {  	vm1 =	vmand vm15, vm14;
	v61 =	vmul.f32 v60, v20;
	v47 =	vbroadcast v12, $0xB  }
0x2a1: {  	v39 =	vadd.f32 v1, v40;
	vm6 =	vlt.f32 v0, v2;
	v0 =	vmul.f32 v45, v44  }
0x2a2: {  	v22 =	vsel vm1, v27, v46;
	v1 =	vld [tilespmem:s30+$0x3020];
	vm0 =	vmand vm4, vm5;
	v2 =	vmul.f32 v45, v47  }
0x2a3: {  	v59 =	vmul.f32 v45, v19;
	vm0 =	vmand vm6, vm0;
	vm7 =	vge.f32 v39, v0  }
0x2a4: {  	v0 =	vmul.f32 v39, v18;
	vm8 =	vle.f32 v39, v2;
	v2 =	vmul.f32 v63, v44  }
0x2a5: {  	v29 =	vsel vm1, v33, v54;
	v54 =	vsel vm0, v38, v49;
	v46 =	vsel vm0, v25, v52  }
0x2a6: {  	vm9 =	vlt.f32 v0, v59;
	v34 =	vadd.f32 v2, v34;
	v0 =	vmul.f32 v60, v44  }
0x2a7: {  	v25 =	vmul.f32 v60, v47;
	vm1 =	vmand vm7, vm8;
	v33 =	vadd.f32 v1, v55;
	v2 =	vld [tilespmem:s30+$0x3030]  }
0x2a8: {  	vm10 =	vmand vm9, vm1;
	vm11 =	vge.f32 v34, v0;
	v0 =	vmul.f32 v1, v44  }
0x2a9: {  	v1 =	vadd.f32 $-1.000000000e+00, v33;
	vm12 =	vle.f32 v34, v25;
	v25 =	vmul.f32 v34, v41  }
0x2aa: {  	s30 =	spop (v2sf);
	(v2sf) =	vpush v16, $0xF;
	vm1 =	vmand vm11, vm12;
	v36 =	vadd.f32 v0, v56  }
0x2ab: {  	v0 =	vmul.f32 v1, v44;
	v62 =	vmul.f32 v1, v47;
	vm13 =	vlt.f32 v25, v61  }
0x2ac: {  	v63 =	vmul.f32 v1, v58;
	v56 =	vsel vm10, v39, v19;
	v25 =	vadd.f32 v2, v42  }
0x2ad: {  	v52 =	vld [tilespmem:s31+$0x3000];
	v2 =	vmul.f32 v2, v44;
	vm1 =	vmand vm13, vm1;
	vm14 =	vge.f32 v36, v0  }
0x2ae: {  	vm15 =	vle.f32 v36, v62;
	v0 =	vmul.f32 v36, v32;
	v42 =	vsel vm1, v60, v41  }
0x2af: {  	v41 =	vbroadcast v15, $0xC;
	v55 =	vadd.f32 $-1.000000000e+00, v25;
	vm8 =	vmand vm14, vm15  }
0x2b0: {  	v19 =	vadd.f32 v2, v43;
	v2 =	vsel vm10, v45, v18;
	vm9 =	vlt.f32 v0, v63  }
0x2b1: {  	v18 =	vsel vm1, v34, v20;
	v0 =	vmul.f32 v55, v44;
	vm10 =	vmand vm9, vm8  }
0x2b2: {  	v20 =	vmul.f32 v55, v47;
	v44 =	vadd.f32 v52, v50;
	v59 =	vmul.f32 v19, v23  }
0x2b3: {  	v60 =	vmul.f32 v55, v21;
	v50 =	vbroadcast v14, $0xC;
	vm11 =	vge.f32 v19, v0;
	v0 =	vld [tilespmem:s31+$0x3010]  }
0x2b4: {  	v63 =	vld [tilespmem:s31+$0x3020];
	vm12 =	vle.f32 v19, v20;
	v20 =	vmul.f32 v52, v41;
	v61 =	vadd.f32 $-1.000000000e+00, v44  }
0x2b5: {  	v43 =	vsel vm10, v36, v58;
	vm13 =	vlt.f32 v59, v60;
	v52 =	vsel vm10, v1, v32  }
0x2b6: {  	vm1 =	vmand vm11, vm12;
	v40 =	vadd.f32 v20, v48;
	v1 =	vmul.f32 v61, v50  }
0x2b7: {  	v62 =	vmul.f32 v61, v41;
	vm14 =	vmand vm13, vm1;
	v59 =	vmul.f32 v61, v26  }
0x2b8: {  	vm4 =	vle.f32 v40, v1;
	v1 =	vmul.f32 v40, v24;
	v20 =	vadd.f32 v0, v53  }
0x2b9: {  	v49 =	vadd.f32 v63, v31;
	v48 =	vsel vm14, v19, v21;
	v0 =	vmul.f32 v0, v41  }
0x2ba: {  	vm15 =	vge.f32 v40, v62;
	vm5 =	vlt.f32 v1, v59;
	v1 =	vld [tilespmem:s31+$0x3030];
	v58 =	vadd.f32 $-1.000000000e+00, v20  }
0x2bb: {  	vm1 =	vmand vm15, vm4;
	v53 =	vsel vm14, v55, v23;
	v32 =	vadd.f32 v0, v37  }
0x2bc: {  	vm1 =	vmand vm5, vm1;
	v0 =	vmul.f32 v58, v41;
	v60 =	vmul.f32 v58, v50  }
0x2bd: {  	v37 =	vsel vm1, v40, v26;
	v45 =	vsel vm1, v61, v24;
	v21 =	vmul.f32 v58, v57  }
0x2be: {  	vm6 =	vge.f32 v32, v0;
	vm7 =	vle.f32 v32, v60;
	v0 =	vmul.f32 v32, v35  }
0x2bf: {  	v31 =	vadd.f32 v1, v51;
	v1 =	vmul.f32 v1, v41;
	vm8 =	vmand vm6, vm7  }
0x2c0: {  	vm9 =	vlt.f32 v0, v21;
	v0 =	vmul.f32 v63, v41;
	v21 =	vadd.f32 $-1.000000000e+00, v49  }
0x2c1: {  	v61 =	vadd.f32 $-1.000000000e+00, v31;
	v38 =	vadd.f32 v1, v38;
	vm0 =	vmand vm9, vm8  }
0x2c2: {  	v63 =	vld [tilespmem:s24+$0x3010];
	v27 =	vadd.f32 v0, v27;
	v0 =	vmul.f32 v21, v41;
	v24 =	vmul.f32 v21, v50  }
0x2c3: {  	v62 =	vld [tilespmem:s24+$0x3000];
	v23 =	vsel vm0, v32, v57;
	v26 =	vmul.f32 v21, v22;
	v1 =	vmul.f32 v61, v41  }
0x2c4: {  	v35 =	vsel vm0, v58, v35;
	vm10 =	vge.f32 v27, v0;
	v0 =	vmul.f32 v27, v29  }
0x2c5: {  	v57 =	vbroadcast v12, $0xC;
	vm11 =	vle.f32 v27, v24;
	vm14 =	vge.f32 v38, v1  }
0x2c6: {  	v1 =	vmul.f32 v38, v46;
	vm12 =	vlt.f32 v0, v26;
	v0 =	vmul.f32 v61, v50  }
0x2c7: {  	v24 =	vmul.f32 v61, v54;
	vm1 =	vmand vm10, vm11;
	v51 =	vadd.f32 v63, v30  }
0x2c8: {  	v50 =	vadd.f32 v62, v28;
	vm15 =	vle.f32 v38, v0;
	v0 =	vbroadcast v13, $0xC  }
0x2c9: {  	vm4 =	vlt.f32 v1, v24;
	vm13 =	vmand vm12, vm1;
	v30 =	vadd.f32 $-1.000000000e+00, v51  }
0x2ca: {  	v26 =	vsel vm13, v27, v22;
	v1 =	vadd.f32 $-1.000000000e+00, v50;
	v22 =	vmul.f32 v62, v0  }
0x2cb: {  	v28 =	vsel vm13, v21, v29;
	vm1 =	vmand vm14, vm15;
	v58 =	vmul.f32 v30, v18  }
0x2cc: {  	v29 =	vld [tilespmem:s24+$0x3020];
	v21 =	vmul.f32 v1, v0;
	v24 =	vmul.f32 v1, v57;
	v47 =	vadd.f32 v22, v39  }
0x2cd: {  	vm5 =	vmand vm4, vm1;
	v60 =	vmul.f32 v1, v56;
	v62 =	vmul.f32 v30, v57  }
0x2ce: {  	v39 =	vmul.f32 v47, v2;
	vm6 =	vge.f32 v47, v21;
	v21 =	vmul.f32 v63, v0  }
0x2cf: {  	v46 =	vsel vm5, v61, v46;
	v61 =	vmul.f32 v30, v0;
	vm7 =	vle.f32 v47, v24  }
0x2d0: {  	vm1 =	vmand vm6, vm7;
	vm8 =	vlt.f32 v39, v60;
	v41 =	vadd.f32 v21, v34  }
0x2d1: {  	v22 =	vsel vm5, v38, v54;
	v39 =	vadd.f32 v29, v33;
	vm9 =	vmand vm8, vm1  }
0x2d2: {  	v21 =	vsel vm9, v1, v2;
	v1 =	vmul.f32 v29, v0;
	v2 =	vld [tilespmem:s24+$0x3030];
	vm10 =	vge.f32 v41, v61  }
0x2d3: {  	vm11 =	vle.f32 v41, v62;
	v34 =	vadd.f32 $-1.000000000e+00, v39;
	v63 =	vmul.f32 v41, v42  }
0x2d4: {  	v24 =	vsel vm9, v47, v56;
	vm0 =	vmand vm10, vm11;
	v29 =	vadd.f32 v1, v36  }
0x2d5: {  	v1 =	vmul.f32 v34, v0;
	v59 =	vmul.f32 v34, v57;
	vm12 =	vlt.f32 v63, v58  }
0x2d6: {  	v61 =	vmul.f32 v34, v43;
	vm0 =	vmand vm12, vm0;
	v60 =	vmul.f32 v29, v52  }
0x2d7: {  	vm13 =	vge.f32 v29, v1;
	vm14 =	vle.f32 v29, v59;
	v1 =	vld [tilespmem:s25+$0x3000];
	v25 =	vadd.f32 v2, v25  }
0x2d8: {  	v54 =	vsel vm0, v41, v18;
	v55 =	vsel vm0, v30, v42;
	v30 =	vld [tilespmem:s25+$0x3010];
	v2 =	vmul.f32 v2, v0  }
0x2d9: {  	vm15 =	vmand vm13, vm14;
	vm4 =	vlt.f32 v60, v61;
	v62 =	vadd.f32 $-1.000000000e+00, v25  }
0x2da: {  	v42 =	vbroadcast v15, $0xD;
	vm1 =	vmand vm4, vm15;
	v33 =	vadd.f32 v2, v19  }
0x2db: {  	v18 =	vsel vm1, v29, v43;
	v0 =	vmul.f32 v62, v0;
	v2 =	vmul.f32 v62, v57  }
0x2dc: {  	v19 =	vsel vm1, v34, v52;
	v43 =	vadd.f32 v1, v44;
	v1 =	vmul.f32 v1, v42  }
0x2dd: {  	v34 =	vadd.f32 v30, v20;
	vm5 =	vge.f32 v33, v0;
	vm6 =	vle.f32 v33, v2  }
0x2de: {  	v0 =	vmul.f32 v33, v53;
	v2 =	vmul.f32 v62, v48;
	v44 =	vadd.f32 $-1.000000000e+00, v43  }
0x2df: {  	v56 =	vbroadcast v14, $0xD;
	v57 =	vbroadcast v14, $0xE;
	v52 =	vadd.f32 v1, v40  }
0x2e0: {  	v60 =	vadd.f32 $-1.000000000e+00, v34;
	vm7 =	vlt.f32 v0, v2;
	v0 =	vmul.f32 v44, v42  }
0x2e1: {  	vm0 =	vmand vm5, vm6;
	v1 =	vmul.f32 v44, v56;
	v2 =	vld [tilespmem:s25+$0x3020];
	v63 =	vmul.f32 v44, v37  }
0x2e2: {  	vm0 =	vmand vm7, vm0;
	vm8 =	vge.f32 v52, v0;
	v0 =	vmul.f32 v52, v45  }
0x2e3: {  	vm9 =	vle.f32 v52, v1;
	v1 =	vmul.f32 v30, v42;
	v20 =	vsel vm0, v33, v48  }
0x2e4: {  	v36 =	vsel vm0, v62, v53;
	vm1 =	vmand vm8, vm9;
	vm10 =	vlt.f32 v0, v63  }
0x2e5: {  	v61 =	vld [tilespmem:s25+$0x3030];
	v40 =	vadd.f32 v1, v32;
	v0 =	vmul.f32 v60, v42;
	v1 =	vmul.f32 v60, v56  }
0x2e6: {  	vm11 =	vmand vm10, vm1;
	v48 =	vadd.f32 v2, v49;
	v2 =	vmul.f32 v2, v42  }
0x2e7: {  	vm12 =	vge.f32 v40, v0;
	vm13 =	vle.f32 v40, v1;
	v0 =	vmul.f32 v40, v35  }
0x2e8: {  	v1 =	vmul.f32 v60, v23;
	v30 =	vsel vm11, v52, v37;
	v49 =	vadd.f32 $-1.000000000e+00, v48  }
0x2e9: {  	v53 =	vsel vm11, v44, v45;
	vm14 =	vmand vm12, vm13;
	v45 =	vadd.f32 v2, v27  }
0x2ea: {  	v27 =	vadd.f32 v61, v31;
	vm15 =	vlt.f32 v0, v1;
	v0 =	vmul.f32 v49, v42  }
0x2eb: {  	v62 =	vld [tilespmem:s26+$0x3000];
	vm0 =	vmand vm15, vm14;
	v1 =	vmul.f32 v49, v56;
	v2 =	vmul.f32 v49, v26  }
0x2ec: {  	v63 =	vadd.f32 $-1.000000000e+00, v27;
	vm4 =	vge.f32 v45, v0;
	v0 =	vmul.f32 v45, v28  }
0x2ed: {  	v31 =	vsel vm0, v40, v23;
	vm5 =	vle.f32 v45, v1;
	v1 =	vmul.f32 v61, v42  }
0x2ee: {  	v44 =	vsel vm0, v60, v35;
	vm1 =	vmand vm4, vm5;
	vm6 =	vlt.f32 v0, v2  }
0x2ef: {  	v32 =	vadd.f32 v1, v38;
	v0 =	vmul.f32 v63, v42;
	v1 =	vmul.f32 v63, v56  }
0x2f0: {  	v23 =	vmul.f32 v63, v22;
	v42 =	vadd.f32 v62, v50;
	v2 =	vld [tilespmem:s26+$0x3010];
	vm7 =	vmand vm6, vm1  }
0x2f1: {  	vm8 =	vge.f32 v32, v0;
	v0 =	vbroadcast v13, $0xD;
	vm9 =	vle.f32 v32, v1  }
0x2f2: {  	v1 =	vmul.f32 v32, v46;
	v60 =	vadd.f32 $-1.000000000e+00, v42;
	v59 =	vsel vm7, v45, v26;
	v26 =	vld [tilespmem:s26+$0x3020]  }
0x2f3: {  	v61 =	vbroadcast v12, $0xD;
	v49 =	vsel vm7, v49, v28;
	vm1 =	vmand vm8, vm9  }
0x2f4: {  	v50 =	vmul.f32 v62, v0;
	vm10 =	vlt.f32 v1, v23;
	v1 =	vmul.f32 v60, v0  }
0x2f5: {  	v23 =	vmul.f32 v60, v61;
	v28 =	vmul.f32 v60, v24;
	v38 =	vadd.f32 v2, v51  }
0x2f6: {  	vm11 =	vmand vm10, vm1;
	v2 =	vmul.f32 v2, v0;
	v35 =	vadd.f32 v50, v47  }
0x2f7: {  	v37 =	vsel vm11, v32, v22;
	v62 =	vadd.f32 $-1.000000000e+00, v38;
	v39 =	vadd.f32 v26, v39  }
0x2f8: {  	vm12 =	vge.f32 v35, v1;
	vm13 =	vle.f32 v35, v23;
	v1 =	vmul.f32 v35, v21  }
0x2f9: {  	v41 =	vadd.f32 v2, v41;
	v23 =	vsel vm11, v63, v46;
	vm14 =	vmand vm12, vm13  }
0x2fa: {  	v63 =	vld [tilespmem:s26+$0x3030];
	v2 =	vmul.f32 v62, v61;
	v51 =	vadd.f32 $-1.000000000e+00, v39;
	vm15 =	vlt.f32 v1, v28  }
0x2fb: {  	v1 =	vmul.f32 v62, v0;
	v28 =	vmul.f32 v62, v54;
	vm0 =	vmand vm15, vm14  }
0x2fc: {  	vm5 =	vle.f32 v41, v2;
	v2 =	vmul.f32 v26, v0;
	v26 =	vmul.f32 v51, v61  }
0x2fd: {  	vm4 =	vge.f32 v41, v1;
	v1 =	vmul.f32 v41, v55;
	v22 =	vsel vm0, v35, v24  }
0x2fe: {  	v56 =	vsel vm0, v60, v21;
	vm1 =	vmand vm4, vm5;
	v50 =	vadd.f32 v2, v29  }
0x2ff: {  	v2 =	vld [tilespmem:s28+$0x3000];
	vm6 =	vlt.f32 v1, v28;
	v1 =	vmul.f32 v51, v0;
	v28 =	vmul.f32 v63, v0  }
0x300: {  	vm1 =	vmand vm6, vm1;
	vm8 =	vle.f32 v50, v26;
	v26 =	vmul.f32 v51, v18  }
0x301: {  	v21 =	vsel vm1, v41, v54;
	vm7 =	vge.f32 v50, v1;
	v1 =	vadd.f32 v63, v25  }
0x302: {  	v24 =	vsel vm1, v62, v55;
	v25 =	vmul.f32 v50, v19;
	v55 =	vbroadcast v15, $0xE  }
0x303: {  	v54 =	vadd.f32 v28, v33;
	v28 =	vld [tilespmem:s28+$0x3010];
	v15 =	vbroadcast v15, $0xF;
	v29 =	vadd.f32 $-1.000000000e+00, v1  }
0x304: {  	vm9 =	vlt.f32 v25, v26;
	v25 =	vadd.f32 v2, v43;
	v2 =	vmul.f32 v2, v55  }
0x305: {  	vm0 =	vmand vm7, vm8;
	v33 =	vmul.f32 v54, v36;
	v0 =	vmul.f32 v29, v0  }
0x306: {  	vm0 =	vmand vm9, vm0;
	v60 =	vadd.f32 $-1.000000000e+00, v25;
	v26 =	vadd.f32 v2, v52  }
0x307: {  	v58 =	vsel vm0, v51, v19;
	vm10 =	vge.f32 v54, v0;
	v0 =	vmul.f32 v29, v61  }
0x308: {  	v63 =	vld [tilespmem:s28+$0x3020];
	v43 =	vadd.f32 v28, v34;
	v2 =	vmul.f32 v60, v55;
	v61 =	vmul.f32 v60, v57  }
0x309: {  	v62 =	vmul.f32 v60, v30;
	vm11 =	vle.f32 v54, v0;
	v0 =	vmul.f32 v29, v20  }
0x30a: {  	vm12 =	vge.f32 v26, v2;
	v2 =	vmul.f32 v26, v53;
	vm13 =	vle.f32 v26, v61  }
0x30b: {  	v34 =	vadd.f32 $-1.000000000e+00, v43;
	vm1 =	vmand vm10, vm11;
	vm3 =	vmand vm12, vm13  }
0x30c: {  	vm14 =	vlt.f32 v33, v0;
	vm15 =	vlt.f32 v2, v62;
	v2 =	vmul.f32 v28, v55  }
0x30d: {  	v19 =	vmul.f32 v34, v57;
	v28 =	vadd.f32 v63, v48;
	vm8 =	vmand vm14, vm1  }
0x30e: {  	vm9 =	vmand vm15, vm3;
	v33 =	vadd.f32 v2, v40;
	v2 =	vmul.f32 v34, v55  }
0x30f: {  	v0 =	vsel vm0, v50, v18;
	v47 =	vsel vm8, v29, v36;
	v18 =	vsel vm9, v60, v53;
	v36 =	vld [tilespmem:s28+$0x3030]  }
0x310: {  	v48 =	vadd.f32 $-1.000000000e+00, v28;
	vm10 =	vge.f32 v33, v2;
	v2 =	vmul.f32 v63, v55  }
0x311: {  	v53 =	vmul.f32 v34, v31;
	vm11 =	vle.f32 v33, v19;
	v19 =	vmul.f32 v33, v44  }
0x312: {  	v60 =	vsel vm8, v54, v20;
	v46 =	vsel vm9, v26, v30;
	v29 =	vadd.f32 v2, v45  }
0x313: {  	v2 =	vmul.f32 v48, v55;
	vm12 =	vlt.f32 v19, v53;
	v19 =	vmul.f32 v48, v57  }
0x314: {  	v20 =	vmul.f32 v48, v59;
	vm2 =	vmand vm10, vm11;
	v53 =	vadd.f32 v36, v27  }
0x315: {  	v27 =	vld [tilespmem:s29+$0x3000];
	vm13 =	vge.f32 v29, v2;
	v2 =	vmul.f32 v29, v49;
	vm14 =	vle.f32 v29, v19  }
0x316: {  	v45 =	vbroadcast v12, $0xE;
	vm0 =	vmand vm12, vm2;
	vm1 =	vmand vm13, vm14  }
0x317: {  	vm15 =	vlt.f32 v2, v20;
	v2 =	vmul.f32 v36, v55;
	v20 =	vadd.f32 $-1.000000000e+00, v53  }
0x318: {  	v52 =	vsel vm0, v34, v44;
	v36 =	vsel vm0, v33, v31;
	vm1 =	vmand vm15, vm1  }
0x319: {  	v19 =	vsel vm1, v29, v59;
	v40 =	vadd.f32 v2, v32;
	v2 =	vmul.f32 v20, v55  }
0x31a: {  	v30 =	vmul.f32 v20, v57;
	v31 =	vadd.f32 v27, v42;
	v42 =	vbroadcast v13, $0xE;
	v57 =	vld [tilespmem:s29+$0x3010]  }
0x31b: {  	v17 =	vmul.f32 v20, v37;
	vm4 =	vge.f32 v40, v2;
	v2 =	vmul.f32 v40, v23  }
0x31c: {  	vm5 =	vle.f32 v40, v30;
	v27 =	vmul.f32 v27, v42;
	v59 =	vadd.f32 $-1.000000000e+00, v31  }
0x31d: {  	v30 =	vsel vm1, v48, v49;
	vm0 =	vmand vm4, vm5;
	vm6 =	vlt.f32 v2, v17  }
0x31e: {  	v63 =	vld [tilespmem:s29+$0x3030];
	v35 =	vadd.f32 v27, v35;
	v2 =	vmul.f32 v59, v42;
	v17 =	vmul.f32 v59, v45  }
0x31f: {  	v27 =	vld [tilespmem:s29+$0x3020];
	v61 =	vmul.f32 v59, v22;
	vm0 =	vmand vm6, vm0;
	v32 =	vadd.f32 v57, v38  }
0x320: {  	vm7 =	vge.f32 v35, v2;
	v2 =	vmul.f32 v35, v56;
	vm8 =	vle.f32 v35, v17  }
0x321: {  	v17 =	vmul.f32 v57, v42;
	v55 =	vsel vm0, v40, v37;
	v23 =	vsel vm0, v20, v23  }
0x322: {  	v62 =	vadd.f32 $-1.000000000e+00, v32;
	vm1 =	vmand vm7, vm8;
	vm9 =	vlt.f32 v2, v61  }
0x323: {  	v37 =	vmul.f32 v63, v42;
	v51 =	vadd.f32 v17, v41;
	vm1 =	vmand vm9, vm1  }
0x324: {  	v2 =	vmul.f32 v62, v42;
	v34 =	vadd.f32 v27, v39;
	v27 =	vmul.f32 v27, v42  }
0x325: {  	v49 =	vmul.f32 v62, v45;
	v17 =	vsel vm1, v59, v56;
	v20 =	vmul.f32 v51, v24  }
0x326: {  	v61 =	vld [tilespmem:s30+$0x3000];
	v56 =	vmul.f32 v62, v21;
	vm10 =	vge.f32 v51, v2;
	v27 =	vadd.f32 v27, v50  }
0x327: {  	vm11 =	vle.f32 v51, v49;
	v2 =	vadd.f32 $-1.000000000e+00, v34;
	v50 =	vadd.f32 v63, v1  }
0x328: {  	v63 =	vbroadcast v14, $0xF;
	vm0 =	vmand vm10, vm11;
	vm12 =	vlt.f32 v20, v56  }
0x329: {  	v56 =	vsel vm1, v35, v22;
	v57 =	vmul.f32 v27, v58;
	v59 =	vmul.f32 v2, v0  }
0x32a: {  	v22 =	vadd.f32 v37, v54;
	v1 =	vmul.f32 v2, v42;
	v20 =	vmul.f32 v2, v45  }
0x32b: {  	v38 =	vadd.f32 $-1.000000000e+00, v50;
	vm0 =	vmand vm12, vm0;
	v49 =	vadd.f32 v61, v25  }
0x32c: {  	v25 =	vmul.f32 v61, v15;
	v21 =	vsel vm0, v51, v21;
	vm14 =	vge.f32 v27, v1  }
0x32d: {  	vm15 =	vle.f32 v27, v20;
	v1 =	vmul.f32 v38, v42;
	v20 =	vsel vm0, v62, v24;
	v24 =	vld [tilespmem:s30+$0x3010]  }
0x32e: {  	vm13 =	vlt.f32 v57, v59;
	v62 =	vadd.f32 $-1.000000000e+00, v49;
	vm4 =	vmand vm14, vm15  }
0x32f: {  	vm0 =	vmand vm13, vm4;
	vm5 =	vge.f32 v22, v1;
	v1 =	vmul.f32 v38, v45  }
0x330: {  	v16 =	vmul.f32 v38, v60;
	v45 =	vadd.f32 v25, v26;
	v14 =	vsel vm0, v27, v0  }
0x331: {  	v0 =	vmul.f32 v62, v15;
	vm6 =	vle.f32 v22, v1;
	v1 =	vmul.f32 v22, v47  }
0x332: {  	v13 =	vbroadcast v13, $0xF;
	vm1 =	vmand vm5, vm6;
	v48 =	vadd.f32 v24, v43  }
0x333: {  	vm9 =	vge.f32 v45, v0;
	vm7 =	vlt.f32 v1, v16;
	v1 =	vmul.f32 v62, v63  }
0x334: {  	v0 =	vmul.f32 v45, v18;
	v24 =	vmul.f32 v24, v15;
	v16 =	vld [tilespmem:s30+$0x3020];
	vm8 =	vmand vm7, vm1  }
0x335: {  	v25 =	vadd.f32 $-1.000000000e+00, v48;
	vm10 =	vle.f32 v45, v1;
	v1 =	vmul.f32 v62, v46  }
0x336: {  	v2 =	vsel vm0, v2, v58;
	v44 =	vadd.f32 v24, v33;
	v24 =	vld [tilespmem:s30+$0x3030];
	v54 =	vsel vm8, v22, v60  }
0x337: {  	v57 =	vsel vm8, v38, v47;
	vm12 =	vlt.f32 v0, v1;
	v0 =	vmul.f32 v25, v15  }
0x338: {  	vm11 =	vmand vm9, vm10;
	v26 =	vmul.f32 v25, v36;
	v1 =	vmul.f32 v25, v63  }
0x339: {  	vm0 =	vmand vm12, vm11;
	v47 =	vadd.f32 v16, v28;
	vm13 =	vge.f32 v44, v0  }
0x33a: {  	v0 =	vmul.f32 v44, v52;
	vm14 =	vle.f32 v44, v1;
	v1 =	vmul.f32 v16, v15  }
0x33b: {  	v28 =	vsel vm0, v45, v46;
	v41 =	vsel vm0, v62, v18;
	v46 =	vadd.f32 v24, v53  }
0x33c: {  	s31 =	spop (v2sf);
	v24 =	vmul.f32 v24, v15;
	v16 =	vadd.f32 $-1.000000000e+00, v47;
	vm1 =	vmand vm13, vm14  }
0x33d: {  	v62 =	vld [tilespmem:s31+$0x3030];
	vm15 =	vlt.f32 v0, v26;
	v43 =	vadd.f32 v1, v29;
	v53 =	vadd.f32 $-1.000000000e+00, v46  }
0x33e: {  	v0 =	vmul.f32 v16, v15;
	v1 =	vmul.f32 v16, v63;
	vm4 =	vmand vm15, vm1  }
0x33f: {  	v38 =	vadd.f32 v24, v40;
	v18 =	vmul.f32 v16, v19;
	v39 =	vsel vm4, v25, v52  }
0x340: {  	vm5 =	vge.f32 v43, v0;
	vm6 =	vle.f32 v43, v1;
	v0 =	vmul.f32 v43, v30;
	v1 =	vld [tilespmem:s31+$0x3000]  }
0x341: {  	v29 =	vsel vm4, v44, v36;
	v58 =	vmul.f32 v53, v63;
	v59 =	vmul.f32 v53, v55  }
0x342: {  	v33 =	vadd.f32 v62, v50;
	vm8 =	vlt.f32 v0, v18;
	v0 =	vmul.f32 v53, v15  }
0x343: {  	vm7 =	vmand vm5, vm6;
	vm10 =	vle.f32 v38, v58;
	v18 =	vld [tilespmem:s31+$0x3010];
	v15 =	vmul.f32 v62, v13  }
0x344: {  	vm0 =	vmand vm8, vm7;
	vm9 =	vge.f32 v38, v0;
	v0 =	vmul.f32 v38, v23  }
0x345: {  	v26 =	vsel vm0, v43, v19;
	v42 =	vadd.f32 v1, v31;
	v1 =	vmul.f32 v1, v13  }
0x346: {  	v37 =	vsel vm0, v16, v30;
	v16 =	vld [tilespmem:s31+$0x3020];
	vm1 =	vmand vm9, vm10;
	vm11 =	vlt.f32 v0, v59  }
0x347: {  	v0 =	vbroadcast v12, $0xF;
	v19 =	vadd.f32 $-1.000000000e+00, v42;
	v35 =	vadd.f32 v1, v35  }
0x348: {  	vm12 =	vmand vm11, vm1;
	v40 =	vadd.f32 v18, v32;
	v18 =	vmul.f32 v18, v13  }
0x349: {  	v25 =	vsel vm12, v38, v55;
	v1 =	vmul.f32 v19, v13;
	v12 =	vmul.f32 v19, v0  }
0x34a: {  	v32 =	vsel vm12, v53, v23;
	v60 =	vmul.f32 v35, v17;
	v24 =	vmul.f32 v19, v56  }
0x34b: {  	v31 =	vadd.f32 v18, v51;
	v36 =	vadd.f32 v16, v34;
	v16 =	vmul.f32 v16, v13  }
0x34c: {  	vm13 =	vge.f32 v35, v1;
	vm14 =	vle.f32 v35, v12;
	v1 =	vadd.f32 $-1.000000000e+00, v40  }
0x34d: {  	vm15 =	vlt.f32 v60, v24;
	v24 =	vmul.f32 v31, v20;
	v63 =	vadd.f32 $-1.000000000e+00, v36  }
0x34e: {  	v27 =	vadd.f32 v16, v27;
	vm1 =	vmand vm13, vm14;
	v61 =	vmul.f32 v1, v13  }
0x34f: {  	vm4 =	vmand vm15, vm1;
	v18 =	vmul.f32 v1, v0;
	v30 =	vmul.f32 v1, v21  }
0x350: {  	v16 =	vmul.f32 v63, v13;
	v23 =	vsel vm4, v35, v56;
	v34 =	vsel vm4, v19, v17  }
0x351: {  	v17 =	vmul.f32 v27, v2;
	vm5 =	vge.f32 v31, v61;
	vm6 =	vle.f32 v31, v18  }
0x352: {  	v18 =	vmul.f32 v63, v0;
	vm9 =	vge.f32 v27, v16;
	v16 =	vadd.f32 $-1.000000000e+00, v33  }
0x353: {  	vm7 =	vlt.f32 v24, v30;
	v24 =	vadd.f32 v15, v22;
	vm1 =	vmand vm5, vm6  }
0x354: {  	vm10 =	vle.f32 v27, v18;
	v18 =	vmul.f32 v63, v14;
	v13 =	vmul.f32 v16, v13  }
0x355: {  	p0 =	sne.s32 s22, $0xC0;
	vm8 =	vmand vm7, vm1;
	v0 =	vmul.f32 v16, v0;
	v15 =	vmul.f32 v24, v57  }
.Ltmp0:
0x356: {  	vm1 =	vmand vm9, vm10;
	vm11 =	vlt.f32 v17, v18;
	v17 =	vmul.f32 v16, v54;
	(pc) =	sbr.rel @p0 .LBB2_3-.Ltmp0, $4  }
0x357: {  	v22 =	vsel vm8, v31, v21;
	vm12 =	vge.f32 v24, v13;
	vm13 =	vle.f32 v24, v0  }
0x358: {  	vm1 =	vmand vm11, vm1;
	vm2 =	vmand vm12, vm13;
	vm14 =	vlt.f32 v15, v17  }
0x359: {  	v30 =	vsel vm8, v1, v20;
	v20 =	vsel vm1, v27, v14;
	vm15 =	vmand vm14, vm2  }
0x35a: {  	s22 =	sadd.s32 $0x40, s22;
	v21 =	vsel vm1, v63, v2;
	v18 =	vsel vm15, v24, v54;
	v19 =	vsel vm15, v16, v57  }
0x35b: {  	v0 =	vld [tilespmem:$0x55C0];
	_ =	sdelay $0x4  }
0x35c: {  	(v2sf) =	vpush v0, $0x0;
	_ =	sdelay $0xe  }
0x35d: {  	s22 =	spop (v2sf)  }
0x35e: {  	s22 =	sshll.u32 s22, $0x9  }
0x35f: {  	v1 =	vld.msk [tilespmem:$0x54C0 ss:$0x0], $0xffff;
	s22 =	sshra.s32 s22, $0x2  }
0x360: {  	v0 =	vld [tilespmem:s22+$0x3000]  }
0x361: {  	(v2sf) =	vpush v11, $0x0;
	v11 =	vld [tilespmem:s22+$0x3010]  }
0x362: {  	v13 =	vld [tilespmem:s22+$0x3020]  }
0x363: {  	v60 =	vld [tilespmem:s22+$0x3030];
	_ =	sdelay $0x1  }
0x364: {  	v2 =	vadd.f32 v0, v49  }
0x365: {  	v12 =	vld.msk [tilespmem:$0x54C1 ss:$0x0], $0xffff;
	v0 =	vmul.f32 v0, v1;
	v15 =	vadd.f32 v11, v48  }
0x366: {  	v11 =	vmul.f32 v11, v1;
	v57 =	vadd.f32 v13, v47;
	v2 =	vadd.f32 $-1.000000000e+00, v2  }
0x367: {  	v13 =	vmul.f32 v13, v1;
	v49 =	vadd.f32 v60, v46;
	v0 =	vadd.f32 v0, v45  }
0x368: {  	v51 =	vmul.f32 v60, v1;
	v15 =	vadd.f32 $-1.000000000e+00, v15;
	v14 =	vmul.f32 v2, v1  }
0x369: {  	v11 =	vadd.f32 v11, v44;
	v56 =	vmul.f32 v0, v41;
	v16 =	vmul.f32 v2, v28  }
0x36a: {  	v13 =	vadd.f32 v13, v43;
	v17 =	vmul.f32 v2, v12;
	v58 =	vmul.f32 v15, v1  }
0x36b: {  	v44 =	vadd.f32 $-1.000000000e+00, v57;
	v59 =	vmul.f32 v11, v39;
	v61 =	vmul.f32 v15, v29  }
0x36c: {  	v52 =	vadd.f32 $-1.000000000e+00, v49;
	v62 =	vmul.f32 v15, v12;
	v63 =	vmul.f32 v13, v37  }
0x36d: {  	v43 =	vmul.f32 v44, v26;
	v47 =	vmul.f32 v44, v1  }
0x36e: {  	v48 =	vmul.f32 v44, v12;
	v1 =	vmul.f32 v52, v1  }
0x36f: {  	v12 =	vmul.f32 v52, v12;
	v55 =	vmul.f32 v52, v25  }
0x370: {  	vm0 =	vge.f32 v0, v14;
	vm1 =	vlt.f32 v56, v16;
	vm2 =	vle.f32 v0, v17  }
0x371: {  	vm3 =	vge.f32 v11, v58;
	vm4 =	vlt.f32 v59, v61;
	vm15 =	vle.f32 v11, v62  }
0x372: {  	vm5 =	vlt.f32 v63, v43;
	vm6 =	vge.f32 v13, v47;
	vm8 =	vle.f32 v13, v48;
	s31 =	spop (v2sf)  }
0x373: {  	v14 =	vadd.f32 v51, v38;
	vm0 =	vmand vm0, vm2;
	vm7 =	vmand vm3, vm15;
	s22 =	sshll.u32 s31, $0x9  }
0x374: {  	v17 =	vld.msk [tilespmem:$0x5520 ss:$0x0], $0xffff;
	vm2 =	vmand vm6, vm8;
	vm0 =	vmand vm1, vm0;
	vm1 =	vmand vm4, vm7;
	s22 =	sshra.s32 s22, $0x2  }
0x375: {  	vm2 =	vmand vm5, vm2;
	vm9 =	vge.f32 v14, v1;
	v1 =	vmul.f32 v14, v32;
	v50 =	vld [tilespmem:s22+$0x3000]  }
0x376: {  	vm10 =	vle.f32 v14, v12;
	v2 =	vsel vm0, v2, v41;
	v15 =	vsel vm1, v15, v39;
	v53 =	vld [tilespmem:s22+$0x3010]  }
0x377: {  	vm3 =	vmand vm9, vm10;
	vm11 =	vlt.f32 v1, v55;
	v59 =	vld [tilespmem:s22+$0x3020];
	(erf) = vrcp.f32 v2  }
0x378: {  	v37 =	vsel vm2, v44, v37;
	v46 =	vld [tilespmem:s22+$0x3030];
	vm3 =	vmand vm11, vm3;
	(erf) = vrcp.f32 v15  }
0x379: {  	v39 =	vld.msk [tilespmem:$0x5521 ss:$0x0], $0xffff;
	v16 =	vsel vm3, v52, v32;
	(erf) = vrcp.f32 v37  }
0x37a: {  	(erf) = vrcp.f32 v16;
	v54 =	vadd.f32 v50, v42  }
0x37b: {  	v56 =	vmul.f32 v50, v17;
	v40 =	vadd.f32 v53, v40;
	v41 =	vmul.f32 v53, v17  }
0x37c: {  	v36 =	vadd.f32 v59, v36;
	v49 =	vmul.f32 v59, v17;
	v38 =	vadd.f32 $-1.000000000e+00, v54  }
0x37d: {  	v33 =	vadd.f32 v46, v33;
	v12 =	vmul.f32 v46, v17;
	v1 =	vadd.f32 v56, v35  }
0x37e: {  	v40 =	vadd.f32 $-1.000000000e+00, v40;
	v57 =	vmul.f32 v38, v17;
	v58 =	vmul.f32 v38, v39  }
0x37f: {  	v31 =	vadd.f32 v41, v31;
	v60 =	vmul.f32 v1, v34;
	v61 =	vmul.f32 v38, v23  }
0x380: {  	v50 =	vadd.f32 $-1.000000000e+00, v36;
	v62 =	vmul.f32 v40, v17;
	v63 =	vmul.f32 v40, v39  }
0x381: {  	v27 =	vadd.f32 v49, v27;
	v47 =	vmul.f32 v31, v30;
	v48 =	vmul.f32 v40, v22  }
0x382: {  	v33 =	vadd.f32 $-1.000000000e+00, v33;
	v52 =	vmul.f32 v50, v17;
	v36 =	vmul.f32 v50, v39  }
0x383: {  	v12 =	vadd.f32 v12, v24;
	v54 =	vmul.f32 v27, v21;
	v55 =	vmul.f32 v50, v20  }
0x384: {  	v17 =	vmul.f32 v33, v17;
	v56 =	vmul.f32 v33, v39  }
0x385: {  	v2 =	vmul.f32 v12, v19;
	vm12 =	vge.f32 v1, v57;
	vm13 =	vle.f32 v1, v58  }
0x386: {  	vm14 =	vlt.f32 v60, v61;
	vm15 =	vge.f32 v31, v62;
	vm7 =	vle.f32 v31, v63  }
0x387: {  	vm10 =	vlt.f32 v47, v48;
	vm11 =	vge.f32 v27, v52;
	v57 =	vmul.f32 v33, v18  }
0x388: {  	vm8 =	vle.f32 v12, v56;
	vm5 =	vmand vm12, vm13;
	vm9 =	vmand vm15, vm7  }
0x389: {  	vm12 =	vle.f32 v27, v36;
	vm13 =	vlt.f32 v54, v55;
	vm4 =	vmand vm14, vm5  }
0x38a: {  	vm5 =	vmand vm10, vm9;
	vm6 =	vmand vm11, vm12;
	vm14 =	vge.f32 v12, v17  }
0x38b: {  	vm15 =	vlt.f32 v2, v57;
	v51 =	vsel vm4, v38, v34;
	v53 =	vsel vm5, v40, v30  }
0x38c: {  	vm6 =	vmand vm13, vm6;
	vm7 =	vmand vm14, vm8;
	(erf) = vrcp.f32 v51  }
0x38d: {  	vm7 =	vmand vm15, vm7;
	v2 =	vsel vm6, v50, v21;
	(erf) = vrcp.f32 v53  }
0x38e: {  	v58 =	vsel vm7, v33, v19;
	(erf) = vrcp.f32 v2  }
0x38f: {  	(erf) = vrcp.f32 v58;
	_ =	sdelay $0x1  }
0x390: {  	v0 =	vsel vm0, v0, v28;
	v2 =	vpop (erf)  }
0x391: {  	v11 =	vsel vm1, v11, v29;
	v59 =	vpop (erf);
	v0 =	vmul.f32 v2, v0;
	v2 =	vsel vm2, v13, v26  }
0x392: {  	v60 =	vpop (erf);
	v11 =	vmul.f32 v59, v11  }
0x393: {  	v14 =	vsel vm3, v14, v25;
	v1 =	vsel vm4, v1, v23;
	v61 =	vpop (erf);
	[tilespmem:s14+$0x5680] =	vst v0;
	v0 =	vmul.f32 v60, v2  }
0x394: {  	s13 =	sadd.s32 $0x1, s13;
	[tilespmem:s21+$0x5680] =	vst v11;
	v11 =	vmul.f32 v61, v14;
	v2 =	vpop (erf)  }
0x395: {  	p0 =	sne.s32 s13, $0x30;
	v62 =	vsel vm5, v31, v22;
	[tilespmem:s17+$0x5680] =	vst v0;
	v63 =	vpop (erf);
	v0 =	vmul.f32 v2, v1  }
.Ltmp1:
0x396: {  	[tilespmem:s20+$0x5680] =	vst v11;
	v2 =	vsel vm6, v27, v20;
	v1 =	vpop (erf);
	v11 =	vmul.f32 v63, v62;
	(pc) =	sbr.rel @p0 .LBB2_2-.Ltmp1, $4  }
0x397: {  	v12 =	vsel vm7, v12, v18;
	[tilespmem:s18+$0x5680] =	vst v0;
	v0 =	vmul.f32 v1, v2;
	v1 =	vpop (erf)  }
0x398: {  	[tilespmem:s15+$0x5680] =	vst v11;
	v1 =	vmul.f32 v1, v12  }
0x399: {  	[tilespmem:s19+$0x5680] =	vst v0  }
0x39a: {  	[tilespmem:s16+$0x5680] =	vst v1  }
0x39b: {  	s12 =	sadd.s32 $0x1, s12  }
0x39c: {  	p0 =	sne.s32 s12, s7  }
.Ltmp2:
0x39d: {  	_ = 	snop;
	(pc) =	sbr.rel @p0 .LBB2_1-.Ltmp2, $4  }
0x39e: {  	[hbm4b:s6+s3] =	stream.linear.scatter [tilespmem:s11], [sflag:$0x1], $0x3000, $0x38;
	[tilespmem:$0x8680] =	vst v63  }
0x39f: {  	_ =	swait.ge [sflag:s8], $0x3000  }
0x3a0: {  	[sflag:s8] =	ssyncset.done $0x0  }
0x3a1: {  	[sflag:s8] =	ssyncadd.s32 $0xFFFFD000  }
0x3a2: {  	_ =	sfence.sel $0x180000  }
0x3a3: {  	[bflag:$0x0] =	sbarrier.arrive $0xFFFF  }
0x3a4: {  	p0 =	sne.s32 s4, $0x0;
	_ =	strace $0x90000047  }
0x3a5: {  	s0 =	sadd.s32 @!p0 $0x100000, s0;
	[bflag:$0x2] =	sbarrier.arrive $0xFFFF  }
0x3a6: {  	[sflag:s0] =	ssyncadd.tile.s32 @!p0 $0x1;
	_ =	shalt  }
.Lfunc_end2:
_tile_overlayer_lowered:
.L_overlay_start_2:
0x3a7: {  	(tag) =	ssettag $0x2  }
0x3a8: {  	s0 =	rddreg [dreg:$0x0];
	s2 =	stileid.u32  }
0x3a9: {  	s1 =	rddreg [dreg:$0x1];
	p0 =	sne.s32 s2, $0x0  }
0x3aa: {  	s3 =	rddreg [dreg:$0x2];
	[bflag:$0x3] =	sbarrier.arrive $0xFFFF;
	s2 =	simm.s32 @!p0 $0x1C01  }
0x3ab: {  	[timem:s3], [sflag:s2] =	dma.local @!p0 [hbm:s0], s1  }
0x3ac: {  	s0 =	simm.s32 @!p0 $0x1  }
0x3ad: {  	_ =	swait.ge @!p0 [sflag:s0], s1  }
0x3ae: {  	s1 =	ssub.s32 @!p0 $0x0, s1;
	[sflag:s0] =	ssyncset.done @!p0 $0x0  }
0x3af: {  	[sflag:s0] =	ssyncadd.s32 @!p0 s1  }
0x3b0: {  	[bflag:$0x3] =	sbarrier.arrive $0xFFFF  }
0x3b1: {  	_ =	shalt  }

</sc_bundles>
